<compile_context>
chip_gen: v7x
topology: tpu7x:2x2x1
jax: 0.10.2.dev20260603
libtpu: 0.0.44.dev20260713+nightly
codegen_flags: <defaults>
</compile_context>

<pallas_src>
import functools

import jax
import jax.numpy as jnp
from jax import lax
from jax.experimental import pallas as pl
from jax.experimental.pallas import tpu as pltpu
from jax.experimental.pallas import tpu_sc as plsc

EDGES = 320000
DIM = 128
NTYPES = 256
NC = 2
NS = 16
NW = NC * NS
NSLAB = 5
SLAB_E = EDGES // NSLAB
ROWS_W = SLAB_E // NW
CHUNK = 80
NCHUNK = ROWS_W // CHUNK
NBUF = 5

BE = 6400
NB_SLAB = SLAB_E // BE


def _sc_gather_slab(node_feat, src, slab):
  mesh = plsc.VectorSubcoreMesh(core_axis_name="c", subcore_axis_name="s")

  @functools.partial(
      pl.kernel,
      mesh=mesh,
      out_type=jax.ShapeDtypeStruct((SLAB_E, DIM), jnp.float32),
      scratch_types=[
          pltpu.VMEM((ROWS_W,), jnp.int32),
      ] + [pltpu.VMEM((CHUNK, DIM), jnp.float32)] * NBUF
        + [pltpu.SemaphoreType.DMA] * (2 * NBUF),
  )
  def k(nf_hbm, src_hbm, s1_hbm, idx_all, *bufs_sems):
    bufs = bufs_sems[:NBUF]
    gsems = bufs_sems[NBUF:2 * NBUF]
    ssems = bufs_sems[2 * NBUF:]
    wid = lax.axis_index("s") * NC + lax.axis_index("c")
    lbase = wid * ROWS_W
    gbase = slab * SLAB_E + lbase

    pltpu.sync_copy(src_hbm.at[pl.ds(gbase, ROWS_W)], idx_all)

    def gfire(c, b):
      pltpu.async_copy(
          nf_hbm.at[idx_all.at[pl.ds(c * CHUNK, CHUNK)]], bufs[b], gsems[b])

    def gwait(c, b):
      pltpu.make_async_copy(
          nf_hbm.at[idx_all.at[pl.ds(c * CHUNK, CHUNK)]], bufs[b],
          gsems[b]).wait()

    def sfire(c, b):
      pltpu.async_copy(
          bufs[b], s1_hbm.at[pl.ds(lbase + c * CHUNK, CHUNK)], ssems[b])

    def swait(c, b):
      pltpu.make_async_copy(
          bufs[b], s1_hbm.at[pl.ds(lbase + c * CHUNK, CHUNK)],
          ssems[b]).wait()

    gfire(0, 0)
    gfire(1, 1)
    gfire(2, 2)
    gwait(0, 0); sfire(0, 0); gfire(3, 3)
    gwait(1, 1); sfire(1, 1); gfire(4, 4)

    def body(j, carry):
      c0 = 2 + NBUF * j
      for b2 in range(NBUF):
        c = c0 + b2
        b = (2 + b2) % NBUF
        gwait(c, b); sfire(c, b)
        swait(c - 2, b2); gfire(c + 3, b2)
      return carry

    lax.fori_loop(0, (NCHUNK - NBUF) // NBUF, body, 0)

    c = NCHUNK - 3
    gwait(c, c % NBUF); sfire(c, c % NBUF); swait(c - 2, (c - 2) % NBUF)
    c = NCHUNK - 2
    gwait(c, c % NBUF); sfire(c, c % NBUF); swait(c - 2, (c - 2) % NBUF)
    c = NCHUNK - 1
    gwait(c, c % NBUF); sfire(c, c % NBUF); swait(c - 2, (c - 2) % NBUF)
    swait(NCHUNK - 2, (NCHUNK - 2) % NBUF)
    swait(NCHUNK - 1, (NCHUNK - 1) % NBUF)

  return k(node_feat, src)


def _tc_slab(h_acc, et2, ef, s1, emb, W, b2, slab):
  def body(*refs):
    if h_acc is None:
      et_ref, ef_ref, s1_ref, emb_ref, w_ref, b_ref, o_ref = refs
    else:
      _, et_ref, ef_ref, s1_ref, emb_ref, w_ref, b_ref, o_ref = refs
    onehot = (et_ref[...] == lax.broadcasted_iota(
        jnp.int32, (1, NTYPES), 1)).astype(jnp.bfloat16)
    rel = lax.dot_general(onehot, emb_ref[...], (((1,), (0,)), ((), ())),
                          preferred_element_type=jnp.float32)
    msg = (ef_ref[...] + s1_ref[...] + rel).astype(jnp.bfloat16)
    acc = lax.dot_general(msg, w_ref[...], (((1,), (1,)), ((), ())),
                          preferred_element_type=jnp.float32)
    o_ref[...] = jnp.maximum(acc + b_ref[...], 0.0)

  off = slab * NB_SLAB
  data_specs = [
      pl.BlockSpec((BE, 1), lambda i: (off + i, 0)),
      pl.BlockSpec((BE, DIM), lambda i: (off + i, 0)),
      pl.BlockSpec((BE, DIM), lambda i: (i, 0)),
      pl.BlockSpec((NTYPES, DIM), lambda i: (0, 0)),
      pl.BlockSpec((DIM, DIM), lambda i: (0, 0)),
      pl.BlockSpec((1, DIM), lambda i: (0, 0)),
  ]
  if h_acc is None:
    in_specs, aliases, args = data_specs, {}, (et2, ef, s1, emb, W, b2)
  else:
    in_specs = [pl.BlockSpec(memory_space=pltpu.MemorySpace.HBM)] + data_specs
    aliases = {0: 0}
    args = (h_acc, et2, ef, s1, emb, W, b2)
  return pl.pallas_call(
      body,
      grid=(NB_SLAB,),
      in_specs=in_specs,
      out_specs=pl.BlockSpec((BE, DIM), lambda i: (off + i, 0)),
      out_shape=jax.ShapeDtypeStruct((EDGES, DIM), jnp.float32),
      input_output_aliases=aliases,
  )(*args)


def kernel(node_feat, src, edge_type, edge_feat, edge_emb, W, b):
  et2 = edge_type.reshape(EDGES, 1)
  b2 = b.reshape(1, DIM)
  s1 = [_sc_gather_slab(node_feat, src, s) for s in range(NSLAB)]
  emb16 = edge_emb.astype(jnp.bfloat16)
  w16 = W.astype(jnp.bfloat16)
  h = None
  for s in range(NSLAB):
    h = _tc_slab(h, et2, edge_feat, s1[s], emb16, w16, b2, s)
  return h

# --- scband reference (transcript-rebuilt; emitter-appended) ---
"""Pipeline reference for scband-add-message-passer-9509057593721 (READ-ONLY COPY).

The authoritative reference and input builder live on the scoring server;
editing this copy changes nothing except your own understanding.
"""

import jax, jax.numpy as jnp
import numpy as np

N = 10000
E = 320000
D = 128
R = 256

def setup_inputs(seed: int = 0) -> dict:
    key = jax.random.key(seed)
    ks = jax.random.split(key, 7)
    node_feat = jax.random.normal(ks[0], (N, D), dtype=jnp.float32)
    src = jax.random.randint(ks[1], (E,), 0, N)
    edge_type = jax.random.randint(ks[2], (E,), 0, R)
    edge_feat = jax.random.normal(ks[3], (E, D), dtype=jnp.float32)
    # learned parameters
    edge_emb = jax.random.normal(ks[4], (R, D), dtype=jnp.float32) * 0.02
    W = jax.random.normal(ks[5], (D, D), dtype=jnp.float32) * (1.0 / np.sqrt(D))
    b = jnp.zeros((D,), dtype=jnp.float32)
    return {"node_feat": node_feat, "src": src, "edge_type": edge_type,
            "edge_feat": edge_feat, "edge_emb": edge_emb, "W": W, "b": b}

def reference(node_feat, src, edge_type, edge_feat, edge_emb, W, b):
    # edges.data['type'] -> edge_type ; edges.src['node_feat'] -> node_feat[src]
    # edges.data['edge_feat'] -> edge_feat
    rel = jnp.take(edge_emb, edge_type, axis=0)          # embedding lookup [E, D]
    src_h = jnp.take(node_feat, src, axis=0)             # gather src node feats [E, D]
    msg = rel + src_h + edge_feat
    h = jnp.maximum(msg @ W.T + b, 0.0)                  # Linear + ReLU (dropout=0 -> identity)
    return h

if __name__ == "__main__":
    import jax
    _d = setup_inputs()
    print(jax.jit(kernel)(*tuple(_d.values())))

</pallas_src>

<mosaic_0001>
#map = affine_map<(d0, d1) -> (0, 0)>
#map1 = affine_map<(d0, d1) -> (0)>
module attributes {stable_mosaic.version = 14 : i64} {
  func.func @k(%arg0: i32, %arg1: i32, %arg2: memref<10000x128xf32, #tpu.memory_space<hbm>>, %arg3: memref<320000xi32, #tpu.memory_space<hbm>>, %arg4: memref<64000x128xf32, #tpu.memory_space<hbm>>, %arg5: memref<2000xi32, #tpu.memory_space<vmem>>, %arg6: memref<80x128xf32, #tpu.memory_space<vmem>>, %arg7: memref<80x128xf32, #tpu.memory_space<vmem>>, %arg8: memref<80x128xf32, #tpu.memory_space<vmem>>, %arg9: memref<80x128xf32, #tpu.memory_space<vmem>>, %arg10: memref<80x128xf32, #tpu.memory_space<vmem>>, %arg11: memref<!tpu.dma_semaphore, #tpu.memory_space<semaphore_mem>>, %arg12: memref<!tpu.dma_semaphore, #tpu.memory_space<semaphore_mem>>, %arg13: memref<!tpu.dma_semaphore, #tpu.memory_space<semaphore_mem>>, %arg14: memref<!tpu.dma_semaphore, #tpu.memory_space<semaphore_mem>>, %arg15: memref<!tpu.dma_semaphore, #tpu.memory_space<semaphore_mem>>, %arg16: memref<!tpu.dma_semaphore, #tpu.memory_space<semaphore_mem>>, %arg17: memref<!tpu.dma_semaphore, #tpu.memory_space<semaphore_mem>>, %arg18: memref<!tpu.dma_semaphore, #tpu.memory_space<semaphore_mem>>, %arg19: memref<!tpu.dma_semaphore, #tpu.memory_space<semaphore_mem>>, %arg20: memref<!tpu.dma_semaphore, #tpu.memory_space<semaphore_mem>>) attributes {dimension_semantics = [#tpu.dimension_semantics<core_parallel>, #tpu.dimension_semantics<subcore_parallel>], iteration_bounds = array<i64: 2, 16>, scalar_prefetch = 0 : i64, scratch_operands = 16 : i64, tpu.core_type = #tpu.core_type<sc_vector_subcore>, window_params = [{transform_indices = #map}, {transform_indices = #map1}, {transform_indices = #map}]} {
    %mul3A = arith.constant 2 : i32
    %mul3A_0 = arith.muli %arg1, %mul3A : i32
    %add3A = arith.addi %mul3A_0, %arg0 : i32
    %mul3A_1 = arith.constant 2000 : i32
    %mul3A_2 = arith.muli %add3A, %mul3A_1 : i32
    %add3A_3 = arith.constant 64000 : i32
    %add3A_4 = arith.addi %add3A_3, %mul3A_2 : i32
    "tpu.region"() ({
      %run_scoped3A = tpu.sem_alloc : memref<!tpu.dma_semaphore, #tpu.memory_space<semaphore_mem>>
      %dma_start3A_118 = tpu.memref_slice %arg3[%add3A_4] : memref<320000xi32, #tpu.memory_space<hbm>> -> memref<2000xi32, #tpu.memory_space<hbm>>
      %dma_start3A_119 = tpu.memref_slice %arg3[%add3A_4] : memref<320000xi32, #tpu.memory_space<hbm>> -> memref<2000xi32, #tpu.memory_space<hbm>>
      tpu.enqueue_dma source(%dma_start3A_119 : memref<2000xi32, #tpu.memory_space<hbm>>) target(%arg5 : memref<2000xi32, #tpu.memory_space<vmem>>) target_semaphore(%run_scoped3A : memref<!tpu.dma_semaphore, #tpu.memory_space<semaphore_mem>>)
      %dma_wait3A_120 = tpu.memref_slice %arg3[%add3A_4] : memref<320000xi32, #tpu.memory_space<hbm>> -> memref<2000xi32, #tpu.memory_space<hbm>>
      %dma_wait3A_121 = tpu.memref_slice %arg3[%add3A_4] : memref<320000xi32, #tpu.memory_space<hbm>> -> memref<2000xi32, #tpu.memory_space<hbm>>
      tpu.wait_dma2 semaphore(%run_scoped3A : memref<!tpu.dma_semaphore, #tpu.memory_space<semaphore_mem>>) src(%dma_wait3A_121 : memref<2000xi32, #tpu.memory_space<hbm>>) dst(%arg5 : memref<2000xi32, #tpu.memory_space<vmem>>)
      tpu.yield
    }) : () -> ()
    %dma_start3A = arith.constant 0 : i32
    %dma_start3A_5 = tpu.memref_slice %arg5[%dma_start3A] : memref<2000xi32, #tpu.memory_space<vmem>> -> memref<80xi32, #tpu.memory_space<vmem>>
    %dma_start3A_6 = arith.constant 0 : i32
    %dma_start3A_7 = arith.constant 0 : i32
    %dma_start3A_8 = tpu.memref_slice %arg2[%dma_start3A_6, %dma_start3A_7] : memref<10000x128xf32, #tpu.memory_space<hbm>> -> memref<10000x128xf32, #tpu.memory_space<hbm>>
    tpu.enqueue_indirect_dma source(%dma_start3A_8 : memref<10000x128xf32, #tpu.memory_space<hbm>>) target(%arg6 : memref<80x128xf32, #tpu.memory_space<vmem>>) offsets(%dma_start3A_5 : memref<80xi32, #tpu.memory_space<vmem>>) semaphore(%arg11 : memref<!tpu.dma_semaphore, #tpu.memory_space<semaphore_mem>>)
    %dma_start3A_9 = arith.constant 80 : i32
    %dma_start3A_10 = tpu.memref_slice %arg5[%dma_start3A_9] : memref<2000xi32, #tpu.memory_space<vmem>> -> memref<80xi32, #tpu.memory_space<vmem>>
    %dma_start3A_11 = arith.constant 0 : i32
    %dma_start3A_12 = arith.constant 0 : i32
    %dma_start3A_13 = tpu.memref_slice %arg2[%dma_start3A_11, %dma_start3A_12] : memref<10000x128xf32, #tpu.memory_space<hbm>> -> memref<10000x128xf32, #tpu.memory_space<hbm>>
    tpu.enqueue_indirect_dma source(%dma_start3A_13 : memref<10000x128xf32, #tpu.memory_space<hbm>>) target(%arg7 : memref<80x128xf32, #tpu.memory_space<vmem>>) offsets(%dma_start3A_10 : memref<80xi32, #tpu.memory_space<vmem>>) semaphore(%arg12 : memref<!tpu.dma_semaphore, #tpu.memory_space<semaphore_mem>>)
    %dma_start3A_14 = arith.constant 160 : i32
    %dma_start3A_15 = tpu.memref_slice %arg5[%dma_start3A_14] : memref<2000xi32, #tpu.memory_space<vmem>> -> memref<80xi32, #tpu.memory_space<vmem>>
    %dma_start3A_16 = arith.constant 0 : i32
    %dma_start3A_17 = arith.constant 0 : i32
    %dma_start3A_18 = tpu.memref_slice %arg2[%dma_start3A_16, %dma_start3A_17] : memref<10000x128xf32, #tpu.memory_space<hbm>> -> memref<10000x128xf32, #tpu.memory_space<hbm>>
    tpu.enqueue_indirect_dma source(%dma_start3A_18 : memref<10000x128xf32, #tpu.memory_space<hbm>>) target(%arg8 : memref<80x128xf32, #tpu.memory_space<vmem>>) offsets(%dma_start3A_15 : memref<80xi32, #tpu.memory_space<vmem>>) semaphore(%arg13 : memref<!tpu.dma_semaphore, #tpu.memory_space<semaphore_mem>>)
    %dma_wait3A = arith.constant 0 : i32
    %dma_wait3A_19 = tpu.memref_slice %arg5[%dma_wait3A] : memref<2000xi32, #tpu.memory_space<vmem>> -> memref<80xi32, #tpu.memory_space<vmem>>
    %dma_wait3A_20 = arith.constant 0 : i32
    %dma_wait3A_21 = arith.constant 0 : i32
    %dma_wait3A_22 = tpu.memref_slice %arg2[%dma_wait3A_20, %dma_wait3A_21] : memref<10000x128xf32, #tpu.memory_space<hbm>> -> memref<10000x128xf32, #tpu.memory_space<hbm>>
    tpu.wait_indirect_dma semaphore(%arg11 : memref<!tpu.dma_semaphore, #tpu.memory_space<semaphore_mem>>) src(%dma_wait3A_22 : memref<10000x128xf32, #tpu.memory_space<hbm>>) dst(%arg6 : memref<80x128xf32, #tpu.memory_space<vmem>>)
    %add3A_23 = arith.constant 0 : i32
    %add3A_24 = arith.addi %mul3A_2, %add3A_23 : i32
    %dma_start3A_25 = arith.constant 0 : i32
    %dma_start3A_26 = tpu.memref_slice %arg4[%add3A_24, %dma_start3A_25] : memref<64000x128xf32, #tpu.memory_space<hbm>> -> memref<80x128xf32, #tpu.memory_space<hbm>>
    %dma_start3A_27 = arith.constant 0 : i32
    %dma_start3A_28 = tpu.memref_slice %arg4[%add3A_24, %dma_start3A_27] : memref<64000x128xf32, #tpu.memory_space<hbm>> -> memref<80x128xf32, #tpu.memory_space<hbm>>
    tpu.enqueue_dma source(%arg6 : memref<80x128xf32, #tpu.memory_space<vmem>>) target(%dma_start3A_28 : memref<80x128xf32, #tpu.memory_space<hbm>>) target_semaphore(%arg16 : memref<!tpu.dma_semaphore, #tpu.memory_space<semaphore_mem>>)
    %dma_start3A_29 = arith.constant 240 : i32
    %dma_start3A_30 = tpu.memref_slice %arg5[%dma_start3A_29] : memref<2000xi32, #tpu.memory_space<vmem>> -> memref<80xi32, #tpu.memory_space<vmem>>
    %dma_start3A_31 = arith.constant 0 : i32
    %dma_start3A_32 = arith.constant 0 : i32
    %dma_start3A_33 = tpu.memref_slice %arg2[%dma_start3A_31, %dma_start3A_32] : memref<10000x128xf32, #tpu.memory_space<hbm>> -> memref<10000x128xf32, #tpu.memory_space<hbm>>
    tpu.enqueue_indirect_dma source(%dma_start3A_33 : memref<10000x128xf32, #tpu.memory_space<hbm>>) target(%arg9 : memref<80x128xf32, #tpu.memory_space<vmem>>) offsets(%dma_start3A_30 : memref<80xi32, #tpu.memory_space<vmem>>) semaphore(%arg14 : memref<!tpu.dma_semaphore, #tpu.memory_space<semaphore_mem>>)
    %dma_wait3A_34 = arith.constant 80 : i32
    %dma_wait3A_35 = tpu.memref_slice %arg5[%dma_wait3A_34] : memref<2000xi32, #tpu.memory_space<vmem>> -> memref<80xi32, #tpu.memory_space<vmem>>
    %dma_wait3A_36 = arith.constant 0 : i32
    %dma_wait3A_37 = arith.constant 0 : i32
    %dma_wait3A_38 = tpu.memref_slice %arg2[%dma_wait3A_36, %dma_wait3A_37] : memref<10000x128xf32, #tpu.memory_space<hbm>> -> memref<10000x128xf32, #tpu.memory_space<hbm>>
    tpu.wait_indirect_dma semaphore(%arg12 : memref<!tpu.dma_semaphore, #tpu.memory_space<semaphore_mem>>) src(%dma_wait3A_38 : memref<10000x128xf32, #tpu.memory_space<hbm>>) dst(%arg7 : memref<80x128xf32, #tpu.memory_space<vmem>>)
    %add3A_39 = arith.constant 80 : i32
    %add3A_40 = arith.addi %mul3A_2, %add3A_39 : i32
    %dma_start3A_41 = arith.constant 0 : i32
    %dma_start3A_42 = tpu.memref_slice %arg4[%add3A_40, %dma_start3A_41] : memref<64000x128xf32, #tpu.memory_space<hbm>> -> memref<80x128xf32, #tpu.memory_space<hbm>>
    %dma_start3A_43 = arith.constant 0 : i32
    %dma_start3A_44 = tpu.memref_slice %arg4[%add3A_40, %dma_start3A_43] : memref<64000x128xf32, #tpu.memory_space<hbm>> -> memref<80x128xf32, #tpu.memory_space<hbm>>
    tpu.enqueue_dma source(%arg7 : memref<80x128xf32, #tpu.memory_space<vmem>>) target(%dma_start3A_44 : memref<80x128xf32, #tpu.memory_space<hbm>>) target_semaphore(%arg17 : memref<!tpu.dma_semaphore, #tpu.memory_space<semaphore_mem>>)
    %dma_start3A_45 = arith.constant 320 : i32
    %dma_start3A_46 = tpu.memref_slice %arg5[%dma_start3A_45] : memref<2000xi32, #tpu.memory_space<vmem>> -> memref<80xi32, #tpu.memory_space<vmem>>
    %dma_start3A_47 = arith.constant 0 : i32
    %dma_start3A_48 = arith.constant 0 : i32
    %dma_start3A_49 = tpu.memref_slice %arg2[%dma_start3A_47, %dma_start3A_48] : memref<10000x128xf32, #tpu.memory_space<hbm>> -> memref<10000x128xf32, #tpu.memory_space<hbm>>
    tpu.enqueue_indirect_dma source(%dma_start3A_49 : memref<10000x128xf32, #tpu.memory_space<hbm>>) target(%arg10 : memref<80x128xf32, #tpu.memory_space<vmem>>) offsets(%dma_start3A_46 : memref<80xi32, #tpu.memory_space<vmem>>) semaphore(%arg15 : memref<!tpu.dma_semaphore, #tpu.memory_space<semaphore_mem>>)
    %scan3A = arith.constant 0 : i32
    %scan3A_50 = arith.constant 0 : i32
    %scan3A_51 = arith.constant 4 : i32
    %scan3A_52 = arith.addi %scan3A_50, %scan3A_51 : i32
    %scan3A_53 = arith.constant 1 : i32
    scf.for %scan3A_118 = %scan3A_50 to %scan3A_52 step %scan3A_53  : i32 {
      %mul3A_119 = arith.constant 5 : i32
      %mul3A_120 = arith.muli %mul3A_119, %scan3A_118 : i32
      %add3A_121 = arith.constant 2 : i32
      %add3A_122 = arith.addi %add3A_121, %mul3A_120 : i32
      %add3A_123 = arith.constant 0 : i32
      %add3A_124 = arith.addi %add3A_122, %add3A_123 : i32
      %mul3A_125 = arith.constant 80 : i32
      %mul3A_126 = arith.muli %add3A_124, %mul3A_125 : i32
      %dma_wait3A_127 = tpu.memref_slice %arg5[%mul3A_126] : memref<2000xi32, #tpu.memory_space<vmem>> -> memref<80xi32, #tpu.memory_space<vmem>>
      %dma_wait3A_128 = arith.constant 0 : i32
      %dma_wait3A_129 = arith.constant 0 : i32
      %dma_wait3A_130 = tpu.memref_slice %arg2[%dma_wait3A_128, %dma_wait3A_129] : memref<10000x128xf32, #tpu.memory_space<hbm>> -> memref<10000x128xf32, #tpu.memory_space<hbm>>
      tpu.wait_indirect_dma semaphore(%arg13 : memref<!tpu.dma_semaphore, #tpu.memory_space<semaphore_mem>>) src(%dma_wait3A_130 : memref<10000x128xf32, #tpu.memory_space<hbm>>) dst(%arg8 : memref<80x128xf32, #tpu.memory_space<vmem>>)
      %mul3A_131 = arith.constant 80 : i32
      %mul3A_132 = arith.muli %add3A_124, %mul3A_131 : i32
      %add3A_133 = arith.addi %mul3A_2, %mul3A_132 : i32
      %dma_start3A_134 = arith.constant 0 : i32
      %dma_start3A_135 = tpu.memref_slice %arg4[%add3A_133, %dma_start3A_134] : memref<64000x128xf32, #tpu.memory_space<hbm>> -> memref<80x128xf32, #tpu.memory_space<hbm>>
      %dma_start3A_136 = arith.constant 0 : i32
      %dma_start3A_137 = tpu.memref_slice %arg4[%add3A_133, %dma_start3A_136] : memref<64000x128xf32, #tpu.memory_space<hbm>> -> memref<80x128xf32, #tpu.memory_space<hbm>>
      tpu.enqueue_dma source(%arg8 : memref<80x128xf32, #tpu.memory_space<vmem>>) target(%dma_start3A_137 : memref<80x128xf32, #tpu.memory_space<hbm>>) target_semaphore(%arg18 : memref<!tpu.dma_semaphore, #tpu.memory_space<semaphore_mem>>)
      %sub3A = arith.constant 2 : i32
      %sub3A_138 = arith.subi %add3A_124, %sub3A : i32
      %mul3A_139 = arith.constant 80 : i32
      %mul3A_140 = arith.muli %sub3A_138, %mul3A_139 : i32
      %add3A_141 = arith.addi %mul3A_2, %mul3A_140 : i32
      %dma_wait3A_142 = arith.constant 0 : i32
      %dma_wait3A_143 = tpu.memref_slice %arg4[%add3A_141, %dma_wait3A_142] : memref<64000x128xf32, #tpu.memory_space<hbm>> -> memref<80x128xf32, #tpu.memory_space<hbm>>
      %dma_wait3A_144 = arith.constant 0 : i32
      %dma_wait3A_145 = tpu.memref_slice %arg4[%add3A_141, %dma_wait3A_144] : memref<64000x128xf32, #tpu.memory_space<hbm>> -> memref<80x128xf32, #tpu.memory_space<hbm>>
      tpu.wait_dma2 semaphore(%arg16 : memref<!tpu.dma_semaphore, #tpu.memory_space<semaphore_mem>>) src(%arg6 : memref<80x128xf32, #tpu.memory_space<vmem>>) dst(%dma_wait3A_145 : memref<80x128xf32, #tpu.memory_space<hbm>>)
      %add3A_146 = arith.constant 3 : i32
      %add3A_147 = arith.addi %add3A_124, %add3A_146 : i32
      %mul3A_148 = arith.constant 80 : i32
      %mul3A_149 = arith.muli %add3A_147, %mul3A_148 : i32
      %dma_start3A_150 = tpu.memref_slice %arg5[%mul3A_149] : memref<2000xi32, #tpu.memory_space<vmem>> -> memref<80xi32, #tpu.memory_space<vmem>>
      %dma_start3A_151 = arith.constant 0 : i32
      %dma_start3A_152 = arith.constant 0 : i32
      %dma_start3A_153 = tpu.memref_slice %arg2[%dma_start3A_151, %dma_start3A_152] : memref<10000x128xf32, #tpu.memory_space<hbm>> -> memref<10000x128xf32, #tpu.memory_space<hbm>>
      tpu.enqueue_indirect_dma source(%dma_start3A_153 : memref<10000x128xf32, #tpu.memory_space<hbm>>) target(%arg6 : memref<80x128xf32, #tpu.memory_space<vmem>>) offsets(%dma_start3A_150 : memref<80xi32, #tpu.memory_space<vmem>>) semaphore(%arg11 : memref<!tpu.dma_semaphore, #tpu.memory_space<semaphore_mem>>)
      %add3A_154 = arith.constant 1 : i32
      %add3A_155 = arith.addi %add3A_122, %add3A_154 : i32
      %mul3A_156 = arith.constant 80 : i32
      %mul3A_157 = arith.muli %add3A_155, %mul3A_156 : i32
      %dma_wait3A_158 = tpu.memref_slice %arg5[%mul3A_157] : memref<2000xi32, #tpu.memory_space<vmem>> -> memref<80xi32, #tpu.memory_space<vmem>>
      %dma_wait3A_159 = arith.constant 0 : i32
      %dma_wait3A_160 = arith.constant 0 : i32
      %dma_wait3A_161 = tpu.memref_slice %arg2[%dma_wait3A_159, %dma_wait3A_160] : memref<10000x128xf32, #tpu.memory_space<hbm>> -> memref<10000x128xf32, #tpu.memory_space<hbm>>
      tpu.wait_indirect_dma semaphore(%arg14 : memref<!tpu.dma_semaphore, #tpu.memory_space<semaphore_mem>>) src(%dma_wait3A_161 : memref<10000x128xf32, #tpu.memory_space<hbm>>) dst(%arg9 : memref<80x128xf32, #tpu.memory_space<vmem>>)
      %mul3A_162 = arith.constant 80 : i32
      %mul3A_163 = arith.muli %add3A_155, %mul3A_162 : i32
      %add3A_164 = arith.addi %mul3A_2, %mul3A_163 : i32
      %dma_start3A_165 = arith.constant 0 : i32
      %dma_start3A_166 = tpu.memref_slice %arg4[%add3A_164, %dma_start3A_165] : memref<64000x128xf32, #tpu.memory_space<hbm>> -> memref<80x128xf32, #tpu.memory_space<hbm>>
      %dma_start3A_167 = arith.constant 0 : i32
      %dma_start3A_168 = tpu.memref_slice %arg4[%add3A_164, %dma_start3A_167] : memref<64000x128xf32, #tpu.memory_space<hbm>> -> memref<80x128xf32, #tpu.memory_space<hbm>>
      tpu.enqueue_dma source(%arg9 : memref<80x128xf32, #tpu.memory_space<vmem>>) target(%dma_start3A_168 : memref<80x128xf32, #tpu.memory_space<hbm>>) target_semaphore(%arg19 : memref<!tpu.dma_semaphore, #tpu.memory_space<semaphore_mem>>)
      %sub3A_169 = arith.constant 2 : i32
      %sub3A_170 = arith.subi %add3A_155, %sub3A_169 : i32
      %mul3A_171 = arith.constant 80 : i32
      %mul3A_172 = arith.muli %sub3A_170, %mul3A_171 : i32
      %add3A_173 = arith.addi %mul3A_2, %mul3A_172 : i32
      %dma_wait3A_174 = arith.constant 0 : i32
      %dma_wait3A_175 = tpu.memref_slice %arg4[%add3A_173, %dma_wait3A_174] : memref<64000x128xf32, #tpu.memory_space<hbm>> -> memref<80x128xf32, #tpu.memory_space<hbm>>
      %dma_wait3A_176 = arith.constant 0 : i32
      %dma_wait3A_177 = tpu.memref_slice %arg4[%add3A_173, %dma_wait3A_176] : memref<64000x128xf32, #tpu.memory_space<hbm>> -> memref<80x128xf32, #tpu.memory_space<hbm>>
      tpu.wait_dma2 semaphore(%arg17 : memref<!tpu.dma_semaphore, #tpu.memory_space<semaphore_mem>>) src(%arg7 : memref<80x128xf32, #tpu.memory_space<vmem>>) dst(%dma_wait3A_177 : memref<80x128xf32, #tpu.memory_space<hbm>>)
      %add3A_178 = arith.constant 3 : i32
      %add3A_179 = arith.addi %add3A_155, %add3A_178 : i32
      %mul3A_180 = arith.constant 80 : i32
      %mul3A_181 = arith.muli %add3A_179, %mul3A_180 : i32
      %dma_start3A_182 = tpu.memref_slice %arg5[%mul3A_181] : memref<2000xi32, #tpu.memory_space<vmem>> -> memref<80xi32, #tpu.memory_space<vmem>>
      %dma_start3A_183 = arith.constant 0 : i32
      %dma_start3A_184 = arith.constant 0 : i32
      %dma_start3A_185 = tpu.memref_slice %arg2[%dma_start3A_183, %dma_start3A_184] : memref<10000x128xf32, #tpu.memory_space<hbm>> -> memref<10000x128xf32, #tpu.memory_space<hbm>>
      tpu.enqueue_indirect_dma source(%dma_start3A_185 : memref<10000x128xf32, #tpu.memory_space<hbm>>) target(%arg7 : memref<80x128xf32, #tpu.memory_space<vmem>>) offsets(%dma_start3A_182 : memref<80xi32, #tpu.memory_space<vmem>>) semaphore(%arg12 : memref<!tpu.dma_semaphore, #tpu.memory_space<semaphore_mem>>)
      %add3A_186 = arith.constant 2 : i32
      %add3A_187 = arith.addi %add3A_122, %add3A_186 : i32
      %mul3A_188 = arith.constant 80 : i32
      %mul3A_189 = arith.muli %add3A_187, %mul3A_188 : i32
      %dma_wait3A_190 = tpu.memref_slice %arg5[%mul3A_189] : memref<2000xi32, #tpu.memory_space<vmem>> -> memref<80xi32, #tpu.memory_space<vmem>>
      %dma_wait3A_191 = arith.constant 0 : i32
      %dma_wait3A_192 = arith.constant 0 : i32
      %dma_wait3A_193 = tpu.memref_slice %arg2[%dma_wait3A_191, %dma_wait3A_192] : memref<10000x128xf32, #tpu.memory_space<hbm>> -> memref<10000x128xf32, #tpu.memory_space<hbm>>
      tpu.wait_indirect_dma semaphore(%arg15 : memref<!tpu.dma_semaphore, #tpu.memory_space<semaphore_mem>>) src(%dma_wait3A_193 : memref<10000x128xf32, #tpu.memory_space<hbm>>) dst(%arg10 : memref<80x128xf32, #tpu.memory_space<vmem>>)
      %mul3A_194 = arith.constant 80 : i32
      %mul3A_195 = arith.muli %add3A_187, %mul3A_194 : i32
      %add3A_196 = arith.addi %mul3A_2, %mul3A_195 : i32
      %dma_start3A_197 = arith.constant 0 : i32
      %dma_start3A_198 = tpu.memref_slice %arg4[%add3A_196, %dma_start3A_197] : memref<64000x128xf32, #tpu.memory_space<hbm>> -> memref<80x128xf32, #tpu.memory_space<hbm>>
      %dma_start3A_199 = arith.constant 0 : i32
      %dma_start3A_200 = tpu.memref_slice %arg4[%add3A_196, %dma_start3A_199] : memref<64000x128xf32, #tpu.memory_space<hbm>> -> memref<80x128xf32, #tpu.memory_space<hbm>>
      tpu.enqueue_dma source(%arg10 : memref<80x128xf32, #tpu.memory_space<vmem>>) target(%dma_start3A_200 : memref<80x128xf32, #tpu.memory_space<hbm>>) target_semaphore(%arg20 : memref<!tpu.dma_semaphore, #tpu.memory_space<semaphore_mem>>)
      %sub3A_201 = arith.constant 2 : i32
      %sub3A_202 = arith.subi %add3A_187, %sub3A_201 : i32
      %mul3A_203 = arith.constant 80 : i32
      %mul3A_204 = arith.muli %sub3A_202, %mul3A_203 : i32
      %add3A_205 = arith.addi %mul3A_2, %mul3A_204 : i32
      %dma_wait3A_206 = arith.constant 0 : i32
      %dma_wait3A_207 = tpu.memref_slice %arg4[%add3A_205, %dma_wait3A_206] : memref<64000x128xf32, #tpu.memory_space<hbm>> -> memref<80x128xf32, #tpu.memory_space<hbm>>
      %dma_wait3A_208 = arith.constant 0 : i32
      %dma_wait3A_209 = tpu.memref_slice %arg4[%add3A_205, %dma_wait3A_208] : memref<64000x128xf32, #tpu.memory_space<hbm>> -> memref<80x128xf32, #tpu.memory_space<hbm>>
      tpu.wait_dma2 semaphore(%arg18 : memref<!tpu.dma_semaphore, #tpu.memory_space<semaphore_mem>>) src(%arg8 : memref<80x128xf32, #tpu.memory_space<vmem>>) dst(%dma_wait3A_209 : memref<80x128xf32, #tpu.memory_space<hbm>>)
      %add3A_210 = arith.constant 3 : i32
      %add3A_211 = arith.addi %add3A_187, %add3A_210 : i32
      %mul3A_212 = arith.constant 80 : i32
      %mul3A_213 = arith.muli %add3A_211, %mul3A_212 : i32
      %dma_start3A_214 = tpu.memref_slice %arg5[%mul3A_213] : memref<2000xi32, #tpu.memory_space<vmem>> -> memref<80xi32, #tpu.memory_space<vmem>>
      %dma_start3A_215 = arith.constant 0 : i32
      %dma_start3A_216 = arith.constant 0 : i32
      %dma_start3A_217 = tpu.memref_slice %arg2[%dma_start3A_215, %dma_start3A_216] : memref<10000x128xf32, #tpu.memory_space<hbm>> -> memref<10000x128xf32, #tpu.memory_space<hbm>>
      tpu.enqueue_indirect_dma source(%dma_start3A_217 : memref<10000x128xf32, #tpu.memory_space<hbm>>) target(%arg8 : memref<80x128xf32, #tpu.memory_space<vmem>>) offsets(%dma_start3A_214 : memref<80xi32, #tpu.memory_space<vmem>>) semaphore(%arg13 : memref<!tpu.dma_semaphore, #tpu.memory_space<semaphore_mem>>)
      %add3A_218 = arith.constant 3 : i32
      %add3A_219 = arith.addi %add3A_122, %add3A_218 : i32
      %mul3A_220 = arith.constant 80 : i32
      %mul3A_221 = arith.muli %add3A_219, %mul3A_220 : i32
      %dma_wait3A_222 = tpu.memref_slice %arg5[%mul3A_221] : memref<2000xi32, #tpu.memory_space<vmem>> -> memref<80xi32, #tpu.memory_space<vmem>>
      %dma_wait3A_223 = arith.constant 0 : i32
      %dma_wait3A_224 = arith.constant 0 : i32
      %dma_wait3A_225 = tpu.memref_slice %arg2[%dma_wait3A_223, %dma_wait3A_224] : memref<10000x128xf32, #tpu.memory_space<hbm>> -> memref<10000x128xf32, #tpu.memory_space<hbm>>
      tpu.wait_indirect_dma semaphore(%arg11 : memref<!tpu.dma_semaphore, #tpu.memory_space<semaphore_mem>>) src(%dma_wait3A_225 : memref<10000x128xf32, #tpu.memory_space<hbm>>) dst(%arg6 : memref<80x128xf32, #tpu.memory_space<vmem>>)
      %mul3A_226 = arith.constant 80 : i32
      %mul3A_227 = arith.muli %add3A_219, %mul3A_226 : i32
      %add3A_228 = arith.addi %mul3A_2, %mul3A_227 : i32
      %dma_start3A_229 = arith.constant 0 : i32
      %dma_start3A_230 = tpu.memref_slice %arg4[%add3A_228, %dma_start3A_229] : memref<64000x128xf32, #tpu.memory_space<hbm>> -> memref<80x128xf32, #tpu.memory_space<hbm>>
      %dma_start3A_231 = arith.constant 0 : i32
      %dma_start3A_232 = tpu.memref_slice %arg4[%add3A_228, %dma_start3A_231] : memref<64000x128xf32, #tpu.memory_space<hbm>> -> memref<80x128xf32, #tpu.memory_space<hbm>>
      tpu.enqueue_dma source(%arg6 : memref<80x128xf32, #tpu.memory_space<vmem>>) target(%dma_start3A_232 : memref<80x128xf32, #tpu.memory_space<hbm>>) target_semaphore(%arg16 : memref<!tpu.dma_semaphore, #tpu.memory_space<semaphore_mem>>)
      %sub3A_233 = arith.constant 2 : i32
      %sub3A_234 = arith.subi %add3A_219, %sub3A_233 : i32
      %mul3A_235 = arith.constant 80 : i32
      %mul3A_236 = arith.muli %sub3A_234, %mul3A_235 : i32
      %add3A_237 = arith.addi %mul3A_2, %mul3A_236 : i32
      %dma_wait3A_238 = arith.constant 0 : i32
      %dma_wait3A_239 = tpu.memref_slice %arg4[%add3A_237, %dma_wait3A_238] : memref<64000x128xf32, #tpu.memory_space<hbm>> -> memref<80x128xf32, #tpu.memory_space<hbm>>
      %dma_wait3A_240 = arith.constant 0 : i32
      %dma_wait3A_241 = tpu.memref_slice %arg4[%add3A_237, %dma_wait3A_240] : memref<64000x128xf32, #tpu.memory_space<hbm>> -> memref<80x128xf32, #tpu.memory_space<hbm>>
      tpu.wait_dma2 semaphore(%arg19 : memref<!tpu.dma_semaphore, #tpu.memory_space<semaphore_mem>>) src(%arg9 : memref<80x128xf32, #tpu.memory_space<vmem>>) dst(%dma_wait3A_241 : memref<80x128xf32, #tpu.memory_space<hbm>>)
      %add3A_242 = arith.constant 3 : i32
      %add3A_243 = arith.addi %add3A_219, %add3A_242 : i32
      %mul3A_244 = arith.constant 80 : i32
      %mul3A_245 = arith.muli %add3A_243, %mul3A_244 : i32
      %dma_start3A_246 = tpu.memref_slice %arg5[%mul3A_245] : memref<2000xi32, #tpu.memory_space<vmem>> -> memref<80xi32, #tpu.memory_space<vmem>>
      %dma_start3A_247 = arith.constant 0 : i32
      %dma_start3A_248 = arith.constant 0 : i32
      %dma_start3A_249 = tpu.memref_slice %arg2[%dma_start3A_247, %dma_start3A_248] : memref<10000x128xf32, #tpu.memory_space<hbm>> -> memref<10000x128xf32, #tpu.memory_space<hbm>>
      tpu.enqueue_indirect_dma source(%dma_start3A_249 : memref<10000x128xf32, #tpu.memory_space<hbm>>) target(%arg9 : memref<80x128xf32, #tpu.memory_space<vmem>>) offsets(%dma_start3A_246 : memref<80xi32, #tpu.memory_space<vmem>>) semaphore(%arg14 : memref<!tpu.dma_semaphore, #tpu.memory_space<semaphore_mem>>)
      %add3A_250 = arith.constant 4 : i32
      %add3A_251 = arith.addi %add3A_122, %add3A_250 : i32
      %mul3A_252 = arith.constant 80 : i32
      %mul3A_253 = arith.muli %add3A_251, %mul3A_252 : i32
      %dma_wait3A_254 = tpu.memref_slice %arg5[%mul3A_253] : memref<2000xi32, #tpu.memory_space<vmem>> -> memref<80xi32, #tpu.memory_space<vmem>>
      %dma_wait3A_255 = arith.constant 0 : i32
      %dma_wait3A_256 = arith.constant 0 : i32
      %dma_wait3A_257 = tpu.memref_slice %arg2[%dma_wait3A_255, %dma_wait3A_256] : memref<10000x128xf32, #tpu.memory_space<hbm>> -> memref<10000x128xf32, #tpu.memory_space<hbm>>
      tpu.wait_indirect_dma semaphore(%arg12 : memref<!tpu.dma_semaphore, #tpu.memory_space<semaphore_mem>>) src(%dma_wait3A_257 : memref<10000x128xf32, #tpu.memory_space<hbm>>) dst(%arg7 : memref<80x128xf32, #tpu.memory_space<vmem>>)
      %mul3A_258 = arith.constant 80 : i32
      %mul3A_259 = arith.muli %add3A_251, %mul3A_258 : i32
      %add3A_260 = arith.addi %mul3A_2, %mul3A_259 : i32
      %dma_start3A_261 = arith.constant 0 : i32
      %dma_start3A_262 = tpu.memref_slice %arg4[%add3A_260, %dma_start3A_261] : memref<64000x128xf32, #tpu.memory_space<hbm>> -> memref<80x128xf32, #tpu.memory_space<hbm>>
      %dma_start3A_263 = arith.constant 0 : i32
      %dma_start3A_264 = tpu.memref_slice %arg4[%add3A_260, %dma_start3A_263] : memref<64000x128xf32, #tpu.memory_space<hbm>> -> memref<80x128xf32, #tpu.memory_space<hbm>>
      tpu.enqueue_dma source(%arg7 : memref<80x128xf32, #tpu.memory_space<vmem>>) target(%dma_start3A_264 : memref<80x128xf32, #tpu.memory_space<hbm>>) target_semaphore(%arg17 : memref<!tpu.dma_semaphore, #tpu.memory_space<semaphore_mem>>)
      %sub3A_265 = arith.constant 2 : i32
      %sub3A_266 = arith.subi %add3A_251, %sub3A_265 : i32
      %mul3A_267 = arith.constant 80 : i32
      %mul3A_268 = arith.muli %sub3A_266, %mul3A_267 : i32
      %add3A_269 = arith.addi %mul3A_2, %mul3A_268 : i32
      %dma_wait3A_270 = arith.constant 0 : i32
      %dma_wait3A_271 = tpu.memref_slice %arg4[%add3A_269, %dma_wait3A_270] : memref<64000x128xf32, #tpu.memory_space<hbm>> -> memref<80x128xf32, #tpu.memory_space<hbm>>
      %dma_wait3A_272 = arith.constant 0 : i32
      %dma_wait3A_273 = tpu.memref_slice %arg4[%add3A_269, %dma_wait3A_272] : memref<64000x128xf32, #tpu.memory_space<hbm>> -> memref<80x128xf32, #tpu.memory_space<hbm>>
      tpu.wait_dma2 semaphore(%arg20 : memref<!tpu.dma_semaphore, #tpu.memory_space<semaphore_mem>>) src(%arg10 : memref<80x128xf32, #tpu.memory_space<vmem>>) dst(%dma_wait3A_273 : memref<80x128xf32, #tpu.memory_space<hbm>>)
      %add3A_274 = arith.constant 3 : i32
      %add3A_275 = arith.addi %add3A_251, %add3A_274 : i32
      %mul3A_276 = arith.constant 80 : i32
      %mul3A_277 = arith.muli %add3A_275, %mul3A_276 : i32
      %dma_start3A_278 = tpu.memref_slice %arg5[%mul3A_277] : memref<2000xi32, #tpu.memory_space<vmem>> -> memref<80xi32, #tpu.memory_space<vmem>>
      %dma_start3A_279 = arith.constant 0 : i32
      %dma_start3A_280 = arith.constant 0 : i32
      %dma_start3A_281 = tpu.memref_slice %arg2[%dma_start3A_279, %dma_start3A_280] : memref<10000x128xf32, #tpu.memory_space<hbm>> -> memref<10000x128xf32, #tpu.memory_space<hbm>>
      tpu.enqueue_indirect_dma source(%dma_start3A_281 : memref<10000x128xf32, #tpu.memory_space<hbm>>) target(%arg10 : memref<80x128xf32, #tpu.memory_space<vmem>>) offsets(%dma_start3A_278 : memref<80xi32, #tpu.memory_space<vmem>>) semaphore(%arg15 : memref<!tpu.dma_semaphore, #tpu.memory_space<semaphore_mem>>)
    }
    %scan3A_54 = arith.constant 4 : i32
    %dma_wait3A_55 = arith.constant 1760 : i32
    %dma_wait3A_56 = tpu.memref_slice %arg5[%dma_wait3A_55] : memref<2000xi32, #tpu.memory_space<vmem>> -> memref<80xi32, #tpu.memory_space<vmem>>
    %dma_wait3A_57 = arith.constant 0 : i32
    %dma_wait3A_58 = arith.constant 0 : i32
    %dma_wait3A_59 = tpu.memref_slice %arg2[%dma_wait3A_57, %dma_wait3A_58] : memref<10000x128xf32, #tpu.memory_space<hbm>> -> memref<10000x128xf32, #tpu.memory_space<hbm>>
    tpu.wait_indirect_dma semaphore(%arg13 : memref<!tpu.dma_semaphore, #tpu.memory_space<semaphore_mem>>) src(%dma_wait3A_59 : memref<10000x128xf32, #tpu.memory_space<hbm>>) dst(%arg8 : memref<80x128xf32, #tpu.memory_space<vmem>>)
    %add3A_60 = arith.constant 1760 : i32
    %add3A_61 = arith.addi %mul3A_2, %add3A_60 : i32
    %dma_start3A_62 = arith.constant 0 : i32
    %dma_start3A_63 = tpu.memref_slice %arg4[%add3A_61, %dma_start3A_62] : memref<64000x128xf32, #tpu.memory_space<hbm>> -> memref<80x128xf32, #tpu.memory_space<hbm>>
    %dma_start3A_64 = arith.constant 0 : i32
    %dma_start3A_65 = tpu.memref_slice %arg4[%add3A_61, %dma_start3A_64] : memref<64000x128xf32, #tpu.memory_space<hbm>> -> memref<80x128xf32, #tpu.memory_space<hbm>>
    tpu.enqueue_dma source(%arg8 : memref<80x128xf32, #tpu.memory_space<vmem>>) target(%dma_start3A_65 : memref<80x128xf32, #tpu.memory_space<hbm>>) target_semaphore(%arg18 : memref<!tpu.dma_semaphore, #tpu.memory_space<semaphore_mem>>)
    %add3A_66 = arith.constant 1600 : i32
    %add3A_67 = arith.addi %mul3A_2, %add3A_66 : i32
    %dma_wait3A_68 = arith.constant 0 : i32
    %dma_wait3A_69 = tpu.memref_slice %arg4[%add3A_67, %dma_wait3A_68] : memref<64000x128xf32, #tpu.memory_space<hbm>> -> memref<80x128xf32, #tpu.memory_space<hbm>>
    %dma_wait3A_70 = arith.constant 0 : i32
    %dma_wait3A_71 = tpu.memref_slice %arg4[%add3A_67, %dma_wait3A_70] : memref<64000x128xf32, #tpu.memory_space<hbm>> -> memref<80x128xf32, #tpu.memory_space<hbm>>
    tpu.wait_dma2 semaphore(%arg16 : memref<!tpu.dma_semaphore, #tpu.memory_space<semaphore_mem>>) src(%arg6 : memref<80x128xf32, #tpu.memory_space<vmem>>) dst(%dma_wait3A_71 : memref<80x128xf32, #tpu.memory_space<hbm>>)
    %dma_wait3A_72 = arith.constant 1840 : i32
    %dma_wait3A_73 = tpu.memref_slice %arg5[%dma_wait3A_72] : memref<2000xi32, #tpu.memory_space<vmem>> -> memref<80xi32, #tpu.memory_space<vmem>>
    %dma_wait3A_74 = arith.constant 0 : i32
    %dma_wait3A_75 = arith.constant 0 : i32
    %dma_wait3A_76 = tpu.memref_slice %arg2[%dma_wait3A_74, %dma_wait3A_75] : memref<10000x128xf32, #tpu.memory_space<hbm>> -> memref<10000x128xf32, #tpu.memory_space<hbm>>
    tpu.wait_indirect_dma semaphore(%arg14 : memref<!tpu.dma_semaphore, #tpu.memory_space<semaphore_mem>>) src(%dma_wait3A_76 : memref<10000x128xf32, #tpu.memory_space<hbm>>) dst(%arg9 : memref<80x128xf32, #tpu.memory_space<vmem>>)
    %add3A_77 = arith.constant 1840 : i32
    %add3A_78 = arith.addi %mul3A_2, %add3A_77 : i32
    %dma_start3A_79 = arith.constant 0 : i32
    %dma_start3A_80 = tpu.memref_slice %arg4[%add3A_78, %dma_start3A_79] : memref<64000x128xf32, #tpu.memory_space<hbm>> -> memref<80x128xf32, #tpu.memory_space<hbm>>
    %dma_start3A_81 = arith.constant 0 : i32
    %dma_start3A_82 = tpu.memref_slice %arg4[%add3A_78, %dma_start3A_81] : memref<64000x128xf32, #tpu.memory_space<hbm>> -> memref<80x128xf32, #tpu.memory_space<hbm>>
    tpu.enqueue_dma source(%arg9 : memref<80x128xf32, #tpu.memory_space<vmem>>) target(%dma_start3A_82 : memref<80x128xf32, #tpu.memory_space<hbm>>) target_semaphore(%arg19 : memref<!tpu.dma_semaphore, #tpu.memory_space<semaphore_mem>>)
    %add3A_83 = arith.constant 1680 : i32
    %add3A_84 = arith.addi %mul3A_2, %add3A_83 : i32
    %dma_wait3A_85 = arith.constant 0 : i32
    %dma_wait3A_86 = tpu.memref_slice %arg4[%add3A_84, %dma_wait3A_85] : memref<64000x128xf32, #tpu.memory_space<hbm>> -> memref<80x128xf32, #tpu.memory_space<hbm>>
    %dma_wait3A_87 = arith.constant 0 : i32
    %dma_wait3A_88 = tpu.memref_slice %arg4[%add3A_84, %dma_wait3A_87] : memref<64000x128xf32, #tpu.memory_space<hbm>> -> memref<80x128xf32, #tpu.memory_space<hbm>>
    tpu.wait_dma2 semaphore(%arg17 : memref<!tpu.dma_semaphore, #tpu.memory_space<semaphore_mem>>) src(%arg7 : memref<80x128xf32, #tpu.memory_space<vmem>>) dst(%dma_wait3A_88 : memref<80x128xf32, #tpu.memory_space<hbm>>)
    %dma_wait3A_89 = arith.constant 1920 : i32
    %dma_wait3A_90 = tpu.memref_slice %arg5[%dma_wait3A_89] : memref<2000xi32, #tpu.memory_space<vmem>> -> memref<80xi32, #tpu.memory_space<vmem>>
    %dma_wait3A_91 = arith.constant 0 : i32
    %dma_wait3A_92 = arith.constant 0 : i32
    %dma_wait3A_93 = tpu.memref_slice %arg2[%dma_wait3A_91, %dma_wait3A_92] : memref<10000x128xf32, #tpu.memory_space<hbm>> -> memref<10000x128xf32, #tpu.memory_space<hbm>>
    tpu.wait_indirect_dma semaphore(%arg15 : memref<!tpu.dma_semaphore, #tpu.memory_space<semaphore_mem>>) src(%dma_wait3A_93 : memref<10000x128xf32, #tpu.memory_space<hbm>>) dst(%arg10 : memref<80x128xf32, #tpu.memory_space<vmem>>)
    %add3A_94 = arith.constant 1920 : i32
    %add3A_95 = arith.addi %mul3A_2, %add3A_94 : i32
    %dma_start3A_96 = arith.constant 0 : i32
    %dma_start3A_97 = tpu.memref_slice %arg4[%add3A_95, %dma_start3A_96] : memref<64000x128xf32, #tpu.memory_space<hbm>> -> memref<80x128xf32, #tpu.memory_space<hbm>>
    %dma_start3A_98 = arith.constant 0 : i32
    %dma_start3A_99 = tpu.memref_slice %arg4[%add3A_95, %dma_start3A_98] : memref<64000x128xf32, #tpu.memory_space<hbm>> -> memref<80x128xf32, #tpu.memory_space<hbm>>
    tpu.enqueue_dma source(%arg10 : memref<80x128xf32, #tpu.memory_space<vmem>>) target(%dma_start3A_99 : memref<80x128xf32, #tpu.memory_space<hbm>>) target_semaphore(%arg20 : memref<!tpu.dma_semaphore, #tpu.memory_space<semaphore_mem>>)
    %add3A_100 = arith.constant 1760 : i32
    %add3A_101 = arith.addi %mul3A_2, %add3A_100 : i32
    %dma_wait3A_102 = arith.constant 0 : i32
    %dma_wait3A_103 = tpu.memref_slice %arg4[%add3A_101, %dma_wait3A_102] : memref<64000x128xf32, #tpu.memory_space<hbm>> -> memref<80x128xf32, #tpu.memory_space<hbm>>
    %dma_wait3A_104 = arith.constant 0 : i32
    %dma_wait3A_105 = tpu.memref_slice %arg4[%add3A_101, %dma_wait3A_104] : memref<64000x128xf32, #tpu.memory_space<hbm>> -> memref<80x128xf32, #tpu.memory_space<hbm>>
    tpu.wait_dma2 semaphore(%arg18 : memref<!tpu.dma_semaphore, #tpu.memory_space<semaphore_mem>>) src(%arg8 : memref<80x128xf32, #tpu.memory_space<vmem>>) dst(%dma_wait3A_105 : memref<80x128xf32, #tpu.memory_space<hbm>>)
    %add3A_106 = arith.constant 1840 : i32
    %add3A_107 = arith.addi %mul3A_2, %add3A_106 : i32
    %dma_wait3A_108 = arith.constant 0 : i32
    %dma_wait3A_109 = tpu.memref_slice %arg4[%add3A_107, %dma_wait3A_108] : memref<64000x128xf32, #tpu.memory_space<hbm>> -> memref<80x128xf32, #tpu.memory_space<hbm>>
    %dma_wait3A_110 = arith.constant 0 : i32
    %dma_wait3A_111 = tpu.memref_slice %arg4[%add3A_107, %dma_wait3A_110] : memref<64000x128xf32, #tpu.memory_space<hbm>> -> memref<80x128xf32, #tpu.memory_space<hbm>>
    tpu.wait_dma2 semaphore(%arg19 : memref<!tpu.dma_semaphore, #tpu.memory_space<semaphore_mem>>) src(%arg9 : memref<80x128xf32, #tpu.memory_space<vmem>>) dst(%dma_wait3A_111 : memref<80x128xf32, #tpu.memory_space<hbm>>)
    %add3A_112 = arith.constant 1920 : i32
    %add3A_113 = arith.addi %mul3A_2, %add3A_112 : i32
    %dma_wait3A_114 = arith.constant 0 : i32
    %dma_wait3A_115 = tpu.memref_slice %arg4[%add3A_113, %dma_wait3A_114] : memref<64000x128xf32, #tpu.memory_space<hbm>> -> memref<80x128xf32, #tpu.memory_space<hbm>>
    %dma_wait3A_116 = arith.constant 0 : i32
    %dma_wait3A_117 = tpu.memref_slice %arg4[%add3A_113, %dma_wait3A_116] : memref<64000x128xf32, #tpu.memory_space<hbm>> -> memref<80x128xf32, #tpu.memory_space<hbm>>
    tpu.wait_dma2 semaphore(%arg20 : memref<!tpu.dma_semaphore, #tpu.memory_space<semaphore_mem>>) src(%arg10 : memref<80x128xf32, #tpu.memory_space<vmem>>) dst(%dma_wait3A_117 : memref<80x128xf32, #tpu.memory_space<hbm>>)
    return
  }
}

#map = affine_map<(d0, d1) -> (0, 0)>
#map1 = affine_map<(d0, d1) -> (0)>
module attributes {stable_mosaic.version = 14 : i64} {
  func.func @k(%arg0: i32, %arg1: i32, %arg2: memref<10000x128xf32, #tpu.memory_space<hbm>>, %arg3: memref<320000xi32, #tpu.memory_space<hbm>>, %arg4: memref<64000x128xf32, #tpu.memory_space<hbm>>, %arg5: memref<2000xi32, #tpu.memory_space<vmem>>, %arg6: memref<80x128xf32, #tpu.memory_space<vmem>>, %arg7: memref<80x128xf32, #tpu.memory_space<vmem>>, %arg8: memref<80x128xf32, #tpu.memory_space<vmem>>, %arg9: memref<80x128xf32, #tpu.memory_space<vmem>>, %arg10: memref<80x128xf32, #tpu.memory_space<vmem>>, %arg11: memref<!tpu.dma_semaphore, #tpu.memory_space<semaphore_mem>>, %arg12: memref<!tpu.dma_semaphore, #tpu.memory_space<semaphore_mem>>, %arg13: memref<!tpu.dma_semaphore, #tpu.memory_space<semaphore_mem>>, %arg14: memref<!tpu.dma_semaphore, #tpu.memory_space<semaphore_mem>>, %arg15: memref<!tpu.dma_semaphore, #tpu.memory_space<semaphore_mem>>, %arg16: memref<!tpu.dma_semaphore, #tpu.memory_space<semaphore_mem>>, %arg17: memref<!tpu.dma_semaphore, #tpu.memory_space<semaphore_mem>>, %arg18: memref<!tpu.dma_semaphore, #tpu.memory_space<semaphore_mem>>, %arg19: memref<!tpu.dma_semaphore, #tpu.memory_space<semaphore_mem>>, %arg20: memref<!tpu.dma_semaphore, #tpu.memory_space<semaphore_mem>>) attributes {dimension_semantics = [#tpu.dimension_semantics<core_parallel>, #tpu.dimension_semantics<subcore_parallel>], iteration_bounds = array<i64: 2, 16>, scalar_prefetch = 0 : i64, scratch_operands = 16 : i64, tpu.core_type = #tpu.core_type<sc_vector_subcore>, window_params = [{transform_indices = #map}, {transform_indices = #map1}, {transform_indices = #map}]} {
    %mul3A = arith.constant 2 : i32
    %mul3A_0 = arith.muli %arg1, %mul3A : i32
    %add3A = arith.addi %mul3A_0, %arg0 : i32
    %mul3A_1 = arith.constant 2000 : i32
    %mul3A_2 = arith.muli %add3A, %mul3A_1 : i32
    %add3A_3 = arith.constant 0 : i32
    %add3A_4 = arith.addi %add3A_3, %mul3A_2 : i32
    "tpu.region"() ({
      %run_scoped3A = tpu.sem_alloc : memref<!tpu.dma_semaphore, #tpu.memory_space<semaphore_mem>>
      %dma_start3A_118 = tpu.memref_slice %arg3[%add3A_4] : memref<320000xi32, #tpu.memory_space<hbm>> -> memref<2000xi32, #tpu.memory_space<hbm>>
      %dma_start3A_119 = tpu.memref_slice %arg3[%add3A_4] : memref<320000xi32, #tpu.memory_space<hbm>> -> memref<2000xi32, #tpu.memory_space<hbm>>
      tpu.enqueue_dma source(%dma_start3A_119 : memref<2000xi32, #tpu.memory_space<hbm>>) target(%arg5 : memref<2000xi32, #tpu.memory_space<vmem>>) target_semaphore(%run_scoped3A : memref<!tpu.dma_semaphore, #tpu.memory_space<semaphore_mem>>)
      %dma_wait3A_120 = tpu.memref_slice %arg3[%add3A_4] : memref<320000xi32, #tpu.memory_space<hbm>> -> memref<2000xi32, #tpu.memory_space<hbm>>
      %dma_wait3A_121 = tpu.memref_slice %arg3[%add3A_4] : memref<320000xi32, #tpu.memory_space<hbm>> -> memref<2000xi32, #tpu.memory_space<hbm>>
      tpu.wait_dma2 semaphore(%run_scoped3A : memref<!tpu.dma_semaphore, #tpu.memory_space<semaphore_mem>>) src(%dma_wait3A_121 : memref<2000xi32, #tpu.memory_space<hbm>>) dst(%arg5 : memref<2000xi32, #tpu.memory_space<vmem>>)
      tpu.yield
    }) : () -> ()
    %dma_start3A = arith.constant 0 : i32
    %dma_start3A_5 = tpu.memref_slice %arg5[%dma_start3A] : memref<2000xi32, #tpu.memory_space<vmem>> -> memref<80xi32, #tpu.memory_space<vmem>>
    %dma_start3A_6 = arith.constant 0 : i32
    %dma_start3A_7 = arith.constant 0 : i32
    %dma_start3A_8 = tpu.memref_slice %arg2[%dma_start3A_6, %dma_start3A_7] : memref<10000x128xf32, #tpu.memory_space<hbm>> -> memref<10000x128xf32, #tpu.memory_space<hbm>>
    tpu.enqueue_indirect_dma source(%dma_start3A_8 : memref<10000x128xf32, #tpu.memory_space<hbm>>) target(%arg6 : memref<80x128xf32, #tpu.memory_space<vmem>>) offsets(%dma_start3A_5 : memref<80xi32, #tpu.memory_space<vmem>>) semaphore(%arg11 : memref<!tpu.dma_semaphore, #tpu.memory_space<semaphore_mem>>)
    %dma_start3A_9 = arith.constant 80 : i32
    %dma_start3A_10 = tpu.memref_slice %arg5[%dma_start3A_9] : memref<2000xi32, #tpu.memory_space<vmem>> -> memref<80xi32, #tpu.memory_space<vmem>>
    %dma_start3A_11 = arith.constant 0 : i32
    %dma_start3A_12 = arith.constant 0 : i32
    %dma_start3A_13 = tpu.memref_slice %arg2[%dma_start3A_11, %dma_start3A_12] : memref<10000x128xf32, #tpu.memory_space<hbm>> -> memref<10000x128xf32, #tpu.memory_space<hbm>>
    tpu.enqueue_indirect_dma source(%dma_start3A_13 : memref<10000x128xf32, #tpu.memory_space<hbm>>) target(%arg7 : memref<80x128xf32, #tpu.memory_space<vmem>>) offsets(%dma_start3A_10 : memref<80xi32, #tpu.memory_space<vmem>>) semaphore(%arg12 : memref<!tpu.dma_semaphore, #tpu.memory_space<semaphore_mem>>)
    %dma_start3A_14 = arith.constant 160 : i32
    %dma_start3A_15 = tpu.memref_slice %arg5[%dma_start3A_14] : memref<2000xi32, #tpu.memory_space<vmem>> -> memref<80xi32, #tpu.memory_space<vmem>>
    %dma_start3A_16 = arith.constant 0 : i32
    %dma_start3A_17 = arith.constant 0 : i32
    %dma_start3A_18 = tpu.memref_slice %arg2[%dma_start3A_16, %dma_start3A_17] : memref<10000x128xf32, #tpu.memory_space<hbm>> -> memref<10000x128xf32, #tpu.memory_space<hbm>>
    tpu.enqueue_indirect_dma source(%dma_start3A_18 : memref<10000x128xf32, #tpu.memory_space<hbm>>) target(%arg8 : memref<80x128xf32, #tpu.memory_space<vmem>>) offsets(%dma_start3A_15 : memref<80xi32, #tpu.memory_space<vmem>>) semaphore(%arg13 : memref<!tpu.dma_semaphore, #tpu.memory_space<semaphore_mem>>)
    %dma_wait3A = arith.constant 0 : i32
    %dma_wait3A_19 = tpu.memref_slice %arg5[%dma_wait3A] : memref<2000xi32, #tpu.memory_space<vmem>> -> memref<80xi32, #tpu.memory_space<vmem>>
    %dma_wait3A_20 = arith.constant 0 : i32
    %dma_wait3A_21 = arith.constant 0 : i32
    %dma_wait3A_22 = tpu.memref_slice %arg2[%dma_wait3A_20, %dma_wait3A_21] : memref<10000x128xf32, #tpu.memory_space<hbm>> -> memref<10000x128xf32, #tpu.memory_space<hbm>>
    tpu.wait_indirect_dma semaphore(%arg11 : memref<!tpu.dma_semaphore, #tpu.memory_space<semaphore_mem>>) src(%dma_wait3A_22 : memref<10000x128xf32, #tpu.memory_space<hbm>>) dst(%arg6 : memref<80x128xf32, #tpu.memory_space<vmem>>)
    %add3A_23 = arith.constant 0 : i32
    %add3A_24 = arith.addi %mul3A_2, %add3A_23 : i32
    %dma_start3A_25 = arith.constant 0 : i32
    %dma_start3A_26 = tpu.memref_slice %arg4[%add3A_24, %dma_start3A_25] : memref<64000x128xf32, #tpu.memory_space<hbm>> -> memref<80x128xf32, #tpu.memory_space<hbm>>
    %dma_start3A_27 = arith.constant 0 : i32
    %dma_start3A_28 = tpu.memref_slice %arg4[%add3A_24, %dma_start3A_27] : memref<64000x128xf32, #tpu.memory_space<hbm>> -> memref<80x128xf32, #tpu.memory_space<hbm>>
    tpu.enqueue_dma source(%arg6 : memref<80x128xf32, #tpu.memory_space<vmem>>) target(%dma_start3A_28 : memref<80x128xf32, #tpu.memory_space<hbm>>) target_semaphore(%arg16 : memref<!tpu.dma_semaphore, #tpu.memory_space<semaphore_mem>>)
    %dma_start3A_29 = arith.constant 240 : i32
    %dma_start3A_30 = tpu.memref_slice %arg5[%dma_start3A_29] : memref<2000xi32, #tpu.memory_space<vmem>> -> memref<80xi32, #tpu.memory_space<vmem>>
    %dma_start3A_31 = arith.constant 0 : i32
    %dma_start3A_32 = arith.constant 0 : i32
    %dma_start3A_33 = tpu.memref_slice %arg2[%dma_start3A_31, %dma_start3A_32] : memref<10000x128xf32, #tpu.memory_space<hbm>> -> memref<10000x128xf32, #tpu.memory_space<hbm>>
    tpu.enqueue_indirect_dma source(%dma_start3A_33 : memref<10000x128xf32, #tpu.memory_space<hbm>>) target(%arg9 : memref<80x128xf32, #tpu.memory_space<vmem>>) offsets(%dma_start3A_30 : memref<80xi32, #tpu.memory_space<vmem>>) semaphore(%arg14 : memref<!tpu.dma_semaphore, #tpu.memory_space<semaphore_mem>>)
    %dma_wait3A_34 = arith.constant 80 : i32
    %dma_wait3A_35 = tpu.memref_slice %arg5[%dma_wait3A_34] : memref<2000xi32, #tpu.memory_space<vmem>> -> memref<80xi32, #tpu.memory_space<vmem>>
    %dma_wait3A_36 = arith.constant 0 : i32
    %dma_wait3A_37 = arith.constant 0 : i32
    %dma_wait3A_38 = tpu.memref_slice %arg2[%dma_wait3A_36, %dma_wait3A_37] : memref<10000x128xf32, #tpu.memory_space<hbm>> -> memref<10000x128xf32, #tpu.memory_space<hbm>>
    tpu.wait_indirect_dma semaphore(%arg12 : memref<!tpu.dma_semaphore, #tpu.memory_space<semaphore_mem>>) src(%dma_wait3A_38 : memref<10000x128xf32, #tpu.memory_space<hbm>>) dst(%arg7 : memref<80x128xf32, #tpu.memory_space<vmem>>)
    %add3A_39 = arith.constant 80 : i32
    %add3A_40 = arith.addi %mul3A_2, %add3A_39 : i32
    %dma_start3A_41 = arith.constant 0 : i32
    %dma_start3A_42 = tpu.memref_slice %arg4[%add3A_40, %dma_start3A_41] : memref<64000x128xf32, #tpu.memory_space<hbm>> -> memref<80x128xf32, #tpu.memory_space<hbm>>
    %dma_start3A_43 = arith.constant 0 : i32
    %dma_start3A_44 = tpu.memref_slice %arg4[%add3A_40, %dma_start3A_43] : memref<64000x128xf32, #tpu.memory_space<hbm>> -> memref<80x128xf32, #tpu.memory_space<hbm>>
    tpu.enqueue_dma source(%arg7 : memref<80x128xf32, #tpu.memory_space<vmem>>) target(%dma_start3A_44 : memref<80x128xf32, #tpu.memory_space<hbm>>) target_semaphore(%arg17 : memref<!tpu.dma_semaphore, #tpu.memory_space<semaphore_mem>>)
    %dma_start3A_45 = arith.constant 320 : i32
    %dma_start3A_46 = tpu.memref_slice %arg5[%dma_start3A_45] : memref<2000xi32, #tpu.memory_space<vmem>> -> memref<80xi32, #tpu.memory_space<vmem>>
    %dma_start3A_47 = arith.constant 0 : i32
    %dma_start3A_48 = arith.constant 0 : i32
    %dma_start3A_49 = tpu.memref_slice %arg2[%dma_start3A_47, %dma_start3A_48] : memref<10000x128xf32, #tpu.memory_space<hbm>> -> memref<10000x128xf32, #tpu.memory_space<hbm>>
    tpu.enqueue_indirect_dma source(%dma_start3A_49 : memref<10000x128xf32, #tpu.memory_space<hbm>>) target(%arg10 : memref<80x128xf32, #tpu.memory_space<vmem>>) offsets(%dma_start3A_46 : memref<80xi32, #tpu.memory_space<vmem>>) semaphore(%arg15 : memref<!tpu.dma_semaphore, #tpu.memory_space<semaphore_mem>>)
    %scan3A = arith.constant 0 : i32
    %scan3A_50 = arith.constant 0 : i32
    %scan3A_51 = arith.constant 4 : i32
    %scan3A_52 = arith.addi %scan3A_50, %scan3A_51 : i32
    %scan3A_53 = arith.constant 1 : i32
    scf.for %scan3A_118 = %scan3A_50 to %scan3A_52 step %scan3A_53  : i32 {
      %mul3A_119 = arith.constant 5 : i32
      %mul3A_120 = arith.muli %mul3A_119, %scan3A_118 : i32
      %add3A_121 = arith.constant 2 : i32
      %add3A_122 = arith.addi %add3A_121, %mul3A_120 : i32
      %add3A_123 = arith.constant 0 : i32
      %add3A_124 = arith.addi %add3A_122, %add3A_123 : i32
      %mul3A_125 = arith.constant 80 : i32
      %mul3A_126 = arith.muli %add3A_124, %mul3A_125 : i32
      %dma_wait3A_127 = tpu.memref_slice %arg5[%mul3A_126] : memref<2000xi32, #tpu.memory_space<vmem>> -> memref<80xi32, #tpu.memory_space<vmem>>
      %dma_wait3A_128 = arith.constant 0 : i32
      %dma_wait3A_129 = arith.constant 0 : i32
      %dma_wait3A_130 = tpu.memref_slice %arg2[%dma_wait3A_128, %dma_wait3A_129] : memref<10000x128xf32, #tpu.memory_space<hbm>> -> memref<10000x128xf32, #tpu.memory_space<hbm>>
      tpu.wait_indirect_dma semaphore(%arg13 : memref<!tpu.dma_semaphore, #tpu.memory_space<semaphore_mem>>) src(%dma_wait3A_130 : memref<10000x128xf32, #tpu.memory_space<hbm>>) dst(%arg8 : memref<80x128xf32, #tpu.memory_space<vmem>>)
      %mul3A_131 = arith.constant 80 : i32
      %mul3A_132 = arith.muli %add3A_124, %mul3A_131 : i32
      %add3A_133 = arith.addi %mul3A_2, %mul3A_132 : i32
      %dma_start3A_134 = arith.constant 0 : i32
      %dma_start3A_135 = tpu.memref_slice %arg4[%add3A_133, %dma_start3A_134] : memref<64000x128xf32, #tpu.memory_space<hbm>> -> memref<80x128xf32, #tpu.memory_space<hbm>>
      %dma_start3A_136 = arith.constant 0 : i32
      %dma_start3A_137 = tpu.memref_slice %arg4[%add3A_133, %dma_start3A_136] : memref<64000x128xf32, #tpu.memory_space<hbm>> -> memref<80x128xf32, #tpu.memory_space<hbm>>
      tpu.enqueue_dma source(%arg8 : memref<80x128xf32, #tpu.memory_space<vmem>>) target(%dma_start3A_137 : memref<80x128xf32, #tpu.memory_space<hbm>>) target_semaphore(%arg18 : memref<!tpu.dma_semaphore, #tpu.memory_space<semaphore_mem>>)
      %sub3A = arith.constant 2 : i32
      %sub3A_138 = arith.subi %add3A_124, %sub3A : i32
      %mul3A_139 = arith.constant 80 : i32
      %mul3A_140 = arith.muli %sub3A_138, %mul3A_139 : i32
      %add3A_141 = arith.addi %mul3A_2, %mul3A_140 : i32
      %dma_wait3A_142 = arith.constant 0 : i32
      %dma_wait3A_143 = tpu.memref_slice %arg4[%add3A_141, %dma_wait3A_142] : memref<64000x128xf32, #tpu.memory_space<hbm>> -> memref<80x128xf32, #tpu.memory_space<hbm>>
      %dma_wait3A_144 = arith.constant 0 : i32
      %dma_wait3A_145 = tpu.memref_slice %arg4[%add3A_141, %dma_wait3A_144] : memref<64000x128xf32, #tpu.memory_space<hbm>> -> memref<80x128xf32, #tpu.memory_space<hbm>>
      tpu.wait_dma2 semaphore(%arg16 : memref<!tpu.dma_semaphore, #tpu.memory_space<semaphore_mem>>) src(%arg6 : memref<80x128xf32, #tpu.memory_space<vmem>>) dst(%dma_wait3A_145 : memref<80x128xf32, #tpu.memory_space<hbm>>)
      %add3A_146 = arith.constant 3 : i32
      %add3A_147 = arith.addi %add3A_124, %add3A_146 : i32
      %mul3A_148 = arith.constant 80 : i32
      %mul3A_149 = arith.muli %add3A_147, %mul3A_148 : i32
      %dma_start3A_150 = tpu.memref_slice %arg5[%mul3A_149] : memref<2000xi32, #tpu.memory_space<vmem>> -> memref<80xi32, #tpu.memory_space<vmem>>
      %dma_start3A_151 = arith.constant 0 : i32
      %dma_start3A_152 = arith.constant 0 : i32
      %dma_start3A_153 = tpu.memref_slice %arg2[%dma_start3A_151, %dma_start3A_152] : memref<10000x128xf32, #tpu.memory_space<hbm>> -> memref<10000x128xf32, #tpu.memory_space<hbm>>
      tpu.enqueue_indirect_dma source(%dma_start3A_153 : memref<10000x128xf32, #tpu.memory_space<hbm>>) target(%arg6 : memref<80x128xf32, #tpu.memory_space<vmem>>) offsets(%dma_start3A_150 : memref<80xi32, #tpu.memory_space<vmem>>) semaphore(%arg11 : memref<!tpu.dma_semaphore, #tpu.memory_space<semaphore_mem>>)
      %add3A_154 = arith.constant 1 : i32
      %add3A_155 = arith.addi %add3A_122, %add3A_154 : i32
      %mul3A_156 = arith.constant 80 : i32
      %mul3A_157 = arith.muli %add3A_155, %mul3A_156 : i32
      %dma_wait3A_158 = tpu.memref_slice %arg5[%mul3A_157] : memref<2000xi32, #tpu.memory_space<vmem>> -> memref<80xi32, #tpu.memory_space<vmem>>
      %dma_wait3A_159 = arith.constant 0 : i32
      %dma_wait3A_160 = arith.constant 0 : i32
      %dma_wait3A_161 = tpu.memref_slice %arg2[%dma_wait3A_159, %dma_wait3A_160] : memref<10000x128xf32, #tpu.memory_space<hbm>> -> memref<10000x128xf32, #tpu.memory_space<hbm>>
      tpu.wait_indirect_dma semaphore(%arg14 : memref<!tpu.dma_semaphore, #tpu.memory_space<semaphore_mem>>) src(%dma_wait3A_161 : memref<10000x128xf32, #tpu.memory_space<hbm>>) dst(%arg9 : memref<80x128xf32, #tpu.memory_space<vmem>>)
      %mul3A_162 = arith.constant 80 : i32
      %mul3A_163 = arith.muli %add3A_155, %mul3A_162 : i32
      %add3A_164 = arith.addi %mul3A_2, %mul3A_163 : i32
      %dma_start3A_165 = arith.constant 0 : i32
      %dma_start3A_166 = tpu.memref_slice %arg4[%add3A_164, %dma_start3A_165] : memref<64000x128xf32, #tpu.memory_space<hbm>> -> memref<80x128xf32, #tpu.memory_space<hbm>>
      %dma_start3A_167 = arith.constant 0 : i32
      %dma_start3A_168 = tpu.memref_slice %arg4[%add3A_164, %dma_start3A_167] : memref<64000x128xf32, #tpu.memory_space<hbm>> -> memref<80x128xf32, #tpu.memory_space<hbm>>
      tpu.enqueue_dma source(%arg9 : memref<80x128xf32, #tpu.memory_space<vmem>>) target(%dma_start3A_168 : memref<80x128xf32, #tpu.memory_space<hbm>>) target_semaphore(%arg19 : memref<!tpu.dma_semaphore, #tpu.memory_space<semaphore_mem>>)
      %sub3A_169 = arith.constant 2 : i32
      %sub3A_170 = arith.subi %add3A_155, %sub3A_169 : i32
      %mul3A_171 = arith.constant 80 : i32
      %mul3A_172 = arith.muli %sub3A_170, %mul3A_171 : i32
      %add3A_173 = arith.addi %mul3A_2, %mul3A_172 : i32
      %dma_wait3A_174 = arith.constant 0 : i32
      %dma_wait3A_175 = tpu.memref_slice %arg4[%add3A_173, %dma_wait3A_174] : memref<64000x128xf32, #tpu.memory_space<hbm>> -> memref<80x128xf32, #tpu.memory_space<hbm>>
      %dma_wait3A_176 = arith.constant 0 : i32
      %dma_wait3A_177 = tpu.memref_slice %arg4[%add3A_173, %dma_wait3A_176] : memref<64000x128xf32, #tpu.memory_space<hbm>> -> memref<80x128xf32, #tpu.memory_space<hbm>>
      tpu.wait_dma2 semaphore(%arg17 : memref<!tpu.dma_semaphore, #tpu.memory_space<semaphore_mem>>) src(%arg7 : memref<80x128xf32, #tpu.memory_space<vmem>>) dst(%dma_wait3A_177 : memref<80x128xf32, #tpu.memory_space<hbm>>)
      %add3A_178 = arith.constant 3 : i32
      %add3A_179 = arith.addi %add3A_155, %add3A_178 : i32
      %mul3A_180 = arith.constant 80 : i32
      %mul3A_181 = arith.muli %add3A_179, %mul3A_180 : i32
      %dma_start3A_182 = tpu.memref_slice %arg5[%mul3A_181] : memref<2000xi32, #tpu.memory_space<vmem>> -> memref<80xi32, #tpu.memory_space<vmem>>
      %dma_start3A_183 = arith.constant 0 : i32
      %dma_start3A_184 = arith.constant 0 : i32
      %dma_start3A_185 = tpu.memref_slice %arg2[%dma_start3A_183, %dma_start3A_184] : memref<10000x128xf32, #tpu.memory_space<hbm>> -> memref<10000x128xf32, #tpu.memory_space<hbm>>
      tpu.enqueue_indirect_dma source(%dma_start3A_185 : memref<10000x128xf32, #tpu.memory_space<hbm>>) target(%arg7 : memref<80x128xf32, #tpu.memory_space<vmem>>) offsets(%dma_start3A_182 : memref<80xi32, #tpu.memory_space<vmem>>) semaphore(%arg12 : memref<!tpu.dma_semaphore, #tpu.memory_space<semaphore_mem>>)
      %add3A_186 = arith.constant 2 : i32
      %add3A_187 = arith.addi %add3A_122, %add3A_186 : i32
      %mul3A_188 = arith.constant 80 : i32
      %mul3A_189 = arith.muli %add3A_187, %mul3A_188 : i32
      %dma_wait3A_190 = tpu.memref_slice %arg5[%mul3A_189] : memref<2000xi32, #tpu.memory_space<vmem>> -> memref<80xi32, #tpu.memory_space<vmem>>
      %dma_wait3A_191 = arith.constant 0 : i32
      %dma_wait3A_192 = arith.constant 0 : i32
      %dma_wait3A_193 = tpu.memref_slice %arg2[%dma_wait3A_191, %dma_wait3A_192] : memref<10000x128xf32, #tpu.memory_space<hbm>> -> memref<10000x128xf32, #tpu.memory_space<hbm>>
      tpu.wait_indirect_dma semaphore(%arg15 : memref<!tpu.dma_semaphore, #tpu.memory_space<semaphore_mem>>) src(%dma_wait3A_193 : memref<10000x128xf32, #tpu.memory_space<hbm>>) dst(%arg10 : memref<80x128xf32, #tpu.memory_space<vmem>>)
      %mul3A_194 = arith.constant 80 : i32
      %mul3A_195 = arith.muli %add3A_187, %mul3A_194 : i32
      %add3A_196 = arith.addi %mul3A_2, %mul3A_195 : i32
      %dma_start3A_197 = arith.constant 0 : i32
      %dma_start3A_198 = tpu.memref_slice %arg4[%add3A_196, %dma_start3A_197] : memref<64000x128xf32, #tpu.memory_space<hbm>> -> memref<80x128xf32, #tpu.memory_space<hbm>>
      %dma_start3A_199 = arith.constant 0 : i32
      %dma_start3A_200 = tpu.memref_slice %arg4[%add3A_196, %dma_start3A_199] : memref<64000x128xf32, #tpu.memory_space<hbm>> -> memref<80x128xf32, #tpu.memory_space<hbm>>
      tpu.enqueue_dma source(%arg10 : memref<80x128xf32, #tpu.memory_space<vmem>>) target(%dma_start3A_200 : memref<80x128xf32, #tpu.memory_space<hbm>>) target_semaphore(%arg20 : memref<!tpu.dma_semaphore, #tpu.memory_space<semaphore_mem>>)
      %sub3A_201 = arith.constant 2 : i32
      %sub3A_202 = arith.subi %add3A_187, %sub3A_201 : i32
      %mul3A_203 = arith.constant 80 : i32
      %mul3A_204 = arith.muli %sub3A_202, %mul3A_203 : i32
      %add3A_205 = arith.addi %mul3A_2, %mul3A_204 : i32
      %dma_wait3A_206 = arith.constant 0 : i32
      %dma_wait3A_207 = tpu.memref_slice %arg4[%add3A_205, %dma_wait3A_206] : memref<64000x128xf32, #tpu.memory_space<hbm>> -> memref<80x128xf32, #tpu.memory_space<hbm>>
      %dma_wait3A_208 = arith.constant 0 : i32
      %dma_wait3A_209 = tpu.memref_slice %arg4[%add3A_205, %dma_wait3A_208] : memref<64000x128xf32, #tpu.memory_space<hbm>> -> memref<80x128xf32, #tpu.memory_space<hbm>>
      tpu.wait_dma2 semaphore(%arg18 : memref<!tpu.dma_semaphore, #tpu.memory_space<semaphore_mem>>) src(%arg8 : memref<80x128xf32, #tpu.memory_space<vmem>>) dst(%dma_wait3A_209 : memref<80x128xf32, #tpu.memory_space<hbm>>)
      %add3A_210 = arith.constant 3 : i32
      %add3A_211 = arith.addi %add3A_187, %add3A_210 : i32
      %mul3A_212 = arith.constant 80 : i32
      %mul3A_213 = arith.muli %add3A_211, %mul3A_212 : i32
      %dma_start3A_214 = tpu.memref_slice %arg5[%mul3A_213] : memref<2000xi32, #tpu.memory_space<vmem>> -> memref<80xi32, #tpu.memory_space<vmem>>
      %dma_start3A_215 = arith.constant 0 : i32
      %dma_start3A_216 = arith.constant 0 : i32
      %dma_start3A_217 = tpu.memref_slice %arg2[%dma_start3A_215, %dma_start3A_216] : memref<10000x128xf32, #tpu.memory_space<hbm>> -> memref<10000x128xf32, #tpu.memory_space<hbm>>
      tpu.enqueue_indirect_dma source(%dma_start3A_217 : memref<10000x128xf32, #tpu.memory_space<hbm>>) target(%arg8 : memref<80x128xf32, #tpu.memory_space<vmem>>) offsets(%dma_start3A_214 : memref<80xi32, #tpu.memory_space<vmem>>) semaphore(%arg13 : memref<!tpu.dma_semaphore, #tpu.memory_space<semaphore_mem>>)
      %add3A_218 = arith.constant 3 : i32
      %add3A_219 = arith.addi %add3A_122, %add3A_218 : i32
      %mul3A_220 = arith.constant 80 : i32
      %mul3A_221 = arith.muli %add3A_219, %mul3A_220 : i32
      %dma_wait3A_222 = tpu.memref_slice %arg5[%mul3A_221] : memref<2000xi32, #tpu.memory_space<vmem>> -> memref<80xi32, #tpu.memory_space<vmem>>
      %dma_wait3A_223 = arith.constant 0 : i32
      %dma_wait3A_224 = arith.constant 0 : i32
      %dma_wait3A_225 = tpu.memref_slice %arg2[%dma_wait3A_223, %dma_wait3A_224] : memref<10000x128xf32, #tpu.memory_space<hbm>> -> memref<10000x128xf32, #tpu.memory_space<hbm>>
      tpu.wait_indirect_dma semaphore(%arg11 : memref<!tpu.dma_semaphore, #tpu.memory_space<semaphore_mem>>) src(%dma_wait3A_225 : memref<10000x128xf32, #tpu.memory_space<hbm>>) dst(%arg6 : memref<80x128xf32, #tpu.memory_space<vmem>>)
      %mul3A_226 = arith.constant 80 : i32
      %mul3A_227 = arith.muli %add3A_219, %mul3A_226 : i32
      %add3A_228 = arith.addi %mul3A_2, %mul3A_227 : i32
      %dma_start3A_229 = arith.constant 0 : i32
      %dma_start3A_230 = tpu.memref_slice %arg4[%add3A_228, %dma_start3A_229] : memref<64000x128xf32, #tpu.memory_space<hbm>> -> memref<80x128xf32, #tpu.memory_space<hbm>>
      %dma_start3A_231 = arith.constant 0 : i32
      %dma_start3A_232 = tpu.memref_slice %arg4[%add3A_228, %dma_start3A_231] : memref<64000x128xf32, #tpu.memory_space<hbm>> -> memref<80x128xf32, #tpu.memory_space<hbm>>
      tpu.enqueue_dma source(%arg6 : memref<80x128xf32, #tpu.memory_space<vmem>>) target(%dma_start3A_232 : memref<80x128xf32, #tpu.memory_space<hbm>>) target_semaphore(%arg16 : memref<!tpu.dma_semaphore, #tpu.memory_space<semaphore_mem>>)
      %sub3A_233 = arith.constant 2 : i32
      %sub3A_234 = arith.subi %add3A_219, %sub3A_233 : i32
      %mul3A_235 = arith.constant 80 : i32
      %mul3A_236 = arith.muli %sub3A_234, %mul3A_235 : i32
      %add3A_237 = arith.addi %mul3A_2, %mul3A_236 : i32
      %dma_wait3A_238 = arith.constant 0 : i32
      %dma_wait3A_239 = tpu.memref_slice %arg4[%add3A_237, %dma_wait3A_238] : memref<64000x128xf32, #tpu.memory_space<hbm>> -> memref<80x128xf32, #tpu.memory_space<hbm>>
      %dma_wait3A_240 = arith.constant 0 : i32
      %dma_wait3A_241 = tpu.memref_slice %arg4[%add3A_237, %dma_wait3A_240] : memref<64000x128xf32, #tpu.memory_space<hbm>> -> memref<80x128xf32, #tpu.memory_space<hbm>>
      tpu.wait_dma2 semaphore(%arg19 : memref<!tpu.dma_semaphore, #tpu.memory_space<semaphore_mem>>) src(%arg9 : memref<80x128xf32, #tpu.memory_space<vmem>>) dst(%dma_wait3A_241 : memref<80x128xf32, #tpu.memory_space<hbm>>)
      %add3A_242 = arith.constant 3 : i32
      %add3A_243 = arith.addi %add3A_219, %add3A_242 : i32
      %mul3A_244 = arith.constant 80 : i32
      %mul3A_245 = arith.muli %add3A_243, %mul3A_244 : i32
      %dma_start3A_246 = tpu.memref_slice %arg5[%mul3A_245] : memref<2000xi32, #tpu.memory_space<vmem>> -> memref<80xi32, #tpu.memory_space<vmem>>
      %dma_start3A_247 = arith.constant 0 : i32
      %dma_start3A_248 = arith.constant 0 : i32
      %dma_start3A_249 = tpu.memref_slice %arg2[%dma_start3A_247, %dma_start3A_248] : memref<10000x128xf32, #tpu.memory_space<hbm>> -> memref<10000x128xf32, #tpu.memory_space<hbm>>
      tpu.enqueue_indirect_dma source(%dma_start3A_249 : memref<10000x128xf32, #tpu.memory_space<hbm>>) target(%arg9 : memref<80x128xf32, #tpu.memory_space<vmem>>) offsets(%dma_start3A_246 : memref<80xi32, #tpu.memory_space<vmem>>) semaphore(%arg14 : memref<!tpu.dma_semaphore, #tpu.memory_space<semaphore_mem>>)
      %add3A_250 = arith.constant 4 : i32
      %add3A_251 = arith.addi %add3A_122, %add3A_250 : i32
      %mul3A_252 = arith.constant 80 : i32
      %mul3A_253 = arith.muli %add3A_251, %mul3A_252 : i32
      %dma_wait3A_254 = tpu.memref_slice %arg5[%mul3A_253] : memref<2000xi32, #tpu.memory_space<vmem>> -> memref<80xi32, #tpu.memory_space<vmem>>
      %dma_wait3A_255 = arith.constant 0 : i32
      %dma_wait3A_256 = arith.constant 0 : i32
      %dma_wait3A_257 = tpu.memref_slice %arg2[%dma_wait3A_255, %dma_wait3A_256] : memref<10000x128xf32, #tpu.memory_space<hbm>> -> memref<10000x128xf32, #tpu.memory_space<hbm>>
      tpu.wait_indirect_dma semaphore(%arg12 : memref<!tpu.dma_semaphore, #tpu.memory_space<semaphore_mem>>) src(%dma_wait3A_257 : memref<10000x128xf32, #tpu.memory_space<hbm>>) dst(%arg7 : memref<80x128xf32, #tpu.memory_space<vmem>>)
      %mul3A_258 = arith.constant 80 : i32
      %mul3A_259 = arith.muli %add3A_251, %mul3A_258 : i32
      %add3A_260 = arith.addi %mul3A_2, %mul3A_259 : i32
      %dma_start3A_261 = arith.constant 0 : i32
      %dma_start3A_262 = tpu.memref_slice %arg4[%add3A_260, %dma_start3A_261] : memref<64000x128xf32, #tpu.memory_space<hbm>> -> memref<80x128xf32, #tpu.memory_space<hbm>>
      %dma_start3A_263 = arith.constant 0 : i32
      %dma_start3A_264 = tpu.memref_slice %arg4[%add3A_260, %dma_start3A_263] : memref<64000x128xf32, #tpu.memory_space<hbm>> -> memref<80x128xf32, #tpu.memory_space<hbm>>
      tpu.enqueue_dma source(%arg7 : memref<80x128xf32, #tpu.memory_space<vmem>>) target(%dma_start3A_264 : memref<80x128xf32, #tpu.memory_space<hbm>>) target_semaphore(%arg17 : memref<!tpu.dma_semaphore, #tpu.memory_space<semaphore_mem>>)
      %sub3A_265 = arith.constant 2 : i32
      %sub3A_266 = arith.subi %add3A_251, %sub3A_265 : i32
      %mul3A_267 = arith.constant 80 : i32
      %mul3A_268 = arith.muli %sub3A_266, %mul3A_267 : i32
      %add3A_269 = arith.addi %mul3A_2, %mul3A_268 : i32
      %dma_wait3A_270 = arith.constant 0 : i32
      %dma_wait3A_271 = tpu.memref_slice %arg4[%add3A_269, %dma_wait3A_270] : memref<64000x128xf32, #tpu.memory_space<hbm>> -> memref<80x128xf32, #tpu.memory_space<hbm>>
      %dma_wait3A_272 = arith.constant 0 : i32
      %dma_wait3A_273 = tpu.memref_slice %arg4[%add3A_269, %dma_wait3A_272] : memref<64000x128xf32, #tpu.memory_space<hbm>> -> memref<80x128xf32, #tpu.memory_space<hbm>>
      tpu.wait_dma2 semaphore(%arg20 : memref<!tpu.dma_semaphore, #tpu.memory_space<semaphore_mem>>) src(%arg10 : memref<80x128xf32, #tpu.memory_space<vmem>>) dst(%dma_wait3A_273 : memref<80x128xf32, #tpu.memory_space<hbm>>)
      %add3A_274 = arith.constant 3 : i32
      %add3A_275 = arith.addi %add3A_251, %add3A_274 : i32
      %mul3A_276 = arith.constant 80 : i32
      %mul3A_277 = arith.muli %add3A_275, %mul3A_276 : i32
      %dma_start3A_278 = tpu.memref_slice %arg5[%mul3A_277] : memref<2000xi32, #tpu.memory_space<vmem>> -> memref<80xi32, #tpu.memory_space<vmem>>
      %dma_start3A_279 = arith.constant 0 : i32
      %dma_start3A_280 = arith.constant 0 : i32
      %dma_start3A_281 = tpu.memref_slice %arg2[%dma_start3A_279, %dma_start3A_280] : memref<10000x128xf32, #tpu.memory_space<hbm>> -> memref<10000x128xf32, #tpu.memory_space<hbm>>
      tpu.enqueue_indirect_dma source(%dma_start3A_281 : memref<10000x128xf32, #tpu.memory_space<hbm>>) target(%arg10 : memref<80x128xf32, #tpu.memory_space<vmem>>) offsets(%dma_start3A_278 : memref<80xi32, #tpu.memory_space<vmem>>) semaphore(%arg15 : memref<!tpu.dma_semaphore, #tpu.memory_space<semaphore_mem>>)
    }
    %scan3A_54 = arith.constant 4 : i32
    %dma_wait3A_55 = arith.constant 1760 : i32
    %dma_wait3A_56 = tpu.memref_slice %arg5[%dma_wait3A_55] : memref<2000xi32, #tpu.memory_space<vmem>> -> memref<80xi32, #tpu.memory_space<vmem>>
    %dma_wait3A_57 = arith.constant 0 : i32
    %dma_wait3A_58 = arith.constant 0 : i32
    %dma_wait3A_59 = tpu.memref_slice %arg2[%dma_wait3A_57, %dma_wait3A_58] : memref<10000x128xf32, #tpu.memory_space<hbm>> -> memref<10000x128xf32, #tpu.memory_space<hbm>>
    tpu.wait_indirect_dma semaphore(%arg13 : memref<!tpu.dma_semaphore, #tpu.memory_space<semaphore_mem>>) src(%dma_wait3A_59 : memref<10000x128xf32, #tpu.memory_space<hbm>>) dst(%arg8 : memref<80x128xf32, #tpu.memory_space<vmem>>)
    %add3A_60 = arith.constant 1760 : i32
    %add3A_61 = arith.addi %mul3A_2, %add3A_60 : i32
    %dma_start3A_62 = arith.constant 0 : i32
    %dma_start3A_63 = tpu.memref_slice %arg4[%add3A_61, %dma_start3A_62] : memref<64000x128xf32, #tpu.memory_space<hbm>> -> memref<80x128xf32, #tpu.memory_space<hbm>>
    %dma_start3A_64 = arith.constant 0 : i32
    %dma_start3A_65 = tpu.memref_slice %arg4[%add3A_61, %dma_start3A_64] : memref<64000x128xf32, #tpu.memory_space<hbm>> -> memref<80x128xf32, #tpu.memory_space<hbm>>
    tpu.enqueue_dma source(%arg8 : memref<80x128xf32, #tpu.memory_space<vmem>>) target(%dma_start3A_65 : memref<80x128xf32, #tpu.memory_space<hbm>>) target_semaphore(%arg18 : memref<!tpu.dma_semaphore, #tpu.memory_space<semaphore_mem>>)
    %add3A_66 = arith.constant 1600 : i32
    %add3A_67 = arith.addi %mul3A_2, %add3A_66 : i32
    %dma_wait3A_68 = arith.constant 0 : i32
    %dma_wait3A_69 = tpu.memref_slice %arg4[%add3A_67, %dma_wait3A_68] : memref<64000x128xf32, #tpu.memory_space<hbm>> -> memref<80x128xf32, #tpu.memory_space<hbm>>
    %dma_wait3A_70 = arith.constant 0 : i32
    %dma_wait3A_71 = tpu.memref_slice %arg4[%add3A_67, %dma_wait3A_70] : memref<64000x128xf32, #tpu.memory_space<hbm>> -> memref<80x128xf32, #tpu.memory_space<hbm>>
    tpu.wait_dma2 semaphore(%arg16 : memref<!tpu.dma_semaphore, #tpu.memory_space<semaphore_mem>>) src(%arg6 : memref<80x128xf32, #tpu.memory_space<vmem>>) dst(%dma_wait3A_71 : memref<80x128xf32, #tpu.memory_space<hbm>>)
    %dma_wait3A_72 = arith.constant 1840 : i32
    %dma_wait3A_73 = tpu.memref_slice %arg5[%dma_wait3A_72] : memref<2000xi32, #tpu.memory_space<vmem>> -> memref<80xi32, #tpu.memory_space<vmem>>
    %dma_wait3A_74 = arith.constant 0 : i32
    %dma_wait3A_75 = arith.constant 0 : i32
    %dma_wait3A_76 = tpu.memref_slice %arg2[%dma_wait3A_74, %dma_wait3A_75] : memref<10000x128xf32, #tpu.memory_space<hbm>> -> memref<10000x128xf32, #tpu.memory_space<hbm>>
    tpu.wait_indirect_dma semaphore(%arg14 : memref<!tpu.dma_semaphore, #tpu.memory_space<semaphore_mem>>) src(%dma_wait3A_76 : memref<10000x128xf32, #tpu.memory_space<hbm>>) dst(%arg9 : memref<80x128xf32, #tpu.memory_space<vmem>>)
    %add3A_77 = arith.constant 1840 : i32
    %add3A_78 = arith.addi %mul3A_2, %add3A_77 : i32
    %dma_start3A_79 = arith.constant 0 : i32
    %dma_start3A_80 = tpu.memref_slice %arg4[%add3A_78, %dma_start3A_79] : memref<64000x128xf32, #tpu.memory_space<hbm>> -> memref<80x128xf32, #tpu.memory_space<hbm>>
    %dma_start3A_81 = arith.constant 0 : i32
    %dma_start3A_82 = tpu.memref_slice %arg4[%add3A_78, %dma_start3A_81] : memref<64000x128xf32, #tpu.memory_space<hbm>> -> memref<80x128xf32, #tpu.memory_space<hbm>>
    tpu.enqueue_dma source(%arg9 : memref<80x128xf32, #tpu.memory_space<vmem>>) target(%dma_start3A_82 : memref<80x128xf32, #tpu.memory_space<hbm>>) target_semaphore(%arg19 : memref<!tpu.dma_semaphore, #tpu.memory_space<semaphore_mem>>)
    %add3A_83 = arith.constant 1680 : i32
    %add3A_84 = arith.addi %mul3A_2, %add3A_83 : i32
    %dma_wait3A_85 = arith.constant 0 : i32
    %dma_wait3A_86 = tpu.memref_slice %arg4[%add3A_84, %dma_wait3A_85] : memref<64000x128xf32, #tpu.memory_space<hbm>> -> memref<80x128xf32, #tpu.memory_space<hbm>>
    %dma_wait3A_87 = arith.constant 0 : i32
    %dma_wait3A_88 = tpu.memref_slice %arg4[%add3A_84, %dma_wait3A_87] : memref<64000x128xf32, #tpu.memory_space<hbm>> -> memref<80x128xf32, #tpu.memory_space<hbm>>
    tpu.wait_dma2 semaphore(%arg17 : memref<!tpu.dma_semaphore, #tpu.memory_space<semaphore_mem>>) src(%arg7 : memref<80x128xf32, #tpu.memory_space<vmem>>) dst(%dma_wait3A_88 : memref<80x128xf32, #tpu.memory_space<hbm>>)
    %dma_wait3A_89 = arith.constant 1920 : i32
    %dma_wait3A_90 = tpu.memref_slice %arg5[%dma_wait3A_89] : memref<2000xi32, #tpu.memory_space<vmem>> -> memref<80xi32, #tpu.memory_space<vmem>>
    %dma_wait3A_91 = arith.constant 0 : i32
    %dma_wait3A_92 = arith.constant 0 : i32
    %dma_wait3A_93 = tpu.memref_slice %arg2[%dma_wait3A_91, %dma_wait3A_92] : memref<10000x128xf32, #tpu.memory_space<hbm>> -> memref<10000x128xf32, #tpu.memory_space<hbm>>
    tpu.wait_indirect_dma semaphore(%arg15 : memref<!tpu.dma_semaphore, #tpu.memory_space<semaphore_mem>>) src(%dma_wait3A_93 : memref<10000x128xf32, #tpu.memory_space<hbm>>) dst(%arg10 : memref<80x128xf32, #tpu.memory_space<vmem>>)
    %add3A_94 = arith.constant 1920 : i32
    %add3A_95 = arith.addi %mul3A_2, %add3A_94 : i32
    %dma_start3A_96 = arith.constant 0 : i32
    %dma_start3A_97 = tpu.memref_slice %arg4[%add3A_95, %dma_start3A_96] : memref<64000x128xf32, #tpu.memory_space<hbm>> -> memref<80x128xf32, #tpu.memory_space<hbm>>
    %dma_start3A_98 = arith.constant 0 : i32
    %dma_start3A_99 = tpu.memref_slice %arg4[%add3A_95, %dma_start3A_98] : memref<64000x128xf32, #tpu.memory_space<hbm>> -> memref<80x128xf32, #tpu.memory_space<hbm>>
    tpu.enqueue_dma source(%arg10 : memref<80x128xf32, #tpu.memory_space<vmem>>) target(%dma_start3A_99 : memref<80x128xf32, #tpu.memory_space<hbm>>) target_semaphore(%arg20 : memref<!tpu.dma_semaphore, #tpu.memory_space<semaphore_mem>>)
    %add3A_100 = arith.constant 1760 : i32
    %add3A_101 = arith.addi %mul3A_2, %add3A_100 : i32
    %dma_wait3A_102 = arith.constant 0 : i32
    %dma_wait3A_103 = tpu.memref_slice %arg4[%add3A_101, %dma_wait3A_102] : memref<64000x128xf32, #tpu.memory_space<hbm>> -> memref<80x128xf32, #tpu.memory_space<hbm>>
    %dma_wait3A_104 = arith.constant 0 : i32
    %dma_wait3A_105 = tpu.memref_slice %arg4[%add3A_101, %dma_wait3A_104] : memref<64000x128xf32, #tpu.memory_space<hbm>> -> memref<80x128xf32, #tpu.memory_space<hbm>>
    tpu.wait_dma2 semaphore(%arg18 : memref<!tpu.dma_semaphore, #tpu.memory_space<semaphore_mem>>) src(%arg8 : memref<80x128xf32, #tpu.memory_space<vmem>>) dst(%dma_wait3A_105 : memref<80x128xf32, #tpu.memory_space<hbm>>)
    %add3A_106 = arith.constant 1840 : i32
    %add3A_107 = arith.addi %mul3A_2, %add3A_106 : i32
    %dma_wait3A_108 = arith.constant 0 : i32
    %dma_wait3A_109 = tpu.memref_slice %arg4[%add3A_107, %dma_wait3A_108] : memref<64000x128xf32, #tpu.memory_space<hbm>> -> memref<80x128xf32, #tpu.memory_space<hbm>>
    %dma_wait3A_110 = arith.constant 0 : i32
    %dma_wait3A_111 = tpu.memref_slice %arg4[%add3A_107, %dma_wait3A_110] : memref<64000x128xf32, #tpu.memory_space<hbm>> -> memref<80x128xf32, #tpu.memory_space<hbm>>
    tpu.wait_dma2 semaphore(%arg19 : memref<!tpu.dma_semaphore, #tpu.memory_space<semaphore_mem>>) src(%arg9 : memref<80x128xf32, #tpu.memory_space<vmem>>) dst(%dma_wait3A_111 : memref<80x128xf32, #tpu.memory_space<hbm>>)
    %add3A_112 = arith.constant 1920 : i32
    %add3A_113 = arith.addi %mul3A_2, %add3A_112 : i32
    %dma_wait3A_114 = arith.constant 0 : i32
    %dma_wait3A_115 = tpu.memref_slice %arg4[%add3A_113, %dma_wait3A_114] : memref<64000x128xf32, #tpu.memory_space<hbm>> -> memref<80x128xf32, #tpu.memory_space<hbm>>
    %dma_wait3A_116 = arith.constant 0 : i32
    %dma_wait3A_117 = tpu.memref_slice %arg4[%add3A_113, %dma_wait3A_116] : memref<64000x128xf32, #tpu.memory_space<hbm>> -> memref<80x128xf32, #tpu.memory_space<hbm>>
    tpu.wait_dma2 semaphore(%arg20 : memref<!tpu.dma_semaphore, #tpu.memory_space<semaphore_mem>>) src(%arg10 : memref<80x128xf32, #tpu.memory_space<vmem>>) dst(%dma_wait3A_117 : memref<80x128xf32, #tpu.memory_space<hbm>>)
    return
  }
}

#map = affine_map<(d0, d1) -> (0, 0)>
#map1 = affine_map<(d0, d1) -> (0)>
module attributes {stable_mosaic.version = 14 : i64} {
  func.func @k(%arg0: i32, %arg1: i32, %arg2: memref<10000x128xf32, #tpu.memory_space<hbm>>, %arg3: memref<320000xi32, #tpu.memory_space<hbm>>, %arg4: memref<64000x128xf32, #tpu.memory_space<hbm>>, %arg5: memref<2000xi32, #tpu.memory_space<vmem>>, %arg6: memref<80x128xf32, #tpu.memory_space<vmem>>, %arg7: memref<80x128xf32, #tpu.memory_space<vmem>>, %arg8: memref<80x128xf32, #tpu.memory_space<vmem>>, %arg9: memref<80x128xf32, #tpu.memory_space<vmem>>, %arg10: memref<80x128xf32, #tpu.memory_space<vmem>>, %arg11: memref<!tpu.dma_semaphore, #tpu.memory_space<semaphore_mem>>, %arg12: memref<!tpu.dma_semaphore, #tpu.memory_space<semaphore_mem>>, %arg13: memref<!tpu.dma_semaphore, #tpu.memory_space<semaphore_mem>>, %arg14: memref<!tpu.dma_semaphore, #tpu.memory_space<semaphore_mem>>, %arg15: memref<!tpu.dma_semaphore, #tpu.memory_space<semaphore_mem>>, %arg16: memref<!tpu.dma_semaphore, #tpu.memory_space<semaphore_mem>>, %arg17: memref<!tpu.dma_semaphore, #tpu.memory_space<semaphore_mem>>, %arg18: memref<!tpu.dma_semaphore, #tpu.memory_space<semaphore_mem>>, %arg19: memref<!tpu.dma_semaphore, #tpu.memory_space<semaphore_mem>>, %arg20: memref<!tpu.dma_semaphore, #tpu.memory_space<semaphore_mem>>) attributes {dimension_semantics = [#tpu.dimension_semantics<core_parallel>, #tpu.dimension_semantics<subcore_parallel>], iteration_bounds = array<i64: 2, 16>, scalar_prefetch = 0 : i64, scratch_operands = 16 : i64, tpu.core_type = #tpu.core_type<sc_vector_subcore>, window_params = [{transform_indices = #map}, {transform_indices = #map1}, {transform_indices = #map}]} {
    %mul3A = arith.constant 2 : i32
    %mul3A_0 = arith.muli %arg1, %mul3A : i32
    %add3A = arith.addi %mul3A_0, %arg0 : i32
    %mul3A_1 = arith.constant 2000 : i32
    %mul3A_2 = arith.muli %add3A, %mul3A_1 : i32
    %add3A_3 = arith.constant 192000 : i32
    %add3A_4 = arith.addi %add3A_3, %mul3A_2 : i32
    "tpu.region"() ({
      %run_scoped3A = tpu.sem_alloc : memref<!tpu.dma_semaphore, #tpu.memory_space<semaphore_mem>>
      %dma_start3A_118 = tpu.memref_slice %arg3[%add3A_4] : memref<320000xi32, #tpu.memory_space<hbm>> -> memref<2000xi32, #tpu.memory_space<hbm>>
      %dma_start3A_119 = tpu.memref_slice %arg3[%add3A_4] : memref<320000xi32, #tpu.memory_space<hbm>> -> memref<2000xi32, #tpu.memory_space<hbm>>
      tpu.enqueue_dma source(%dma_start3A_119 : memref<2000xi32, #tpu.memory_space<hbm>>) target(%arg5 : memref<2000xi32, #tpu.memory_space<vmem>>) target_semaphore(%run_scoped3A : memref<!tpu.dma_semaphore, #tpu.memory_space<semaphore_mem>>)
      %dma_wait3A_120 = tpu.memref_slice %arg3[%add3A_4] : memref<320000xi32, #tpu.memory_space<hbm>> -> memref<2000xi32, #tpu.memory_space<hbm>>
      %dma_wait3A_121 = tpu.memref_slice %arg3[%add3A_4] : memref<320000xi32, #tpu.memory_space<hbm>> -> memref<2000xi32, #tpu.memory_space<hbm>>
      tpu.wait_dma2 semaphore(%run_scoped3A : memref<!tpu.dma_semaphore, #tpu.memory_space<semaphore_mem>>) src(%dma_wait3A_121 : memref<2000xi32, #tpu.memory_space<hbm>>) dst(%arg5 : memref<2000xi32, #tpu.memory_space<vmem>>)
      tpu.yield
    }) : () -> ()
    %dma_start3A = arith.constant 0 : i32
    %dma_start3A_5 = tpu.memref_slice %arg5[%dma_start3A] : memref<2000xi32, #tpu.memory_space<vmem>> -> memref<80xi32, #tpu.memory_space<vmem>>
    %dma_start3A_6 = arith.constant 0 : i32
    %dma_start3A_7 = arith.constant 0 : i32
    %dma_start3A_8 = tpu.memref_slice %arg2[%dma_start3A_6, %dma_start3A_7] : memref<10000x128xf32, #tpu.memory_space<hbm>> -> memref<10000x128xf32, #tpu.memory_space<hbm>>
    tpu.enqueue_indirect_dma source(%dma_start3A_8 : memref<10000x128xf32, #tpu.memory_space<hbm>>) target(%arg6 : memref<80x128xf32, #tpu.memory_space<vmem>>) offsets(%dma_start3A_5 : memref<80xi32, #tpu.memory_space<vmem>>) semaphore(%arg11 : memref<!tpu.dma_semaphore, #tpu.memory_space<semaphore_mem>>)
    %dma_start3A_9 = arith.constant 80 : i32
    %dma_start3A_10 = tpu.memref_slice %arg5[%dma_start3A_9] : memref<2000xi32, #tpu.memory_space<vmem>> -> memref<80xi32, #tpu.memory_space<vmem>>
    %dma_start3A_11 = arith.constant 0 : i32
    %dma_start3A_12 = arith.constant 0 : i32
    %dma_start3A_13 = tpu.memref_slice %arg2[%dma_start3A_11, %dma_start3A_12] : memref<10000x128xf32, #tpu.memory_space<hbm>> -> memref<10000x128xf32, #tpu.memory_space<hbm>>
    tpu.enqueue_indirect_dma source(%dma_start3A_13 : memref<10000x128xf32, #tpu.memory_space<hbm>>) target(%arg7 : memref<80x128xf32, #tpu.memory_space<vmem>>) offsets(%dma_start3A_10 : memref<80xi32, #tpu.memory_space<vmem>>) semaphore(%arg12 : memref<!tpu.dma_semaphore, #tpu.memory_space<semaphore_mem>>)
    %dma_start3A_14 = arith.constant 160 : i32
    %dma_start3A_15 = tpu.memref_slice %arg5[%dma_start3A_14] : memref<2000xi32, #tpu.memory_space<vmem>> -> memref<80xi32, #tpu.memory_space<vmem>>
    %dma_start3A_16 = arith.constant 0 : i32
    %dma_start3A_17 = arith.constant 0 : i32
    %dma_start3A_18 = tpu.memref_slice %arg2[%dma_start3A_16, %dma_start3A_17] : memref<10000x128xf32, #tpu.memory_space<hbm>> -> memref<10000x128xf32, #tpu.memory_space<hbm>>
    tpu.enqueue_indirect_dma source(%dma_start3A_18 : memref<10000x128xf32, #tpu.memory_space<hbm>>) target(%arg8 : memref<80x128xf32, #tpu.memory_space<vmem>>) offsets(%dma_start3A_15 : memref<80xi32, #tpu.memory_space<vmem>>) semaphore(%arg13 : memref<!tpu.dma_semaphore, #tpu.memory_space<semaphore_mem>>)
    %dma_wait3A = arith.constant 0 : i32
    %dma_wait3A_19 = tpu.memref_slice %arg5[%dma_wait3A] : memref<2000xi32, #tpu.memory_space<vmem>> -> memref<80xi32, #tpu.memory_space<vmem>>
    %dma_wait3A_20 = arith.constant 0 : i32
    %dma_wait3A_21 = arith.constant 0 : i32
    %dma_wait3A_22 = tpu.memref_slice %arg2[%dma_wait3A_20, %dma_wait3A_21] : memref<10000x128xf32, #tpu.memory_space<hbm>> -> memref<10000x128xf32, #tpu.memory_space<hbm>>
    tpu.wait_indirect_dma semaphore(%arg11 : memref<!tpu.dma_semaphore, #tpu.memory_space<semaphore_mem>>) src(%dma_wait3A_22 : memref<10000x128xf32, #tpu.memory_space<hbm>>) dst(%arg6 : memref<80x128xf32, #tpu.memory_space<vmem>>)
    %add3A_23 = arith.constant 0 : i32
    %add3A_24 = arith.addi %mul3A_2, %add3A_23 : i32
    %dma_start3A_25 = arith.constant 0 : i32
    %dma_start3A_26 = tpu.memref_slice %arg4[%add3A_24, %dma_start3A_25] : memref<64000x128xf32, #tpu.memory_space<hbm>> -> memref<80x128xf32, #tpu.memory_space<hbm>>
    %dma_start3A_27 = arith.constant 0 : i32
    %dma_start3A_28 = tpu.memref_slice %arg4[%add3A_24, %dma_start3A_27] : memref<64000x128xf32, #tpu.memory_space<hbm>> -> memref<80x128xf32, #tpu.memory_space<hbm>>
    tpu.enqueue_dma source(%arg6 : memref<80x128xf32, #tpu.memory_space<vmem>>) target(%dma_start3A_28 : memref<80x128xf32, #tpu.memory_space<hbm>>) target_semaphore(%arg16 : memref<!tpu.dma_semaphore, #tpu.memory_space<semaphore_mem>>)
    %dma_start3A_29 = arith.constant 240 : i32
    %dma_start3A_30 = tpu.memref_slice %arg5[%dma_start3A_29] : memref<2000xi32, #tpu.memory_space<vmem>> -> memref<80xi32, #tpu.memory_space<vmem>>
    %dma_start3A_31 = arith.constant 0 : i32
    %dma_start3A_32 = arith.constant 0 : i32
    %dma_start3A_33 = tpu.memref_slice %arg2[%dma_start3A_31, %dma_start3A_32] : memref<10000x128xf32, #tpu.memory_space<hbm>> -> memref<10000x128xf32, #tpu.memory_space<hbm>>
    tpu.enqueue_indirect_dma source(%dma_start3A_33 : memref<10000x128xf32, #tpu.memory_space<hbm>>) target(%arg9 : memref<80x128xf32, #tpu.memory_space<vmem>>) offsets(%dma_start3A_30 : memref<80xi32, #tpu.memory_space<vmem>>) semaphore(%arg14 : memref<!tpu.dma_semaphore, #tpu.memory_space<semaphore_mem>>)
    %dma_wait3A_34 = arith.constant 80 : i32
    %dma_wait3A_35 = tpu.memref_slice %arg5[%dma_wait3A_34] : memref<2000xi32, #tpu.memory_space<vmem>> -> memref<80xi32, #tpu.memory_space<vmem>>
    %dma_wait3A_36 = arith.constant 0 : i32
    %dma_wait3A_37 = arith.constant 0 : i32
    %dma_wait3A_38 = tpu.memref_slice %arg2[%dma_wait3A_36, %dma_wait3A_37] : memref<10000x128xf32, #tpu.memory_space<hbm>> -> memref<10000x128xf32, #tpu.memory_space<hbm>>
    tpu.wait_indirect_dma semaphore(%arg12 : memref<!tpu.dma_semaphore, #tpu.memory_space<semaphore_mem>>) src(%dma_wait3A_38 : memref<10000x128xf32, #tpu.memory_space<hbm>>) dst(%arg7 : memref<80x128xf32, #tpu.memory_space<vmem>>)
    %add3A_39 = arith.constant 80 : i32
    %add3A_40 = arith.addi %mul3A_2, %add3A_39 : i32
    %dma_start3A_41 = arith.constant 0 : i32
    %dma_start3A_42 = tpu.memref_slice %arg4[%add3A_40, %dma_start3A_41] : memref<64000x128xf32, #tpu.memory_space<hbm>> -> memref<80x128xf32, #tpu.memory_space<hbm>>
    %dma_start3A_43 = arith.constant 0 : i32
    %dma_start3A_44 = tpu.memref_slice %arg4[%add3A_40, %dma_start3A_43] : memref<64000x128xf32, #tpu.memory_space<hbm>> -> memref<80x128xf32, #tpu.memory_space<hbm>>
    tpu.enqueue_dma source(%arg7 : memref<80x128xf32, #tpu.memory_space<vmem>>) target(%dma_start3A_44 : memref<80x128xf32, #tpu.memory_space<hbm>>) target_semaphore(%arg17 : memref<!tpu.dma_semaphore, #tpu.memory_space<semaphore_mem>>)
    %dma_start3A_45 = arith.constant 320 : i32
    %dma_start3A_46 = tpu.memref_slice %arg5[%dma_start3A_45] : memref<2000xi32, #tpu.memory_space<vmem>> -> memref<80xi32, #tpu.memory_space<vmem>>
    %dma_start3A_47 = arith.constant 0 : i32
    %dma_start3A_48 = arith.constant 0 : i32
    %dma_start3A_49 = tpu.memref_slice %arg2[%dma_start3A_47, %dma_start3A_48] : memref<10000x128xf32, #tpu.memory_space<hbm>> -> memref<10000x128xf32, #tpu.memory_space<hbm>>
    tpu.enqueue_indirect_dma source(%dma_start3A_49 : memref<10000x128xf32, #tpu.memory_space<hbm>>) target(%arg10 : memref<80x128xf32, #tpu.memory_space<vmem>>) offsets(%dma_start3A_46 : memref<80xi32, #tpu.memory_space<vmem>>) semaphore(%arg15 : memref<!tpu.dma_semaphore, #tpu.memory_space<semaphore_mem>>)
    %scan3A = arith.constant 0 : i32
    %scan3A_50 = arith.constant 0 : i32
    %scan3A_51 = arith.constant 4 : i32
    %scan3A_52 = arith.addi %scan3A_50, %scan3A_51 : i32
    %scan3A_53 = arith.constant 1 : i32
    scf.for %scan3A_118 = %scan3A_50 to %scan3A_52 step %scan3A_53  : i32 {
      %mul3A_119 = arith.constant 5 : i32
      %mul3A_120 = arith.muli %mul3A_119, %scan3A_118 : i32
      %add3A_121 = arith.constant 2 : i32
      %add3A_122 = arith.addi %add3A_121, %mul3A_120 : i32
      %add3A_123 = arith.constant 0 : i32
      %add3A_124 = arith.addi %add3A_122, %add3A_123 : i32
      %mul3A_125 = arith.constant 80 : i32
      %mul3A_126 = arith.muli %add3A_124, %mul3A_125 : i32
      %dma_wait3A_127 = tpu.memref_slice %arg5[%mul3A_126] : memref<2000xi32, #tpu.memory_space<vmem>> -> memref<80xi32, #tpu.memory_space<vmem>>
      %dma_wait3A_128 = arith.constant 0 : i32
      %dma_wait3A_129 = arith.constant 0 : i32
      %dma_wait3A_130 = tpu.memref_slice %arg2[%dma_wait3A_128, %dma_wait3A_129] : memref<10000x128xf32, #tpu.memory_space<hbm>> -> memref<10000x128xf32, #tpu.memory_space<hbm>>
      tpu.wait_indirect_dma semaphore(%arg13 : memref<!tpu.dma_semaphore, #tpu.memory_space<semaphore_mem>>) src(%dma_wait3A_130 : memref<10000x128xf32, #tpu.memory_space<hbm>>) dst(%arg8 : memref<80x128xf32, #tpu.memory_space<vmem>>)
      %mul3A_131 = arith.constant 80 : i32
      %mul3A_132 = arith.muli %add3A_124, %mul3A_131 : i32
      %add3A_133 = arith.addi %mul3A_2, %mul3A_132 : i32
      %dma_start3A_134 = arith.constant 0 : i32
      %dma_start3A_135 = tpu.memref_slice %arg4[%add3A_133, %dma_start3A_134] : memref<64000x128xf32, #tpu.memory_space<hbm>> -> memref<80x128xf32, #tpu.memory_space<hbm>>
      %dma_start3A_136 = arith.constant 0 : i32
      %dma_start3A_137 = tpu.memref_slice %arg4[%add3A_133, %dma_start3A_136] : memref<64000x128xf32, #tpu.memory_space<hbm>> -> memref<80x128xf32, #tpu.memory_space<hbm>>
      tpu.enqueue_dma source(%arg8 : memref<80x128xf32, #tpu.memory_space<vmem>>) target(%dma_start3A_137 : memref<80x128xf32, #tpu.memory_space<hbm>>) target_semaphore(%arg18 : memref<!tpu.dma_semaphore, #tpu.memory_space<semaphore_mem>>)
      %sub3A = arith.constant 2 : i32
      %sub3A_138 = arith.subi %add3A_124, %sub3A : i32
      %mul3A_139 = arith.constant 80 : i32
      %mul3A_140 = arith.muli %sub3A_138, %mul3A_139 : i32
      %add3A_141 = arith.addi %mul3A_2, %mul3A_140 : i32
      %dma_wait3A_142 = arith.constant 0 : i32
      %dma_wait3A_143 = tpu.memref_slice %arg4[%add3A_141, %dma_wait3A_142] : memref<64000x128xf32, #tpu.memory_space<hbm>> -> memref<80x128xf32, #tpu.memory_space<hbm>>
      %dma_wait3A_144 = arith.constant 0 : i32
      %dma_wait3A_145 = tpu.memref_slice %arg4[%add3A_141, %dma_wait3A_144] : memref<64000x128xf32, #tpu.memory_space<hbm>> -> memref<80x128xf32, #tpu.memory_space<hbm>>
      tpu.wait_dma2 semaphore(%arg16 : memref<!tpu.dma_semaphore, #tpu.memory_space<semaphore_mem>>) src(%arg6 : memref<80x128xf32, #tpu.memory_space<vmem>>) dst(%dma_wait3A_145 : memref<80x128xf32, #tpu.memory_space<hbm>>)
      %add3A_146 = arith.constant 3 : i32
      %add3A_147 = arith.addi %add3A_124, %add3A_146 : i32
      %mul3A_148 = arith.constant 80 : i32
      %mul3A_149 = arith.muli %add3A_147, %mul3A_148 : i32
      %dma_start3A_150 = tpu.memref_slice %arg5[%mul3A_149] : memref<2000xi32, #tpu.memory_space<vmem>> -> memref<80xi32, #tpu.memory_space<vmem>>
      %dma_start3A_151 = arith.constant 0 : i32
      %dma_start3A_152 = arith.constant 0 : i32
      %dma_start3A_153 = tpu.memref_slice %arg2[%dma_start3A_151, %dma_start3A_152] : memref<10000x128xf32, #tpu.memory_space<hbm>> -> memref<10000x128xf32, #tpu.memory_space<hbm>>
      tpu.enqueue_indirect_dma source(%dma_start3A_153 : memref<10000x128xf32, #tpu.memory_space<hbm>>) target(%arg6 : memref<80x128xf32, #tpu.memory_space<vmem>>) offsets(%dma_start3A_150 : memref<80xi32, #tpu.memory_space<vmem>>) semaphore(%arg11 : memref<!tpu.dma_semaphore, #tpu.memory_space<semaphore_mem>>)
      %add3A_154 = arith.constant 1 : i32
      %add3A_155 = arith.addi %add3A_122, %add3A_154 : i32
      %mul3A_156 = arith.constant 80 : i32
      %mul3A_157 = arith.muli %add3A_155, %mul3A_156 : i32
      %dma_wait3A_158 = tpu.memref_slice %arg5[%mul3A_157] : memref<2000xi32, #tpu.memory_space<vmem>> -> memref<80xi32, #tpu.memory_space<vmem>>
      %dma_wait3A_159 = arith.constant 0 : i32
      %dma_wait3A_160 = arith.constant 0 : i32
      %dma_wait3A_161 = tpu.memref_slice %arg2[%dma_wait3A_159, %dma_wait3A_160] : memref<10000x128xf32, #tpu.memory_space<hbm>> -> memref<10000x128xf32, #tpu.memory_space<hbm>>
      tpu.wait_indirect_dma semaphore(%arg14 : memref<!tpu.dma_semaphore, #tpu.memory_space<semaphore_mem>>) src(%dma_wait3A_161 : memref<10000x128xf32, #tpu.memory_space<hbm>>) dst(%arg9 : memref<80x128xf32, #tpu.memory_space<vmem>>)
      %mul3A_162 = arith.constant 80 : i32
      %mul3A_163 = arith.muli %add3A_155, %mul3A_162 : i32
      %add3A_164 = arith.addi %mul3A_2, %mul3A_163 : i32
      %dma_start3A_165 = arith.constant 0 : i32
      %dma_start3A_166 = tpu.memref_slice %arg4[%add3A_164, %dma_start3A_165] : memref<64000x128xf32, #tpu.memory_space<hbm>> -> memref<80x128xf32, #tpu.memory_space<hbm>>
      %dma_start3A_167 = arith.constant 0 : i32
      %dma_start3A_168 = tpu.memref_slice %arg4[%add3A_164, %dma_start3A_167] : memref<64000x128xf32, #tpu.memory_space<hbm>> -> memref<80x128xf32, #tpu.memory_space<hbm>>
      tpu.enqueue_dma source(%arg9 : memref<80x128xf32, #tpu.memory_space<vmem>>) target(%dma_start3A_168 : memref<80x128xf32, #tpu.memory_space<hbm>>) target_semaphore(%arg19 : memref<!tpu.dma_semaphore, #tpu.memory_space<semaphore_mem>>)
      %sub3A_169 = arith.constant 2 : i32
      %sub3A_170 = arith.subi %add3A_155, %sub3A_169 : i32
      %mul3A_171 = arith.constant 80 : i32
      %mul3A_172 = arith.muli %sub3A_170, %mul3A_171 : i32
      %add3A_173 = arith.addi %mul3A_2, %mul3A_172 : i32
      %dma_wait3A_174 = arith.constant 0 : i32
      %dma_wait3A_175 = tpu.memref_slice %arg4[%add3A_173, %dma_wait3A_174] : memref<64000x128xf32, #tpu.memory_space<hbm>> -> memref<80x128xf32, #tpu.memory_space<hbm>>
      %dma_wait3A_176 = arith.constant 0 : i32
      %dma_wait3A_177 = tpu.memref_slice %arg4[%add3A_173, %dma_wait3A_176] : memref<64000x128xf32, #tpu.memory_space<hbm>> -> memref<80x128xf32, #tpu.memory_space<hbm>>
      tpu.wait_dma2 semaphore(%arg17 : memref<!tpu.dma_semaphore, #tpu.memory_space<semaphore_mem>>) src(%arg7 : memref<80x128xf32, #tpu.memory_space<vmem>>) dst(%dma_wait3A_177 : memref<80x128xf32, #tpu.memory_space<hbm>>)
      %add3A_178 = arith.constant 3 : i32
      %add3A_179 = arith.addi %add3A_155, %add3A_178 : i32
      %mul3A_180 = arith.constant 80 : i32
      %mul3A_181 = arith.muli %add3A_179, %mul3A_180 : i32
      %dma_start3A_182 = tpu.memref_slice %arg5[%mul3A_181] : memref<2000xi32, #tpu.memory_space<vmem>> -> memref<80xi32, #tpu.memory_space<vmem>>
      %dma_start3A_183 = arith.constant 0 : i32
      %dma_start3A_184 = arith.constant 0 : i32
      %dma_start3A_185 = tpu.memref_slice %arg2[%dma_start3A_183, %dma_start3A_184] : memref<10000x128xf32, #tpu.memory_space<hbm>> -> memref<10000x128xf32, #tpu.memory_space<hbm>>
      tpu.enqueue_indirect_dma source(%dma_start3A_185 : memref<10000x128xf32, #tpu.memory_space<hbm>>) target(%arg7 : memref<80x128xf32, #tpu.memory_space<vmem>>) offsets(%dma_start3A_182 : memref<80xi32, #tpu.memory_space<vmem>>) semaphore(%arg12 : memref<!tpu.dma_semaphore, #tpu.memory_space<semaphore_mem>>)
      %add3A_186 = arith.constant 2 : i32
      %add3A_187 = arith.addi %add3A_122, %add3A_186 : i32
      %mul3A_188 = arith.constant 80 : i32
      %mul3A_189 = arith.muli %add3A_187, %mul3A_188 : i32
      %dma_wait3A_190 = tpu.memref_slice %arg5[%mul3A_189] : memref<2000xi32, #tpu.memory_space<vmem>> -> memref<80xi32, #tpu.memory_space<vmem>>
      %dma_wait3A_191 = arith.constant 0 : i32
      %dma_wait3A_192 = arith.constant 0 : i32
      %dma_wait3A_193 = tpu.memref_slice %arg2[%dma_wait3A_191, %dma_wait3A_192] : memref<10000x128xf32, #tpu.memory_space<hbm>> -> memref<10000x128xf32, #tpu.memory_space<hbm>>
      tpu.wait_indirect_dma semaphore(%arg15 : memref<!tpu.dma_semaphore, #tpu.memory_space<semaphore_mem>>) src(%dma_wait3A_193 : memref<10000x128xf32, #tpu.memory_space<hbm>>) dst(%arg10 : memref<80x128xf32, #tpu.memory_space<vmem>>)
      %mul3A_194 = arith.constant 80 : i32
      %mul3A_195 = arith.muli %add3A_187, %mul3A_194 : i32
      %add3A_196 = arith.addi %mul3A_2, %mul3A_195 : i32
      %dma_start3A_197 = arith.constant 0 : i32
      %dma_start3A_198 = tpu.memref_slice %arg4[%add3A_196, %dma_start3A_197] : memref<64000x128xf32, #tpu.memory_space<hbm>> -> memref<80x128xf32, #tpu.memory_space<hbm>>
      %dma_start3A_199 = arith.constant 0 : i32
      %dma_start3A_200 = tpu.memref_slice %arg4[%add3A_196, %dma_start3A_199] : memref<64000x128xf32, #tpu.memory_space<hbm>> -> memref<80x128xf32, #tpu.memory_space<hbm>>
      tpu.enqueue_dma source(%arg10 : memref<80x128xf32, #tpu.memory_space<vmem>>) target(%dma_start3A_200 : memref<80x128xf32, #tpu.memory_space<hbm>>) target_semaphore(%arg20 : memref<!tpu.dma_semaphore, #tpu.memory_space<semaphore_mem>>)
      %sub3A_201 = arith.constant 2 : i32
      %sub3A_202 = arith.subi %add3A_187, %sub3A_201 : i32
      %mul3A_203 = arith.constant 80 : i32
      %mul3A_204 = arith.muli %sub3A_202, %mul3A_203 : i32
      %add3A_205 = arith.addi %mul3A_2, %mul3A_204 : i32
      %dma_wait3A_206 = arith.constant 0 : i32
      %dma_wait3A_207 = tpu.memref_slice %arg4[%add3A_205, %dma_wait3A_206] : memref<64000x128xf32, #tpu.memory_space<hbm>> -> memref<80x128xf32, #tpu.memory_space<hbm>>
      %dma_wait3A_208 = arith.constant 0 : i32
      %dma_wait3A_209 = tpu.memref_slice %arg4[%add3A_205, %dma_wait3A_208] : memref<64000x128xf32, #tpu.memory_space<hbm>> -> memref<80x128xf32, #tpu.memory_space<hbm>>
      tpu.wait_dma2 semaphore(%arg18 : memref<!tpu.dma_semaphore, #tpu.memory_space<semaphore_mem>>) src(%arg8 : memref<80x128xf32, #tpu.memory_space<vmem>>) dst(%dma_wait3A_209 : memref<80x128xf32, #tpu.memory_space<hbm>>)
      %add3A_210 = arith.constant 3 : i32
      %add3A_211 = arith.addi %add3A_187, %add3A_210 : i32
      %mul3A_212 = arith.constant 80 : i32
      %mul3A_213 = arith.muli %add3A_211, %mul3A_212 : i32
      %dma_start3A_214 = tpu.memref_slice %arg5[%mul3A_213] : memref<2000xi32, #tpu.memory_space<vmem>> -> memref<80xi32, #tpu.memory_space<vmem>>
      %dma_start3A_215 = arith.constant 0 : i32
      %dma_start3A_216 = arith.constant 0 : i32
      %dma_start3A_217 = tpu.memref_slice %arg2[%dma_start3A_215, %dma_start3A_216] : memref<10000x128xf32, #tpu.memory_space<hbm>> -> memref<10000x128xf32, #tpu.memory_space<hbm>>
      tpu.enqueue_indirect_dma source(%dma_start3A_217 : memref<10000x128xf32, #tpu.memory_space<hbm>>) target(%arg8 : memref<80x128xf32, #tpu.memory_space<vmem>>) offsets(%dma_start3A_214 : memref<80xi32, #tpu.memory_space<vmem>>) semaphore(%arg13 : memref<!tpu.dma_semaphore, #tpu.memory_space<semaphore_mem>>)
      %add3A_218 = arith.constant 3 : i32
      %add3A_219 = arith.addi %add3A_122, %add3A_218 : i32
      %mul3A_220 = arith.constant 80 : i32
      %mul3A_221 = arith.muli %add3A_219, %mul3A_220 : i32
      %dma_wait3A_222 = tpu.memref_slice %arg5[%mul3A_221] : memref<2000xi32, #tpu.memory_space<vmem>> -> memref<80xi32, #tpu.memory_space<vmem>>
      %dma_wait3A_223 = arith.constant 0 : i32
      %dma_wait3A_224 = arith.constant 0 : i32
      %dma_wait3A_225 = tpu.memref_slice %arg2[%dma_wait3A_223, %dma_wait3A_224] : memref<10000x128xf32, #tpu.memory_space<hbm>> -> memref<10000x128xf32, #tpu.memory_space<hbm>>
      tpu.wait_indirect_dma semaphore(%arg11 : memref<!tpu.dma_semaphore, #tpu.memory_space<semaphore_mem>>) src(%dma_wait3A_225 : memref<10000x128xf32, #tpu.memory_space<hbm>>) dst(%arg6 : memref<80x128xf32, #tpu.memory_space<vmem>>)
      %mul3A_226 = arith.constant 80 : i32
      %mul3A_227 = arith.muli %add3A_219, %mul3A_226 : i32
      %add3A_228 = arith.addi %mul3A_2, %mul3A_227 : i32
      %dma_start3A_229 = arith.constant 0 : i32
      %dma_start3A_230 = tpu.memref_slice %arg4[%add3A_228, %dma_start3A_229] : memref<64000x128xf32, #tpu.memory_space<hbm>> -> memref<80x128xf32, #tpu.memory_space<hbm>>
      %dma_start3A_231 = arith.constant 0 : i32
      %dma_start3A_232 = tpu.memref_slice %arg4[%add3A_228, %dma_start3A_231] : memref<64000x128xf32, #tpu.memory_space<hbm>> -> memref<80x128xf32, #tpu.memory_space<hbm>>
      tpu.enqueue_dma source(%arg6 : memref<80x128xf32, #tpu.memory_space<vmem>>) target(%dma_start3A_232 : memref<80x128xf32, #tpu.memory_space<hbm>>) target_semaphore(%arg16 : memref<!tpu.dma_semaphore, #tpu.memory_space<semaphore_mem>>)
      %sub3A_233 = arith.constant 2 : i32
      %sub3A_234 = arith.subi %add3A_219, %sub3A_233 : i32
      %mul3A_235 = arith.constant 80 : i32
      %mul3A_236 = arith.muli %sub3A_234, %mul3A_235 : i32
      %add3A_237 = arith.addi %mul3A_2, %mul3A_236 : i32
      %dma_wait3A_238 = arith.constant 0 : i32
      %dma_wait3A_239 = tpu.memref_slice %arg4[%add3A_237, %dma_wait3A_238] : memref<64000x128xf32, #tpu.memory_space<hbm>> -> memref<80x128xf32, #tpu.memory_space<hbm>>
      %dma_wait3A_240 = arith.constant 0 : i32
      %dma_wait3A_241 = tpu.memref_slice %arg4[%add3A_237, %dma_wait3A_240] : memref<64000x128xf32, #tpu.memory_space<hbm>> -> memref<80x128xf32, #tpu.memory_space<hbm>>
      tpu.wait_dma2 semaphore(%arg19 : memref<!tpu.dma_semaphore, #tpu.memory_space<semaphore_mem>>) src(%arg9 : memref<80x128xf32, #tpu.memory_space<vmem>>) dst(%dma_wait3A_241 : memref<80x128xf32, #tpu.memory_space<hbm>>)
      %add3A_242 = arith.constant 3 : i32
      %add3A_243 = arith.addi %add3A_219, %add3A_242 : i32
      %mul3A_244 = arith.constant 80 : i32
      %mul3A_245 = arith.muli %add3A_243, %mul3A_244 : i32
      %dma_start3A_246 = tpu.memref_slice %arg5[%mul3A_245] : memref<2000xi32, #tpu.memory_space<vmem>> -> memref<80xi32, #tpu.memory_space<vmem>>
      %dma_start3A_247 = arith.constant 0 : i32
      %dma_start3A_248 = arith.constant 0 : i32
      %dma_start3A_249 = tpu.memref_slice %arg2[%dma_start3A_247, %dma_start3A_248] : memref<10000x128xf32, #tpu.memory_space<hbm>> -> memref<10000x128xf32, #tpu.memory_space<hbm>>
      tpu.enqueue_indirect_dma source(%dma_start3A_249 : memref<10000x128xf32, #tpu.memory_space<hbm>>) target(%arg9 : memref<80x128xf32, #tpu.memory_space<vmem>>) offsets(%dma_start3A_246 : memref<80xi32, #tpu.memory_space<vmem>>) semaphore(%arg14 : memref<!tpu.dma_semaphore, #tpu.memory_space<semaphore_mem>>)
      %add3A_250 = arith.constant 4 : i32
      %add3A_251 = arith.addi %add3A_122, %add3A_250 : i32
      %mul3A_252 = arith.constant 80 : i32
      %mul3A_253 = arith.muli %add3A_251, %mul3A_252 : i32
      %dma_wait3A_254 = tpu.memref_slice %arg5[%mul3A_253] : memref<2000xi32, #tpu.memory_space<vmem>> -> memref<80xi32, #tpu.memory_space<vmem>>
      %dma_wait3A_255 = arith.constant 0 : i32
      %dma_wait3A_256 = arith.constant 0 : i32
      %dma_wait3A_257 = tpu.memref_slice %arg2[%dma_wait3A_255, %dma_wait3A_256] : memref<10000x128xf32, #tpu.memory_space<hbm>> -> memref<10000x128xf32, #tpu.memory_space<hbm>>
      tpu.wait_indirect_dma semaphore(%arg12 : memref<!tpu.dma_semaphore, #tpu.memory_space<semaphore_mem>>) src(%dma_wait3A_257 : memref<10000x128xf32, #tpu.memory_space<hbm>>) dst(%arg7 : memref<80x128xf32, #tpu.memory_space<vmem>>)
      %mul3A_258 = arith.constant 80 : i32
      %mul3A_259 = arith.muli %add3A_251, %mul3A_258 : i32
      %add3A_260 = arith.addi %mul3A_2, %mul3A_259 : i32
      %dma_start3A_261 = arith.constant 0 : i32
      %dma_start3A_262 = tpu.memref_slice %arg4[%add3A_260, %dma_start3A_261] : memref<64000x128xf32, #tpu.memory_space<hbm>> -> memref<80x128xf32, #tpu.memory_space<hbm>>
      %dma_start3A_263 = arith.constant 0 : i32
      %dma_start3A_264 = tpu.memref_slice %arg4[%add3A_260, %dma_start3A_263] : memref<64000x128xf32, #tpu.memory_space<hbm>> -> memref<80x128xf32, #tpu.memory_space<hbm>>
      tpu.enqueue_dma source(%arg7 : memref<80x128xf32, #tpu.memory_space<vmem>>) target(%dma_start3A_264 : memref<80x128xf32, #tpu.memory_space<hbm>>) target_semaphore(%arg17 : memref<!tpu.dma_semaphore, #tpu.memory_space<semaphore_mem>>)
      %sub3A_265 = arith.constant 2 : i32
      %sub3A_266 = arith.subi %add3A_251, %sub3A_265 : i32
      %mul3A_267 = arith.constant 80 : i32
      %mul3A_268 = arith.muli %sub3A_266, %mul3A_267 : i32
      %add3A_269 = arith.addi %mul3A_2, %mul3A_268 : i32
      %dma_wait3A_270 = arith.constant 0 : i32
      %dma_wait3A_271 = tpu.memref_slice %arg4[%add3A_269, %dma_wait3A_270] : memref<64000x128xf32, #tpu.memory_space<hbm>> -> memref<80x128xf32, #tpu.memory_space<hbm>>
      %dma_wait3A_272 = arith.constant 0 : i32
      %dma_wait3A_273 = tpu.memref_slice %arg4[%add3A_269, %dma_wait3A_272] : memref<64000x128xf32, #tpu.memory_space<hbm>> -> memref<80x128xf32, #tpu.memory_space<hbm>>
      tpu.wait_dma2 semaphore(%arg20 : memref<!tpu.dma_semaphore, #tpu.memory_space<semaphore_mem>>) src(%arg10 : memref<80x128xf32, #tpu.memory_space<vmem>>) dst(%dma_wait3A_273 : memref<80x128xf32, #tpu.memory_space<hbm>>)
      %add3A_274 = arith.constant 3 : i32
      %add3A_275 = arith.addi %add3A_251, %add3A_274 : i32
      %mul3A_276 = arith.constant 80 : i32
      %mul3A_277 = arith.muli %add3A_275, %mul3A_276 : i32
      %dma_start3A_278 = tpu.memref_slice %arg5[%mul3A_277] : memref<2000xi32, #tpu.memory_space<vmem>> -> memref<80xi32, #tpu.memory_space<vmem>>
      %dma_start3A_279 = arith.constant 0 : i32
      %dma_start3A_280 = arith.constant 0 : i32
      %dma_start3A_281 = tpu.memref_slice %arg2[%dma_start3A_279, %dma_start3A_280] : memref<10000x128xf32, #tpu.memory_space<hbm>> -> memref<10000x128xf32, #tpu.memory_space<hbm>>
      tpu.enqueue_indirect_dma source(%dma_start3A_281 : memref<10000x128xf32, #tpu.memory_space<hbm>>) target(%arg10 : memref<80x128xf32, #tpu.memory_space<vmem>>) offsets(%dma_start3A_278 : memref<80xi32, #tpu.memory_space<vmem>>) semaphore(%arg15 : memref<!tpu.dma_semaphore, #tpu.memory_space<semaphore_mem>>)
    }
    %scan3A_54 = arith.constant 4 : i32
    %dma_wait3A_55 = arith.constant 1760 : i32
    %dma_wait3A_56 = tpu.memref_slice %arg5[%dma_wait3A_55] : memref<2000xi32, #tpu.memory_space<vmem>> -> memref<80xi32, #tpu.memory_space<vmem>>
    %dma_wait3A_57 = arith.constant 0 : i32
    %dma_wait3A_58 = arith.constant 0 : i32
    %dma_wait3A_59 = tpu.memref_slice %arg2[%dma_wait3A_57, %dma_wait3A_58] : memref<10000x128xf32, #tpu.memory_space<hbm>> -> memref<10000x128xf32, #tpu.memory_space<hbm>>
    tpu.wait_indirect_dma semaphore(%arg13 : memref<!tpu.dma_semaphore, #tpu.memory_space<semaphore_mem>>) src(%dma_wait3A_59 : memref<10000x128xf32, #tpu.memory_space<hbm>>) dst(%arg8 : memref<80x128xf32, #tpu.memory_space<vmem>>)
    %add3A_60 = arith.constant 1760 : i32
    %add3A_61 = arith.addi %mul3A_2, %add3A_60 : i32
    %dma_start3A_62 = arith.constant 0 : i32
    %dma_start3A_63 = tpu.memref_slice %arg4[%add3A_61, %dma_start3A_62] : memref<64000x128xf32, #tpu.memory_space<hbm>> -> memref<80x128xf32, #tpu.memory_space<hbm>>
    %dma_start3A_64 = arith.constant 0 : i32
    %dma_start3A_65 = tpu.memref_slice %arg4[%add3A_61, %dma_start3A_64] : memref<64000x128xf32, #tpu.memory_space<hbm>> -> memref<80x128xf32, #tpu.memory_space<hbm>>
    tpu.enqueue_dma source(%arg8 : memref<80x128xf32, #tpu.memory_space<vmem>>) target(%dma_start3A_65 : memref<80x128xf32, #tpu.memory_space<hbm>>) target_semaphore(%arg18 : memref<!tpu.dma_semaphore, #tpu.memory_space<semaphore_mem>>)
    %add3A_66 = arith.constant 1600 : i32
    %add3A_67 = arith.addi %mul3A_2, %add3A_66 : i32
    %dma_wait3A_68 = arith.constant 0 : i32
    %dma_wait3A_69 = tpu.memref_slice %arg4[%add3A_67, %dma_wait3A_68] : memref<64000x128xf32, #tpu.memory_space<hbm>> -> memref<80x128xf32, #tpu.memory_space<hbm>>
    %dma_wait3A_70 = arith.constant 0 : i32
    %dma_wait3A_71 = tpu.memref_slice %arg4[%add3A_67, %dma_wait3A_70] : memref<64000x128xf32, #tpu.memory_space<hbm>> -> memref<80x128xf32, #tpu.memory_space<hbm>>
    tpu.wait_dma2 semaphore(%arg16 : memref<!tpu.dma_semaphore, #tpu.memory_space<semaphore_mem>>) src(%arg6 : memref<80x128xf32, #tpu.memory_space<vmem>>) dst(%dma_wait3A_71 : memref<80x128xf32, #tpu.memory_space<hbm>>)
    %dma_wait3A_72 = arith.constant 1840 : i32
    %dma_wait3A_73 = tpu.memref_slice %arg5[%dma_wait3A_72] : memref<2000xi32, #tpu.memory_space<vmem>> -> memref<80xi32, #tpu.memory_space<vmem>>
    %dma_wait3A_74 = arith.constant 0 : i32
    %dma_wait3A_75 = arith.constant 0 : i32
    %dma_wait3A_76 = tpu.memref_slice %arg2[%dma_wait3A_74, %dma_wait3A_75] : memref<10000x128xf32, #tpu.memory_space<hbm>> -> memref<10000x128xf32, #tpu.memory_space<hbm>>
    tpu.wait_indirect_dma semaphore(%arg14 : memref<!tpu.dma_semaphore, #tpu.memory_space<semaphore_mem>>) src(%dma_wait3A_76 : memref<10000x128xf32, #tpu.memory_space<hbm>>) dst(%arg9 : memref<80x128xf32, #tpu.memory_space<vmem>>)
    %add3A_77 = arith.constant 1840 : i32
    %add3A_78 = arith.addi %mul3A_2, %add3A_77 : i32
    %dma_start3A_79 = arith.constant 0 : i32
    %dma_start3A_80 = tpu.memref_slice %arg4[%add3A_78, %dma_start3A_79] : memref<64000x128xf32, #tpu.memory_space<hbm>> -> memref<80x128xf32, #tpu.memory_space<hbm>>
    %dma_start3A_81 = arith.constant 0 : i32
    %dma_start3A_82 = tpu.memref_slice %arg4[%add3A_78, %dma_start3A_81] : memref<64000x128xf32, #tpu.memory_space<hbm>> -> memref<80x128xf32, #tpu.memory_space<hbm>>
    tpu.enqueue_dma source(%arg9 : memref<80x128xf32, #tpu.memory_space<vmem>>) target(%dma_start3A_82 : memref<80x128xf32, #tpu.memory_space<hbm>>) target_semaphore(%arg19 : memref<!tpu.dma_semaphore, #tpu.memory_space<semaphore_mem>>)
    %add3A_83 = arith.constant 1680 : i32
    %add3A_84 = arith.addi %mul3A_2, %add3A_83 : i32
    %dma_wait3A_85 = arith.constant 0 : i32
    %dma_wait3A_86 = tpu.memref_slice %arg4[%add3A_84, %dma_wait3A_85] : memref<64000x128xf32, #tpu.memory_space<hbm>> -> memref<80x128xf32, #tpu.memory_space<hbm>>
    %dma_wait3A_87 = arith.constant 0 : i32
    %dma_wait3A_88 = tpu.memref_slice %arg4[%add3A_84, %dma_wait3A_87] : memref<64000x128xf32, #tpu.memory_space<hbm>> -> memref<80x128xf32, #tpu.memory_space<hbm>>
    tpu.wait_dma2 semaphore(%arg17 : memref<!tpu.dma_semaphore, #tpu.memory_space<semaphore_mem>>) src(%arg7 : memref<80x128xf32, #tpu.memory_space<vmem>>) dst(%dma_wait3A_88 : memref<80x128xf32, #tpu.memory_space<hbm>>)
    %dma_wait3A_89 = arith.constant 1920 : i32
    %dma_wait3A_90 = tpu.memref_slice %arg5[%dma_wait3A_89] : memref<2000xi32, #tpu.memory_space<vmem>> -> memref<80xi32, #tpu.memory_space<vmem>>
    %dma_wait3A_91 = arith.constant 0 : i32
    %dma_wait3A_92 = arith.constant 0 : i32
    %dma_wait3A_93 = tpu.memref_slice %arg2[%dma_wait3A_91, %dma_wait3A_92] : memref<10000x128xf32, #tpu.memory_space<hbm>> -> memref<10000x128xf32, #tpu.memory_space<hbm>>
    tpu.wait_indirect_dma semaphore(%arg15 : memref<!tpu.dma_semaphore, #tpu.memory_space<semaphore_mem>>) src(%dma_wait3A_93 : memref<10000x128xf32, #tpu.memory_space<hbm>>) dst(%arg10 : memref<80x128xf32, #tpu.memory_space<vmem>>)
    %add3A_94 = arith.constant 1920 : i32
    %add3A_95 = arith.addi %mul3A_2, %add3A_94 : i32
    %dma_start3A_96 = arith.constant 0 : i32
    %dma_start3A_97 = tpu.memref_slice %arg4[%add3A_95, %dma_start3A_96] : memref<64000x128xf32, #tpu.memory_space<hbm>> -> memref<80x128xf32, #tpu.memory_space<hbm>>
    %dma_start3A_98 = arith.constant 0 : i32
    %dma_start3A_99 = tpu.memref_slice %arg4[%add3A_95, %dma_start3A_98] : memref<64000x128xf32, #tpu.memory_space<hbm>> -> memref<80x128xf32, #tpu.memory_space<hbm>>
    tpu.enqueue_dma source(%arg10 : memref<80x128xf32, #tpu.memory_space<vmem>>) target(%dma_start3A_99 : memref<80x128xf32, #tpu.memory_space<hbm>>) target_semaphore(%arg20 : memref<!tpu.dma_semaphore, #tpu.memory_space<semaphore_mem>>)
    %add3A_100 = arith.constant 1760 : i32
    %add3A_101 = arith.addi %mul3A_2, %add3A_100 : i32
    %dma_wait3A_102 = arith.constant 0 : i32
    %dma_wait3A_103 = tpu.memref_slice %arg4[%add3A_101, %dma_wait3A_102] : memref<64000x128xf32, #tpu.memory_space<hbm>> -> memref<80x128xf32, #tpu.memory_space<hbm>>
    %dma_wait3A_104 = arith.constant 0 : i32
    %dma_wait3A_105 = tpu.memref_slice %arg4[%add3A_101, %dma_wait3A_104] : memref<64000x128xf32, #tpu.memory_space<hbm>> -> memref<80x128xf32, #tpu.memory_space<hbm>>
    tpu.wait_dma2 semaphore(%arg18 : memref<!tpu.dma_semaphore, #tpu.memory_space<semaphore_mem>>) src(%arg8 : memref<80x128xf32, #tpu.memory_space<vmem>>) dst(%dma_wait3A_105 : memref<80x128xf32, #tpu.memory_space<hbm>>)
    %add3A_106 = arith.constant 1840 : i32
    %add3A_107 = arith.addi %mul3A_2, %add3A_106 : i32
    %dma_wait3A_108 = arith.constant 0 : i32
    %dma_wait3A_109 = tpu.memref_slice %arg4[%add3A_107, %dma_wait3A_108] : memref<64000x128xf32, #tpu.memory_space<hbm>> -> memref<80x128xf32, #tpu.memory_space<hbm>>
    %dma_wait3A_110 = arith.constant 0 : i32
    %dma_wait3A_111 = tpu.memref_slice %arg4[%add3A_107, %dma_wait3A_110] : memref<64000x128xf32, #tpu.memory_space<hbm>> -> memref<80x128xf32, #tpu.memory_space<hbm>>
    tpu.wait_dma2 semaphore(%arg19 : memref<!tpu.dma_semaphore, #tpu.memory_space<semaphore_mem>>) src(%arg9 : memref<80x128xf32, #tpu.memory_space<vmem>>) dst(%dma_wait3A_111 : memref<80x128xf32, #tpu.memory_space<hbm>>)
    %add3A_112 = arith.constant 1920 : i32
    %add3A_113 = arith.addi %mul3A_2, %add3A_112 : i32
    %dma_wait3A_114 = arith.constant 0 : i32
    %dma_wait3A_115 = tpu.memref_slice %arg4[%add3A_113, %dma_wait3A_114] : memref<64000x128xf32, #tpu.memory_space<hbm>> -> memref<80x128xf32, #tpu.memory_space<hbm>>
    %dma_wait3A_116 = arith.constant 0 : i32
    %dma_wait3A_117 = tpu.memref_slice %arg4[%add3A_113, %dma_wait3A_116] : memref<64000x128xf32, #tpu.memory_space<hbm>> -> memref<80x128xf32, #tpu.memory_space<hbm>>
    tpu.wait_dma2 semaphore(%arg20 : memref<!tpu.dma_semaphore, #tpu.memory_space<semaphore_mem>>) src(%arg10 : memref<80x128xf32, #tpu.memory_space<vmem>>) dst(%dma_wait3A_117 : memref<80x128xf32, #tpu.memory_space<hbm>>)
    return
  }
}

#map = affine_map<(d0, d1) -> (0, 0)>
#map1 = affine_map<(d0, d1) -> (0)>
module attributes {stable_mosaic.version = 14 : i64} {
  func.func @k(%arg0: i32, %arg1: i32, %arg2: memref<10000x128xf32, #tpu.memory_space<hbm>>, %arg3: memref<320000xi32, #tpu.memory_space<hbm>>, %arg4: memref<64000x128xf32, #tpu.memory_space<hbm>>, %arg5: memref<2000xi32, #tpu.memory_space<vmem>>, %arg6: memref<80x128xf32, #tpu.memory_space<vmem>>, %arg7: memref<80x128xf32, #tpu.memory_space<vmem>>, %arg8: memref<80x128xf32, #tpu.memory_space<vmem>>, %arg9: memref<80x128xf32, #tpu.memory_space<vmem>>, %arg10: memref<80x128xf32, #tpu.memory_space<vmem>>, %arg11: memref<!tpu.dma_semaphore, #tpu.memory_space<semaphore_mem>>, %arg12: memref<!tpu.dma_semaphore, #tpu.memory_space<semaphore_mem>>, %arg13: memref<!tpu.dma_semaphore, #tpu.memory_space<semaphore_mem>>, %arg14: memref<!tpu.dma_semaphore, #tpu.memory_space<semaphore_mem>>, %arg15: memref<!tpu.dma_semaphore, #tpu.memory_space<semaphore_mem>>, %arg16: memref<!tpu.dma_semaphore, #tpu.memory_space<semaphore_mem>>, %arg17: memref<!tpu.dma_semaphore, #tpu.memory_space<semaphore_mem>>, %arg18: memref<!tpu.dma_semaphore, #tpu.memory_space<semaphore_mem>>, %arg19: memref<!tpu.dma_semaphore, #tpu.memory_space<semaphore_mem>>, %arg20: memref<!tpu.dma_semaphore, #tpu.memory_space<semaphore_mem>>) attributes {dimension_semantics = [#tpu.dimension_semantics<core_parallel>, #tpu.dimension_semantics<subcore_parallel>], iteration_bounds = array<i64: 2, 16>, scalar_prefetch = 0 : i64, scratch_operands = 16 : i64, tpu.core_type = #tpu.core_type<sc_vector_subcore>, window_params = [{transform_indices = #map}, {transform_indices = #map1}, {transform_indices = #map}]} {
    %mul3A = arith.constant 2 : i32
    %mul3A_0 = arith.muli %arg1, %mul3A : i32
    %add3A = arith.addi %mul3A_0, %arg0 : i32
    %mul3A_1 = arith.constant 2000 : i32
    %mul3A_2 = arith.muli %add3A, %mul3A_1 : i32
    %add3A_3 = arith.constant 128000 : i32
    %add3A_4 = arith.addi %add3A_3, %mul3A_2 : i32
    "tpu.region"() ({
      %run_scoped3A = tpu.sem_alloc : memref<!tpu.dma_semaphore, #tpu.memory_space<semaphore_mem>>
      %dma_start3A_118 = tpu.memref_slice %arg3[%add3A_4] : memref<320000xi32, #tpu.memory_space<hbm>> -> memref<2000xi32, #tpu.memory_space<hbm>>
      %dma_start3A_119 = tpu.memref_slice %arg3[%add3A_4] : memref<320000xi32, #tpu.memory_space<hbm>> -> memref<2000xi32, #tpu.memory_space<hbm>>
      tpu.enqueue_dma source(%dma_start3A_119 : memref<2000xi32, #tpu.memory_space<hbm>>) target(%arg5 : memref<2000xi32, #tpu.memory_space<vmem>>) target_semaphore(%run_scoped3A : memref<!tpu.dma_semaphore, #tpu.memory_space<semaphore_mem>>)
      %dma_wait3A_120 = tpu.memref_slice %arg3[%add3A_4] : memref<320000xi32, #tpu.memory_space<hbm>> -> memref<2000xi32, #tpu.memory_space<hbm>>
      %dma_wait3A_121 = tpu.memref_slice %arg3[%add3A_4] : memref<320000xi32, #tpu.memory_space<hbm>> -> memref<2000xi32, #tpu.memory_space<hbm>>
      tpu.wait_dma2 semaphore(%run_scoped3A : memref<!tpu.dma_semaphore, #tpu.memory_space<semaphore_mem>>) src(%dma_wait3A_121 : memref<2000xi32, #tpu.memory_space<hbm>>) dst(%arg5 : memref<2000xi32, #tpu.memory_space<vmem>>)
      tpu.yield
    }) : () -> ()
    %dma_start3A = arith.constant 0 : i32
    %dma_start3A_5 = tpu.memref_slice %arg5[%dma_start3A] : memref<2000xi32, #tpu.memory_space<vmem>> -> memref<80xi32, #tpu.memory_space<vmem>>
    %dma_start3A_6 = arith.constant 0 : i32
    %dma_start3A_7 = arith.constant 0 : i32
    %dma_start3A_8 = tpu.memref_slice %arg2[%dma_start3A_6, %dma_start3A_7] : memref<10000x128xf32, #tpu.memory_space<hbm>> -> memref<10000x128xf32, #tpu.memory_space<hbm>>
    tpu.enqueue_indirect_dma source(%dma_start3A_8 : memref<10000x128xf32, #tpu.memory_space<hbm>>) target(%arg6 : memref<80x128xf32, #tpu.memory_space<vmem>>) offsets(%dma_start3A_5 : memref<80xi32, #tpu.memory_space<vmem>>) semaphore(%arg11 : memref<!tpu.dma_semaphore, #tpu.memory_space<semaphore_mem>>)
    %dma_start3A_9 = arith.constant 80 : i32
    %dma_start3A_10 = tpu.memref_slice %arg5[%dma_start3A_9] : memref<2000xi32, #tpu.memory_space<vmem>> -> memref<80xi32, #tpu.memory_space<vmem>>
    %dma_start3A_11 = arith.constant 0 : i32
    %dma_start3A_12 = arith.constant 0 : i32
    %dma_start3A_13 = tpu.memref_slice %arg2[%dma_start3A_11, %dma_start3A_12] : memref<10000x128xf32, #tpu.memory_space<hbm>> -> memref<10000x128xf32, #tpu.memory_space<hbm>>
    tpu.enqueue_indirect_dma source(%dma_start3A_13 : memref<10000x128xf32, #tpu.memory_space<hbm>>) target(%arg7 : memref<80x128xf32, #tpu.memory_space<vmem>>) offsets(%dma_start3A_10 : memref<80xi32, #tpu.memory_space<vmem>>) semaphore(%arg12 : memref<!tpu.dma_semaphore, #tpu.memory_space<semaphore_mem>>)
    %dma_start3A_14 = arith.constant 160 : i32
    %dma_start3A_15 = tpu.memref_slice %arg5[%dma_start3A_14] : memref<2000xi32, #tpu.memory_space<vmem>> -> memref<80xi32, #tpu.memory_space<vmem>>
    %dma_start3A_16 = arith.constant 0 : i32
    %dma_start3A_17 = arith.constant 0 : i32
    %dma_start3A_18 = tpu.memref_slice %arg2[%dma_start3A_16, %dma_start3A_17] : memref<10000x128xf32, #tpu.memory_space<hbm>> -> memref<10000x128xf32, #tpu.memory_space<hbm>>
    tpu.enqueue_indirect_dma source(%dma_start3A_18 : memref<10000x128xf32, #tpu.memory_space<hbm>>) target(%arg8 : memref<80x128xf32, #tpu.memory_space<vmem>>) offsets(%dma_start3A_15 : memref<80xi32, #tpu.memory_space<vmem>>) semaphore(%arg13 : memref<!tpu.dma_semaphore, #tpu.memory_space<semaphore_mem>>)
    %dma_wait3A = arith.constant 0 : i32
    %dma_wait3A_19 = tpu.memref_slice %arg5[%dma_wait3A] : memref<2000xi32, #tpu.memory_space<vmem>> -> memref<80xi32, #tpu.memory_space<vmem>>
    %dma_wait3A_20 = arith.constant 0 : i32
    %dma_wait3A_21 = arith.constant 0 : i32
    %dma_wait3A_22 = tpu.memref_slice %arg2[%dma_wait3A_20, %dma_wait3A_21] : memref<10000x128xf32, #tpu.memory_space<hbm>> -> memref<10000x128xf32, #tpu.memory_space<hbm>>
    tpu.wait_indirect_dma semaphore(%arg11 : memref<!tpu.dma_semaphore, #tpu.memory_space<semaphore_mem>>) src(%dma_wait3A_22 : memref<10000x128xf32, #tpu.memory_space<hbm>>) dst(%arg6 : memref<80x128xf32, #tpu.memory_space<vmem>>)
    %add3A_23 = arith.constant 0 : i32
    %add3A_24 = arith.addi %mul3A_2, %add3A_23 : i32
    %dma_start3A_25 = arith.constant 0 : i32
    %dma_start3A_26 = tpu.memref_slice %arg4[%add3A_24, %dma_start3A_25] : memref<64000x128xf32, #tpu.memory_space<hbm>> -> memref<80x128xf32, #tpu.memory_space<hbm>>
    %dma_start3A_27 = arith.constant 0 : i32
    %dma_start3A_28 = tpu.memref_slice %arg4[%add3A_24, %dma_start3A_27] : memref<64000x128xf32, #tpu.memory_space<hbm>> -> memref<80x128xf32, #tpu.memory_space<hbm>>
    tpu.enqueue_dma source(%arg6 : memref<80x128xf32, #tpu.memory_space<vmem>>) target(%dma_start3A_28 : memref<80x128xf32, #tpu.memory_space<hbm>>) target_semaphore(%arg16 : memref<!tpu.dma_semaphore, #tpu.memory_space<semaphore_mem>>)
    %dma_start3A_29 = arith.constant 240 : i32
    %dma_start3A_30 = tpu.memref_slice %arg5[%dma_start3A_29] : memref<2000xi32, #tpu.memory_space<vmem>> -> memref<80xi32, #tpu.memory_space<vmem>>
    %dma_start3A_31 = arith.constant 0 : i32
    %dma_start3A_32 = arith.constant 0 : i32
    %dma_start3A_33 = tpu.memref_slice %arg2[%dma_start3A_31, %dma_start3A_32] : memref<10000x128xf32, #tpu.memory_space<hbm>> -> memref<10000x128xf32, #tpu.memory_space<hbm>>
    tpu.enqueue_indirect_dma source(%dma_start3A_33 : memref<10000x128xf32, #tpu.memory_space<hbm>>) target(%arg9 : memref<80x128xf32, #tpu.memory_space<vmem>>) offsets(%dma_start3A_30 : memref<80xi32, #tpu.memory_space<vmem>>) semaphore(%arg14 : memref<!tpu.dma_semaphore, #tpu.memory_space<semaphore_mem>>)
    %dma_wait3A_34 = arith.constant 80 : i32
    %dma_wait3A_35 = tpu.memref_slice %arg5[%dma_wait3A_34] : memref<2000xi32, #tpu.memory_space<vmem>> -> memref<80xi32, #tpu.memory_space<vmem>>
    %dma_wait3A_36 = arith.constant 0 : i32
    %dma_wait3A_37 = arith.constant 0 : i32
    %dma_wait3A_38 = tpu.memref_slice %arg2[%dma_wait3A_36, %dma_wait3A_37] : memref<10000x128xf32, #tpu.memory_space<hbm>> -> memref<10000x128xf32, #tpu.memory_space<hbm>>
    tpu.wait_indirect_dma semaphore(%arg12 : memref<!tpu.dma_semaphore, #tpu.memory_space<semaphore_mem>>) src(%dma_wait3A_38 : memref<10000x128xf32, #tpu.memory_space<hbm>>) dst(%arg7 : memref<80x128xf32, #tpu.memory_space<vmem>>)
    %add3A_39 = arith.constant 80 : i32
    %add3A_40 = arith.addi %mul3A_2, %add3A_39 : i32
    %dma_start3A_41 = arith.constant 0 : i32
    %dma_start3A_42 = tpu.memref_slice %arg4[%add3A_40, %dma_start3A_41] : memref<64000x128xf32, #tpu.memory_space<hbm>> -> memref<80x128xf32, #tpu.memory_space<hbm>>
    %dma_start3A_43 = arith.constant 0 : i32
    %dma_start3A_44 = tpu.memref_slice %arg4[%add3A_40, %dma_start3A_43] : memref<64000x128xf32, #tpu.memory_space<hbm>> -> memref<80x128xf32, #tpu.memory_space<hbm>>
    tpu.enqueue_dma source(%arg7 : memref<80x128xf32, #tpu.memory_space<vmem>>) target(%dma_start3A_44 : memref<80x128xf32, #tpu.memory_space<hbm>>) target_semaphore(%arg17 : memref<!tpu.dma_semaphore, #tpu.memory_space<semaphore_mem>>)
    %dma_start3A_45 = arith.constant 320 : i32
    %dma_start3A_46 = tpu.memref_slice %arg5[%dma_start3A_45] : memref<2000xi32, #tpu.memory_space<vmem>> -> memref<80xi32, #tpu.memory_space<vmem>>
    %dma_start3A_47 = arith.constant 0 : i32
    %dma_start3A_48 = arith.constant 0 : i32
    %dma_start3A_49 = tpu.memref_slice %arg2[%dma_start3A_47, %dma_start3A_48] : memref<10000x128xf32, #tpu.memory_space<hbm>> -> memref<10000x128xf32, #tpu.memory_space<hbm>>
    tpu.enqueue_indirect_dma source(%dma_start3A_49 : memref<10000x128xf32, #tpu.memory_space<hbm>>) target(%arg10 : memref<80x128xf32, #tpu.memory_space<vmem>>) offsets(%dma_start3A_46 : memref<80xi32, #tpu.memory_space<vmem>>) semaphore(%arg15 : memref<!tpu.dma_semaphore, #tpu.memory_space<semaphore_mem>>)
    %scan3A = arith.constant 0 : i32
    %scan3A_50 = arith.constant 0 : i32
    %scan3A_51 = arith.constant 4 : i32
    %scan3A_52 = arith.addi %scan3A_50, %scan3A_51 : i32
    %scan3A_53 = arith.constant 1 : i32
    scf.for %scan3A_118 = %scan3A_50 to %scan3A_52 step %scan3A_53  : i32 {
      %mul3A_119 = arith.constant 5 : i32
      %mul3A_120 = arith.muli %mul3A_119, %scan3A_118 : i32
      %add3A_121 = arith.constant 2 : i32
      %add3A_122 = arith.addi %add3A_121, %mul3A_120 : i32
      %add3A_123 = arith.constant 0 : i32
      %add3A_124 = arith.addi %add3A_122, %add3A_123 : i32
      %mul3A_125 = arith.constant 80 : i32
      %mul3A_126 = arith.muli %add3A_124, %mul3A_125 : i32
      %dma_wait3A_127 = tpu.memref_slice %arg5[%mul3A_126] : memref<2000xi32, #tpu.memory_space<vmem>> -> memref<80xi32, #tpu.memory_space<vmem>>
      %dma_wait3A_128 = arith.constant 0 : i32
      %dma_wait3A_129 = arith.constant 0 : i32
      %dma_wait3A_130 = tpu.memref_slice %arg2[%dma_wait3A_128, %dma_wait3A_129] : memref<10000x128xf32, #tpu.memory_space<hbm>> -> memref<10000x128xf32, #tpu.memory_space<hbm>>
      tpu.wait_indirect_dma semaphore(%arg13 : memref<!tpu.dma_semaphore, #tpu.memory_space<semaphore_mem>>) src(%dma_wait3A_130 : memref<10000x128xf32, #tpu.memory_space<hbm>>) dst(%arg8 : memref<80x128xf32, #tpu.memory_space<vmem>>)
      %mul3A_131 = arith.constant 80 : i32
      %mul3A_132 = arith.muli %add3A_124, %mul3A_131 : i32
      %add3A_133 = arith.addi %mul3A_2, %mul3A_132 : i32
      %dma_start3A_134 = arith.constant 0 : i32
      %dma_start3A_135 = tpu.memref_slice %arg4[%add3A_133, %dma_start3A_134] : memref<64000x128xf32, #tpu.memory_space<hbm>> -> memref<80x128xf32, #tpu.memory_space<hbm>>
      %dma_start3A_136 = arith.constant 0 : i32
      %dma_start3A_137 = tpu.memref_slice %arg4[%add3A_133, %dma_start3A_136] : memref<64000x128xf32, #tpu.memory_space<hbm>> -> memref<80x128xf32, #tpu.memory_space<hbm>>
      tpu.enqueue_dma source(%arg8 : memref<80x128xf32, #tpu.memory_space<vmem>>) target(%dma_start3A_137 : memref<80x128xf32, #tpu.memory_space<hbm>>) target_semaphore(%arg18 : memref<!tpu.dma_semaphore, #tpu.memory_space<semaphore_mem>>)
      %sub3A = arith.constant 2 : i32
      %sub3A_138 = arith.subi %add3A_124, %sub3A : i32
      %mul3A_139 = arith.constant 80 : i32
      %mul3A_140 = arith.muli %sub3A_138, %mul3A_139 : i32
      %add3A_141 = arith.addi %mul3A_2, %mul3A_140 : i32
      %dma_wait3A_142 = arith.constant 0 : i32
      %dma_wait3A_143 = tpu.memref_slice %arg4[%add3A_141, %dma_wait3A_142] : memref<64000x128xf32, #tpu.memory_space<hbm>> -> memref<80x128xf32, #tpu.memory_space<hbm>>
      %dma_wait3A_144 = arith.constant 0 : i32
      %dma_wait3A_145 = tpu.memref_slice %arg4[%add3A_141, %dma_wait3A_144] : memref<64000x128xf32, #tpu.memory_space<hbm>> -> memref<80x128xf32, #tpu.memory_space<hbm>>
      tpu.wait_dma2 semaphore(%arg16 : memref<!tpu.dma_semaphore, #tpu.memory_space<semaphore_mem>>) src(%arg6 : memref<80x128xf32, #tpu.memory_space<vmem>>) dst(%dma_wait3A_145 : memref<80x128xf32, #tpu.memory_space<hbm>>)
      %add3A_146 = arith.constant 3 : i32
      %add3A_147 = arith.addi %add3A_124, %add3A_146 : i32
      %mul3A_148 = arith.constant 80 : i32
      %mul3A_149 = arith.muli %add3A_147, %mul3A_148 : i32
      %dma_start3A_150 = tpu.memref_slice %arg5[%mul3A_149] : memref<2000xi32, #tpu.memory_space<vmem>> -> memref<80xi32, #tpu.memory_space<vmem>>
      %dma_start3A_151 = arith.constant 0 : i32
      %dma_start3A_152 = arith.constant 0 : i32
      %dma_start3A_153 = tpu.memref_slice %arg2[%dma_start3A_151, %dma_start3A_152] : memref<10000x128xf32, #tpu.memory_space<hbm>> -> memref<10000x128xf32, #tpu.memory_space<hbm>>
      tpu.enqueue_indirect_dma source(%dma_start3A_153 : memref<10000x128xf32, #tpu.memory_space<hbm>>) target(%arg6 : memref<80x128xf32, #tpu.memory_space<vmem>>) offsets(%dma_start3A_150 : memref<80xi32, #tpu.memory_space<vmem>>) semaphore(%arg11 : memref<!tpu.dma_semaphore, #tpu.memory_space<semaphore_mem>>)
      %add3A_154 = arith.constant 1 : i32
      %add3A_155 = arith.addi %add3A_122, %add3A_154 : i32
      %mul3A_156 = arith.constant 80 : i32
      %mul3A_157 = arith.muli %add3A_155, %mul3A_156 : i32
      %dma_wait3A_158 = tpu.memref_slice %arg5[%mul3A_157] : memref<2000xi32, #tpu.memory_space<vmem>> -> memref<80xi32, #tpu.memory_space<vmem>>
      %dma_wait3A_159 = arith.constant 0 : i32
      %dma_wait3A_160 = arith.constant 0 : i32
      %dma_wait3A_161 = tpu.memref_slice %arg2[%dma_wait3A_159, %dma_wait3A_160] : memref<10000x128xf32, #tpu.memory_space<hbm>> -> memref<10000x128xf32, #tpu.memory_space<hbm>>
      tpu.wait_indirect_dma semaphore(%arg14 : memref<!tpu.dma_semaphore, #tpu.memory_space<semaphore_mem>>) src(%dma_wait3A_161 : memref<10000x128xf32, #tpu.memory_space<hbm>>) dst(%arg9 : memref<80x128xf32, #tpu.memory_space<vmem>>)
      %mul3A_162 = arith.constant 80 : i32
      %mul3A_163 = arith.muli %add3A_155, %mul3A_162 : i32
      %add3A_164 = arith.addi %mul3A_2, %mul3A_163 : i32
      %dma_start3A_165 = arith.constant 0 : i32
      %dma_start3A_166 = tpu.memref_slice %arg4[%add3A_164, %dma_start3A_165] : memref<64000x128xf32, #tpu.memory_space<hbm>> -> memref<80x128xf32, #tpu.memory_space<hbm>>
      %dma_start3A_167 = arith.constant 0 : i32
      %dma_start3A_168 = tpu.memref_slice %arg4[%add3A_164, %dma_start3A_167] : memref<64000x128xf32, #tpu.memory_space<hbm>> -> memref<80x128xf32, #tpu.memory_space<hbm>>
      tpu.enqueue_dma source(%arg9 : memref<80x128xf32, #tpu.memory_space<vmem>>) target(%dma_start3A_168 : memref<80x128xf32, #tpu.memory_space<hbm>>) target_semaphore(%arg19 : memref<!tpu.dma_semaphore, #tpu.memory_space<semaphore_mem>>)
      %sub3A_169 = arith.constant 2 : i32
      %sub3A_170 = arith.subi %add3A_155, %sub3A_169 : i32
      %mul3A_171 = arith.constant 80 : i32
      %mul3A_172 = arith.muli %sub3A_170, %mul3A_171 : i32
      %add3A_173 = arith.addi %mul3A_2, %mul3A_172 : i32
      %dma_wait3A_174 = arith.constant 0 : i32
      %dma_wait3A_175 = tpu.memref_slice %arg4[%add3A_173, %dma_wait3A_174] : memref<64000x128xf32, #tpu.memory_space<hbm>> -> memref<80x128xf32, #tpu.memory_space<hbm>>
      %dma_wait3A_176 = arith.constant 0 : i32
      %dma_wait3A_177 = tpu.memref_slice %arg4[%add3A_173, %dma_wait3A_176] : memref<64000x128xf32, #tpu.memory_space<hbm>> -> memref<80x128xf32, #tpu.memory_space<hbm>>
      tpu.wait_dma2 semaphore(%arg17 : memref<!tpu.dma_semaphore, #tpu.memory_space<semaphore_mem>>) src(%arg7 : memref<80x128xf32, #tpu.memory_space<vmem>>) dst(%dma_wait3A_177 : memref<80x128xf32, #tpu.memory_space<hbm>>)
      %add3A_178 = arith.constant 3 : i32
      %add3A_179 = arith.addi %add3A_155, %add3A_178 : i32
      %mul3A_180 = arith.constant 80 : i32
      %mul3A_181 = arith.muli %add3A_179, %mul3A_180 : i32
      %dma_start3A_182 = tpu.memref_slice %arg5[%mul3A_181] : memref<2000xi32, #tpu.memory_space<vmem>> -> memref<80xi32, #tpu.memory_space<vmem>>
      %dma_start3A_183 = arith.constant 0 : i32
      %dma_start3A_184 = arith.constant 0 : i32
      %dma_start3A_185 = tpu.memref_slice %arg2[%dma_start3A_183, %dma_start3A_184] : memref<10000x128xf32, #tpu.memory_space<hbm>> -> memref<10000x128xf32, #tpu.memory_space<hbm>>
      tpu.enqueue_indirect_dma source(%dma_start3A_185 : memref<10000x128xf32, #tpu.memory_space<hbm>>) target(%arg7 : memref<80x128xf32, #tpu.memory_space<vmem>>) offsets(%dma_start3A_182 : memref<80xi32, #tpu.memory_space<vmem>>) semaphore(%arg12 : memref<!tpu.dma_semaphore, #tpu.memory_space<semaphore_mem>>)
      %add3A_186 = arith.constant 2 : i32
      %add3A_187 = arith.addi %add3A_122, %add3A_186 : i32
      %mul3A_188 = arith.constant 80 : i32
      %mul3A_189 = arith.muli %add3A_187, %mul3A_188 : i32
      %dma_wait3A_190 = tpu.memref_slice %arg5[%mul3A_189] : memref<2000xi32, #tpu.memory_space<vmem>> -> memref<80xi32, #tpu.memory_space<vmem>>
      %dma_wait3A_191 = arith.constant 0 : i32
      %dma_wait3A_192 = arith.constant 0 : i32
      %dma_wait3A_193 = tpu.memref_slice %arg2[%dma_wait3A_191, %dma_wait3A_192] : memref<10000x128xf32, #tpu.memory_space<hbm>> -> memref<10000x128xf32, #tpu.memory_space<hbm>>
      tpu.wait_indirect_dma semaphore(%arg15 : memref<!tpu.dma_semaphore, #tpu.memory_space<semaphore_mem>>) src(%dma_wait3A_193 : memref<10000x128xf32, #tpu.memory_space<hbm>>) dst(%arg10 : memref<80x128xf32, #tpu.memory_space<vmem>>)
      %mul3A_194 = arith.constant 80 : i32
      %mul3A_195 = arith.muli %add3A_187, %mul3A_194 : i32
      %add3A_196 = arith.addi %mul3A_2, %mul3A_195 : i32
      %dma_start3A_197 = arith.constant 0 : i32
      %dma_start3A_198 = tpu.memref_slice %arg4[%add3A_196, %dma_start3A_197] : memref<64000x128xf32, #tpu.memory_space<hbm>> -> memref<80x128xf32, #tpu.memory_space<hbm>>
      %dma_start3A_199 = arith.constant 0 : i32
      %dma_start3A_200 = tpu.memref_slice %arg4[%add3A_196, %dma_start3A_199] : memref<64000x128xf32, #tpu.memory_space<hbm>> -> memref<80x128xf32, #tpu.memory_space<hbm>>
      tpu.enqueue_dma source(%arg10 : memref<80x128xf32, #tpu.memory_space<vmem>>) target(%dma_start3A_200 : memref<80x128xf32, #tpu.memory_space<hbm>>) target_semaphore(%arg20 : memref<!tpu.dma_semaphore, #tpu.memory_space<semaphore_mem>>)
      %sub3A_201 = arith.constant 2 : i32
      %sub3A_202 = arith.subi %add3A_187, %sub3A_201 : i32
      %mul3A_203 = arith.constant 80 : i32
      %mul3A_204 = arith.muli %sub3A_202, %mul3A_203 : i32
      %add3A_205 = arith.addi %mul3A_2, %mul3A_204 : i32
      %dma_wait3A_206 = arith.constant 0 : i32
      %dma_wait3A_207 = tpu.memref_slice %arg4[%add3A_205, %dma_wait3A_206] : memref<64000x128xf32, #tpu.memory_space<hbm>> -> memref<80x128xf32, #tpu.memory_space<hbm>>
      %dma_wait3A_208 = arith.constant 0 : i32
      %dma_wait3A_209 = tpu.memref_slice %arg4[%add3A_205, %dma_wait3A_208] : memref<64000x128xf32, #tpu.memory_space<hbm>> -> memref<80x128xf32, #tpu.memory_space<hbm>>
      tpu.wait_dma2 semaphore(%arg18 : memref<!tpu.dma_semaphore, #tpu.memory_space<semaphore_mem>>) src(%arg8 : memref<80x128xf32, #tpu.memory_space<vmem>>) dst(%dma_wait3A_209 : memref<80x128xf32, #tpu.memory_space<hbm>>)
      %add3A_210 = arith.constant 3 : i32
      %add3A_211 = arith.addi %add3A_187, %add3A_210 : i32
      %mul3A_212 = arith.constant 80 : i32
      %mul3A_213 = arith.muli %add3A_211, %mul3A_212 : i32
      %dma_start3A_214 = tpu.memref_slice %arg5[%mul3A_213] : memref<2000xi32, #tpu.memory_space<vmem>> -> memref<80xi32, #tpu.memory_space<vmem>>
      %dma_start3A_215 = arith.constant 0 : i32
      %dma_start3A_216 = arith.constant 0 : i32
      %dma_start3A_217 = tpu.memref_slice %arg2[%dma_start3A_215, %dma_start3A_216] : memref<10000x128xf32, #tpu.memory_space<hbm>> -> memref<10000x128xf32, #tpu.memory_space<hbm>>
      tpu.enqueue_indirect_dma source(%dma_start3A_217 : memref<10000x128xf32, #tpu.memory_space<hbm>>) target(%arg8 : memref<80x128xf32, #tpu.memory_space<vmem>>) offsets(%dma_start3A_214 : memref<80xi32, #tpu.memory_space<vmem>>) semaphore(%arg13 : memref<!tpu.dma_semaphore, #tpu.memory_space<semaphore_mem>>)
      %add3A_218 = arith.constant 3 : i32
      %add3A_219 = arith.addi %add3A_122, %add3A_218 : i32
      %mul3A_220 = arith.constant 80 : i32
      %mul3A_221 = arith.muli %add3A_219, %mul3A_220 : i32
      %dma_wait3A_222 = tpu.memref_slice %arg5[%mul3A_221] : memref<2000xi32, #tpu.memory_space<vmem>> -> memref<80xi32, #tpu.memory_space<vmem>>
      %dma_wait3A_223 = arith.constant 0 : i32
      %dma_wait3A_224 = arith.constant 0 : i32
      %dma_wait3A_225 = tpu.memref_slice %arg2[%dma_wait3A_223, %dma_wait3A_224] : memref<10000x128xf32, #tpu.memory_space<hbm>> -> memref<10000x128xf32, #tpu.memory_space<hbm>>
      tpu.wait_indirect_dma semaphore(%arg11 : memref<!tpu.dma_semaphore, #tpu.memory_space<semaphore_mem>>) src(%dma_wait3A_225 : memref<10000x128xf32, #tpu.memory_space<hbm>>) dst(%arg6 : memref<80x128xf32, #tpu.memory_space<vmem>>)
      %mul3A_226 = arith.constant 80 : i32
      %mul3A_227 = arith.muli %add3A_219, %mul3A_226 : i32
      %add3A_228 = arith.addi %mul3A_2, %mul3A_227 : i32
      %dma_start3A_229 = arith.constant 0 : i32
      %dma_start3A_230 = tpu.memref_slice %arg4[%add3A_228, %dma_start3A_229] : memref<64000x128xf32, #tpu.memory_space<hbm>> -> memref<80x128xf32, #tpu.memory_space<hbm>>
      %dma_start3A_231 = arith.constant 0 : i32
      %dma_start3A_232 = tpu.memref_slice %arg4[%add3A_228, %dma_start3A_231] : memref<64000x128xf32, #tpu.memory_space<hbm>> -> memref<80x128xf32, #tpu.memory_space<hbm>>
      tpu.enqueue_dma source(%arg6 : memref<80x128xf32, #tpu.memory_space<vmem>>) target(%dma_start3A_232 : memref<80x128xf32, #tpu.memory_space<hbm>>) target_semaphore(%arg16 : memref<!tpu.dma_semaphore, #tpu.memory_space<semaphore_mem>>)
      %sub3A_233 = arith.constant 2 : i32
      %sub3A_234 = arith.subi %add3A_219, %sub3A_233 : i32
      %mul3A_235 = arith.constant 80 : i32
      %mul3A_236 = arith.muli %sub3A_234, %mul3A_235 : i32
      %add3A_237 = arith.addi %mul3A_2, %mul3A_236 : i32
      %dma_wait3A_238 = arith.constant 0 : i32
      %dma_wait3A_239 = tpu.memref_slice %arg4[%add3A_237, %dma_wait3A_238] : memref<64000x128xf32, #tpu.memory_space<hbm>> -> memref<80x128xf32, #tpu.memory_space<hbm>>
      %dma_wait3A_240 = arith.constant 0 : i32
      %dma_wait3A_241 = tpu.memref_slice %arg4[%add3A_237, %dma_wait3A_240] : memref<64000x128xf32, #tpu.memory_space<hbm>> -> memref<80x128xf32, #tpu.memory_space<hbm>>
      tpu.wait_dma2 semaphore(%arg19 : memref<!tpu.dma_semaphore, #tpu.memory_space<semaphore_mem>>) src(%arg9 : memref<80x128xf32, #tpu.memory_space<vmem>>) dst(%dma_wait3A_241 : memref<80x128xf32, #tpu.memory_space<hbm>>)
      %add3A_242 = arith.constant 3 : i32
      %add3A_243 = arith.addi %add3A_219, %add3A_242 : i32
      %mul3A_244 = arith.constant 80 : i32
      %mul3A_245 = arith.muli %add3A_243, %mul3A_244 : i32
      %dma_start3A_246 = tpu.memref_slice %arg5[%mul3A_245] : memref<2000xi32, #tpu.memory_space<vmem>> -> memref<80xi32, #tpu.memory_space<vmem>>
      %dma_start3A_247 = arith.constant 0 : i32
      %dma_start3A_248 = arith.constant 0 : i32
      %dma_start3A_249 = tpu.memref_slice %arg2[%dma_start3A_247, %dma_start3A_248] : memref<10000x128xf32, #tpu.memory_space<hbm>> -> memref<10000x128xf32, #tpu.memory_space<hbm>>
      tpu.enqueue_indirect_dma source(%dma_start3A_249 : memref<10000x128xf32, #tpu.memory_space<hbm>>) target(%arg9 : memref<80x128xf32, #tpu.memory_space<vmem>>) offsets(%dma_start3A_246 : memref<80xi32, #tpu.memory_space<vmem>>) semaphore(%arg14 : memref<!tpu.dma_semaphore, #tpu.memory_space<semaphore_mem>>)
      %add3A_250 = arith.constant 4 : i32
      %add3A_251 = arith.addi %add3A_122, %add3A_250 : i32
      %mul3A_252 = arith.constant 80 : i32
      %mul3A_253 = arith.muli %add3A_251, %mul3A_252 : i32
      %dma_wait3A_254 = tpu.memref_slice %arg5[%mul3A_253] : memref<2000xi32, #tpu.memory_space<vmem>> -> memref<80xi32, #tpu.memory_space<vmem>>
      %dma_wait3A_255 = arith.constant 0 : i32
      %dma_wait3A_256 = arith.constant 0 : i32
      %dma_wait3A_257 = tpu.memref_slice %arg2[%dma_wait3A_255, %dma_wait3A_256] : memref<10000x128xf32, #tpu.memory_space<hbm>> -> memref<10000x128xf32, #tpu.memory_space<hbm>>
      tpu.wait_indirect_dma semaphore(%arg12 : memref<!tpu.dma_semaphore, #tpu.memory_space<semaphore_mem>>) src(%dma_wait3A_257 : memref<10000x128xf32, #tpu.memory_space<hbm>>) dst(%arg7 : memref<80x128xf32, #tpu.memory_space<vmem>>)
      %mul3A_258 = arith.constant 80 : i32
      %mul3A_259 = arith.muli %add3A_251, %mul3A_258 : i32
      %add3A_260 = arith.addi %mul3A_2, %mul3A_259 : i32
      %dma_start3A_261 = arith.constant 0 : i32
      %dma_start3A_262 = tpu.memref_slice %arg4[%add3A_260, %dma_start3A_261] : memref<64000x128xf32, #tpu.memory_space<hbm>> -> memref<80x128xf32, #tpu.memory_space<hbm>>
      %dma_start3A_263 = arith.constant 0 : i32
      %dma_start3A_264 = tpu.memref_slice %arg4[%add3A_260, %dma_start3A_263] : memref<64000x128xf32, #tpu.memory_space<hbm>> -> memref<80x128xf32, #tpu.memory_space<hbm>>
      tpu.enqueue_dma source(%arg7 : memref<80x128xf32, #tpu.memory_space<vmem>>) target(%dma_start3A_264 : memref<80x128xf32, #tpu.memory_space<hbm>>) target_semaphore(%arg17 : memref<!tpu.dma_semaphore, #tpu.memory_space<semaphore_mem>>)
      %sub3A_265 = arith.constant 2 : i32
      %sub3A_266 = arith.subi %add3A_251, %sub3A_265 : i32
      %mul3A_267 = arith.constant 80 : i32
      %mul3A_268 = arith.muli %sub3A_266, %mul3A_267 : i32
      %add3A_269 = arith.addi %mul3A_2, %mul3A_268 : i32
      %dma_wait3A_270 = arith.constant 0 : i32
      %dma_wait3A_271 = tpu.memref_slice %arg4[%add3A_269, %dma_wait3A_270] : memref<64000x128xf32, #tpu.memory_space<hbm>> -> memref<80x128xf32, #tpu.memory_space<hbm>>
      %dma_wait3A_272 = arith.constant 0 : i32
      %dma_wait3A_273 = tpu.memref_slice %arg4[%add3A_269, %dma_wait3A_272] : memref<64000x128xf32, #tpu.memory_space<hbm>> -> memref<80x128xf32, #tpu.memory_space<hbm>>
      tpu.wait_dma2 semaphore(%arg20 : memref<!tpu.dma_semaphore, #tpu.memory_space<semaphore_mem>>) src(%arg10 : memref<80x128xf32, #tpu.memory_space<vmem>>) dst(%dma_wait3A_273 : memref<80x128xf32, #tpu.memory_space<hbm>>)
      %add3A_274 = arith.constant 3 : i32
      %add3A_275 = arith.addi %add3A_251, %add3A_274 : i32
      %mul3A_276 = arith.constant 80 : i32
      %mul3A_277 = arith.muli %add3A_275, %mul3A_276 : i32
      %dma_start3A_278 = tpu.memref_slice %arg5[%mul3A_277] : memref<2000xi32, #tpu.memory_space<vmem>> -> memref<80xi32, #tpu.memory_space<vmem>>
      %dma_start3A_279 = arith.constant 0 : i32
      %dma_start3A_280 = arith.constant 0 : i32
      %dma_start3A_281 = tpu.memref_slice %arg2[%dma_start3A_279, %dma_start3A_280] : memref<10000x128xf32, #tpu.memory_space<hbm>> -> memref<10000x128xf32, #tpu.memory_space<hbm>>
      tpu.enqueue_indirect_dma source(%dma_start3A_281 : memref<10000x128xf32, #tpu.memory_space<hbm>>) target(%arg10 : memref<80x128xf32, #tpu.memory_space<vmem>>) offsets(%dma_start3A_278 : memref<80xi32, #tpu.memory_space<vmem>>) semaphore(%arg15 : memref<!tpu.dma_semaphore, #tpu.memory_space<semaphore_mem>>)
    }
    %scan3A_54 = arith.constant 4 : i32
    %dma_wait3A_55 = arith.constant 1760 : i32
    %dma_wait3A_56 = tpu.memref_slice %arg5[%dma_wait3A_55] : memref<2000xi32, #tpu.memory_space<vmem>> -> memref<80xi32, #tpu.memory_space<vmem>>
    %dma_wait3A_57 = arith.constant 0 : i32
    %dma_wait3A_58 = arith.constant 0 : i32
    %dma_wait3A_59 = tpu.memref_slice %arg2[%dma_wait3A_57, %dma_wait3A_58] : memref<10000x128xf32, #tpu.memory_space<hbm>> -> memref<10000x128xf32, #tpu.memory_space<hbm>>
    tpu.wait_indirect_dma semaphore(%arg13 : memref<!tpu.dma_semaphore, #tpu.memory_space<semaphore_mem>>) src(%dma_wait3A_59 : memref<10000x128xf32, #tpu.memory_space<hbm>>) dst(%arg8 : memref<80x128xf32, #tpu.memory_space<vmem>>)
    %add3A_60 = arith.constant 1760 : i32
    %add3A_61 = arith.addi %mul3A_2, %add3A_60 : i32
    %dma_start3A_62 = arith.constant 0 : i32
    %dma_start3A_63 = tpu.memref_slice %arg4[%add3A_61, %dma_start3A_62] : memref<64000x128xf32, #tpu.memory_space<hbm>> -> memref<80x128xf32, #tpu.memory_space<hbm>>
    %dma_start3A_64 = arith.constant 0 : i32
    %dma_start3A_65 = tpu.memref_slice %arg4[%add3A_61, %dma_start3A_64] : memref<64000x128xf32, #tpu.memory_space<hbm>> -> memref<80x128xf32, #tpu.memory_space<hbm>>
    tpu.enqueue_dma source(%arg8 : memref<80x128xf32, #tpu.memory_space<vmem>>) target(%dma_start3A_65 : memref<80x128xf32, #tpu.memory_space<hbm>>) target_semaphore(%arg18 : memref<!tpu.dma_semaphore, #tpu.memory_space<semaphore_mem>>)
    %add3A_66 = arith.constant 1600 : i32
    %add3A_67 = arith.addi %mul3A_2, %add3A_66 : i32
    %dma_wait3A_68 = arith.constant 0 : i32
    %dma_wait3A_69 = tpu.memref_slice %arg4[%add3A_67, %dma_wait3A_68] : memref<64000x128xf32, #tpu.memory_space<hbm>> -> memref<80x128xf32, #tpu.memory_space<hbm>>
    %dma_wait3A_70 = arith.constant 0 : i32
    %dma_wait3A_71 = tpu.memref_slice %arg4[%add3A_67, %dma_wait3A_70] : memref<64000x128xf32, #tpu.memory_space<hbm>> -> memref<80x128xf32, #tpu.memory_space<hbm>>
    tpu.wait_dma2 semaphore(%arg16 : memref<!tpu.dma_semaphore, #tpu.memory_space<semaphore_mem>>) src(%arg6 : memref<80x128xf32, #tpu.memory_space<vmem>>) dst(%dma_wait3A_71 : memref<80x128xf32, #tpu.memory_space<hbm>>)
    %dma_wait3A_72 = arith.constant 1840 : i32
    %dma_wait3A_73 = tpu.memref_slice %arg5[%dma_wait3A_72] : memref<2000xi32, #tpu.memory_space<vmem>> -> memref<80xi32, #tpu.memory_space<vmem>>
    %dma_wait3A_74 = arith.constant 0 : i32
    %dma_wait3A_75 = arith.constant 0 : i32
    %dma_wait3A_76 = tpu.memref_slice %arg2[%dma_wait3A_74, %dma_wait3A_75] : memref<10000x128xf32, #tpu.memory_space<hbm>> -> memref<10000x128xf32, #tpu.memory_space<hbm>>
    tpu.wait_indirect_dma semaphore(%arg14 : memref<!tpu.dma_semaphore, #tpu.memory_space<semaphore_mem>>) src(%dma_wait3A_76 : memref<10000x128xf32, #tpu.memory_space<hbm>>) dst(%arg9 : memref<80x128xf32, #tpu.memory_space<vmem>>)
    %add3A_77 = arith.constant 1840 : i32
    %add3A_78 = arith.addi %mul3A_2, %add3A_77 : i32
    %dma_start3A_79 = arith.constant 0 : i32
    %dma_start3A_80 = tpu.memref_slice %arg4[%add3A_78, %dma_start3A_79] : memref<64000x128xf32, #tpu.memory_space<hbm>> -> memref<80x128xf32, #tpu.memory_space<hbm>>
    %dma_start3A_81 = arith.constant 0 : i32
    %dma_start3A_82 = tpu.memref_slice %arg4[%add3A_78, %dma_start3A_81] : memref<64000x128xf32, #tpu.memory_space<hbm>> -> memref<80x128xf32, #tpu.memory_space<hbm>>
    tpu.enqueue_dma source(%arg9 : memref<80x128xf32, #tpu.memory_space<vmem>>) target(%dma_start3A_82 : memref<80x128xf32, #tpu.memory_space<hbm>>) target_semaphore(%arg19 : memref<!tpu.dma_semaphore, #tpu.memory_space<semaphore_mem>>)
    %add3A_83 = arith.constant 1680 : i32
    %add3A_84 = arith.addi %mul3A_2, %add3A_83 : i32
    %dma_wait3A_85 = arith.constant 0 : i32
    %dma_wait3A_86 = tpu.memref_slice %arg4[%add3A_84, %dma_wait3A_85] : memref<64000x128xf32, #tpu.memory_space<hbm>> -> memref<80x128xf32, #tpu.memory_space<hbm>>
    %dma_wait3A_87 = arith.constant 0 : i32
    %dma_wait3A_88 = tpu.memref_slice %arg4[%add3A_84, %dma_wait3A_87] : memref<64000x128xf32, #tpu.memory_space<hbm>> -> memref<80x128xf32, #tpu.memory_space<hbm>>
    tpu.wait_dma2 semaphore(%arg17 : memref<!tpu.dma_semaphore, #tpu.memory_space<semaphore_mem>>) src(%arg7 : memref<80x128xf32, #tpu.memory_space<vmem>>) dst(%dma_wait3A_88 : memref<80x128xf32, #tpu.memory_space<hbm>>)
    %dma_wait3A_89 = arith.constant 1920 : i32
    %dma_wait3A_90 = tpu.memref_slice %arg5[%dma_wait3A_89] : memref<2000xi32, #tpu.memory_space<vmem>> -> memref<80xi32, #tpu.memory_space<vmem>>
    %dma_wait3A_91 = arith.constant 0 : i32
    %dma_wait3A_92 = arith.constant 0 : i32
    %dma_wait3A_93 = tpu.memref_slice %arg2[%dma_wait3A_91, %dma_wait3A_92] : memref<10000x128xf32, #tpu.memory_space<hbm>> -> memref<10000x128xf32, #tpu.memory_space<hbm>>
    tpu.wait_indirect_dma semaphore(%arg15 : memref<!tpu.dma_semaphore, #tpu.memory_space<semaphore_mem>>) src(%dma_wait3A_93 : memref<10000x128xf32, #tpu.memory_space<hbm>>) dst(%arg10 : memref<80x128xf32, #tpu.memory_space<vmem>>)
    %add3A_94 = arith.constant 1920 : i32
    %add3A_95 = arith.addi %mul3A_2, %add3A_94 : i32
    %dma_start3A_96 = arith.constant 0 : i32
    %dma_start3A_97 = tpu.memref_slice %arg4[%add3A_95, %dma_start3A_96] : memref<64000x128xf32, #tpu.memory_space<hbm>> -> memref<80x128xf32, #tpu.memory_space<hbm>>
    %dma_start3A_98 = arith.constant 0 : i32
    %dma_start3A_99 = tpu.memref_slice %arg4[%add3A_95, %dma_start3A_98] : memref<64000x128xf32, #tpu.memory_space<hbm>> -> memref<80x128xf32, #tpu.memory_space<hbm>>
    tpu.enqueue_dma source(%arg10 : memref<80x128xf32, #tpu.memory_space<vmem>>) target(%dma_start3A_99 : memref<80x128xf32, #tpu.memory_space<hbm>>) target_semaphore(%arg20 : memref<!tpu.dma_semaphore, #tpu.memory_space<semaphore_mem>>)
    %add3A_100 = arith.constant 1760 : i32
    %add3A_101 = arith.addi %mul3A_2, %add3A_100 : i32
    %dma_wait3A_102 = arith.constant 0 : i32
    %dma_wait3A_103 = tpu.memref_slice %arg4[%add3A_101, %dma_wait3A_102] : memref<64000x128xf32, #tpu.memory_space<hbm>> -> memref<80x128xf32, #tpu.memory_space<hbm>>
    %dma_wait3A_104 = arith.constant 0 : i32
    %dma_wait3A_105 = tpu.memref_slice %arg4[%add3A_101, %dma_wait3A_104] : memref<64000x128xf32, #tpu.memory_space<hbm>> -> memref<80x128xf32, #tpu.memory_space<hbm>>
    tpu.wait_dma2 semaphore(%arg18 : memref<!tpu.dma_semaphore, #tpu.memory_space<semaphore_mem>>) src(%arg8 : memref<80x128xf32, #tpu.memory_space<vmem>>) dst(%dma_wait3A_105 : memref<80x128xf32, #tpu.memory_space<hbm>>)
    %add3A_106 = arith.constant 1840 : i32
    %add3A_107 = arith.addi %mul3A_2, %add3A_106 : i32
    %dma_wait3A_108 = arith.constant 0 : i32
    %dma_wait3A_109 = tpu.memref_slice %arg4[%add3A_107, %dma_wait3A_108] : memref<64000x128xf32, #tpu.memory_space<hbm>> -> memref<80x128xf32, #tpu.memory_space<hbm>>
    %dma_wait3A_110 = arith.constant 0 : i32
    %dma_wait3A_111 = tpu.memref_slice %arg4[%add3A_107, %dma_wait3A_110] : memref<64000x128xf32, #tpu.memory_space<hbm>> -> memref<80x128xf32, #tpu.memory_space<hbm>>
    tpu.wait_dma2 semaphore(%arg19 : memref<!tpu.dma_semaphore, #tpu.memory_space<semaphore_mem>>) src(%arg9 : memref<80x128xf32, #tpu.memory_space<vmem>>) dst(%dma_wait3A_111 : memref<80x128xf32, #tpu.memory_space<hbm>>)
    %add3A_112 = arith.constant 1920 : i32
    %add3A_113 = arith.addi %mul3A_2, %add3A_112 : i32
    %dma_wait3A_114 = arith.constant 0 : i32
    %dma_wait3A_115 = tpu.memref_slice %arg4[%add3A_113, %dma_wait3A_114] : memref<64000x128xf32, #tpu.memory_space<hbm>> -> memref<80x128xf32, #tpu.memory_space<hbm>>
    %dma_wait3A_116 = arith.constant 0 : i32
    %dma_wait3A_117 = tpu.memref_slice %arg4[%add3A_113, %dma_wait3A_116] : memref<64000x128xf32, #tpu.memory_space<hbm>> -> memref<80x128xf32, #tpu.memory_space<hbm>>
    tpu.wait_dma2 semaphore(%arg20 : memref<!tpu.dma_semaphore, #tpu.memory_space<semaphore_mem>>) src(%arg10 : memref<80x128xf32, #tpu.memory_space<vmem>>) dst(%dma_wait3A_117 : memref<80x128xf32, #tpu.memory_space<hbm>>)
    return
  }
}

#map = affine_map<(d0, d1) -> (0, 0)>
#map1 = affine_map<(d0, d1) -> (0)>
module attributes {stable_mosaic.version = 14 : i64} {
  func.func @k(%arg0: i32, %arg1: i32, %arg2: memref<10000x128xf32, #tpu.memory_space<hbm>>, %arg3: memref<320000xi32, #tpu.memory_space<hbm>>, %arg4: memref<64000x128xf32, #tpu.memory_space<hbm>>, %arg5: memref<2000xi32, #tpu.memory_space<vmem>>, %arg6: memref<80x128xf32, #tpu.memory_space<vmem>>, %arg7: memref<80x128xf32, #tpu.memory_space<vmem>>, %arg8: memref<80x128xf32, #tpu.memory_space<vmem>>, %arg9: memref<80x128xf32, #tpu.memory_space<vmem>>, %arg10: memref<80x128xf32, #tpu.memory_space<vmem>>, %arg11: memref<!tpu.dma_semaphore, #tpu.memory_space<semaphore_mem>>, %arg12: memref<!tpu.dma_semaphore, #tpu.memory_space<semaphore_mem>>, %arg13: memref<!tpu.dma_semaphore, #tpu.memory_space<semaphore_mem>>, %arg14: memref<!tpu.dma_semaphore, #tpu.memory_space<semaphore_mem>>, %arg15: memref<!tpu.dma_semaphore, #tpu.memory_space<semaphore_mem>>, %arg16: memref<!tpu.dma_semaphore, #tpu.memory_space<semaphore_mem>>, %arg17: memref<!tpu.dma_semaphore, #tpu.memory_space<semaphore_mem>>, %arg18: memref<!tpu.dma_semaphore, #tpu.memory_space<semaphore_mem>>, %arg19: memref<!tpu.dma_semaphore, #tpu.memory_space<semaphore_mem>>, %arg20: memref<!tpu.dma_semaphore, #tpu.memory_space<semaphore_mem>>) attributes {dimension_semantics = [#tpu.dimension_semantics<core_parallel>, #tpu.dimension_semantics<subcore_parallel>], iteration_bounds = array<i64: 2, 16>, scalar_prefetch = 0 : i64, scratch_operands = 16 : i64, tpu.core_type = #tpu.core_type<sc_vector_subcore>, window_params = [{transform_indices = #map}, {transform_indices = #map1}, {transform_indices = #map}]} {
    %mul3A = arith.constant 2 : i32
    %mul3A_0 = arith.muli %arg1, %mul3A : i32
    %add3A = arith.addi %mul3A_0, %arg0 : i32
    %mul3A_1 = arith.constant 2000 : i32
    %mul3A_2 = arith.muli %add3A, %mul3A_1 : i32
    %add3A_3 = arith.constant 256000 : i32
    %add3A_4 = arith.addi %add3A_3, %mul3A_2 : i32
    "tpu.region"() ({
      %run_scoped3A = tpu.sem_alloc : memref<!tpu.dma_semaphore, #tpu.memory_space<semaphore_mem>>
      %dma_start3A_118 = tpu.memref_slice %arg3[%add3A_4] : memref<320000xi32, #tpu.memory_space<hbm>> -> memref<2000xi32, #tpu.memory_space<hbm>>
      %dma_start3A_119 = tpu.memref_slice %arg3[%add3A_4] : memref<320000xi32, #tpu.memory_space<hbm>> -> memref<2000xi32, #tpu.memory_space<hbm>>
      tpu.enqueue_dma source(%dma_start3A_119 : memref<2000xi32, #tpu.memory_space<hbm>>) target(%arg5 : memref<2000xi32, #tpu.memory_space<vmem>>) target_semaphore(%run_scoped3A : memref<!tpu.dma_semaphore, #tpu.memory_space<semaphore_mem>>)
      %dma_wait3A_120 = tpu.memref_slice %arg3[%add3A_4] : memref<320000xi32, #tpu.memory_space<hbm>> -> memref<2000xi32, #tpu.memory_space<hbm>>
      %dma_wait3A_121 = tpu.memref_slice %arg3[%add3A_4] : memref<320000xi32, #tpu.memory_space<hbm>> -> memref<2000xi32, #tpu.memory_space<hbm>>
      tpu.wait_dma2 semaphore(%run_scoped3A : memref<!tpu.dma_semaphore, #tpu.memory_space<semaphore_mem>>) src(%dma_wait3A_121 : memref<2000xi32, #tpu.memory_space<hbm>>) dst(%arg5 : memref<2000xi32, #tpu.memory_space<vmem>>)
      tpu.yield
    }) : () -> ()
    %dma_start3A = arith.constant 0 : i32
    %dma_start3A_5 = tpu.memref_slice %arg5[%dma_start3A] : memref<2000xi32, #tpu.memory_space<vmem>> -> memref<80xi32, #tpu.memory_space<vmem>>
    %dma_start3A_6 = arith.constant 0 : i32
    %dma_start3A_7 = arith.constant 0 : i32
    %dma_start3A_8 = tpu.memref_slice %arg2[%dma_start3A_6, %dma_start3A_7] : memref<10000x128xf32, #tpu.memory_space<hbm>> -> memref<10000x128xf32, #tpu.memory_space<hbm>>
    tpu.enqueue_indirect_dma source(%dma_start3A_8 : memref<10000x128xf32, #tpu.memory_space<hbm>>) target(%arg6 : memref<80x128xf32, #tpu.memory_space<vmem>>) offsets(%dma_start3A_5 : memref<80xi32, #tpu.memory_space<vmem>>) semaphore(%arg11 : memref<!tpu.dma_semaphore, #tpu.memory_space<semaphore_mem>>)
    %dma_start3A_9 = arith.constant 80 : i32
    %dma_start3A_10 = tpu.memref_slice %arg5[%dma_start3A_9] : memref<2000xi32, #tpu.memory_space<vmem>> -> memref<80xi32, #tpu.memory_space<vmem>>
    %dma_start3A_11 = arith.constant 0 : i32
    %dma_start3A_12 = arith.constant 0 : i32
    %dma_start3A_13 = tpu.memref_slice %arg2[%dma_start3A_11, %dma_start3A_12] : memref<10000x128xf32, #tpu.memory_space<hbm>> -> memref<10000x128xf32, #tpu.memory_space<hbm>>
    tpu.enqueue_indirect_dma source(%dma_start3A_13 : memref<10000x128xf32, #tpu.memory_space<hbm>>) target(%arg7 : memref<80x128xf32, #tpu.memory_space<vmem>>) offsets(%dma_start3A_10 : memref<80xi32, #tpu.memory_space<vmem>>) semaphore(%arg12 : memref<!tpu.dma_semaphore, #tpu.memory_space<semaphore_mem>>)
    %dma_start3A_14 = arith.constant 160 : i32
    %dma_start3A_15 = tpu.memref_slice %arg5[%dma_start3A_14] : memref<2000xi32, #tpu.memory_space<vmem>> -> memref<80xi32, #tpu.memory_space<vmem>>
    %dma_start3A_16 = arith.constant 0 : i32
    %dma_start3A_17 = arith.constant 0 : i32
    %dma_start3A_18 = tpu.memref_slice %arg2[%dma_start3A_16, %dma_start3A_17] : memref<10000x128xf32, #tpu.memory_space<hbm>> -> memref<10000x128xf32, #tpu.memory_space<hbm>>
    tpu.enqueue_indirect_dma source(%dma_start3A_18 : memref<10000x128xf32, #tpu.memory_space<hbm>>) target(%arg8 : memref<80x128xf32, #tpu.memory_space<vmem>>) offsets(%dma_start3A_15 : memref<80xi32, #tpu.memory_space<vmem>>) semaphore(%arg13 : memref<!tpu.dma_semaphore, #tpu.memory_space<semaphore_mem>>)
    %dma_wait3A = arith.constant 0 : i32
    %dma_wait3A_19 = tpu.memref_slice %arg5[%dma_wait3A] : memref<2000xi32, #tpu.memory_space<vmem>> -> memref<80xi32, #tpu.memory_space<vmem>>
    %dma_wait3A_20 = arith.constant 0 : i32
    %dma_wait3A_21 = arith.constant 0 : i32
    %dma_wait3A_22 = tpu.memref_slice %arg2[%dma_wait3A_20, %dma_wait3A_21] : memref<10000x128xf32, #tpu.memory_space<hbm>> -> memref<10000x128xf32, #tpu.memory_space<hbm>>
    tpu.wait_indirect_dma semaphore(%arg11 : memref<!tpu.dma_semaphore, #tpu.memory_space<semaphore_mem>>) src(%dma_wait3A_22 : memref<10000x128xf32, #tpu.memory_space<hbm>>) dst(%arg6 : memref<80x128xf32, #tpu.memory_space<vmem>>)
    %add3A_23 = arith.constant 0 : i32
    %add3A_24 = arith.addi %mul3A_2, %add3A_23 : i32
    %dma_start3A_25 = arith.constant 0 : i32
    %dma_start3A_26 = tpu.memref_slice %arg4[%add3A_24, %dma_start3A_25] : memref<64000x128xf32, #tpu.memory_space<hbm>> -> memref<80x128xf32, #tpu.memory_space<hbm>>
    %dma_start3A_27 = arith.constant 0 : i32
    %dma_start3A_28 = tpu.memref_slice %arg4[%add3A_24, %dma_start3A_27] : memref<64000x128xf32, #tpu.memory_space<hbm>> -> memref<80x128xf32, #tpu.memory_space<hbm>>
    tpu.enqueue_dma source(%arg6 : memref<80x128xf32, #tpu.memory_space<vmem>>) target(%dma_start3A_28 : memref<80x128xf32, #tpu.memory_space<hbm>>) target_semaphore(%arg16 : memref<!tpu.dma_semaphore, #tpu.memory_space<semaphore_mem>>)
    %dma_start3A_29 = arith.constant 240 : i32
    %dma_start3A_30 = tpu.memref_slice %arg5[%dma_start3A_29] : memref<2000xi32, #tpu.memory_space<vmem>> -> memref<80xi32, #tpu.memory_space<vmem>>
    %dma_start3A_31 = arith.constant 0 : i32
    %dma_start3A_32 = arith.constant 0 : i32
    %dma_start3A_33 = tpu.memref_slice %arg2[%dma_start3A_31, %dma_start3A_32] : memref<10000x128xf32, #tpu.memory_space<hbm>> -> memref<10000x128xf32, #tpu.memory_space<hbm>>
    tpu.enqueue_indirect_dma source(%dma_start3A_33 : memref<10000x128xf32, #tpu.memory_space<hbm>>) target(%arg9 : memref<80x128xf32, #tpu.memory_space<vmem>>) offsets(%dma_start3A_30 : memref<80xi32, #tpu.memory_space<vmem>>) semaphore(%arg14 : memref<!tpu.dma_semaphore, #tpu.memory_space<semaphore_mem>>)
    %dma_wait3A_34 = arith.constant 80 : i32
    %dma_wait3A_35 = tpu.memref_slice %arg5[%dma_wait3A_34] : memref<2000xi32, #tpu.memory_space<vmem>> -> memref<80xi32, #tpu.memory_space<vmem>>
    %dma_wait3A_36 = arith.constant 0 : i32
    %dma_wait3A_37 = arith.constant 0 : i32
    %dma_wait3A_38 = tpu.memref_slice %arg2[%dma_wait3A_36, %dma_wait3A_37] : memref<10000x128xf32, #tpu.memory_space<hbm>> -> memref<10000x128xf32, #tpu.memory_space<hbm>>
    tpu.wait_indirect_dma semaphore(%arg12 : memref<!tpu.dma_semaphore, #tpu.memory_space<semaphore_mem>>) src(%dma_wait3A_38 : memref<10000x128xf32, #tpu.memory_space<hbm>>) dst(%arg7 : memref<80x128xf32, #tpu.memory_space<vmem>>)
    %add3A_39 = arith.constant 80 : i32
    %add3A_40 = arith.addi %mul3A_2, %add3A_39 : i32
    %dma_start3A_41 = arith.constant 0 : i32
    %dma_start3A_42 = tpu.memref_slice %arg4[%add3A_40, %dma_start3A_41] : memref<64000x128xf32, #tpu.memory_space<hbm>> -> memref<80x128xf32, #tpu.memory_space<hbm>>
    %dma_start3A_43 = arith.constant 0 : i32
    %dma_start3A_44 = tpu.memref_slice %arg4[%add3A_40, %dma_start3A_43] : memref<64000x128xf32, #tpu.memory_space<hbm>> -> memref<80x128xf32, #tpu.memory_space<hbm>>
    tpu.enqueue_dma source(%arg7 : memref<80x128xf32, #tpu.memory_space<vmem>>) target(%dma_start3A_44 : memref<80x128xf32, #tpu.memory_space<hbm>>) target_semaphore(%arg17 : memref<!tpu.dma_semaphore, #tpu.memory_space<semaphore_mem>>)
    %dma_start3A_45 = arith.constant 320 : i32
    %dma_start3A_46 = tpu.memref_slice %arg5[%dma_start3A_45] : memref<2000xi32, #tpu.memory_space<vmem>> -> memref<80xi32, #tpu.memory_space<vmem>>
    %dma_start3A_47 = arith.constant 0 : i32
    %dma_start3A_48 = arith.constant 0 : i32
    %dma_start3A_49 = tpu.memref_slice %arg2[%dma_start3A_47, %dma_start3A_48] : memref<10000x128xf32, #tpu.memory_space<hbm>> -> memref<10000x128xf32, #tpu.memory_space<hbm>>
    tpu.enqueue_indirect_dma source(%dma_start3A_49 : memref<10000x128xf32, #tpu.memory_space<hbm>>) target(%arg10 : memref<80x128xf32, #tpu.memory_space<vmem>>) offsets(%dma_start3A_46 : memref<80xi32, #tpu.memory_space<vmem>>) semaphore(%arg15 : memref<!tpu.dma_semaphore, #tpu.memory_space<semaphore_mem>>)
    %scan3A = arith.constant 0 : i32
    %scan3A_50 = arith.constant 0 : i32
    %scan3A_51 = arith.constant 4 : i32
    %scan3A_52 = arith.addi %scan3A_50, %scan3A_51 : i32
    %scan3A_53 = arith.constant 1 : i32
    scf.for %scan3A_118 = %scan3A_50 to %scan3A_52 step %scan3A_53  : i32 {
      %mul3A_119 = arith.constant 5 : i32
      %mul3A_120 = arith.muli %mul3A_119, %scan3A_118 : i32
      %add3A_121 = arith.constant 2 : i32
      %add3A_122 = arith.addi %add3A_121, %mul3A_120 : i32
      %add3A_123 = arith.constant 0 : i32
      %add3A_124 = arith.addi %add3A_122, %add3A_123 : i32
      %mul3A_125 = arith.constant 80 : i32
      %mul3A_126 = arith.muli %add3A_124, %mul3A_125 : i32
      %dma_wait3A_127 = tpu.memref_slice %arg5[%mul3A_126] : memref<2000xi32, #tpu.memory_space<vmem>> -> memref<80xi32, #tpu.memory_space<vmem>>
      %dma_wait3A_128 = arith.constant 0 : i32
      %dma_wait3A_129 = arith.constant 0 : i32
      %dma_wait3A_130 = tpu.memref_slice %arg2[%dma_wait3A_128, %dma_wait3A_129] : memref<10000x128xf32, #tpu.memory_space<hbm>> -> memref<10000x128xf32, #tpu.memory_space<hbm>>
      tpu.wait_indirect_dma semaphore(%arg13 : memref<!tpu.dma_semaphore, #tpu.memory_space<semaphore_mem>>) src(%dma_wait3A_130 : memref<10000x128xf32, #tpu.memory_space<hbm>>) dst(%arg8 : memref<80x128xf32, #tpu.memory_space<vmem>>)
      %mul3A_131 = arith.constant 80 : i32
      %mul3A_132 = arith.muli %add3A_124, %mul3A_131 : i32
      %add3A_133 = arith.addi %mul3A_2, %mul3A_132 : i32
      %dma_start3A_134 = arith.constant 0 : i32
      %dma_start3A_135 = tpu.memref_slice %arg4[%add3A_133, %dma_start3A_134] : memref<64000x128xf32, #tpu.memory_space<hbm>> -> memref<80x128xf32, #tpu.memory_space<hbm>>
      %dma_start3A_136 = arith.constant 0 : i32
      %dma_start3A_137 = tpu.memref_slice %arg4[%add3A_133, %dma_start3A_136] : memref<64000x128xf32, #tpu.memory_space<hbm>> -> memref<80x128xf32, #tpu.memory_space<hbm>>
      tpu.enqueue_dma source(%arg8 : memref<80x128xf32, #tpu.memory_space<vmem>>) target(%dma_start3A_137 : memref<80x128xf32, #tpu.memory_space<hbm>>) target_semaphore(%arg18 : memref<!tpu.dma_semaphore, #tpu.memory_space<semaphore_mem>>)
      %sub3A = arith.constant 2 : i32
      %sub3A_138 = arith.subi %add3A_124, %sub3A : i32
      %mul3A_139 = arith.constant 80 : i32
      %mul3A_140 = arith.muli %sub3A_138, %mul3A_139 : i32
      %add3A_141 = arith.addi %mul3A_2, %mul3A_140 : i32
      %dma_wait3A_142 = arith.constant 0 : i32
      %dma_wait3A_143 = tpu.memref_slice %arg4[%add3A_141, %dma_wait3A_142] : memref<64000x128xf32, #tpu.memory_space<hbm>> -> memref<80x128xf32, #tpu.memory_space<hbm>>
      %dma_wait3A_144 = arith.constant 0 : i32
      %dma_wait3A_145 = tpu.memref_slice %arg4[%add3A_141, %dma_wait3A_144] : memref<64000x128xf32, #tpu.memory_space<hbm>> -> memref<80x128xf32, #tpu.memory_space<hbm>>
      tpu.wait_dma2 semaphore(%arg16 : memref<!tpu.dma_semaphore, #tpu.memory_space<semaphore_mem>>) src(%arg6 : memref<80x128xf32, #tpu.memory_space<vmem>>) dst(%dma_wait3A_145 : memref<80x128xf32, #tpu.memory_space<hbm>>)
      %add3A_146 = arith.constant 3 : i32
      %add3A_147 = arith.addi %add3A_124, %add3A_146 : i32
      %mul3A_148 = arith.constant 80 : i32
      %mul3A_149 = arith.muli %add3A_147, %mul3A_148 : i32
      %dma_start3A_150 = tpu.memref_slice %arg5[%mul3A_149] : memref<2000xi32, #tpu.memory_space<vmem>> -> memref<80xi32, #tpu.memory_space<vmem>>
      %dma_start3A_151 = arith.constant 0 : i32
      %dma_start3A_152 = arith.constant 0 : i32
      %dma_start3A_153 = tpu.memref_slice %arg2[%dma_start3A_151, %dma_start3A_152] : memref<10000x128xf32, #tpu.memory_space<hbm>> -> memref<10000x128xf32, #tpu.memory_space<hbm>>
      tpu.enqueue_indirect_dma source(%dma_start3A_153 : memref<10000x128xf32, #tpu.memory_space<hbm>>) target(%arg6 : memref<80x128xf32, #tpu.memory_space<vmem>>) offsets(%dma_start3A_150 : memref<80xi32, #tpu.memory_space<vmem>>) semaphore(%arg11 : memref<!tpu.dma_semaphore, #tpu.memory_space<semaphore_mem>>)
      %add3A_154 = arith.constant 1 : i32
      %add3A_155 = arith.addi %add3A_122, %add3A_154 : i32
      %mul3A_156 = arith.constant 80 : i32
      %mul3A_157 = arith.muli %add3A_155, %mul3A_156 : i32
      %dma_wait3A_158 = tpu.memref_slice %arg5[%mul3A_157] : memref<2000xi32, #tpu.memory_space<vmem>> -> memref<80xi32, #tpu.memory_space<vmem>>
      %dma_wait3A_159 = arith.constant 0 : i32
      %dma_wait3A_160 = arith.constant 0 : i32
      %dma_wait3A_161 = tpu.memref_slice %arg2[%dma_wait3A_159, %dma_wait3A_160] : memref<10000x128xf32, #tpu.memory_space<hbm>> -> memref<10000x128xf32, #tpu.memory_space<hbm>>
      tpu.wait_indirect_dma semaphore(%arg14 : memref<!tpu.dma_semaphore, #tpu.memory_space<semaphore_mem>>) src(%dma_wait3A_161 : memref<10000x128xf32, #tpu.memory_space<hbm>>) dst(%arg9 : memref<80x128xf32, #tpu.memory_space<vmem>>)
      %mul3A_162 = arith.constant 80 : i32
      %mul3A_163 = arith.muli %add3A_155, %mul3A_162 : i32
      %add3A_164 = arith.addi %mul3A_2, %mul3A_163 : i32
      %dma_start3A_165 = arith.constant 0 : i32
      %dma_start3A_166 = tpu.memref_slice %arg4[%add3A_164, %dma_start3A_165] : memref<64000x128xf32, #tpu.memory_space<hbm>> -> memref<80x128xf32, #tpu.memory_space<hbm>>
      %dma_start3A_167 = arith.constant 0 : i32
      %dma_start3A_168 = tpu.memref_slice %arg4[%add3A_164, %dma_start3A_167] : memref<64000x128xf32, #tpu.memory_space<hbm>> -> memref<80x128xf32, #tpu.memory_space<hbm>>
      tpu.enqueue_dma source(%arg9 : memref<80x128xf32, #tpu.memory_space<vmem>>) target(%dma_start3A_168 : memref<80x128xf32, #tpu.memory_space<hbm>>) target_semaphore(%arg19 : memref<!tpu.dma_semaphore, #tpu.memory_space<semaphore_mem>>)
      %sub3A_169 = arith.constant 2 : i32
      %sub3A_170 = arith.subi %add3A_155, %sub3A_169 : i32
      %mul3A_171 = arith.constant 80 : i32
      %mul3A_172 = arith.muli %sub3A_170, %mul3A_171 : i32
      %add3A_173 = arith.addi %mul3A_2, %mul3A_172 : i32
      %dma_wait3A_174 = arith.constant 0 : i32
      %dma_wait3A_175 = tpu.memref_slice %arg4[%add3A_173, %dma_wait3A_174] : memref<64000x128xf32, #tpu.memory_space<hbm>> -> memref<80x128xf32, #tpu.memory_space<hbm>>
      %dma_wait3A_176 = arith.constant 0 : i32
      %dma_wait3A_177 = tpu.memref_slice %arg4[%add3A_173, %dma_wait3A_176] : memref<64000x128xf32, #tpu.memory_space<hbm>> -> memref<80x128xf32, #tpu.memory_space<hbm>>
      tpu.wait_dma2 semaphore(%arg17 : memref<!tpu.dma_semaphore, #tpu.memory_space<semaphore_mem>>) src(%arg7 : memref<80x128xf32, #tpu.memory_space<vmem>>) dst(%dma_wait3A_177 : memref<80x128xf32, #tpu.memory_space<hbm>>)
      %add3A_178 = arith.constant 3 : i32
      %add3A_179 = arith.addi %add3A_155, %add3A_178 : i32
      %mul3A_180 = arith.constant 80 : i32
      %mul3A_181 = arith.muli %add3A_179, %mul3A_180 : i32
      %dma_start3A_182 = tpu.memref_slice %arg5[%mul3A_181] : memref<2000xi32, #tpu.memory_space<vmem>> -> memref<80xi32, #tpu.memory_space<vmem>>
      %dma_start3A_183 = arith.constant 0 : i32
      %dma_start3A_184 = arith.constant 0 : i32
      %dma_start3A_185 = tpu.memref_slice %arg2[%dma_start3A_183, %dma_start3A_184] : memref<10000x128xf32, #tpu.memory_space<hbm>> -> memref<10000x128xf32, #tpu.memory_space<hbm>>
      tpu.enqueue_indirect_dma source(%dma_start3A_185 : memref<10000x128xf32, #tpu.memory_space<hbm>>) target(%arg7 : memref<80x128xf32, #tpu.memory_space<vmem>>) offsets(%dma_start3A_182 : memref<80xi32, #tpu.memory_space<vmem>>) semaphore(%arg12 : memref<!tpu.dma_semaphore, #tpu.memory_space<semaphore_mem>>)
      %add3A_186 = arith.constant 2 : i32
      %add3A_187 = arith.addi %add3A_122, %add3A_186 : i32
      %mul3A_188 = arith.constant 80 : i32
      %mul3A_189 = arith.muli %add3A_187, %mul3A_188 : i32
      %dma_wait3A_190 = tpu.memref_slice %arg5[%mul3A_189] : memref<2000xi32, #tpu.memory_space<vmem>> -> memref<80xi32, #tpu.memory_space<vmem>>
      %dma_wait3A_191 = arith.constant 0 : i32
      %dma_wait3A_192 = arith.constant 0 : i32
      %dma_wait3A_193 = tpu.memref_slice %arg2[%dma_wait3A_191, %dma_wait3A_192] : memref<10000x128xf32, #tpu.memory_space<hbm>> -> memref<10000x128xf32, #tpu.memory_space<hbm>>
      tpu.wait_indirect_dma semaphore(%arg15 : memref<!tpu.dma_semaphore, #tpu.memory_space<semaphore_mem>>) src(%dma_wait3A_193 : memref<10000x128xf32, #tpu.memory_space<hbm>>) dst(%arg10 : memref<80x128xf32, #tpu.memory_space<vmem>>)
      %mul3A_194 = arith.constant 80 : i32
      %mul3A_195 = arith.muli %add3A_187, %mul3A_194 : i32
      %add3A_196 = arith.addi %mul3A_2, %mul3A_195 : i32
      %dma_start3A_197 = arith.constant 0 : i32
      %dma_start3A_198 = tpu.memref_slice %arg4[%add3A_196, %dma_start3A_197] : memref<64000x128xf32, #tpu.memory_space<hbm>> -> memref<80x128xf32, #tpu.memory_space<hbm>>
      %dma_start3A_199 = arith.constant 0 : i32
      %dma_start3A_200 = tpu.memref_slice %arg4[%add3A_196, %dma_start3A_199] : memref<64000x128xf32, #tpu.memory_space<hbm>> -> memref<80x128xf32, #tpu.memory_space<hbm>>
      tpu.enqueue_dma source(%arg10 : memref<80x128xf32, #tpu.memory_space<vmem>>) target(%dma_start3A_200 : memref<80x128xf32, #tpu.memory_space<hbm>>) target_semaphore(%arg20 : memref<!tpu.dma_semaphore, #tpu.memory_space<semaphore_mem>>)
      %sub3A_201 = arith.constant 2 : i32
      %sub3A_202 = arith.subi %add3A_187, %sub3A_201 : i32
      %mul3A_203 = arith.constant 80 : i32
      %mul3A_204 = arith.muli %sub3A_202, %mul3A_203 : i32
      %add3A_205 = arith.addi %mul3A_2, %mul3A_204 : i32
      %dma_wait3A_206 = arith.constant 0 : i32
      %dma_wait3A_207 = tpu.memref_slice %arg4[%add3A_205, %dma_wait3A_206] : memref<64000x128xf32, #tpu.memory_space<hbm>> -> memref<80x128xf32, #tpu.memory_space<hbm>>
      %dma_wait3A_208 = arith.constant 0 : i32
      %dma_wait3A_209 = tpu.memref_slice %arg4[%add3A_205, %dma_wait3A_208] : memref<64000x128xf32, #tpu.memory_space<hbm>> -> memref<80x128xf32, #tpu.memory_space<hbm>>
      tpu.wait_dma2 semaphore(%arg18 : memref<!tpu.dma_semaphore, #tpu.memory_space<semaphore_mem>>) src(%arg8 : memref<80x128xf32, #tpu.memory_space<vmem>>) dst(%dma_wait3A_209 : memref<80x128xf32, #tpu.memory_space<hbm>>)
      %add3A_210 = arith.constant 3 : i32
      %add3A_211 = arith.addi %add3A_187, %add3A_210 : i32
      %mul3A_212 = arith.constant 80 : i32
      %mul3A_213 = arith.muli %add3A_211, %mul3A_212 : i32
      %dma_start3A_214 = tpu.memref_slice %arg5[%mul3A_213] : memref<2000xi32, #tpu.memory_space<vmem>> -> memref<80xi32, #tpu.memory_space<vmem>>
      %dma_start3A_215 = arith.constant 0 : i32
      %dma_start3A_216 = arith.constant 0 : i32
      %dma_start3A_217 = tpu.memref_slice %arg2[%dma_start3A_215, %dma_start3A_216] : memref<10000x128xf32, #tpu.memory_space<hbm>> -> memref<10000x128xf32, #tpu.memory_space<hbm>>
      tpu.enqueue_indirect_dma source(%dma_start3A_217 : memref<10000x128xf32, #tpu.memory_space<hbm>>) target(%arg8 : memref<80x128xf32, #tpu.memory_space<vmem>>) offsets(%dma_start3A_214 : memref<80xi32, #tpu.memory_space<vmem>>) semaphore(%arg13 : memref<!tpu.dma_semaphore, #tpu.memory_space<semaphore_mem>>)
      %add3A_218 = arith.constant 3 : i32
      %add3A_219 = arith.addi %add3A_122, %add3A_218 : i32
      %mul3A_220 = arith.constant 80 : i32
      %mul3A_221 = arith.muli %add3A_219, %mul3A_220 : i32
      %dma_wait3A_222 = tpu.memref_slice %arg5[%mul3A_221] : memref<2000xi32, #tpu.memory_space<vmem>> -> memref<80xi32, #tpu.memory_space<vmem>>
      %dma_wait3A_223 = arith.constant 0 : i32
      %dma_wait3A_224 = arith.constant 0 : i32
      %dma_wait3A_225 = tpu.memref_slice %arg2[%dma_wait3A_223, %dma_wait3A_224] : memref<10000x128xf32, #tpu.memory_space<hbm>> -> memref<10000x128xf32, #tpu.memory_space<hbm>>
      tpu.wait_indirect_dma semaphore(%arg11 : memref<!tpu.dma_semaphore, #tpu.memory_space<semaphore_mem>>) src(%dma_wait3A_225 : memref<10000x128xf32, #tpu.memory_space<hbm>>) dst(%arg6 : memref<80x128xf32, #tpu.memory_space<vmem>>)
      %mul3A_226 = arith.constant 80 : i32
      %mul3A_227 = arith.muli %add3A_219, %mul3A_226 : i32
      %add3A_228 = arith.addi %mul3A_2, %mul3A_227 : i32
      %dma_start3A_229 = arith.constant 0 : i32
      %dma_start3A_230 = tpu.memref_slice %arg4[%add3A_228, %dma_start3A_229] : memref<64000x128xf32, #tpu.memory_space<hbm>> -> memref<80x128xf32, #tpu.memory_space<hbm>>
      %dma_start3A_231 = arith.constant 0 : i32
      %dma_start3A_232 = tpu.memref_slice %arg4[%add3A_228, %dma_start3A_231] : memref<64000x128xf32, #tpu.memory_space<hbm>> -> memref<80x128xf32, #tpu.memory_space<hbm>>
      tpu.enqueue_dma source(%arg6 : memref<80x128xf32, #tpu.memory_space<vmem>>) target(%dma_start3A_232 : memref<80x128xf32, #tpu.memory_space<hbm>>) target_semaphore(%arg16 : memref<!tpu.dma_semaphore, #tpu.memory_space<semaphore_mem>>)
      %sub3A_233 = arith.constant 2 : i32
      %sub3A_234 = arith.subi %add3A_219, %sub3A_233 : i32
      %mul3A_235 = arith.constant 80 : i32
      %mul3A_236 = arith.muli %sub3A_234, %mul3A_235 : i32
      %add3A_237 = arith.addi %mul3A_2, %mul3A_236 : i32
      %dma_wait3A_238 = arith.constant 0 : i32
      %dma_wait3A_239 = tpu.memref_slice %arg4[%add3A_237, %dma_wait3A_238] : memref<64000x128xf32, #tpu.memory_space<hbm>> -> memref<80x128xf32, #tpu.memory_space<hbm>>
      %dma_wait3A_240 = arith.constant 0 : i32
      %dma_wait3A_241 = tpu.memref_slice %arg4[%add3A_237, %dma_wait3A_240] : memref<64000x128xf32, #tpu.memory_space<hbm>> -> memref<80x128xf32, #tpu.memory_space<hbm>>
      tpu.wait_dma2 semaphore(%arg19 : memref<!tpu.dma_semaphore, #tpu.memory_space<semaphore_mem>>) src(%arg9 : memref<80x128xf32, #tpu.memory_space<vmem>>) dst(%dma_wait3A_241 : memref<80x128xf32, #tpu.memory_space<hbm>>)
      %add3A_242 = arith.constant 3 : i32
      %add3A_243 = arith.addi %add3A_219, %add3A_242 : i32
      %mul3A_244 = arith.constant 80 : i32
      %mul3A_245 = arith.muli %add3A_243, %mul3A_244 : i32
      %dma_start3A_246 = tpu.memref_slice %arg5[%mul3A_245] : memref<2000xi32, #tpu.memory_space<vmem>> -> memref<80xi32, #tpu.memory_space<vmem>>
      %dma_start3A_247 = arith.constant 0 : i32
      %dma_start3A_248 = arith.constant 0 : i32
      %dma_start3A_249 = tpu.memref_slice %arg2[%dma_start3A_247, %dma_start3A_248] : memref<10000x128xf32, #tpu.memory_space<hbm>> -> memref<10000x128xf32, #tpu.memory_space<hbm>>
      tpu.enqueue_indirect_dma source(%dma_start3A_249 : memref<10000x128xf32, #tpu.memory_space<hbm>>) target(%arg9 : memref<80x128xf32, #tpu.memory_space<vmem>>) offsets(%dma_start3A_246 : memref<80xi32, #tpu.memory_space<vmem>>) semaphore(%arg14 : memref<!tpu.dma_semaphore, #tpu.memory_space<semaphore_mem>>)
      %add3A_250 = arith.constant 4 : i32
      %add3A_251 = arith.addi %add3A_122, %add3A_250 : i32
      %mul3A_252 = arith.constant 80 : i32
      %mul3A_253 = arith.muli %add3A_251, %mul3A_252 : i32
      %dma_wait3A_254 = tpu.memref_slice %arg5[%mul3A_253] : memref<2000xi32, #tpu.memory_space<vmem>> -> memref<80xi32, #tpu.memory_space<vmem>>
      %dma_wait3A_255 = arith.constant 0 : i32
      %dma_wait3A_256 = arith.constant 0 : i32
      %dma_wait3A_257 = tpu.memref_slice %arg2[%dma_wait3A_255, %dma_wait3A_256] : memref<10000x128xf32, #tpu.memory_space<hbm>> -> memref<10000x128xf32, #tpu.memory_space<hbm>>
      tpu.wait_indirect_dma semaphore(%arg12 : memref<!tpu.dma_semaphore, #tpu.memory_space<semaphore_mem>>) src(%dma_wait3A_257 : memref<10000x128xf32, #tpu.memory_space<hbm>>) dst(%arg7 : memref<80x128xf32, #tpu.memory_space<vmem>>)
      %mul3A_258 = arith.constant 80 : i32
      %mul3A_259 = arith.muli %add3A_251, %mul3A_258 : i32
      %add3A_260 = arith.addi %mul3A_2, %mul3A_259 : i32
      %dma_start3A_261 = arith.constant 0 : i32
      %dma_start3A_262 = tpu.memref_slice %arg4[%add3A_260, %dma_start3A_261] : memref<64000x128xf32, #tpu.memory_space<hbm>> -> memref<80x128xf32, #tpu.memory_space<hbm>>
      %dma_start3A_263 = arith.constant 0 : i32
      %dma_start3A_264 = tpu.memref_slice %arg4[%add3A_260, %dma_start3A_263] : memref<64000x128xf32, #tpu.memory_space<hbm>> -> memref<80x128xf32, #tpu.memory_space<hbm>>
      tpu.enqueue_dma source(%arg7 : memref<80x128xf32, #tpu.memory_space<vmem>>) target(%dma_start3A_264 : memref<80x128xf32, #tpu.memory_space<hbm>>) target_semaphore(%arg17 : memref<!tpu.dma_semaphore, #tpu.memory_space<semaphore_mem>>)
      %sub3A_265 = arith.constant 2 : i32
      %sub3A_266 = arith.subi %add3A_251, %sub3A_265 : i32
      %mul3A_267 = arith.constant 80 : i32
      %mul3A_268 = arith.muli %sub3A_266, %mul3A_267 : i32
      %add3A_269 = arith.addi %mul3A_2, %mul3A_268 : i32
      %dma_wait3A_270 = arith.constant 0 : i32
      %dma_wait3A_271 = tpu.memref_slice %arg4[%add3A_269, %dma_wait3A_270] : memref<64000x128xf32, #tpu.memory_space<hbm>> -> memref<80x128xf32, #tpu.memory_space<hbm>>
      %dma_wait3A_272 = arith.constant 0 : i32
      %dma_wait3A_273 = tpu.memref_slice %arg4[%add3A_269, %dma_wait3A_272] : memref<64000x128xf32, #tpu.memory_space<hbm>> -> memref<80x128xf32, #tpu.memory_space<hbm>>
      tpu.wait_dma2 semaphore(%arg20 : memref<!tpu.dma_semaphore, #tpu.memory_space<semaphore_mem>>) src(%arg10 : memref<80x128xf32, #tpu.memory_space<vmem>>) dst(%dma_wait3A_273 : memref<80x128xf32, #tpu.memory_space<hbm>>)
      %add3A_274 = arith.constant 3 : i32
      %add3A_275 = arith.addi %add3A_251, %add3A_274 : i32
      %mul3A_276 = arith.constant 80 : i32
      %mul3A_277 = arith.muli %add3A_275, %mul3A_276 : i32
      %dma_start3A_278 = tpu.memref_slice %arg5[%mul3A_277] : memref<2000xi32, #tpu.memory_space<vmem>> -> memref<80xi32, #tpu.memory_space<vmem>>
      %dma_start3A_279 = arith.constant 0 : i32
      %dma_start3A_280 = arith.constant 0 : i32
      %dma_start3A_281 = tpu.memref_slice %arg2[%dma_start3A_279, %dma_start3A_280] : memref<10000x128xf32, #tpu.memory_space<hbm>> -> memref<10000x128xf32, #tpu.memory_space<hbm>>
      tpu.enqueue_indirect_dma source(%dma_start3A_281 : memref<10000x128xf32, #tpu.memory_space<hbm>>) target(%arg10 : memref<80x128xf32, #tpu.memory_space<vmem>>) offsets(%dma_start3A_278 : memref<80xi32, #tpu.memory_space<vmem>>) semaphore(%arg15 : memref<!tpu.dma_semaphore, #tpu.memory_space<semaphore_mem>>)
    }
    %scan3A_54 = arith.constant 4 : i32
    %dma_wait3A_55 = arith.constant 1760 : i32
    %dma_wait3A_56 = tpu.memref_slice %arg5[%dma_wait3A_55] : memref<2000xi32, #tpu.memory_space<vmem>> -> memref<80xi32, #tpu.memory_space<vmem>>
    %dma_wait3A_57 = arith.constant 0 : i32
    %dma_wait3A_58 = arith.constant 0 : i32
    %dma_wait3A_59 = tpu.memref_slice %arg2[%dma_wait3A_57, %dma_wait3A_58] : memref<10000x128xf32, #tpu.memory_space<hbm>> -> memref<10000x128xf32, #tpu.memory_space<hbm>>
    tpu.wait_indirect_dma semaphore(%arg13 : memref<!tpu.dma_semaphore, #tpu.memory_space<semaphore_mem>>) src(%dma_wait3A_59 : memref<10000x128xf32, #tpu.memory_space<hbm>>) dst(%arg8 : memref<80x128xf32, #tpu.memory_space<vmem>>)
    %add3A_60 = arith.constant 1760 : i32
    %add3A_61 = arith.addi %mul3A_2, %add3A_60 : i32
    %dma_start3A_62 = arith.constant 0 : i32
    %dma_start3A_63 = tpu.memref_slice %arg4[%add3A_61, %dma_start3A_62] : memref<64000x128xf32, #tpu.memory_space<hbm>> -> memref<80x128xf32, #tpu.memory_space<hbm>>
    %dma_start3A_64 = arith.constant 0 : i32
    %dma_start3A_65 = tpu.memref_slice %arg4[%add3A_61, %dma_start3A_64] : memref<64000x128xf32, #tpu.memory_space<hbm>> -> memref<80x128xf32, #tpu.memory_space<hbm>>
    tpu.enqueue_dma source(%arg8 : memref<80x128xf32, #tpu.memory_space<vmem>>) target(%dma_start3A_65 : memref<80x128xf32, #tpu.memory_space<hbm>>) target_semaphore(%arg18 : memref<!tpu.dma_semaphore, #tpu.memory_space<semaphore_mem>>)
    %add3A_66 = arith.constant 1600 : i32
    %add3A_67 = arith.addi %mul3A_2, %add3A_66 : i32
    %dma_wait3A_68 = arith.constant 0 : i32
    %dma_wait3A_69 = tpu.memref_slice %arg4[%add3A_67, %dma_wait3A_68] : memref<64000x128xf32, #tpu.memory_space<hbm>> -> memref<80x128xf32, #tpu.memory_space<hbm>>
    %dma_wait3A_70 = arith.constant 0 : i32
    %dma_wait3A_71 = tpu.memref_slice %arg4[%add3A_67, %dma_wait3A_70] : memref<64000x128xf32, #tpu.memory_space<hbm>> -> memref<80x128xf32, #tpu.memory_space<hbm>>
    tpu.wait_dma2 semaphore(%arg16 : memref<!tpu.dma_semaphore, #tpu.memory_space<semaphore_mem>>) src(%arg6 : memref<80x128xf32, #tpu.memory_space<vmem>>) dst(%dma_wait3A_71 : memref<80x128xf32, #tpu.memory_space<hbm>>)
    %dma_wait3A_72 = arith.constant 1840 : i32
    %dma_wait3A_73 = tpu.memref_slice %arg5[%dma_wait3A_72] : memref<2000xi32, #tpu.memory_space<vmem>> -> memref<80xi32, #tpu.memory_space<vmem>>
    %dma_wait3A_74 = arith.constant 0 : i32
    %dma_wait3A_75 = arith.constant 0 : i32
    %dma_wait3A_76 = tpu.memref_slice %arg2[%dma_wait3A_74, %dma_wait3A_75] : memref<10000x128xf32, #tpu.memory_space<hbm>> -> memref<10000x128xf32, #tpu.memory_space<hbm>>
    tpu.wait_indirect_dma semaphore(%arg14 : memref<!tpu.dma_semaphore, #tpu.memory_space<semaphore_mem>>) src(%dma_wait3A_76 : memref<10000x128xf32, #tpu.memory_space<hbm>>) dst(%arg9 : memref<80x128xf32, #tpu.memory_space<vmem>>)
    %add3A_77 = arith.constant 1840 : i32
    %add3A_78 = arith.addi %mul3A_2, %add3A_77 : i32
    %dma_start3A_79 = arith.constant 0 : i32
    %dma_start3A_80 = tpu.memref_slice %arg4[%add3A_78, %dma_start3A_79] : memref<64000x128xf32, #tpu.memory_space<hbm>> -> memref<80x128xf32, #tpu.memory_space<hbm>>
    %dma_start3A_81 = arith.constant 0 : i32
    %dma_start3A_82 = tpu.memref_slice %arg4[%add3A_78, %dma_start3A_81] : memref<64000x128xf32, #tpu.memory_space<hbm>> -> memref<80x128xf32, #tpu.memory_space<hbm>>
    tpu.enqueue_dma source(%arg9 : memref<80x128xf32, #tpu.memory_space<vmem>>) target(%dma_start3A_82 : memref<80x128xf32, #tpu.memory_space<hbm>>) target_semaphore(%arg19 : memref<!tpu.dma_semaphore, #tpu.memory_space<semaphore_mem>>)
    %add3A_83 = arith.constant 1680 : i32
    %add3A_84 = arith.addi %mul3A_2, %add3A_83 : i32
    %dma_wait3A_85 = arith.constant 0 : i32
    %dma_wait3A_86 = tpu.memref_slice %arg4[%add3A_84, %dma_wait3A_85] : memref<64000x128xf32, #tpu.memory_space<hbm>> -> memref<80x128xf32, #tpu.memory_space<hbm>>
    %dma_wait3A_87 = arith.constant 0 : i32
    %dma_wait3A_88 = tpu.memref_slice %arg4[%add3A_84, %dma_wait3A_87] : memref<64000x128xf32, #tpu.memory_space<hbm>> -> memref<80x128xf32, #tpu.memory_space<hbm>>
    tpu.wait_dma2 semaphore(%arg17 : memref<!tpu.dma_semaphore, #tpu.memory_space<semaphore_mem>>) src(%arg7 : memref<80x128xf32, #tpu.memory_space<vmem>>) dst(%dma_wait3A_88 : memref<80x128xf32, #tpu.memory_space<hbm>>)
    %dma_wait3A_89 = arith.constant 1920 : i32
    %dma_wait3A_90 = tpu.memref_slice %arg5[%dma_wait3A_89] : memref<2000xi32, #tpu.memory_space<vmem>> -> memref<80xi32, #tpu.memory_space<vmem>>
    %dma_wait3A_91 = arith.constant 0 : i32
    %dma_wait3A_92 = arith.constant 0 : i32
    %dma_wait3A_93 = tpu.memref_slice %arg2[%dma_wait3A_91, %dma_wait3A_92] : memref<10000x128xf32, #tpu.memory_space<hbm>> -> memref<10000x128xf32, #tpu.memory_space<hbm>>
    tpu.wait_indirect_dma semaphore(%arg15 : memref<!tpu.dma_semaphore, #tpu.memory_space<semaphore_mem>>) src(%dma_wait3A_93 : memref<10000x128xf32, #tpu.memory_space<hbm>>) dst(%arg10 : memref<80x128xf32, #tpu.memory_space<vmem>>)
    %add3A_94 = arith.constant 1920 : i32
    %add3A_95 = arith.addi %mul3A_2, %add3A_94 : i32
    %dma_start3A_96 = arith.constant 0 : i32
    %dma_start3A_97 = tpu.memref_slice %arg4[%add3A_95, %dma_start3A_96] : memref<64000x128xf32, #tpu.memory_space<hbm>> -> memref<80x128xf32, #tpu.memory_space<hbm>>
    %dma_start3A_98 = arith.constant 0 : i32
    %dma_start3A_99 = tpu.memref_slice %arg4[%add3A_95, %dma_start3A_98] : memref<64000x128xf32, #tpu.memory_space<hbm>> -> memref<80x128xf32, #tpu.memory_space<hbm>>
    tpu.enqueue_dma source(%arg10 : memref<80x128xf32, #tpu.memory_space<vmem>>) target(%dma_start3A_99 : memref<80x128xf32, #tpu.memory_space<hbm>>) target_semaphore(%arg20 : memref<!tpu.dma_semaphore, #tpu.memory_space<semaphore_mem>>)
    %add3A_100 = arith.constant 1760 : i32
    %add3A_101 = arith.addi %mul3A_2, %add3A_100 : i32
    %dma_wait3A_102 = arith.constant 0 : i32
    %dma_wait3A_103 = tpu.memref_slice %arg4[%add3A_101, %dma_wait3A_102] : memref<64000x128xf32, #tpu.memory_space<hbm>> -> memref<80x128xf32, #tpu.memory_space<hbm>>
    %dma_wait3A_104 = arith.constant 0 : i32
    %dma_wait3A_105 = tpu.memref_slice %arg4[%add3A_101, %dma_wait3A_104] : memref<64000x128xf32, #tpu.memory_space<hbm>> -> memref<80x128xf32, #tpu.memory_space<hbm>>
    tpu.wait_dma2 semaphore(%arg18 : memref<!tpu.dma_semaphore, #tpu.memory_space<semaphore_mem>>) src(%arg8 : memref<80x128xf32, #tpu.memory_space<vmem>>) dst(%dma_wait3A_105 : memref<80x128xf32, #tpu.memory_space<hbm>>)
    %add3A_106 = arith.constant 1840 : i32
    %add3A_107 = arith.addi %mul3A_2, %add3A_106 : i32
    %dma_wait3A_108 = arith.constant 0 : i32
    %dma_wait3A_109 = tpu.memref_slice %arg4[%add3A_107, %dma_wait3A_108] : memref<64000x128xf32, #tpu.memory_space<hbm>> -> memref<80x128xf32, #tpu.memory_space<hbm>>
    %dma_wait3A_110 = arith.constant 0 : i32
    %dma_wait3A_111 = tpu.memref_slice %arg4[%add3A_107, %dma_wait3A_110] : memref<64000x128xf32, #tpu.memory_space<hbm>> -> memref<80x128xf32, #tpu.memory_space<hbm>>
    tpu.wait_dma2 semaphore(%arg19 : memref<!tpu.dma_semaphore, #tpu.memory_space<semaphore_mem>>) src(%arg9 : memref<80x128xf32, #tpu.memory_space<vmem>>) dst(%dma_wait3A_111 : memref<80x128xf32, #tpu.memory_space<hbm>>)
    %add3A_112 = arith.constant 1920 : i32
    %add3A_113 = arith.addi %mul3A_2, %add3A_112 : i32
    %dma_wait3A_114 = arith.constant 0 : i32
    %dma_wait3A_115 = tpu.memref_slice %arg4[%add3A_113, %dma_wait3A_114] : memref<64000x128xf32, #tpu.memory_space<hbm>> -> memref<80x128xf32, #tpu.memory_space<hbm>>
    %dma_wait3A_116 = arith.constant 0 : i32
    %dma_wait3A_117 = tpu.memref_slice %arg4[%add3A_113, %dma_wait3A_116] : memref<64000x128xf32, #tpu.memory_space<hbm>> -> memref<80x128xf32, #tpu.memory_space<hbm>>
    tpu.wait_dma2 semaphore(%arg20 : memref<!tpu.dma_semaphore, #tpu.memory_space<semaphore_mem>>) src(%arg10 : memref<80x128xf32, #tpu.memory_space<vmem>>) dst(%dma_wait3A_117 : memref<80x128xf32, #tpu.memory_space<hbm>>)
    return
  }
}

module attributes {stable_mosaic.version = 14 : i64} {
  func.func @body(%arg0: i32, %arg1: memref<6400x1xi32, #tpu.memory_space<vmem>>, %arg2: memref<6400x128xf32, #tpu.memory_space<vmem>>, %arg3: memref<6400x128xf32, #tpu.memory_space<vmem>>, %arg4: memref<256x128xbf16, #tpu.memory_space<vmem>>, %arg5: memref<128x128xbf16, #tpu.memory_space<vmem>>, %arg6: memref<1x128xf32, #tpu.memory_space<vmem>>, %arg7: memref<6400x128xf32, #tpu.memory_space<vmem>>) attributes {dimension_semantics = [#tpu.dimension_semantics<arbitrary>], iteration_bounds = array<i64: 10>, scalar_prefetch = 0 : i64, scratch_operands = 0 : i64, tpu.core_type = #tpu.core_type<tc>, window_params = [{transform_indices = @transform_0, window_bounds = array<i64: 6400, 1>}, {transform_indices = @transform_1, window_bounds = array<i64: 6400, 128>}, {transform_indices = @transform_2, window_bounds = array<i64: 6400, 128>}, {pipeline_mode = #tpu.pipeline_mode<synchronous>, transform_indices = @transform_3, window_bounds = array<i64: 256, 128>}, {pipeline_mode = #tpu.pipeline_mode<synchronous>, transform_indices = @transform_4, window_bounds = array<i64: 128, 128>}, {pipeline_mode = #tpu.pipeline_mode<synchronous>, transform_indices = @transform_5, window_bounds = array<i64: 1, 128>}, {transform_indices = @transform_6, window_bounds = array<i64: 6400, 128>}]} {
    %get3A = arith.constant 0 : index
    %get3A_0 = arith.constant 0 : index
    %get3A_1 = vector.load %arg1[%get3A, %get3A_0] : memref<6400x1xi32, #tpu.memory_space<vmem>>, vector<6400x1xi32>
    %iota3A = tpu.iota {dimensions = array<i32: 1>} : vector<1x256xi32>
    %eq3A = vector.broadcast %get3A_1 : vector<6400x1xi32> to vector<6400x256xi32>
    %eq3A_2 = vector.broadcast %iota3A : vector<1x256xi32> to vector<6400x256xi32>
    %eq3A_3 = arith.cmpi eq, %eq3A, %eq3A_2 : vector<6400x256xi32>
    %convert_element_type3A = arith.extui %eq3A_3 : vector<6400x256xi1> to vector<6400x256xi32>
    %convert_element_type3A_4 = arith.sitofp %convert_element_type3A : vector<6400x256xi32> to vector<6400x256xf32>
    %convert_element_type3A_5 = arith.truncf %convert_element_type3A_4 : vector<6400x256xf32> to vector<6400x256xbf16>
    %get3A_6 = arith.constant 0 : index
    %get3A_7 = arith.constant 0 : index
    %get3A_8 = vector.load %arg4[%get3A_6, %get3A_7] : memref<256x128xbf16, #tpu.memory_space<vmem>>, vector<256x128xbf16>
    %dot_general3A = arith.constant dense<0.000000e+00> : vector<6400x128xf32>
    %dot_general3A_9 = tpu.matmul %convert_element_type3A_5, %get3A_8, %dot_general3A {dimension_numbers = #tpu.dot_dimension_numbers<[1], [0], [0], [1], [0, 0, 1, 1], [], []>, transpose_lhs_hint = false} : vector<6400x256xbf16>, vector<256x128xbf16>, vector<6400x128xf32> -> vector<6400x128xf32>
    %get3A_10 = arith.constant 0 : index
    %get3A_11 = arith.constant 0 : index
    %get3A_12 = vector.load %arg2[%get3A_10, %get3A_11] : memref<6400x128xf32, #tpu.memory_space<vmem>>, vector<6400x128xf32>
    %get3A_13 = arith.constant 0 : index
    %get3A_14 = arith.constant 0 : index
    %get3A_15 = vector.load %arg3[%get3A_13, %get3A_14] : memref<6400x128xf32, #tpu.memory_space<vmem>>, vector<6400x128xf32>
    %add3A = arith.addf %get3A_12, %get3A_15 : vector<6400x128xf32>
    %add3A_16 = arith.addf %add3A, %dot_general3A_9 : vector<6400x128xf32>
    %convert_element_type3A_17 = arith.truncf %add3A_16 : vector<6400x128xf32> to vector<6400x128xbf16>
    %get3A_18 = arith.constant 0 : index
    %get3A_19 = arith.constant 0 : index
    %get3A_20 = vector.load %arg5[%get3A_18, %get3A_19] : memref<128x128xbf16, #tpu.memory_space<vmem>>, vector<128x128xbf16>
    %dot_general3A_21 = arith.constant dense<0.000000e+00> : vector<6400x128xf32>
    %dot_general3A_22 = tpu.matmul %convert_element_type3A_17, %get3A_20, %dot_general3A_21 {dimension_numbers = #tpu.dot_dimension_numbers<[1], [1], [0], [0], [0, 0, 1, 0], [], []>, transpose_lhs_hint = false} : vector<6400x128xbf16>, vector<128x128xbf16>, vector<6400x128xf32> -> vector<6400x128xf32>
    %get3A_23 = arith.constant 0 : index
    %get3A_24 = arith.constant 0 : index
    %get3A_25 = vector.load %arg6[%get3A_23, %get3A_24] : memref<1x128xf32, #tpu.memory_space<vmem>>, vector<1x128xf32>
    %add3A_26 = vector.broadcast %get3A_25 : vector<1x128xf32> to vector<6400x128xf32>
    %add3A_27 = arith.addf %dot_general3A_22, %add3A_26 : vector<6400x128xf32>
    %max3A = arith.constant 0.000000e+00 : f32
    %max3A_28 = vector.broadcast %max3A : f32 to vector<6400x128xf32>
    %max3A_29 = arith.maximumf %add3A_27, %max3A_28 : vector<6400x128xf32>
    %swap3A = arith.constant 0 : index
    %swap3A_30 = arith.constant 0 : index
    %swap3A_31 = vector.load %arg7[%swap3A, %swap3A_30] : memref<6400x128xf32, #tpu.memory_space<vmem>>, vector<6400x128xf32>
    tpu.vector_store %arg7[%swap3A, %swap3A_30], %max3A_29 {strides = array<i32>} : memref<6400x128xf32, #tpu.memory_space<vmem>>, vector<6400x128xf32>,
    return
  }
  func.func @transform_0(%arg0: i32) -> (i32, i32) {
    %add3A = arith.constant 0 : i32
    %add3A_0 = arith.addi %add3A, %arg0 : i32
    %c0_i32 = arith.constant 0 : i32
    %c0_i32_1 = arith.constant 0 : i32
    return %add3A_0, %c0_i32 : i32, i32
  }
  func.func @transform_1(%arg0: i32) -> (i32, i32) {
    %add3A = arith.constant 0 : i32
    %add3A_0 = arith.addi %add3A, %arg0 : i32
    %c0_i32 = arith.constant 0 : i32
    %c0_i32_1 = arith.constant 0 : i32
    return %add3A_0, %c0_i32 : i32, i32
  }
  func.func @transform_2(%arg0: i32) -> (i32, i32) {
    %c0_i32 = arith.constant 0 : i32
    %c0_i32_0 = arith.constant 0 : i32
    return %arg0, %c0_i32 : i32, i32
  }
  func.func @transform_3(%arg0: i32) -> (i32, i32) {
    %c0_i32 = arith.constant 0 : i32
    %c0_i32_0 = arith.constant 0 : i32
    %c0_i32_1 = arith.constant 0 : i32
    return %c0_i32, %c0_i32_0 : i32, i32
  }
  func.func @transform_4(%arg0: i32) -> (i32, i32) {
    %c0_i32 = arith.constant 0 : i32
    %c0_i32_0 = arith.constant 0 : i32
    %c0_i32_1 = arith.constant 0 : i32
    return %c0_i32, %c0_i32_0 : i32, i32
  }
  func.func @transform_5(%arg0: i32) -> (i32, i32) {
    %c0_i32 = arith.constant 0 : i32
    %c0_i32_0 = arith.constant 0 : i32
    %c0_i32_1 = arith.constant 0 : i32
    return %c0_i32, %c0_i32_0 : i32, i32
  }
  func.func @transform_6(%arg0: i32) -> (i32, i32) {
    %add3A = arith.constant 0 : i32
    %add3A_0 = arith.addi %add3A, %arg0 : i32
    %c0_i32 = arith.constant 0 : i32
    %c0_i32_1 = arith.constant 0 : i32
    return %add3A_0, %c0_i32 : i32, i32
  }
}

module attributes {stable_mosaic.version = 14 : i64} {
  func.func @body(%arg0: i32, %arg1: memref<320000x128xf32, #tpu.memory_space<hbm>>, %arg2: memref<6400x1xi32, #tpu.memory_space<vmem>>, %arg3: memref<6400x128xf32, #tpu.memory_space<vmem>>, %arg4: memref<6400x128xf32, #tpu.memory_space<vmem>>, %arg5: memref<256x128xbf16, #tpu.memory_space<vmem>>, %arg6: memref<128x128xbf16, #tpu.memory_space<vmem>>, %arg7: memref<1x128xf32, #tpu.memory_space<vmem>>, %arg8: memref<6400x128xf32, #tpu.memory_space<vmem>>) attributes {dimension_semantics = [#tpu.dimension_semantics<arbitrary>], iteration_bounds = array<i64: 10>, scalar_prefetch = 0 : i64, scratch_operands = 0 : i64, tpu.core_type = #tpu.core_type<tc>, window_params = [{}, {transform_indices = @transform_1, window_bounds = array<i64: 6400, 1>}, {transform_indices = @transform_2, window_bounds = array<i64: 6400, 128>}, {transform_indices = @transform_3, window_bounds = array<i64: 6400, 128>}, {pipeline_mode = #tpu.pipeline_mode<synchronous>, transform_indices = @transform_4, window_bounds = array<i64: 256, 128>}, {pipeline_mode = #tpu.pipeline_mode<synchronous>, transform_indices = @transform_5, window_bounds = array<i64: 128, 128>}, {pipeline_mode = #tpu.pipeline_mode<synchronous>, transform_indices = @transform_6, window_bounds = array<i64: 1, 128>}, {transform_indices = @transform_7, window_bounds = array<i64: 6400, 128>}]} {
    %get3A = arith.constant 0 : index
    %get3A_0 = arith.constant 0 : index
    %get3A_1 = vector.load %arg2[%get3A, %get3A_0] : memref<6400x1xi32, #tpu.memory_space<vmem>>, vector<6400x1xi32>
    %iota3A = tpu.iota {dimensions = array<i32: 1>} : vector<1x256xi32>
    %eq3A = vector.broadcast %get3A_1 : vector<6400x1xi32> to vector<6400x256xi32>
    %eq3A_2 = vector.broadcast %iota3A : vector<1x256xi32> to vector<6400x256xi32>
    %eq3A_3 = arith.cmpi eq, %eq3A, %eq3A_2 : vector<6400x256xi32>
    %convert_element_type3A = arith.extui %eq3A_3 : vector<6400x256xi1> to vector<6400x256xi32>
    %convert_element_type3A_4 = arith.sitofp %convert_element_type3A : vector<6400x256xi32> to vector<6400x256xf32>
    %convert_element_type3A_5 = arith.truncf %convert_element_type3A_4 : vector<6400x256xf32> to vector<6400x256xbf16>
    %get3A_6 = arith.constant 0 : index
    %get3A_7 = arith.constant 0 : index
    %get3A_8 = vector.load %arg5[%get3A_6, %get3A_7] : memref<256x128xbf16, #tpu.memory_space<vmem>>, vector<256x128xbf16>
    %dot_general3A = arith.constant dense<0.000000e+00> : vector<6400x128xf32>
    %dot_general3A_9 = tpu.matmul %convert_element_type3A_5, %get3A_8, %dot_general3A {dimension_numbers = #tpu.dot_dimension_numbers<[1], [0], [0], [1], [0, 0, 1, 1], [], []>, transpose_lhs_hint = false} : vector<6400x256xbf16>, vector<256x128xbf16>, vector<6400x128xf32> -> vector<6400x128xf32>
    %get3A_10 = arith.constant 0 : index
    %get3A_11 = arith.constant 0 : index
    %get3A_12 = vector.load %arg3[%get3A_10, %get3A_11] : memref<6400x128xf32, #tpu.memory_space<vmem>>, vector<6400x128xf32>
    %get3A_13 = arith.constant 0 : index
    %get3A_14 = arith.constant 0 : index
    %get3A_15 = vector.load %arg4[%get3A_13, %get3A_14] : memref<6400x128xf32, #tpu.memory_space<vmem>>, vector<6400x128xf32>
    %add3A = arith.addf %get3A_12, %get3A_15 : vector<6400x128xf32>
    %add3A_16 = arith.addf %add3A, %dot_general3A_9 : vector<6400x128xf32>
    %convert_element_type3A_17 = arith.truncf %add3A_16 : vector<6400x128xf32> to vector<6400x128xbf16>
    %get3A_18 = arith.constant 0 : index
    %get3A_19 = arith.constant 0 : index
    %get3A_20 = vector.load %arg6[%get3A_18, %get3A_19] : memref<128x128xbf16, #tpu.memory_space<vmem>>, vector<128x128xbf16>
    %dot_general3A_21 = arith.constant dense<0.000000e+00> : vector<6400x128xf32>
    %dot_general3A_22 = tpu.matmul %convert_element_type3A_17, %get3A_20, %dot_general3A_21 {dimension_numbers = #tpu.dot_dimension_numbers<[1], [1], [0], [0], [0, 0, 1, 0], [], []>, transpose_lhs_hint = false} : vector<6400x128xbf16>, vector<128x128xbf16>, vector<6400x128xf32> -> vector<6400x128xf32>
    %get3A_23 = arith.constant 0 : index
    %get3A_24 = arith.constant 0 : index
    %get3A_25 = vector.load %arg7[%get3A_23, %get3A_24] : memref<1x128xf32, #tpu.memory_space<vmem>>, vector<1x128xf32>
    %add3A_26 = vector.broadcast %get3A_25 : vector<1x128xf32> to vector<6400x128xf32>
    %add3A_27 = arith.addf %dot_general3A_22, %add3A_26 : vector<6400x128xf32>
    %max3A = arith.constant 0.000000e+00 : f32
    %max3A_28 = vector.broadcast %max3A : f32 to vector<6400x128xf32>
    %max3A_29 = arith.maximumf %add3A_27, %max3A_28 : vector<6400x128xf32>
    %swap3A = arith.constant 0 : index
    %swap3A_30 = arith.constant 0 : index
    %swap3A_31 = vector.load %arg8[%swap3A, %swap3A_30] : memref<6400x128xf32, #tpu.memory_space<vmem>>, vector<6400x128xf32>
    tpu.vector_store %arg8[%swap3A, %swap3A_30], %max3A_29 {strides = array<i32>} : memref<6400x128xf32, #tpu.memory_space<vmem>>, vector<6400x128xf32>,
    return
  }
  func.func @transform_1(%arg0: i32) -> (i32, i32) {
    %add3A = arith.constant 10 : i32
    %add3A_0 = arith.addi %add3A, %arg0 : i32
    %c0_i32 = arith.constant 0 : i32
    %c0_i32_1 = arith.constant 0 : i32
    return %add3A_0, %c0_i32 : i32, i32
  }
  func.func @transform_2(%arg0: i32) -> (i32, i32) {
    %add3A = arith.constant 10 : i32
    %add3A_0 = arith.addi %add3A, %arg0 : i32
    %c0_i32 = arith.constant 0 : i32
    %c0_i32_1 = arith.constant 0 : i32
    return %add3A_0, %c0_i32 : i32, i32
  }
  func.func @transform_3(%arg0: i32) -> (i32, i32) {
    %c0_i32 = arith.constant 0 : i32
    %c0_i32_0 = arith.constant 0 : i32
    return %arg0, %c0_i32 : i32, i32
  }
  func.func @transform_4(%arg0: i32) -> (i32, i32) {
    %c0_i32 = arith.constant 0 : i32
    %c0_i32_0 = arith.constant 0 : i32
    %c0_i32_1 = arith.constant 0 : i32
    return %c0_i32, %c0_i32_0 : i32, i32
  }
  func.func @transform_5(%arg0: i32) -> (i32, i32) {
    %c0_i32 = arith.constant 0 : i32
    %c0_i32_0 = arith.constant 0 : i32
    %c0_i32_1 = arith.constant 0 : i32
    return %c0_i32, %c0_i32_0 : i32, i32
  }
  func.func @transform_6(%arg0: i32) -> (i32, i32) {
    %c0_i32 = arith.constant 0 : i32
    %c0_i32_0 = arith.constant 0 : i32
    %c0_i32_1 = arith.constant 0 : i32
    return %c0_i32, %c0_i32_0 : i32, i32
  }
  func.func @transform_7(%arg0: i32) -> (i32, i32) {
    %add3A = arith.constant 10 : i32
    %add3A_0 = arith.addi %add3A, %arg0 : i32
    %c0_i32 = arith.constant 0 : i32
    %c0_i32_1 = arith.constant 0 : i32
    return %add3A_0, %c0_i32 : i32, i32
  }
}

module attributes {stable_mosaic.version = 14 : i64} {
  func.func @body(%arg0: i32, %arg1: memref<320000x128xf32, #tpu.memory_space<hbm>>, %arg2: memref<6400x1xi32, #tpu.memory_space<vmem>>, %arg3: memref<6400x128xf32, #tpu.memory_space<vmem>>, %arg4: memref<6400x128xf32, #tpu.memory_space<vmem>>, %arg5: memref<256x128xbf16, #tpu.memory_space<vmem>>, %arg6: memref<128x128xbf16, #tpu.memory_space<vmem>>, %arg7: memref<1x128xf32, #tpu.memory_space<vmem>>, %arg8: memref<6400x128xf32, #tpu.memory_space<vmem>>) attributes {dimension_semantics = [#tpu.dimension_semantics<arbitrary>], iteration_bounds = array<i64: 10>, scalar_prefetch = 0 : i64, scratch_operands = 0 : i64, tpu.core_type = #tpu.core_type<tc>, window_params = [{}, {transform_indices = @transform_1, window_bounds = array<i64: 6400, 1>}, {transform_indices = @transform_2, window_bounds = array<i64: 6400, 128>}, {transform_indices = @transform_3, window_bounds = array<i64: 6400, 128>}, {pipeline_mode = #tpu.pipeline_mode<synchronous>, transform_indices = @transform_4, window_bounds = array<i64: 256, 128>}, {pipeline_mode = #tpu.pipeline_mode<synchronous>, transform_indices = @transform_5, window_bounds = array<i64: 128, 128>}, {pipeline_mode = #tpu.pipeline_mode<synchronous>, transform_indices = @transform_6, window_bounds = array<i64: 1, 128>}, {transform_indices = @transform_7, window_bounds = array<i64: 6400, 128>}]} {
    %get3A = arith.constant 0 : index
    %get3A_0 = arith.constant 0 : index
    %get3A_1 = vector.load %arg2[%get3A, %get3A_0] : memref<6400x1xi32, #tpu.memory_space<vmem>>, vector<6400x1xi32>
    %iota3A = tpu.iota {dimensions = array<i32: 1>} : vector<1x256xi32>
    %eq3A = vector.broadcast %get3A_1 : vector<6400x1xi32> to vector<6400x256xi32>
    %eq3A_2 = vector.broadcast %iota3A : vector<1x256xi32> to vector<6400x256xi32>
    %eq3A_3 = arith.cmpi eq, %eq3A, %eq3A_2 : vector<6400x256xi32>
    %convert_element_type3A = arith.extui %eq3A_3 : vector<6400x256xi1> to vector<6400x256xi32>
    %convert_element_type3A_4 = arith.sitofp %convert_element_type3A : vector<6400x256xi32> to vector<6400x256xf32>
    %convert_element_type3A_5 = arith.truncf %convert_element_type3A_4 : vector<6400x256xf32> to vector<6400x256xbf16>
    %get3A_6 = arith.constant 0 : index
    %get3A_7 = arith.constant 0 : index
    %get3A_8 = vector.load %arg5[%get3A_6, %get3A_7] : memref<256x128xbf16, #tpu.memory_space<vmem>>, vector<256x128xbf16>
    %dot_general3A = arith.constant dense<0.000000e+00> : vector<6400x128xf32>
    %dot_general3A_9 = tpu.matmul %convert_element_type3A_5, %get3A_8, %dot_general3A {dimension_numbers = #tpu.dot_dimension_numbers<[1], [0], [0], [1], [0, 0, 1, 1], [], []>, transpose_lhs_hint = false} : vector<6400x256xbf16>, vector<256x128xbf16>, vector<6400x128xf32> -> vector<6400x128xf32>
    %get3A_10 = arith.constant 0 : index
    %get3A_11 = arith.constant 0 : index
    %get3A_12 = vector.load %arg3[%get3A_10, %get3A_11] : memref<6400x128xf32, #tpu.memory_space<vmem>>, vector<6400x128xf32>
    %get3A_13 = arith.constant 0 : index
    %get3A_14 = arith.constant 0 : index
    %get3A_15 = vector.load %arg4[%get3A_13, %get3A_14] : memref<6400x128xf32, #tpu.memory_space<vmem>>, vector<6400x128xf32>
    %add3A = arith.addf %get3A_12, %get3A_15 : vector<6400x128xf32>
    %add3A_16 = arith.addf %add3A, %dot_general3A_9 : vector<6400x128xf32>
    %convert_element_type3A_17 = arith.truncf %add3A_16 : vector<6400x128xf32> to vector<6400x128xbf16>
    %get3A_18 = arith.constant 0 : index
    %get3A_19 = arith.constant 0 : index
    %get3A_20 = vector.load %arg6[%get3A_18, %get3A_19] : memref<128x128xbf16, #tpu.memory_space<vmem>>, vector<128x128xbf16>
    %dot_general3A_21 = arith.constant dense<0.000000e+00> : vector<6400x128xf32>
    %dot_general3A_22 = tpu.matmul %convert_element_type3A_17, %get3A_20, %dot_general3A_21 {dimension_numbers = #tpu.dot_dimension_numbers<[1], [1], [0], [0], [0, 0, 1, 0], [], []>, transpose_lhs_hint = false} : vector<6400x128xbf16>, vector<128x128xbf16>, vector<6400x128xf32> -> vector<6400x128xf32>
    %get3A_23 = arith.constant 0 : index
    %get3A_24 = arith.constant 0 : index
    %get3A_25 = vector.load %arg7[%get3A_23, %get3A_24] : memref<1x128xf32, #tpu.memory_space<vmem>>, vector<1x128xf32>
    %add3A_26 = vector.broadcast %get3A_25 : vector<1x128xf32> to vector<6400x128xf32>
    %add3A_27 = arith.addf %dot_general3A_22, %add3A_26 : vector<6400x128xf32>
    %max3A = arith.constant 0.000000e+00 : f32
    %max3A_28 = vector.broadcast %max3A : f32 to vector<6400x128xf32>
    %max3A_29 = arith.maximumf %add3A_27, %max3A_28 : vector<6400x128xf32>
    %swap3A = arith.constant 0 : index
    %swap3A_30 = arith.constant 0 : index
    %swap3A_31 = vector.load %arg8[%swap3A, %swap3A_30] : memref<6400x128xf32, #tpu.memory_space<vmem>>, vector<6400x128xf32>
    tpu.vector_store %arg8[%swap3A, %swap3A_30], %max3A_29 {strides = array<i32>} : memref<6400x128xf32, #tpu.memory_space<vmem>>, vector<6400x128xf32>,
    return
  }
  func.func @transform_1(%arg0: i32) -> (i32, i32) {
    %add3A = arith.constant 20 : i32
    %add3A_0 = arith.addi %add3A, %arg0 : i32
    %c0_i32 = arith.constant 0 : i32
    %c0_i32_1 = arith.constant 0 : i32
    return %add3A_0, %c0_i32 : i32, i32
  }
  func.func @transform_2(%arg0: i32) -> (i32, i32) {
    %add3A = arith.constant 20 : i32
    %add3A_0 = arith.addi %add3A, %arg0 : i32
    %c0_i32 = arith.constant 0 : i32
    %c0_i32_1 = arith.constant 0 : i32
    return %add3A_0, %c0_i32 : i32, i32
  }
  func.func @transform_3(%arg0: i32) -> (i32, i32) {
    %c0_i32 = arith.constant 0 : i32
    %c0_i32_0 = arith.constant 0 : i32
    return %arg0, %c0_i32 : i32, i32
  }
  func.func @transform_4(%arg0: i32) -> (i32, i32) {
    %c0_i32 = arith.constant 0 : i32
    %c0_i32_0 = arith.constant 0 : i32
    %c0_i32_1 = arith.constant 0 : i32
    return %c0_i32, %c0_i32_0 : i32, i32
  }
  func.func @transform_5(%arg0: i32) -> (i32, i32) {
    %c0_i32 = arith.constant 0 : i32
    %c0_i32_0 = arith.constant 0 : i32
    %c0_i32_1 = arith.constant 0 : i32
    return %c0_i32, %c0_i32_0 : i32, i32
  }
  func.func @transform_6(%arg0: i32) -> (i32, i32) {
    %c0_i32 = arith.constant 0 : i32
    %c0_i32_0 = arith.constant 0 : i32
    %c0_i32_1 = arith.constant 0 : i32
    return %c0_i32, %c0_i32_0 : i32, i32
  }
  func.func @transform_7(%arg0: i32) -> (i32, i32) {
    %add3A = arith.constant 20 : i32
    %add3A_0 = arith.addi %add3A, %arg0 : i32
    %c0_i32 = arith.constant 0 : i32
    %c0_i32_1 = arith.constant 0 : i32
    return %add3A_0, %c0_i32 : i32, i32
  }
}

module attributes {stable_mosaic.version = 14 : i64} {
  func.func @body(%arg0: i32, %arg1: memref<320000x128xf32, #tpu.memory_space<hbm>>, %arg2: memref<6400x1xi32, #tpu.memory_space<vmem>>, %arg3: memref<6400x128xf32, #tpu.memory_space<vmem>>, %arg4: memref<6400x128xf32, #tpu.memory_space<vmem>>, %arg5: memref<256x128xbf16, #tpu.memory_space<vmem>>, %arg6: memref<128x128xbf16, #tpu.memory_space<vmem>>, %arg7: memref<1x128xf32, #tpu.memory_space<vmem>>, %arg8: memref<6400x128xf32, #tpu.memory_space<vmem>>) attributes {dimension_semantics = [#tpu.dimension_semantics<arbitrary>], iteration_bounds = array<i64: 10>, scalar_prefetch = 0 : i64, scratch_operands = 0 : i64, tpu.core_type = #tpu.core_type<tc>, window_params = [{}, {transform_indices = @transform_1, window_bounds = array<i64: 6400, 1>}, {transform_indices = @transform_2, window_bounds = array<i64: 6400, 128>}, {transform_indices = @transform_3, window_bounds = array<i64: 6400, 128>}, {pipeline_mode = #tpu.pipeline_mode<synchronous>, transform_indices = @transform_4, window_bounds = array<i64: 256, 128>}, {pipeline_mode = #tpu.pipeline_mode<synchronous>, transform_indices = @transform_5, window_bounds = array<i64: 128, 128>}, {pipeline_mode = #tpu.pipeline_mode<synchronous>, transform_indices = @transform_6, window_bounds = array<i64: 1, 128>}, {transform_indices = @transform_7, window_bounds = array<i64: 6400, 128>}]} {
    %get3A = arith.constant 0 : index
    %get3A_0 = arith.constant 0 : index
    %get3A_1 = vector.load %arg2[%get3A, %get3A_0] : memref<6400x1xi32, #tpu.memory_space<vmem>>, vector<6400x1xi32>
    %iota3A = tpu.iota {dimensions = array<i32: 1>} : vector<1x256xi32>
    %eq3A = vector.broadcast %get3A_1 : vector<6400x1xi32> to vector<6400x256xi32>
    %eq3A_2 = vector.broadcast %iota3A : vector<1x256xi32> to vector<6400x256xi32>
    %eq3A_3 = arith.cmpi eq, %eq3A, %eq3A_2 : vector<6400x256xi32>
    %convert_element_type3A = arith.extui %eq3A_3 : vector<6400x256xi1> to vector<6400x256xi32>
    %convert_element_type3A_4 = arith.sitofp %convert_element_type3A : vector<6400x256xi32> to vector<6400x256xf32>
    %convert_element_type3A_5 = arith.truncf %convert_element_type3A_4 : vector<6400x256xf32> to vector<6400x256xbf16>
    %get3A_6 = arith.constant 0 : index
    %get3A_7 = arith.constant 0 : index
    %get3A_8 = vector.load %arg5[%get3A_6, %get3A_7] : memref<256x128xbf16, #tpu.memory_space<vmem>>, vector<256x128xbf16>
    %dot_general3A = arith.constant dense<0.000000e+00> : vector<6400x128xf32>
    %dot_general3A_9 = tpu.matmul %convert_element_type3A_5, %get3A_8, %dot_general3A {dimension_numbers = #tpu.dot_dimension_numbers<[1], [0], [0], [1], [0, 0, 1, 1], [], []>, transpose_lhs_hint = false} : vector<6400x256xbf16>, vector<256x128xbf16>, vector<6400x128xf32> -> vector<6400x128xf32>
    %get3A_10 = arith.constant 0 : index
    %get3A_11 = arith.constant 0 : index
    %get3A_12 = vector.load %arg3[%get3A_10, %get3A_11] : memref<6400x128xf32, #tpu.memory_space<vmem>>, vector<6400x128xf32>
    %get3A_13 = arith.constant 0 : index
    %get3A_14 = arith.constant 0 : index
    %get3A_15 = vector.load %arg4[%get3A_13, %get3A_14] : memref<6400x128xf32, #tpu.memory_space<vmem>>, vector<6400x128xf32>
    %add3A = arith.addf %get3A_12, %get3A_15 : vector<6400x128xf32>
    %add3A_16 = arith.addf %add3A, %dot_general3A_9 : vector<6400x128xf32>
    %convert_element_type3A_17 = arith.truncf %add3A_16 : vector<6400x128xf32> to vector<6400x128xbf16>
    %get3A_18 = arith.constant 0 : index
    %get3A_19 = arith.constant 0 : index
    %get3A_20 = vector.load %arg6[%get3A_18, %get3A_19] : memref<128x128xbf16, #tpu.memory_space<vmem>>, vector<128x128xbf16>
    %dot_general3A_21 = arith.constant dense<0.000000e+00> : vector<6400x128xf32>
    %dot_general3A_22 = tpu.matmul %convert_element_type3A_17, %get3A_20, %dot_general3A_21 {dimension_numbers = #tpu.dot_dimension_numbers<[1], [1], [0], [0], [0, 0, 1, 0], [], []>, transpose_lhs_hint = false} : vector<6400x128xbf16>, vector<128x128xbf16>, vector<6400x128xf32> -> vector<6400x128xf32>
    %get3A_23 = arith.constant 0 : index
    %get3A_24 = arith.constant 0 : index
    %get3A_25 = vector.load %arg7[%get3A_23, %get3A_24] : memref<1x128xf32, #tpu.memory_space<vmem>>, vector<1x128xf32>
    %add3A_26 = vector.broadcast %get3A_25 : vector<1x128xf32> to vector<6400x128xf32>
    %add3A_27 = arith.addf %dot_general3A_22, %add3A_26 : vector<6400x128xf32>
    %max3A = arith.constant 0.000000e+00 : f32
    %max3A_28 = vector.broadcast %max3A : f32 to vector<6400x128xf32>
    %max3A_29 = arith.maximumf %add3A_27, %max3A_28 : vector<6400x128xf32>
    %swap3A = arith.constant 0 : index
    %swap3A_30 = arith.constant 0 : index
    %swap3A_31 = vector.load %arg8[%swap3A, %swap3A_30] : memref<6400x128xf32, #tpu.memory_space<vmem>>, vector<6400x128xf32>
    tpu.vector_store %arg8[%swap3A, %swap3A_30], %max3A_29 {strides = array<i32>} : memref<6400x128xf32, #tpu.memory_space<vmem>>, vector<6400x128xf32>,
    return
  }
  func.func @transform_1(%arg0: i32) -> (i32, i32) {
    %add3A = arith.constant 30 : i32
    %add3A_0 = arith.addi %add3A, %arg0 : i32
    %c0_i32 = arith.constant 0 : i32
    %c0_i32_1 = arith.constant 0 : i32
    return %add3A_0, %c0_i32 : i32, i32
  }
  func.func @transform_2(%arg0: i32) -> (i32, i32) {
    %add3A = arith.constant 30 : i32
    %add3A_0 = arith.addi %add3A, %arg0 : i32
    %c0_i32 = arith.constant 0 : i32
    %c0_i32_1 = arith.constant 0 : i32
    return %add3A_0, %c0_i32 : i32, i32
  }
  func.func @transform_3(%arg0: i32) -> (i32, i32) {
    %c0_i32 = arith.constant 0 : i32
    %c0_i32_0 = arith.constant 0 : i32
    return %arg0, %c0_i32 : i32, i32
  }
  func.func @transform_4(%arg0: i32) -> (i32, i32) {
    %c0_i32 = arith.constant 0 : i32
    %c0_i32_0 = arith.constant 0 : i32
    %c0_i32_1 = arith.constant 0 : i32
    return %c0_i32, %c0_i32_0 : i32, i32
  }
  func.func @transform_5(%arg0: i32) -> (i32, i32) {
    %c0_i32 = arith.constant 0 : i32
    %c0_i32_0 = arith.constant 0 : i32
    %c0_i32_1 = arith.constant 0 : i32
    return %c0_i32, %c0_i32_0 : i32, i32
  }
  func.func @transform_6(%arg0: i32) -> (i32, i32) {
    %c0_i32 = arith.constant 0 : i32
    %c0_i32_0 = arith.constant 0 : i32
    %c0_i32_1 = arith.constant 0 : i32
    return %c0_i32, %c0_i32_0 : i32, i32
  }
  func.func @transform_7(%arg0: i32) -> (i32, i32) {
    %add3A = arith.constant 30 : i32
    %add3A_0 = arith.addi %add3A, %arg0 : i32
    %c0_i32 = arith.constant 0 : i32
    %c0_i32_1 = arith.constant 0 : i32
    return %add3A_0, %c0_i32 : i32, i32
  }
}

module attributes {stable_mosaic.version = 14 : i64} {
  func.func @body(%arg0: i32, %arg1: memref<320000x128xf32, #tpu.memory_space<hbm>>, %arg2: memref<6400x1xi32, #tpu.memory_space<vmem>>, %arg3: memref<6400x128xf32, #tpu.memory_space<vmem>>, %arg4: memref<6400x128xf32, #tpu.memory_space<vmem>>, %arg5: memref<256x128xbf16, #tpu.memory_space<vmem>>, %arg6: memref<128x128xbf16, #tpu.memory_space<vmem>>, %arg7: memref<1x128xf32, #tpu.memory_space<vmem>>, %arg8: memref<6400x128xf32, #tpu.memory_space<vmem>>) attributes {dimension_semantics = [#tpu.dimension_semantics<arbitrary>], iteration_bounds = array<i64: 10>, scalar_prefetch = 0 : i64, scratch_operands = 0 : i64, tpu.core_type = #tpu.core_type<tc>, window_params = [{}, {transform_indices = @transform_1, window_bounds = array<i64: 6400, 1>}, {transform_indices = @transform_2, window_bounds = array<i64: 6400, 128>}, {transform_indices = @transform_3, window_bounds = array<i64: 6400, 128>}, {pipeline_mode = #tpu.pipeline_mode<synchronous>, transform_indices = @transform_4, window_bounds = array<i64: 256, 128>}, {pipeline_mode = #tpu.pipeline_mode<synchronous>, transform_indices = @transform_5, window_bounds = array<i64: 128, 128>}, {pipeline_mode = #tpu.pipeline_mode<synchronous>, transform_indices = @transform_6, window_bounds = array<i64: 1, 128>}, {transform_indices = @transform_7, window_bounds = array<i64: 6400, 128>}]} {
    %get3A = arith.constant 0 : index
    %get3A_0 = arith.constant 0 : index
    %get3A_1 = vector.load %arg2[%get3A, %get3A_0] : memref<6400x1xi32, #tpu.memory_space<vmem>>, vector<6400x1xi32>
    %iota3A = tpu.iota {dimensions = array<i32: 1>} : vector<1x256xi32>
    %eq3A = vector.broadcast %get3A_1 : vector<6400x1xi32> to vector<6400x256xi32>
    %eq3A_2 = vector.broadcast %iota3A : vector<1x256xi32> to vector<6400x256xi32>
    %eq3A_3 = arith.cmpi eq, %eq3A, %eq3A_2 : vector<6400x256xi32>
    %convert_element_type3A = arith.extui %eq3A_3 : vector<6400x256xi1> to vector<6400x256xi32>
    %convert_element_type3A_4 = arith.sitofp %convert_element_type3A : vector<6400x256xi32> to vector<6400x256xf32>
    %convert_element_type3A_5 = arith.truncf %convert_element_type3A_4 : vector<6400x256xf32> to vector<6400x256xbf16>
    %get3A_6 = arith.constant 0 : index
    %get3A_7 = arith.constant 0 : index
    %get3A_8 = vector.load %arg5[%get3A_6, %get3A_7] : memref<256x128xbf16, #tpu.memory_space<vmem>>, vector<256x128xbf16>
    %dot_general3A = arith.constant dense<0.000000e+00> : vector<6400x128xf32>
    %dot_general3A_9 = tpu.matmul %convert_element_type3A_5, %get3A_8, %dot_general3A {dimension_numbers = #tpu.dot_dimension_numbers<[1], [0], [0], [1], [0, 0, 1, 1], [], []>, transpose_lhs_hint = false} : vector<6400x256xbf16>, vector<256x128xbf16>, vector<6400x128xf32> -> vector<6400x128xf32>
    %get3A_10 = arith.constant 0 : index
    %get3A_11 = arith.constant 0 : index
    %get3A_12 = vector.load %arg3[%get3A_10, %get3A_11] : memref<6400x128xf32, #tpu.memory_space<vmem>>, vector<6400x128xf32>
    %get3A_13 = arith.constant 0 : index
    %get3A_14 = arith.constant 0 : index
    %get3A_15 = vector.load %arg4[%get3A_13, %get3A_14] : memref<6400x128xf32, #tpu.memory_space<vmem>>, vector<6400x128xf32>
    %add3A = arith.addf %get3A_12, %get3A_15 : vector<6400x128xf32>
    %add3A_16 = arith.addf %add3A, %dot_general3A_9 : vector<6400x128xf32>
    %convert_element_type3A_17 = arith.truncf %add3A_16 : vector<6400x128xf32> to vector<6400x128xbf16>
    %get3A_18 = arith.constant 0 : index
    %get3A_19 = arith.constant 0 : index
    %get3A_20 = vector.load %arg6[%get3A_18, %get3A_19] : memref<128x128xbf16, #tpu.memory_space<vmem>>, vector<128x128xbf16>
    %dot_general3A_21 = arith.constant dense<0.000000e+00> : vector<6400x128xf32>
    %dot_general3A_22 = tpu.matmul %convert_element_type3A_17, %get3A_20, %dot_general3A_21 {dimension_numbers = #tpu.dot_dimension_numbers<[1], [1], [0], [0], [0, 0, 1, 0], [], []>, transpose_lhs_hint = false} : vector<6400x128xbf16>, vector<128x128xbf16>, vector<6400x128xf32> -> vector<6400x128xf32>
    %get3A_23 = arith.constant 0 : index
    %get3A_24 = arith.constant 0 : index
    %get3A_25 = vector.load %arg7[%get3A_23, %get3A_24] : memref<1x128xf32, #tpu.memory_space<vmem>>, vector<1x128xf32>
    %add3A_26 = vector.broadcast %get3A_25 : vector<1x128xf32> to vector<6400x128xf32>
    %add3A_27 = arith.addf %dot_general3A_22, %add3A_26 : vector<6400x128xf32>
    %max3A = arith.constant 0.000000e+00 : f32
    %max3A_28 = vector.broadcast %max3A : f32 to vector<6400x128xf32>
    %max3A_29 = arith.maximumf %add3A_27, %max3A_28 : vector<6400x128xf32>
    %swap3A = arith.constant 0 : index
    %swap3A_30 = arith.constant 0 : index
    %swap3A_31 = vector.load %arg8[%swap3A, %swap3A_30] : memref<6400x128xf32, #tpu.memory_space<vmem>>, vector<6400x128xf32>
    tpu.vector_store %arg8[%swap3A, %swap3A_30], %max3A_29 {strides = array<i32>} : memref<6400x128xf32, #tpu.memory_space<vmem>>, vector<6400x128xf32>,
    return
  }
  func.func @transform_1(%arg0: i32) -> (i32, i32) {
    %add3A = arith.constant 40 : i32
    %add3A_0 = arith.addi %add3A, %arg0 : i32
    %c0_i32 = arith.constant 0 : i32
    %c0_i32_1 = arith.constant 0 : i32
    return %add3A_0, %c0_i32 : i32, i32
  }
  func.func @transform_2(%arg0: i32) -> (i32, i32) {
    %add3A = arith.constant 40 : i32
    %add3A_0 = arith.addi %add3A, %arg0 : i32
    %c0_i32 = arith.constant 0 : i32
    %c0_i32_1 = arith.constant 0 : i32
    return %add3A_0, %c0_i32 : i32, i32
  }
  func.func @transform_3(%arg0: i32) -> (i32, i32) {
    %c0_i32 = arith.constant 0 : i32
    %c0_i32_0 = arith.constant 0 : i32
    return %arg0, %c0_i32 : i32, i32
  }
  func.func @transform_4(%arg0: i32) -> (i32, i32) {
    %c0_i32 = arith.constant 0 : i32
    %c0_i32_0 = arith.constant 0 : i32
    %c0_i32_1 = arith.constant 0 : i32
    return %c0_i32, %c0_i32_0 : i32, i32
  }
  func.func @transform_5(%arg0: i32) -> (i32, i32) {
    %c0_i32 = arith.constant 0 : i32
    %c0_i32_0 = arith.constant 0 : i32
    %c0_i32_1 = arith.constant 0 : i32
    return %c0_i32, %c0_i32_0 : i32, i32
  }
  func.func @transform_6(%arg0: i32) -> (i32, i32) {
    %c0_i32 = arith.constant 0 : i32
    %c0_i32_0 = arith.constant 0 : i32
    %c0_i32_1 = arith.constant 0 : i32
    return %c0_i32, %c0_i32_0 : i32, i32
  }
  func.func @transform_7(%arg0: i32) -> (i32, i32) {
    %add3A = arith.constant 40 : i32
    %add3A_0 = arith.addi %add3A, %arg0 : i32
    %c0_i32 = arith.constant 0 : i32
    %c0_i32_1 = arith.constant 0 : i32
    return %add3A_0, %c0_i32 : i32, i32
  }
}

</mosaic_0001>

<sc_bundles>
// kernel: kernel.12.cloned.1.call-start
scs
__scs_entry_jumppad:
0x0: {  	(pc) =	sbr.rel $0x88, $3  }
0x1: {  	(tag) =	ssettag $0x0;
	lr =	simm.s32 $0x1  }
0x2: {  	[smem:$0x3F9A] =	sst lr;
	_ =	strace $0xD0000000  }
0x3: {  	_ = 	snop  }
0x4: {  	_ = 	snop  }
0x5: {  	_ = 	snop  }
0x6: {  	_ = 	snop  }
0x7: {  	_ = 	snop  }
__scs_overlays_trampoline_lowered:
0x8: {  	[smem:$0x3FA9] =	sst s0  }
0x9: {  	[smem:$0x3FAA] =	sst s1  }
0xa: {  	[smem:$0x3FAB] =	sst s2  }
0xb: {  	[smem:$0x3FAC] =	sst s3  }
0xc: {  	[smem:$0x3FAD] =	sst s4  }
0xd: {  	[smem:$0x3FAE] =	sst s5  }
0xe: {  	[smem:$0x3FAF] =	sst s6  }
0xf: {  	[smem:$0x3FB0] =	sst s7  }
0x10: {  	[smem:$0x3FB1] =	sst s8  }
0x11: {  	[smem:$0x3FB2] =	sst s9;
	s0 =	simm.s32 @!p0 $0x0  }
0x12: {  	s1 =	sld [smem:$0x3F98];
	s0 =	simm.s32 @p0 $0x1  }
0x13: {  	[smem:$0x3FB3] =	sst s0;
	s0 =	simm.s32 @!p1 $0x0  }
0x14: {  	s2 =	sld [smem:$0x3F97];
	s0 =	simm.s32 @p1 $0x1  }
0x15: {  	[smem:$0x3FB4] =	sst s0;
	s0 =	simm.s32 @!p2 $0x0  }
0x16: {  	s3 =	sld [smem:$0x3FDB];
	s0 =	simm.s32 @p2 $0x1  }
0x17: {  	s4 =	simm.s32 $0x1BF5;
	[smem:$0x3FB6] =	sst s0  }
0x18: {  	s0 =	sld [smem:$0x3F99];
	_ =	swait.ge [sflag:s4], $0x0  }
0x19: {  	s7 =	sld [smem:$0x3F9A]  }
0x1a: {  	s8 =	sadd.s32 $0xFFFFE003, lr  }
0x1b: {  	s9 =	sadd.s32 $0xFFFFFEF7, lr;
	s5 =	simm.s32 $0xFFFFFFFF;
	p2 =	slt.u32 s8, $0xFFFFF086  }
0x1c: {  	p1 =	slt.u32 s9, $0xF7A;
	s5 =	simm.s32 @!p2 $0x0  }
0x1d: {  	s5 =	simm.s32 @p1 $0x1;
	p0 =	seq.s32 s7, s2  }
0x1e: {  	s7 =	smul.u32 @!p0 $0xF7A, s2;
	p2 =	seq.s32 @!p0 s5, $0x0  }
0x1f: {  	s9 =	smul.u32 $0xF7A, s1;
	s8 =	simm.s32 @!p0 $0x1BF5;
	p2 =	por !p2, p0  }
0x20: {  	[sflag:s8] =	ssyncset.s32 @!p0 $0xFFFFF086;
	s6 =	sadd.s32 @!p0 s3, s7;
	s7 =	simm.s32 @!p0 $0x108  }
0x21: {  	s3 =	sadd.s32 s3, s9;
	s6 =	sadd.s32 @!p0 $0x88, s6;
	s7 =	simm.s32 @p2 $0x1082  }
0x22: {  	[simem:s7], [sflag:s8] =	dma.local @!p0 [hbm:s6], $0xF7A  }
0x23: {  	s9 =	sor.u32 $0xD0000000, s2;
	s6 =	simm.s32 $0x108;
	_ =	swait.ge @!p0 [sflag:s8], $0x0  }
0x24: {  	s3 =	sadd.s32 $0x88, s3;
	s6 =	simm.s32 @!p1 $0x1082;
	[sflag:s4] =	ssyncset.s32 $0xFFFFF086  }
0x25: {  	[simem:s6], [sflag:s4] =	dma.local [hbm:s3], $0xF7A  }
0x26: {  	[smem:$0x3F9A] =	sst s1;
	(tag) =	ssettag s2;
	_ =	strace s9  }
0x27: {  	s1 =	sld [smem:$0x3FAA]  }
0x28: {  	s2 =	sld [smem:$0x3FAB]  }
0x29: {  	s4 =	sld [smem:$0x3FAD]  }
0x2a: {  	p0 =	seq.s32 s5, $0x0;
	s5 =	sld [smem:$0x3FAE]  }
0x2b: {  	s6 =	sld [smem:$0x3FAF]  }
0x2c: {  	s7 =	sld [smem:$0x3FB0]  }
0x2d: {  	s3 =	simm.s32 $0x108;
	s8 =	sld [smem:$0x3FB1]  }
0x2e: {  	s3 =	simm.s32 @!p0 $0x1082;
	s9 =	sld [smem:$0x3FB2]  }
0x2f: {  	lr =	sadd.s32 s0, s3;
	s0 =	sld [smem:$0x3FA9]  }
0x30: {  	s3 =	sld [smem:$0x3FAC]  }
0x31: {  	[smem:$0x3FB5] =	sst s10  }
0x32: {  	s10 =	sld [smem:$0x3FB3];
	_ =	sdelay $0x3  }
0x33: {  	p0 =	seq.s32 s10, $0x1;
	s10 =	sld [smem:$0x3FB5];
	_ =	sdelay $0x3  }
0x34: {  	[smem:$0x3FB5] =	sst s10  }
0x35: {  	s10 =	sld [smem:$0x3FB4];
	_ =	sdelay $0x3  }
0x36: {  	p1 =	seq.s32 s10, $0x1;
	s10 =	sld [smem:$0x3FB5];
	_ =	sdelay $0x3  }
0x37: {  	[smem:$0x3FB5] =	sst s10  }
0x38: {  	s10 =	sld [smem:$0x3FB6]  }
0x39: {  	_ = 	snop;
	(pc) =	sbr.ind lr, $3  }
0x3a: {  	_ = 	snop  }
0x3b: {  	_ = 	snop  }
0x3c: {  	p2 =	seq.s32 s10, $0x1;
	s10 =	sld [smem:$0x3FB5]  }
0x3d: {  	_ =	shalt  }
0x3e: {  	_ =	shalt  }
0x3f: {  	_ =	shalt  }
0x40: {  	_ =	shalt  }
0x41: {  	_ =	shalt  }
0x42: {  	_ =	shalt  }
0x43: {  	_ =	shalt  }
0x44: {  	_ =	shalt  }
0x45: {  	_ =	shalt  }
0x46: {  	_ =	shalt  }
0x47: {  	_ =	shalt  }
0x48: {  	_ =	shalt  }
0x49: {  	_ =	shalt  }
0x4a: {  	_ =	shalt  }
0x4b: {  	_ =	shalt  }
0x4c: {  	_ =	shalt  }
0x4d: {  	_ =	shalt  }
0x4e: {  	_ =	shalt  }
0x4f: {  	_ =	shalt  }
0x50: {  	_ =	shalt  }
0x51: {  	_ =	shalt  }
0x52: {  	_ =	shalt  }
0x53: {  	_ =	shalt  }
0x54: {  	_ =	shalt  }
0x55: {  	_ =	shalt  }
0x56: {  	_ =	shalt  }
0x57: {  	_ =	shalt  }
0x58: {  	_ =	shalt  }
0x59: {  	_ =	shalt  }
0x5a: {  	_ =	shalt  }
0x5b: {  	_ =	shalt  }
0x5c: {  	_ =	shalt  }
0x5d: {  	_ =	shalt  }
0x5e: {  	_ =	shalt  }
0x5f: {  	_ =	shalt  }
0x60: {  	_ =	shalt  }
0x61: {  	_ =	shalt  }
0x62: {  	_ =	shalt  }
0x63: {  	_ =	shalt  }
0x64: {  	_ =	shalt  }
0x65: {  	_ =	shalt  }
0x66: {  	_ =	shalt  }
0x67: {  	_ =	shalt  }
0x68: {  	_ =	shalt  }
0x69: {  	_ =	shalt  }
0x6a: {  	_ =	shalt  }
0x6b: {  	_ =	shalt  }
0x6c: {  	_ =	shalt  }
0x6d: {  	_ =	shalt  }
0x6e: {  	_ =	shalt  }
0x6f: {  	_ =	shalt  }
0x70: {  	_ =	shalt  }
0x71: {  	_ =	shalt  }
0x72: {  	_ =	shalt  }
0x73: {  	_ =	shalt  }
0x74: {  	_ =	shalt  }
0x75: {  	_ =	shalt  }
0x76: {  	_ =	shalt  }
0x77: {  	_ =	shalt  }
0x78: {  	_ =	shalt  }
0x79: {  	_ =	shalt  }
0x7a: {  	_ =	shalt  }
0x7b: {  	_ =	shalt  }
0x7c: {  	_ =	shalt  }
0x7d: {  	_ =	shalt  }
0x7e: {  	_ =	shalt  }
0x7f: {  	_ =	shalt  }
0x80: {  	_ =	shalt  }
0x81: {  	_ =	shalt  }
0x82: {  	_ =	shalt  }
0x83: {  	_ =	shalt  }
0x84: {  	_ =	shalt  }
0x85: {  	_ =	shalt  }
0x86: {  	_ =	shalt  }
0x87: {  	_ =	shalt  }
.Lfunc_end0:
.L_simem_size_0:
called_computation_lowered:
.L_overlay_start_0:
0x88: {  	s2 =	sld [smem:$0x3FD9]  }
0x89: {  	s3 =	sld [smem:$0x3FFE];
	_ =	sdelay $0x1  }
0x8a: {  	s1 =	srdreg.scid  }
0x8b: {  	s0 =	sand.u32 $0x1, s1  }
0x8c: {  	s17 =	sshll.u32 s0, $0xA;
	s2 =	sadd.s32 s3, s2  }
0x8d: {  	s2 =	sadd.s32 s2, s17  }
0x8e: {  	[smem:$0x3FC1] =	sst s2  }
0x8f: {  	_ = 	snop  }
0x90: {  	s2 =	sld [smem:$0x3FC9]  }
0x91: {  	s18 =	sld [smem:$0x3FC8];
	(tm) =	ssettm $0x1  }
0x92: {  	s4 =	sld [smem:$0x3FFB];
	_ =	sdelay $0x3  }
0x93: {  	_ =	strace s4  }
0x94: {  	s4 =	sld [smem:$0x3FFC];
	_ =	sdelay $0x3  }
0x95: {  	_ =	strace s4  }
0x96: {  	s4 =	sld [smem:$0x3FFD];
	_ =	sdelay $0x3  }
0x97: {  	_ =	strace s4  }
0x98: {  	_ =	strace $0x8FFFFFFF  }
0x99: {  	s19 =	sld [smem:$0x3FDB];
	_ =	sdelay $0x1  }
0x9a: {  	s5 =	simm.s32 $_scs_section_size  }
0x9b: {  	s6 =	simm.s32 $_size__tile_overlayer_lowered;
	s7 =	simm.s32 $_tile_overlayer_lowered  }
0x9c: {  	s22 =	simm.s32 $0x1BFF;
	s21 =	sshll.u32 s7, $0x1;
	s4 =	sadd.s32 s5, s19  }
0x9d: {  	s8 =	simm.s32 $0x0;
	s20 =	sshll.u32 s6, $0x1;
	s6 =	sadd.s32 s21, s4  }
0x9e: {  	[timem:s8], [sflag:s22] =	dma.local [hbm:s6], s20  }
0x9f: {  	_ =	swait.ge [sflag:s22], s20  }
0xa0: {  	s5 =	ssub.s32 $0x0, s20;
	[sflag:s22] =	ssyncset.done $0x0  }
0xa1: {  	[sflag:s22] =	ssyncadd.s32 s5;
	_ =	sdelay $0x1  }
0xa2: {  	s23 =	simm.s32 $0x1B8B  }
0xa3: {  	_ =	swait.ge [sflag:s23], $0x1  }
0xa4: {  	[sflag:s23] =	ssyncset.done $0x0  }
0xa5: {  	s25 =	simm.s32 $0x1B8E;
	s24 =	sld [smem:$0x3FFE];
	[sflag:s23] =	ssyncadd.s32 $0xFFFFFFFF  }
0xa6: {  	s26 =	simm.s32 $execute0_lowered;
	[smem:$0x3FD2] =	sst s25  }
0xa7: {  	s6 =	sshll.u32 s26, $0x1;
	_ =	strace $0x80000046;
	[dreg:$0x1] =	wrdreg $0xFFFFFFFF  }
0xa8: {  	s28 =	simm.s32 $_size_execute0_lowered;
	s4 =	sadd.s32 s4, s6;
	[dreg:$0x0] =	wrdreg $0x0  }
0xa9: {  	s6 =	sshll.u32 s28, $0x1;
	[dreg:$0x2] =	wrdreg s4  }
0xaa: {  	[dreg:$0x3] =	wrdreg s6  }
0xab: {  	[dreg:$0x4] =	wrdreg $0xC0  }
0xac: {  	_ =	task [dreg:s8], $0x5FFFF  }
0xad: {  	[dreg:$0x1] =	wrdreg $0xFFFFFFFF  }
0xae: {  	[dreg:$0x0] =	wrdreg $0x60  }
0xaf: {  	[dreg:$0x2] =	wrdreg s2  }
0xb0: {  	[dreg:$0x3] =	wrdreg s18  }
0xb1: {  	[dreg:$0x4] =	wrdreg s24  }
0xb2: {  	[dreg:$0x5] =	wrdreg $0x9  }
0xb3: {  	_ =	task.clear_ibuf [dreg:s8], $0x6FFFF;
	_ =	strace $0x90000046  }
0xb4: {  	s29 =	simm.s32 $0x9;
	_ =	strace $0x80000048  }
0xb5: {  	_ =	swait.ge [sflag:s29], $0x1  }
0xb6: {  	[sflag:s29] =	ssyncadd.s32 $0xFFFFFFFF  }
0xb7: {  	_ =	strace $0x90000048  }
0xb8: {  	_ =	sfence  }
0xb9: {  	s30 =	sld [smem:$0x0];
	_ =	sdelay $0x2  }
0xba: {  	s31 =	sshll.u32 s1, $0xD;
	s1 =	sshrl.u32 s1, $0x2  }
0xbb: {  	s3 =	sand.u32 $0x4000, s31;
	s1 =	sadd.s32 s1, s30  }
0xbc: {  	s0 =	sor.u32 s3, s0;
	s1 =	sshll.u32 s1, $0x11  }
0xbd: {  	s0 =	sor.u32 s1, s0  }
0xbe: {  	s0 =	sadd.s32 $0x8F2B, s0  }
0xbf: {  	[sflag:s0] =	ssyncadd.remote.s32 $0x1  }
0xc0: {  	_ =	sfence.sel $0xFFFF  }
0xc1: {  	[dreg:$0x0] =	wrdreg $0xFFFFFFFF;
	(pc) =	sbr.abs _section_cstart, $3  }
0xc2: {  	[dreg:$0x1] =	wrdreg $0xFFFFFFFF  }
0xc3: {  	_ =	task.clear_ibuf [dreg:s8], $0x2FFFF;
	_ =	strace $0x9FFFFFFF  }
0xc4: {  	(tm) =	ssettm $0x7FFFFFFF  }
0xc5: {  	_ =	shalt  }
tec
execute0_lowered:
.L_overlay_start_1:
0x0: {  	(tag) =	ssettag $0x1  }
0x1: {  	s1 =	rddreg [dreg:$0x0]  }
0x2: {  	s0 =	rddreg [dreg:$0x1]  }
0x3: {  	s2 =	srdreg.scid;
	s12 =	stileid.u32  }
0x4: {  	s4 =	rddreg [dreg:$0x2];
	s3 =	simm.s32 $0x0;
	s13 =	simm.s32 $0x50  }
0x5: {  	s14 =	simm.s32 $0x800;
	s15 =	simm.s32 $0x3000;
	s17 =	simm.s32 $0x5800  }
0x6: {  	s18 =	simm.s32 $0x1;
	s20 =	simm.s32 $0x8000;
	s21 =	simm.s32 $0x2  }
0x7: {  	s28 =	simm.s32 $0x7;
	s29 =	simm.s32 $0x5;
	s30 =	simm.s32 $0x8  }
0x8: {  	s2 =	sand.u32 $0x1, s2;
	s5 =	sshll.u32 s12, $0x1;
	s24 =	smul.u32 $0xFA00, s12  }
0x9: {  	s5 =	sor.u32 s2, s5;
	s6 =	ssub.s32 $0x2, s2;
	s2 =	smul.u32 $0x7D00, s2  }
0xa: {  	s31 =	simm.s32 $0x9;
	[smem:$0x7FF] =	sst s3;
	s7 =	smul.u32 $0x7D0, s5  }
0xb: {  	s10 =	sadd.s32 $0x1C00, s4;
	s12 =	simm.s32 $0xB;
	s9 =	smul.u32 $0x3E800, s5  }
0xc: {  	_ =	strace $0x80000047;
	s8 =	sshrl.u32 s6, $0x1;
	s5 =	smul.u32 $0x7D00, s5  }
0xd: {  	s26 =	sadd.s32 s24, s10;
	s24 =	simm.s32 $0x3;
	s11 =	ssub.s32 s6, s8  }
0xe: {  	s2 =	sadd.s32 s2, s26;
	s26 =	simm.s32 $0x4;
	s22 =	sshrl.u32 s7, $0x3  }
0xf: {  	s23 =	sshrl.u32 s9, $0x3;
	s5 =	sadd.s32 s10, s5;
	s0 =	sadd.s32 s0, s22  }
0x10: {  	s25 =	sadd.s32 s10, s23;
	s10 =	smax.u32 s11, $0x1;
	s11 =	sadd.s32 $0xF00, s2  }
0x11: {  	s23 =	simm.s32 $0xA800;
	s2 =	simm.s32 $0xA;
	[dreg:$0x4] =	wrdreg s0  }
0x12: {  	s6 =	sadd.s32 $0x500, s25;
	s7 =	sadd.s32 $0x6E00, s25;
	s8 =	sadd.s32 $0x7300, s25  }
0x13: {  	s9 =	sadd.s32 $0x7800, s25;
	s25 =	simm.s32 $0x6;
	s0 =	simm.s32 $0x0  }
.LBB2_1:
0x14: {  	s4 =	rddreg [dreg:$0x4]  }
0x15: {  	[tilespmem:s3], [sflag:$0xB] =	stream.linear.gather [hbm4b:s4+s3], $0x7D0, $0x38;
	[tilespmem:$0xD000] =	vst v63  }
0x16: {  	_ =	swait.ge [sflag:s12], $0x7D0  }
0x17: {  	[sflag:s12] =	ssyncset.done $0x0  }
0x18: {  	[sflag:s12] =	ssyncadd.s32 $0xFFFFF830  }
0x19: {  	[tilespmem:s14], [sflag:$0x1] =	stream.indirect.gather [hbm4b:s1+s13], $0x80, s3, s13, $0xb8;
	[tilespmem:$0xD000] =	vst v63  }
0x1a: {  	_ = 	snop  }
0x1b: {  	[tilespmem:s15], [sflag:$0x2] =	stream.indirect.gather [hbm4b:s1+s13], $0x80, s13, s13, $0xb8;
	[tilespmem:$0xD000] =	vst v63  }
0x1c: {  	s22 =	simm.s32 $0xA0  }
0x1d: {  	[tilespmem:s17], [sflag:$0x3] =	stream.indirect.gather [hbm4b:s1+s13], $0x80, s22, s13, $0xb8;
	[tilespmem:$0xD000] =	vst v63  }
0x1e: {  	_ =	swait.ge [sflag:s18], $0x2800  }
0x1f: {  	[sflag:s18] =	ssyncset.done $0x0  }
0x20: {  	[sflag:s18] =	ssyncadd.s32 $0xFFFFD800  }
0x21: {  	[hbm4b:s5+s3] =	stream.linear.scatter [tilespmem:s14], [sflag:$0x6], $0x2800, $0x38;
	[tilespmem:$0xD000] =	vst v63  }
0x22: {  	s16 =	simm.s32 $0xF0  }
0x23: {  	[tilespmem:s20], [sflag:$0x4] =	stream.indirect.gather [hbm4b:s1+s13], $0x80, s16, s13, $0xb8;
	[tilespmem:$0xD000] =	vst v63  }
0x24: {  	_ =	swait.ge [sflag:s21], $0x2800  }
0x25: {  	[sflag:s21] =	ssyncset.done $0x0  }
0x26: {  	[sflag:s21] =	ssyncadd.s32 $0xFFFFD800  }
0x27: {  	[hbm4b:s6+s3] =	stream.linear.scatter [tilespmem:s15], [sflag:$0x7], $0x2800, $0x38;
	[tilespmem:$0xD000] =	vst v63  }
0x28: {  	s19 =	simm.s32 $0x140  }
0x29: {  	[tilespmem:s23], [sflag:$0x5] =	stream.indirect.gather [hbm4b:s1+s13], $0x80, s19, s13, $0xb8;
	[tilespmem:$0xD000] =	vst v63  }
0x2a: {  	_ =	swait.ge [sflag:s24], $0x2800  }
0x2b: {  	[sflag:s24] =	ssyncset.done $0x0  }
0x2c: {  	s16 =	sadd.s32 $0xFFFFFB00, s11;
	[sflag:s24] =	ssyncadd.s32 $0xFFFFD800  }
0x2d: {  	[hbm4b:s16+s3] =	stream.linear.scatter [tilespmem:s17], [sflag:$0x8], $0x2800, $0x38;
	[tilespmem:$0xD000] =	vst v63  }
0x2e: {  	_ =	swait.ge [sflag:s25], $0x2800  }
0x2f: {  	[sflag:s25] =	ssyncset.done $0x0  }
0x30: {  	s22 =	simm.s32 $0x190;
	[sflag:s25] =	ssyncadd.s32 $0xFFFFD800  }
0x31: {  	[tilespmem:s14], [sflag:$0x1] =	stream.indirect.gather [hbm4b:s1+s13], $0x80, s22, s13, $0xb8;
	[tilespmem:$0xD000] =	vst v63  }
0x32: {  	_ =	swait.ge [sflag:s26], $0x2800  }
0x33: {  	[sflag:s26] =	ssyncset.done $0x0  }
0x34: {  	[sflag:s26] =	ssyncadd.s32 $0xFFFFD800  }
0x35: {  	[hbm4b:s11+s3] =	stream.linear.scatter [tilespmem:s20], [sflag:$0x9], $0x2800, $0x38;
	[tilespmem:$0xD000] =	vst v63  }
0x36: {  	_ =	swait.ge [sflag:s28], $0x2800  }
0x37: {  	[sflag:s28] =	ssyncset.done $0x0  }
0x38: {  	s4 =	simm.s32 $0x1E0;
	[sflag:s28] =	ssyncadd.s32 $0xFFFFD800  }
0x39: {  	[tilespmem:s15], [sflag:$0x2] =	stream.indirect.gather [hbm4b:s1+s13], $0x80, s4, s13, $0xb8;
	[tilespmem:$0xD000] =	vst v63  }
0x3a: {  	_ =	swait.ge [sflag:s29], $0x2800  }
0x3b: {  	[sflag:s29] =	ssyncset.done $0x0  }
0x3c: {  	s19 =	sadd.s32 $0x500, s11;
	[sflag:s29] =	ssyncadd.s32 $0xFFFFD800  }
0x3d: {  	[hbm4b:s19+s3] =	stream.linear.scatter [tilespmem:s23], [sflag:$0xA], $0x2800, $0x38;
	[tilespmem:$0xD000] =	vst v63  }
0x3e: {  	_ =	swait.ge [sflag:s30], $0x2800  }
0x3f: {  	[sflag:s30] =	ssyncset.done $0x0  }
0x40: {  	s22 =	simm.s32 $0x230;
	[sflag:s30] =	ssyncadd.s32 $0xFFFFD800  }
0x41: {  	[tilespmem:s17], [sflag:$0x3] =	stream.indirect.gather [hbm4b:s1+s13], $0x80, s22, s13, $0xb8;
	[tilespmem:$0xD000] =	vst v63  }
0x42: {  	_ =	swait.ge [sflag:s18], $0x2800  }
0x43: {  	[sflag:s18] =	ssyncset.done $0x0  }
0x44: {  	s4 =	sadd.s32 $0xA00, s11;
	[sflag:s18] =	ssyncadd.s32 $0xFFFFD800  }
0x45: {  	[hbm4b:s4+s3] =	stream.linear.scatter [tilespmem:s14], [sflag:$0x6], $0x2800, $0x38;
	[tilespmem:$0xD000] =	vst v63  }
0x46: {  	_ =	swait.ge [sflag:s31], $0x2800  }
0x47: {  	[sflag:s31] =	ssyncset.done $0x0  }
0x48: {  	s19 =	simm.s32 $0x280;
	[sflag:s31] =	ssyncadd.s32 $0xFFFFD800  }
0x49: {  	[tilespmem:s20], [sflag:$0x4] =	stream.indirect.gather [hbm4b:s1+s13], $0x80, s19, s13, $0xb8;
	[tilespmem:$0xD000] =	vst v63  }
0x4a: {  	_ =	swait.ge [sflag:s21], $0x2800  }
0x4b: {  	[sflag:s21] =	ssyncset.done $0x0  }
0x4c: {  	s22 =	sadd.s32 $0xF00, s11;
	[sflag:s21] =	ssyncadd.s32 $0xFFFFD800  }
0x4d: {  	[hbm4b:s22+s3] =	stream.linear.scatter [tilespmem:s15], [sflag:$0x7], $0x2800, $0x38;
	[tilespmem:$0xD000] =	vst v63  }
0x4e: {  	_ =	swait.ge [sflag:s2], $0x2800  }
0x4f: {  	s16 =	simm.s32 $0x640;
	[sflag:s2] =	ssyncset.done $0x0  }
0x50: {  	s19 =	sadd.s32 $0x1900, s11;
	s22 =	simm.s32 $0x2D0;
	[sflag:s2] =	ssyncadd.s32 $0xFFFFD800  }
.LBB2_2:
0x51: {  	[tilespmem:s23], [sflag:$0x5] =	stream.indirect.gather [hbm4b:s1+s13], $0x80, s22, s13, $0xb8;
	[tilespmem:$0xD000] =	vst v63  }
0x52: {  	s22 =	smov.u32 s16  }
0x53: {  	p0 =	sne.s32 s16, $0x12C0;
	s16 =	sadd.s32 $0x640, s16;
	_ =	swait.ge [sflag:s24], $0x2800  }
0x54: {  	[sflag:s24] =	ssyncset.done $0x0  }
0x55: {  	s4 =	sadd.s32 $0xFFFFFB00, s19;
	[sflag:s24] =	ssyncadd.s32 $0xFFFFD800  }
0x56: {  	[hbm4b:s4+s3] =	stream.linear.scatter [tilespmem:s17], [sflag:$0x8], $0x2800, $0x38;
	[tilespmem:$0xD000] =	vst v63  }
0x57: {  	_ =	swait.ge [sflag:s25], $0x2800  }
0x58: {  	s22 =	sshra.s32 s22, $0x2;
	[sflag:s25] =	ssyncset.done $0x0  }
0x59: {  	s4 =	sadd.s32 $0x190, s22;
	[sflag:s25] =	ssyncadd.s32 $0xFFFFD800  }
0x5a: {  	[tilespmem:s14], [sflag:$0x1] =	stream.indirect.gather [hbm4b:s1+s13], $0x80, s4, s13, $0xb8;
	[tilespmem:$0xD000] =	vst v63  }
0x5b: {  	_ =	swait.ge [sflag:s26], $0x2800  }
0x5c: {  	[sflag:s26] =	ssyncset.done $0x0  }
0x5d: {  	[sflag:s26] =	ssyncadd.s32 $0xFFFFD800  }
0x5e: {  	[hbm4b:s19+s3] =	stream.linear.scatter [tilespmem:s20], [sflag:$0x9], $0x2800, $0x38;
	[tilespmem:$0xD000] =	vst v63  }
0x5f: {  	_ =	swait.ge [sflag:s28], $0x2800  }
0x60: {  	[sflag:s28] =	ssyncset.done $0x0  }
0x61: {  	s4 =	sadd.s32 $0x1E0, s22;
	[sflag:s28] =	ssyncadd.s32 $0xFFFFD800  }
0x62: {  	[tilespmem:s15], [sflag:$0x2] =	stream.indirect.gather [hbm4b:s1+s13], $0x80, s4, s13, $0xb8;
	[tilespmem:$0xD000] =	vst v63  }
0x63: {  	_ =	swait.ge [sflag:s29], $0x2800  }
0x64: {  	[sflag:s29] =	ssyncset.done $0x0  }
0x65: {  	s4 =	sadd.s32 $0x500, s19;
	[sflag:s29] =	ssyncadd.s32 $0xFFFFD800  }
0x66: {  	[hbm4b:s4+s3] =	stream.linear.scatter [tilespmem:s23], [sflag:$0xA], $0x2800, $0x38;
	[tilespmem:$0xD000] =	vst v63  }
0x67: {  	_ =	swait.ge [sflag:s30], $0x2800  }
0x68: {  	[sflag:s30] =	ssyncset.done $0x0  }
0x69: {  	s4 =	sadd.s32 $0x230, s22;
	[sflag:s30] =	ssyncadd.s32 $0xFFFFD800  }
0x6a: {  	[tilespmem:s17], [sflag:$0x3] =	stream.indirect.gather [hbm4b:s1+s13], $0x80, s4, s13, $0xb8;
	[tilespmem:$0xD000] =	vst v63  }
0x6b: {  	_ =	swait.ge [sflag:s18], $0x2800  }
0x6c: {  	[sflag:s18] =	ssyncset.done $0x0  }
0x6d: {  	s4 =	sadd.s32 $0xA00, s19;
	[sflag:s18] =	ssyncadd.s32 $0xFFFFD800  }
0x6e: {  	[hbm4b:s4+s3] =	stream.linear.scatter [tilespmem:s14], [sflag:$0x6], $0x2800, $0x38;
	[tilespmem:$0xD000] =	vst v63  }
0x6f: {  	_ =	swait.ge [sflag:s31], $0x2800  }
0x70: {  	[sflag:s31] =	ssyncset.done $0x0  }
0x71: {  	s4 =	sadd.s32 $0x280, s22;
	[sflag:s31] =	ssyncadd.s32 $0xFFFFD800  }
0x72: {  	[tilespmem:s20], [sflag:$0x4] =	stream.indirect.gather [hbm4b:s1+s13], $0x80, s4, s13, $0xb8;
	[tilespmem:$0xD000] =	vst v63  }
0x73: {  	_ =	swait.ge [sflag:s21], $0x2800  }
0x74: {  	[sflag:s21] =	ssyncset.done $0x0  }
.Ltmp0:
0x75: {  	s4 =	sadd.s32 $0xF00, s19;
	[sflag:s21] =	ssyncadd.s32 $0xFFFFD800;
	(pc) =	sbr.rel @p0 .LBB2_2-.Ltmp0, $4  }
0x76: {  	[hbm4b:s4+s3] =	stream.linear.scatter [tilespmem:s15], [sflag:$0x7], $0x2800, $0x38;
	[tilespmem:$0xD000] =	vst v63  }
0x77: {  	_ =	swait.ge [sflag:s2], $0x2800  }
0x78: {  	[sflag:s2] =	ssyncset.done $0x0  }
0x79: {  	s22 =	sadd.s32 $0x2D0, s22;
	s19 =	sadd.s32 $0x1900, s19;
	[sflag:s2] =	ssyncadd.s32 $0xFFFFD800  }
0x7a: {  	[tilespmem:s23], [sflag:$0x5] =	stream.indirect.gather [hbm4b:s1+s13], $0x80, s22, s13, $0xb8;
	[tilespmem:$0xD000] =	vst v63  }
0x7b: {  	_ =	swait.ge [sflag:s24], $0x2800  }
0x7c: {  	[sflag:s24] =	ssyncset.done $0x0  }
0x7d: {  	[sflag:s24] =	ssyncadd.s32 $0xFFFFD800  }
0x7e: {  	[hbm4b:s7+s3] =	stream.linear.scatter [tilespmem:s17], [sflag:$0x8], $0x2800, $0x38;
	[tilespmem:$0xD000] =	vst v63  }
0x7f: {  	_ =	swait.ge [sflag:s25], $0x2800  }
0x80: {  	[sflag:s25] =	ssyncset.done $0x0  }
0x81: {  	[sflag:s25] =	ssyncadd.s32 $0xFFFFD800  }
0x82: {  	_ =	swait.ge [sflag:s26], $0x2800  }
0x83: {  	[sflag:s26] =	ssyncset.done $0x0  }
0x84: {  	[sflag:s26] =	ssyncadd.s32 $0xFFFFD800  }
0x85: {  	[hbm4b:s8+s3] =	stream.linear.scatter [tilespmem:s20], [sflag:$0x9], $0x2800, $0x38;
	[tilespmem:$0xD000] =	vst v63  }
0x86: {  	_ =	swait.ge [sflag:s28], $0x2800  }
0x87: {  	[sflag:s28] =	ssyncset.done $0x0  }
0x88: {  	[sflag:s28] =	ssyncadd.s32 $0xFFFFD800  }
0x89: {  	_ =	swait.ge [sflag:s29], $0x2800  }
0x8a: {  	[sflag:s29] =	ssyncset.done $0x0  }
0x8b: {  	[sflag:s29] =	ssyncadd.s32 $0xFFFFD800  }
0x8c: {  	[hbm4b:s9+s3] =	stream.linear.scatter [tilespmem:s23], [sflag:$0xA], $0x2800, $0x38;
	[tilespmem:$0xD000] =	vst v63  }
0x8d: {  	_ =	swait.ge [sflag:s30], $0x2800  }
0x8e: {  	[sflag:s30] =	ssyncset.done $0x0  }
0x8f: {  	s0 =	sadd.s32 $0x1, s0;
	[sflag:s30] =	ssyncadd.s32 $0xFFFFD800  }
0x90: {  	p0 =	sne.s32 s0, s10;
	_ =	swait.ge [sflag:s31], $0x2800  }
.Ltmp1:
0x91: {  	[sflag:s31] =	ssyncset.done $0x0;
	(pc) =	sbr.rel @p0 .LBB2_1-.Ltmp1, $4  }
0x92: {  	[sflag:s31] =	ssyncadd.s32 $0xFFFFD800  }
0x93: {  	_ =	swait.ge [sflag:s2], $0x2800  }
0x94: {  	[sflag:s2] =	ssyncset.done $0x0  }
0x95: {  	[sflag:s2] =	ssyncadd.s32 $0xFFFFD800  }
0x96: {  	_ =	sfence.sel $0x180000  }
0x97: {  	[bflag:$0x0] =	sbarrier.arrive $0xFFFF  }
0x98: {  	_ =	strace $0x90000047  }
0x99: {  	s0 =	stileid.u32;
	[bflag:$0x2] =	sbarrier.arrive $0xFFFF  }
0x9a: {  	p0 =	sne.s32 s0, $0x0;
	s0 =	rddreg [dreg:$0x3]  }
0x9b: {  	s0 =	sadd.s32 @!p0 $0x100000, s0  }
0x9c: {  	[sflag:s0] =	ssyncadd.tile.s32 @!p0 $0x1;
	_ =	shalt  }
.Lfunc_end2:
_tile_overlayer_lowered:
.L_overlay_start_2:
0x9d: {  	(tag) =	ssettag $0x2  }
0x9e: {  	s0 =	rddreg [dreg:$0x0];
	s2 =	stileid.u32  }
0x9f: {  	s1 =	rddreg [dreg:$0x1];
	p0 =	sne.s32 s2, $0x0  }
0xa0: {  	s3 =	rddreg [dreg:$0x2];
	[bflag:$0x3] =	sbarrier.arrive $0xFFFF;
	s2 =	simm.s32 @!p0 $0x1C0B  }
0xa1: {  	[timem:s3], [sflag:s2] =	dma.local @!p0 [hbm:s0], s1  }
0xa2: {  	s0 =	simm.s32 @!p0 $0xB  }
0xa3: {  	_ =	swait.ge @!p0 [sflag:s0], s1  }
0xa4: {  	s1 =	ssub.s32 @!p0 $0x0, s1;
	[sflag:s0] =	ssyncset.done @!p0 $0x0  }
0xa5: {  	[sflag:s0] =	ssyncadd.s32 @!p0 s1  }
0xa6: {  	[bflag:$0x3] =	sbarrier.arrive $0xFFFF  }
0xa7: {  	_ =	shalt  }

// kernel: kernel.15.cloned.1.call-start
scs
__scs_entry_jumppad:
0x0: {  	(pc) =	sbr.rel $0x88, $3  }
0x1: {  	(tag) =	ssettag $0x0;
	lr =	simm.s32 $0x1  }
0x2: {  	[smem:$0x3F9A] =	sst lr;
	_ =	strace $0xD0000000  }
0x3: {  	_ = 	snop  }
0x4: {  	_ = 	snop  }
0x5: {  	_ = 	snop  }
0x6: {  	_ = 	snop  }
0x7: {  	_ = 	snop  }
__scs_overlays_trampoline_lowered:
0x8: {  	[smem:$0x3FA9] =	sst s0  }
0x9: {  	[smem:$0x3FAA] =	sst s1  }
0xa: {  	[smem:$0x3FAB] =	sst s2  }
0xb: {  	[smem:$0x3FAC] =	sst s3  }
0xc: {  	[smem:$0x3FAD] =	sst s4  }
0xd: {  	[smem:$0x3FAE] =	sst s5  }
0xe: {  	[smem:$0x3FAF] =	sst s6  }
0xf: {  	[smem:$0x3FB0] =	sst s7  }
0x10: {  	[smem:$0x3FB1] =	sst s8  }
0x11: {  	[smem:$0x3FB2] =	sst s9;
	s0 =	simm.s32 @!p0 $0x0  }
0x12: {  	s1 =	sld [smem:$0x3F98];
	s0 =	simm.s32 @p0 $0x1  }
0x13: {  	[smem:$0x3FB3] =	sst s0;
	s0 =	simm.s32 @!p1 $0x0  }
0x14: {  	s2 =	sld [smem:$0x3F97];
	s0 =	simm.s32 @p1 $0x1  }
0x15: {  	[smem:$0x3FB4] =	sst s0;
	s0 =	simm.s32 @!p2 $0x0  }
0x16: {  	s3 =	sld [smem:$0x3FDB];
	s0 =	simm.s32 @p2 $0x1  }
0x17: {  	s4 =	simm.s32 $0x1BF5;
	[smem:$0x3FB6] =	sst s0  }
0x18: {  	s0 =	sld [smem:$0x3F99];
	_ =	swait.ge [sflag:s4], $0x0  }
0x19: {  	s7 =	sld [smem:$0x3F9A]  }
0x1a: {  	s8 =	sadd.s32 $0xFFFFE003, lr  }
0x1b: {  	s9 =	sadd.s32 $0xFFFFFEF7, lr;
	s5 =	simm.s32 $0xFFFFFFFF;
	p2 =	slt.u32 s8, $0xFFFFF086  }
0x1c: {  	p1 =	slt.u32 s9, $0xF7A;
	s5 =	simm.s32 @!p2 $0x0  }
0x1d: {  	s5 =	simm.s32 @p1 $0x1;
	p0 =	seq.s32 s7, s2  }
0x1e: {  	s7 =	smul.u32 @!p0 $0xF7A, s2;
	p2 =	seq.s32 @!p0 s5, $0x0  }
0x1f: {  	s9 =	smul.u32 $0xF7A, s1;
	s8 =	simm.s32 @!p0 $0x1BF5;
	p2 =	por !p2, p0  }
0x20: {  	[sflag:s8] =	ssyncset.s32 @!p0 $0xFFFFF086;
	s6 =	sadd.s32 @!p0 s3, s7;
	s7 =	simm.s32 @!p0 $0x108  }
0x21: {  	s3 =	sadd.s32 s3, s9;
	s6 =	sadd.s32 @!p0 $0x88, s6;
	s7 =	simm.s32 @p2 $0x1082  }
0x22: {  	[simem:s7], [sflag:s8] =	dma.local @!p0 [hbm:s6], $0xF7A  }
0x23: {  	s9 =	sor.u32 $0xD0000000, s2;
	s6 =	simm.s32 $0x108;
	_ =	swait.ge @!p0 [sflag:s8], $0x0  }
0x24: {  	s3 =	sadd.s32 $0x88, s3;
	s6 =	simm.s32 @!p1 $0x1082;
	[sflag:s4] =	ssyncset.s32 $0xFFFFF086  }
0x25: {  	[simem:s6], [sflag:s4] =	dma.local [hbm:s3], $0xF7A  }
0x26: {  	[smem:$0x3F9A] =	sst s1;
	(tag) =	ssettag s2;
	_ =	strace s9  }
0x27: {  	s1 =	sld [smem:$0x3FAA]  }
0x28: {  	s2 =	sld [smem:$0x3FAB]  }
0x29: {  	s4 =	sld [smem:$0x3FAD]  }
0x2a: {  	p0 =	seq.s32 s5, $0x0;
	s5 =	sld [smem:$0x3FAE]  }
0x2b: {  	s6 =	sld [smem:$0x3FAF]  }
0x2c: {  	s7 =	sld [smem:$0x3FB0]  }
0x2d: {  	s3 =	simm.s32 $0x108;
	s8 =	sld [smem:$0x3FB1]  }
0x2e: {  	s3 =	simm.s32 @!p0 $0x1082;
	s9 =	sld [smem:$0x3FB2]  }
0x2f: {  	lr =	sadd.s32 s0, s3;
	s0 =	sld [smem:$0x3FA9]  }
0x30: {  	s3 =	sld [smem:$0x3FAC]  }
0x31: {  	[smem:$0x3FB5] =	sst s10  }
0x32: {  	s10 =	sld [smem:$0x3FB3];
	_ =	sdelay $0x3  }
0x33: {  	p0 =	seq.s32 s10, $0x1;
	s10 =	sld [smem:$0x3FB5];
	_ =	sdelay $0x3  }
0x34: {  	[smem:$0x3FB5] =	sst s10  }
0x35: {  	s10 =	sld [smem:$0x3FB4];
	_ =	sdelay $0x3  }
0x36: {  	p1 =	seq.s32 s10, $0x1;
	s10 =	sld [smem:$0x3FB5];
	_ =	sdelay $0x3  }
0x37: {  	[smem:$0x3FB5] =	sst s10  }
0x38: {  	s10 =	sld [smem:$0x3FB6]  }
0x39: {  	_ = 	snop;
	(pc) =	sbr.ind lr, $3  }
0x3a: {  	_ = 	snop  }
0x3b: {  	_ = 	snop  }
0x3c: {  	p2 =	seq.s32 s10, $0x1;
	s10 =	sld [smem:$0x3FB5]  }
0x3d: {  	_ =	shalt  }
0x3e: {  	_ =	shalt  }
0x3f: {  	_ =	shalt  }
0x40: {  	_ =	shalt  }
0x41: {  	_ =	shalt  }
0x42: {  	_ =	shalt  }
0x43: {  	_ =	shalt  }
0x44: {  	_ =	shalt  }
0x45: {  	_ =	shalt  }
0x46: {  	_ =	shalt  }
0x47: {  	_ =	shalt  }
0x48: {  	_ =	shalt  }
0x49: {  	_ =	shalt  }
0x4a: {  	_ =	shalt  }
0x4b: {  	_ =	shalt  }
0x4c: {  	_ =	shalt  }
0x4d: {  	_ =	shalt  }
0x4e: {  	_ =	shalt  }
0x4f: {  	_ =	shalt  }
0x50: {  	_ =	shalt  }
0x51: {  	_ =	shalt  }
0x52: {  	_ =	shalt  }
0x53: {  	_ =	shalt  }
0x54: {  	_ =	shalt  }
0x55: {  	_ =	shalt  }
0x56: {  	_ =	shalt  }
0x57: {  	_ =	shalt  }
0x58: {  	_ =	shalt  }
0x59: {  	_ =	shalt  }
0x5a: {  	_ =	shalt  }
0x5b: {  	_ =	shalt  }
0x5c: {  	_ =	shalt  }
0x5d: {  	_ =	shalt  }
0x5e: {  	_ =	shalt  }
0x5f: {  	_ =	shalt  }
0x60: {  	_ =	shalt  }
0x61: {  	_ =	shalt  }
0x62: {  	_ =	shalt  }
0x63: {  	_ =	shalt  }
0x64: {  	_ =	shalt  }
0x65: {  	_ =	shalt  }
0x66: {  	_ =	shalt  }
0x67: {  	_ =	shalt  }
0x68: {  	_ =	shalt  }
0x69: {  	_ =	shalt  }
0x6a: {  	_ =	shalt  }
0x6b: {  	_ =	shalt  }
0x6c: {  	_ =	shalt  }
0x6d: {  	_ =	shalt  }
0x6e: {  	_ =	shalt  }
0x6f: {  	_ =	shalt  }
0x70: {  	_ =	shalt  }
0x71: {  	_ =	shalt  }
0x72: {  	_ =	shalt  }
0x73: {  	_ =	shalt  }
0x74: {  	_ =	shalt  }
0x75: {  	_ =	shalt  }
0x76: {  	_ =	shalt  }
0x77: {  	_ =	shalt  }
0x78: {  	_ =	shalt  }
0x79: {  	_ =	shalt  }
0x7a: {  	_ =	shalt  }
0x7b: {  	_ =	shalt  }
0x7c: {  	_ =	shalt  }
0x7d: {  	_ =	shalt  }
0x7e: {  	_ =	shalt  }
0x7f: {  	_ =	shalt  }
0x80: {  	_ =	shalt  }
0x81: {  	_ =	shalt  }
0x82: {  	_ =	shalt  }
0x83: {  	_ =	shalt  }
0x84: {  	_ =	shalt  }
0x85: {  	_ =	shalt  }
0x86: {  	_ =	shalt  }
0x87: {  	_ =	shalt  }
.Lfunc_end0:
.L_simem_size_0:
called_computation.1_lowered:
.L_overlay_start_0:
0x88: {  	s2 =	sld [smem:$0x3FD9]  }
0x89: {  	s3 =	sld [smem:$0x3FFE];
	_ =	sdelay $0x1  }
0x8a: {  	s1 =	srdreg.scid  }
0x8b: {  	s0 =	sand.u32 $0x1, s1  }
0x8c: {  	s17 =	sshll.u32 s0, $0xA;
	s2 =	sadd.s32 s3, s2  }
0x8d: {  	s2 =	sadd.s32 s2, s17  }
0x8e: {  	[smem:$0x3FC1] =	sst s2  }
0x8f: {  	_ = 	snop  }
0x90: {  	s18 =	sld [smem:$0x3FC9]  }
0x91: {  	s4 =	sld [smem:$0x3FC8];
	(tm) =	ssettm $0x1  }
0x92: {  	s19 =	sld [smem:$0x3FFB];
	_ =	sdelay $0x3  }
0x93: {  	_ =	strace s19  }
0x94: {  	s2 =	sld [smem:$0x3FFC];
	_ =	sdelay $0x3  }
0x95: {  	_ =	strace s2  }
0x96: {  	s2 =	sld [smem:$0x3FFD];
	_ =	sdelay $0x3  }
0x97: {  	_ =	strace s2  }
0x98: {  	_ =	strace $0x8FFFFFFF  }
0x99: {  	s20 =	sld [smem:$0x3FDB];
	_ =	sdelay $0x1  }
0x9a: {  	s5 =	simm.s32 $_scs_section_size  }
0x9b: {  	s6 =	simm.s32 $_size__tile_overlayer_lowered;
	s7 =	simm.s32 $_tile_overlayer_lowered  }
0x9c: {  	s8 =	simm.s32 $0x1BFF;
	s21 =	sshll.u32 s7, $0x1;
	s5 =	sadd.s32 s5, s20  }
0x9d: {  	s22 =	simm.s32 $0x0;
	s6 =	sshll.u32 s6, $0x1;
	s7 =	sadd.s32 s21, s5  }
0x9e: {  	[timem:s22], [sflag:s8] =	dma.local [hbm:s7], s6  }
0x9f: {  	_ =	swait.ge [sflag:s8], s6  }
0xa0: {  	s6 =	ssub.s32 $0x0, s6;
	[sflag:s8] =	ssyncset.done $0x0  }
0xa1: {  	[sflag:s8] =	ssyncadd.s32 s6;
	_ =	sdelay $0x1  }
0xa2: {  	s23 =	simm.s32 $0x1B8B  }
0xa3: {  	_ =	swait.ge [sflag:s23], $0x1  }
0xa4: {  	[sflag:s23] =	ssyncset.done $0x0  }
0xa5: {  	[sflag:s23] =	ssyncadd.s32 $0xFFFFFFFF  }
0xa6: {  	s6 =	sld [smem:$0x0]  }
0xa7: {  	s7 =	sand.u32 $0xFFFFFFFE, s1  }
0xa8: {  	p0 =	sne.s32 s1, s7  }
0xa9: {  	s7 =	sshll.u32 @p0 s7, $0xE  }
0xaa: {  	s7 =	sadd.s32 @p0 $0x11B8D, s7;
	s8 =	sshll.u32 @p0 s6, $0x11  }
0xab: {  	s7 =	sor.u32 @p0 s8, s7  }
0xac: {  	[sflag:s7] =	ssyncadd.remote.s32 @p0 $0x1;
	_ =	sdelay $0x1  }
0xad: {  	s7 =	simm.s32 @p0 $0x1B8D  }
0xae: {  	_ =	swait.eq @p0 [sflag:s7], $0x1  }
0xaf: {  	[sflag:s7] =	ssyncadd.s32 @p0 $0xFFFFFFFF  }
0xb0: {  	s8 =	sshll.u32 @!p0 s1, $0xE  }
0xb1: {  	s8 =	sor.u32 @!p0 $0x4000, s8;
	s7 =	simm.s32 @!p0 $0x1B8D  }
0xb2: {  	s6 =	sshll.u32 @!p0 s6, $0x11;
	s8 =	sadd.s32 @!p0 $0x11B8D, s8;
	_ =	swait.eq @!p0 [sflag:s7], $0x1  }
0xb3: {  	s6 =	sor.u32 @!p0 s6, s8;
	[sflag:s7] =	ssyncadd.s32 @!p0 $0xFFFFFFFF  }
0xb4: {  	s25 =	simm.s32 $0x1B8E;
	s24 =	sld [smem:$0x3FFE];
	[sflag:s6] =	ssyncadd.remote.s32 @!p0 $0x1  }
0xb5: {  	s26 =	simm.s32 $execute0_lowered;
	[smem:$0x3FD2] =	sst s25  }
0xb6: {  	s7 =	sshll.u32 s26, $0x1;
	_ =	strace $0x80000049;
	[dreg:$0x1] =	wrdreg $0xFFFFFFFF  }
0xb7: {  	s28 =	simm.s32 $_size_execute0_lowered;
	s5 =	sadd.s32 s5, s7;
	[dreg:$0x0] =	wrdreg $0x0  }
0xb8: {  	s7 =	sshll.u32 s28, $0x1;
	[dreg:$0x2] =	wrdreg s5  }
0xb9: {  	[dreg:$0x3] =	wrdreg s7  }
0xba: {  	[dreg:$0x4] =	wrdreg $0xC0  }
0xbb: {  	_ =	task [dreg:s22], $0x5FFFF  }
0xbc: {  	[dreg:$0x1] =	wrdreg $0xFFFFFFFF  }
0xbd: {  	[dreg:$0x0] =	wrdreg $0x60  }
0xbe: {  	[dreg:$0x2] =	wrdreg s18  }
0xbf: {  	[dreg:$0x3] =	wrdreg s4  }
0xc0: {  	[dreg:$0x4] =	wrdreg s24  }
0xc1: {  	[dreg:$0x5] =	wrdreg $0xA  }
0xc2: {  	_ =	task.clear_ibuf [dreg:s22], $0x6FFFF;
	_ =	strace $0x90000049  }
0xc3: {  	s29 =	simm.s32 $0xA;
	_ =	strace $0x8000004B  }
0xc4: {  	_ =	swait.ge [sflag:s29], $0x1  }
0xc5: {  	[sflag:s29] =	ssyncadd.s32 $0xFFFFFFFF  }
0xc6: {  	_ =	strace $0x9000004B  }
0xc7: {  	_ =	sfence  }
0xc8: {  	s30 =	sld [smem:$0x0];
	_ =	sdelay $0x2  }
0xc9: {  	s31 =	sshll.u32 s1, $0xD;
	s1 =	sshrl.u32 s1, $0x2  }
0xca: {  	s4 =	sand.u32 $0x4000, s31;
	s1 =	sadd.s32 s1, s30  }
0xcb: {  	s0 =	sor.u32 s4, s0;
	s1 =	sshll.u32 s1, $0x11  }
0xcc: {  	s0 =	sor.u32 s1, s0  }
0xcd: {  	s0 =	sadd.s32 $0x8F2B, s0  }
0xce: {  	[sflag:s0] =	ssyncadd.remote.s32 $0x1  }
0xcf: {  	_ =	sfence.sel $0xFFFF  }
0xd0: {  	[dreg:$0x0] =	wrdreg $0xFFFFFFFF;
	(pc) =	sbr.abs _section_cstart, $3  }
0xd1: {  	[dreg:$0x1] =	wrdreg $0xFFFFFFFF  }
0xd2: {  	_ =	task.clear_ibuf [dreg:s22], $0x2FFFF;
	_ =	strace $0x9FFFFFFF  }
0xd3: {  	(tm) =	ssettm $0x7FFFFFFF  }
tec
execute0_lowered:
.L_overlay_start_1:
0x0: {  	(tag) =	ssettag $0x1  }
0x1: {  	s1 =	rddreg [dreg:$0x0]  }
0x2: {  	s0 =	rddreg [dreg:$0x1]  }
0x3: {  	s2 =	rddreg [dreg:$0x2]  }
0x4: {  	s4 =	srdreg.scid;
	s11 =	stileid.u32  }
0x5: {  	s3 =	simm.s32 $0x0;
	s12 =	simm.s32 $0xB;
	s13 =	simm.s32 $0x50  }
0x6: {  	s14 =	simm.s32 $0x800;
	s15 =	simm.s32 $0x3000;
	s17 =	simm.s32 $0x5800  }
0x7: {  	s18 =	simm.s32 $0x1;
	s28 =	simm.s32 $0x7;
	s29 =	simm.s32 $0x5  }
0x8: {  	s5 =	sand.u32 $0x1, s4;
	s20 =	sshll.u32 s11, $0x1;
	s24 =	smul.u32 $0xFA00, s11  }
0x9: {  	s30 =	simm.s32 $0x8;
	s4 =	sor.u32 s5, s20;
	s26 =	smul.u32 $0x7D00, s5  }
0xa: {  	s31 =	simm.s32 $0x9;
	[smem:$0x7FF] =	sst s3;
	s7 =	smul.u32 $0x7D0, s4  }
0xb: {  	s2 =	sadd.s32 $0xFBC00, s2;
	s6 =	ssub.s32 $0x2, s5;
	s9 =	smul.u32 $0x3E800, s4  }
0xc: {  	_ =	strace $0x8000004A;
	s8 =	sshrl.u32 s6, $0x1;
	s22 =	smul.u32 $0x7D00, s4  }
0xd: {  	s20 =	simm.s32 $0x8000;
	s10 =	ssub.s32 s6, s8;
	s21 =	sshrl.u32 s7, $0x3  }
0xe: {  	s23 =	sshrl.u32 s9, $0x3;
	s5 =	sadd.s32 s2, s22;
	s10 =	smax.u32 s10, $0x1  }
0xf: {  	s0 =	sadd.s32 s0, s21;
	s25 =	sadd.s32 s2, s23;
	s2 =	sadd.s32 s24, s2  }
0x10: {  	s21 =	simm.s32 $0x2;
	s23 =	simm.s32 $0xA800;
	s24 =	simm.s32 $0x3  }
0x11: {  	s0 =	sadd.s32 $0x1F40, s0;
	s6 =	sadd.s32 $0x500, s25;
	s7 =	sadd.s32 $0x6E00, s25  }
0x12: {  	s8 =	sadd.s32 $0x7300, s25;
	s2 =	sadd.s32 s26, s2;
	s9 =	sadd.s32 $0x7800, s25  }
0x13: {  	s25 =	simm.s32 $0x6;
	s26 =	simm.s32 $0x4;
	[dreg:$0x4] =	wrdreg s0  }
0x14: {  	s11 =	sadd.s32 $0xF00, s2;
	s0 =	simm.s32 $0xA;
	s2 =	simm.s32 $0x0  }
.LBB2_1:
0x15: {  	s4 =	rddreg [dreg:$0x4]  }
0x16: {  	[tilespmem:s3], [sflag:$0xB] =	stream.linear.gather [hbm4b:s4+s3], $0x7D0, $0x38;
	[tilespmem:$0xD000] =	vst v63  }
0x17: {  	_ =	swait.ge [sflag:s12], $0x7D0  }
0x18: {  	[sflag:s12] =	ssyncset.done $0x0  }
0x19: {  	[sflag:s12] =	ssyncadd.s32 $0xFFFFF830  }
0x1a: {  	[tilespmem:s14], [sflag:$0x1] =	stream.indirect.gather [hbm4b:s1+s13], $0x80, s3, s13, $0xb8;
	[tilespmem:$0xD000] =	vst v63  }
0x1b: {  	_ = 	snop  }
0x1c: {  	[tilespmem:s15], [sflag:$0x2] =	stream.indirect.gather [hbm4b:s1+s13], $0x80, s13, s13, $0xb8;
	[tilespmem:$0xD000] =	vst v63  }
0x1d: {  	s22 =	simm.s32 $0xA0  }
0x1e: {  	[tilespmem:s17], [sflag:$0x3] =	stream.indirect.gather [hbm4b:s1+s13], $0x80, s22, s13, $0xb8;
	[tilespmem:$0xD000] =	vst v63  }
0x1f: {  	_ =	swait.ge [sflag:s18], $0x2800  }
0x20: {  	[sflag:s18] =	ssyncset.done $0x0  }
0x21: {  	[sflag:s18] =	ssyncadd.s32 $0xFFFFD800  }
0x22: {  	[hbm4b:s5+s3] =	stream.linear.scatter [tilespmem:s14], [sflag:$0x6], $0x2800, $0x38;
	[tilespmem:$0xD000] =	vst v63  }
0x23: {  	s16 =	simm.s32 $0xF0  }
0x24: {  	[tilespmem:s20], [sflag:$0x4] =	stream.indirect.gather [hbm4b:s1+s13], $0x80, s16, s13, $0xb8;
	[tilespmem:$0xD000] =	vst v63  }
0x25: {  	_ =	swait.ge [sflag:s21], $0x2800  }
0x26: {  	[sflag:s21] =	ssyncset.done $0x0  }
0x27: {  	[sflag:s21] =	ssyncadd.s32 $0xFFFFD800  }
0x28: {  	[hbm4b:s6+s3] =	stream.linear.scatter [tilespmem:s15], [sflag:$0x7], $0x2800, $0x38;
	[tilespmem:$0xD000] =	vst v63  }
0x29: {  	s19 =	simm.s32 $0x140  }
0x2a: {  	[tilespmem:s23], [sflag:$0x5] =	stream.indirect.gather [hbm4b:s1+s13], $0x80, s19, s13, $0xb8;
	[tilespmem:$0xD000] =	vst v63  }
0x2b: {  	_ =	swait.ge [sflag:s24], $0x2800  }
0x2c: {  	[sflag:s24] =	ssyncset.done $0x0  }
0x2d: {  	s16 =	sadd.s32 $0xFFFFFB00, s11;
	[sflag:s24] =	ssyncadd.s32 $0xFFFFD800  }
0x2e: {  	[hbm4b:s16+s3] =	stream.linear.scatter [tilespmem:s17], [sflag:$0x8], $0x2800, $0x38;
	[tilespmem:$0xD000] =	vst v63  }
0x2f: {  	_ =	swait.ge [sflag:s25], $0x2800  }
0x30: {  	[sflag:s25] =	ssyncset.done $0x0  }
0x31: {  	s22 =	simm.s32 $0x190;
	[sflag:s25] =	ssyncadd.s32 $0xFFFFD800  }
0x32: {  	[tilespmem:s14], [sflag:$0x1] =	stream.indirect.gather [hbm4b:s1+s13], $0x80, s22, s13, $0xb8;
	[tilespmem:$0xD000] =	vst v63  }
0x33: {  	_ =	swait.ge [sflag:s26], $0x2800  }
0x34: {  	[sflag:s26] =	ssyncset.done $0x0  }
0x35: {  	[sflag:s26] =	ssyncadd.s32 $0xFFFFD800  }
0x36: {  	[hbm4b:s11+s3] =	stream.linear.scatter [tilespmem:s20], [sflag:$0x9], $0x2800, $0x38;
	[tilespmem:$0xD000] =	vst v63  }
0x37: {  	_ =	swait.ge [sflag:s28], $0x2800  }
0x38: {  	[sflag:s28] =	ssyncset.done $0x0  }
0x39: {  	s4 =	simm.s32 $0x1E0;
	[sflag:s28] =	ssyncadd.s32 $0xFFFFD800  }
0x3a: {  	[tilespmem:s15], [sflag:$0x2] =	stream.indirect.gather [hbm4b:s1+s13], $0x80, s4, s13, $0xb8;
	[tilespmem:$0xD000] =	vst v63  }
0x3b: {  	_ =	swait.ge [sflag:s29], $0x2800  }
0x3c: {  	[sflag:s29] =	ssyncset.done $0x0  }
0x3d: {  	s19 =	sadd.s32 $0x500, s11;
	[sflag:s29] =	ssyncadd.s32 $0xFFFFD800  }
0x3e: {  	[hbm4b:s19+s3] =	stream.linear.scatter [tilespmem:s23], [sflag:$0xA], $0x2800, $0x38;
	[tilespmem:$0xD000] =	vst v63  }
0x3f: {  	_ =	swait.ge [sflag:s30], $0x2800  }
0x40: {  	[sflag:s30] =	ssyncset.done $0x0  }
0x41: {  	s22 =	simm.s32 $0x230;
	[sflag:s30] =	ssyncadd.s32 $0xFFFFD800  }
0x42: {  	[tilespmem:s17], [sflag:$0x3] =	stream.indirect.gather [hbm4b:s1+s13], $0x80, s22, s13, $0xb8;
	[tilespmem:$0xD000] =	vst v63  }
0x43: {  	_ =	swait.ge [sflag:s18], $0x2800  }
0x44: {  	[sflag:s18] =	ssyncset.done $0x0  }
0x45: {  	s4 =	sadd.s32 $0xA00, s11;
	[sflag:s18] =	ssyncadd.s32 $0xFFFFD800  }
0x46: {  	[hbm4b:s4+s3] =	stream.linear.scatter [tilespmem:s14], [sflag:$0x6], $0x2800, $0x38;
	[tilespmem:$0xD000] =	vst v63  }
0x47: {  	_ =	swait.ge [sflag:s31], $0x2800  }
0x48: {  	[sflag:s31] =	ssyncset.done $0x0  }
0x49: {  	s19 =	simm.s32 $0x280;
	[sflag:s31] =	ssyncadd.s32 $0xFFFFD800  }
0x4a: {  	[tilespmem:s20], [sflag:$0x4] =	stream.indirect.gather [hbm4b:s1+s13], $0x80, s19, s13, $0xb8;
	[tilespmem:$0xD000] =	vst v63  }
0x4b: {  	_ =	swait.ge [sflag:s21], $0x2800  }
0x4c: {  	[sflag:s21] =	ssyncset.done $0x0  }
0x4d: {  	s22 =	sadd.s32 $0xF00, s11;
	[sflag:s21] =	ssyncadd.s32 $0xFFFFD800  }
0x4e: {  	[hbm4b:s22+s3] =	stream.linear.scatter [tilespmem:s15], [sflag:$0x7], $0x2800, $0x38;
	[tilespmem:$0xD000] =	vst v63  }
0x4f: {  	_ =	swait.ge [sflag:s0], $0x2800  }
0x50: {  	s16 =	simm.s32 $0x640;
	[sflag:s0] =	ssyncset.done $0x0  }
0x51: {  	s19 =	sadd.s32 $0x1900, s11;
	s22 =	simm.s32 $0x2D0;
	[sflag:s0] =	ssyncadd.s32 $0xFFFFD800  }
.LBB2_2:
0x52: {  	[tilespmem:s23], [sflag:$0x5] =	stream.indirect.gather [hbm4b:s1+s13], $0x80, s22, s13, $0xb8;
	[tilespmem:$0xD000] =	vst v63  }
0x53: {  	s22 =	smov.u32 s16  }
0x54: {  	p0 =	sne.s32 s16, $0x12C0;
	s16 =	sadd.s32 $0x640, s16;
	_ =	swait.ge [sflag:s24], $0x2800  }
0x55: {  	[sflag:s24] =	ssyncset.done $0x0  }
0x56: {  	s4 =	sadd.s32 $0xFFFFFB00, s19;
	[sflag:s24] =	ssyncadd.s32 $0xFFFFD800  }
0x57: {  	[hbm4b:s4+s3] =	stream.linear.scatter [tilespmem:s17], [sflag:$0x8], $0x2800, $0x38;
	[tilespmem:$0xD000] =	vst v63  }
0x58: {  	_ =	swait.ge [sflag:s25], $0x2800  }
0x59: {  	s22 =	sshra.s32 s22, $0x2;
	[sflag:s25] =	ssyncset.done $0x0  }
0x5a: {  	s4 =	sadd.s32 $0x190, s22;
	[sflag:s25] =	ssyncadd.s32 $0xFFFFD800  }
0x5b: {  	[tilespmem:s14], [sflag:$0x1] =	stream.indirect.gather [hbm4b:s1+s13], $0x80, s4, s13, $0xb8;
	[tilespmem:$0xD000] =	vst v63  }
0x5c: {  	_ =	swait.ge [sflag:s26], $0x2800  }
0x5d: {  	[sflag:s26] =	ssyncset.done $0x0  }
0x5e: {  	[sflag:s26] =	ssyncadd.s32 $0xFFFFD800  }
0x5f: {  	[hbm4b:s19+s3] =	stream.linear.scatter [tilespmem:s20], [sflag:$0x9], $0x2800, $0x38;
	[tilespmem:$0xD000] =	vst v63  }
0x60: {  	_ =	swait.ge [sflag:s28], $0x2800  }
0x61: {  	[sflag:s28] =	ssyncset.done $0x0  }
0x62: {  	s4 =	sadd.s32 $0x1E0, s22;
	[sflag:s28] =	ssyncadd.s32 $0xFFFFD800  }
0x63: {  	[tilespmem:s15], [sflag:$0x2] =	stream.indirect.gather [hbm4b:s1+s13], $0x80, s4, s13, $0xb8;
	[tilespmem:$0xD000] =	vst v63  }
0x64: {  	_ =	swait.ge [sflag:s29], $0x2800  }
0x65: {  	[sflag:s29] =	ssyncset.done $0x0  }
0x66: {  	s4 =	sadd.s32 $0x500, s19;
	[sflag:s29] =	ssyncadd.s32 $0xFFFFD800  }
0x67: {  	[hbm4b:s4+s3] =	stream.linear.scatter [tilespmem:s23], [sflag:$0xA], $0x2800, $0x38;
	[tilespmem:$0xD000] =	vst v63  }
0x68: {  	_ =	swait.ge [sflag:s30], $0x2800  }
0x69: {  	[sflag:s30] =	ssyncset.done $0x0  }
0x6a: {  	s4 =	sadd.s32 $0x230, s22;
	[sflag:s30] =	ssyncadd.s32 $0xFFFFD800  }
0x6b: {  	[tilespmem:s17], [sflag:$0x3] =	stream.indirect.gather [hbm4b:s1+s13], $0x80, s4, s13, $0xb8;
	[tilespmem:$0xD000] =	vst v63  }
0x6c: {  	_ =	swait.ge [sflag:s18], $0x2800  }
0x6d: {  	[sflag:s18] =	ssyncset.done $0x0  }
0x6e: {  	s4 =	sadd.s32 $0xA00, s19;
	[sflag:s18] =	ssyncadd.s32 $0xFFFFD800  }
0x6f: {  	[hbm4b:s4+s3] =	stream.linear.scatter [tilespmem:s14], [sflag:$0x6], $0x2800, $0x38;
	[tilespmem:$0xD000] =	vst v63  }
0x70: {  	_ =	swait.ge [sflag:s31], $0x2800  }
0x71: {  	[sflag:s31] =	ssyncset.done $0x0  }
0x72: {  	s4 =	sadd.s32 $0x280, s22;
	[sflag:s31] =	ssyncadd.s32 $0xFFFFD800  }
0x73: {  	[tilespmem:s20], [sflag:$0x4] =	stream.indirect.gather [hbm4b:s1+s13], $0x80, s4, s13, $0xb8;
	[tilespmem:$0xD000] =	vst v63  }
0x74: {  	_ =	swait.ge [sflag:s21], $0x2800  }
0x75: {  	[sflag:s21] =	ssyncset.done $0x0  }
.Ltmp0:
0x76: {  	s4 =	sadd.s32 $0xF00, s19;
	[sflag:s21] =	ssyncadd.s32 $0xFFFFD800;
	(pc) =	sbr.rel @p0 .LBB2_2-.Ltmp0, $4  }
0x77: {  	[hbm4b:s4+s3] =	stream.linear.scatter [tilespmem:s15], [sflag:$0x7], $0x2800, $0x38;
	[tilespmem:$0xD000] =	vst v63  }
0x78: {  	_ =	swait.ge [sflag:s0], $0x2800  }
0x79: {  	[sflag:s0] =	ssyncset.done $0x0  }
0x7a: {  	s22 =	sadd.s32 $0x2D0, s22;
	s19 =	sadd.s32 $0x1900, s19;
	[sflag:s0] =	ssyncadd.s32 $0xFFFFD800  }
0x7b: {  	[tilespmem:s23], [sflag:$0x5] =	stream.indirect.gather [hbm4b:s1+s13], $0x80, s22, s13, $0xb8;
	[tilespmem:$0xD000] =	vst v63  }
0x7c: {  	_ =	swait.ge [sflag:s24], $0x2800  }
0x7d: {  	[sflag:s24] =	ssyncset.done $0x0  }
0x7e: {  	[sflag:s24] =	ssyncadd.s32 $0xFFFFD800  }
0x7f: {  	[hbm4b:s7+s3] =	stream.linear.scatter [tilespmem:s17], [sflag:$0x8], $0x2800, $0x38;
	[tilespmem:$0xD000] =	vst v63  }
0x80: {  	_ =	swait.ge [sflag:s25], $0x2800  }
0x81: {  	[sflag:s25] =	ssyncset.done $0x0  }
0x82: {  	[sflag:s25] =	ssyncadd.s32 $0xFFFFD800  }
0x83: {  	_ =	swait.ge [sflag:s26], $0x2800  }
0x84: {  	[sflag:s26] =	ssyncset.done $0x0  }
0x85: {  	[sflag:s26] =	ssyncadd.s32 $0xFFFFD800  }
0x86: {  	[hbm4b:s8+s3] =	stream.linear.scatter [tilespmem:s20], [sflag:$0x9], $0x2800, $0x38;
	[tilespmem:$0xD000] =	vst v63  }
0x87: {  	_ =	swait.ge [sflag:s28], $0x2800  }
0x88: {  	[sflag:s28] =	ssyncset.done $0x0  }
0x89: {  	[sflag:s28] =	ssyncadd.s32 $0xFFFFD800  }
0x8a: {  	_ =	swait.ge [sflag:s29], $0x2800  }
0x8b: {  	[sflag:s29] =	ssyncset.done $0x0  }
0x8c: {  	[sflag:s29] =	ssyncadd.s32 $0xFFFFD800  }
0x8d: {  	[hbm4b:s9+s3] =	stream.linear.scatter [tilespmem:s23], [sflag:$0xA], $0x2800, $0x38;
	[tilespmem:$0xD000] =	vst v63  }
0x8e: {  	_ =	swait.ge [sflag:s30], $0x2800  }
0x8f: {  	[sflag:s30] =	ssyncset.done $0x0  }
0x90: {  	s2 =	sadd.s32 $0x1, s2;
	[sflag:s30] =	ssyncadd.s32 $0xFFFFD800  }
0x91: {  	p0 =	sne.s32 s2, s10;
	_ =	swait.ge [sflag:s31], $0x2800  }
.Ltmp1:
0x92: {  	[sflag:s31] =	ssyncset.done $0x0;
	(pc) =	sbr.rel @p0 .LBB2_1-.Ltmp1, $4  }
0x93: {  	[sflag:s31] =	ssyncadd.s32 $0xFFFFD800  }
0x94: {  	_ =	swait.ge [sflag:s0], $0x2800  }
0x95: {  	[sflag:s0] =	ssyncset.done $0x0  }
0x96: {  	[sflag:s0] =	ssyncadd.s32 $0xFFFFD800  }
0x97: {  	_ =	sfence.sel $0x180000  }
0x98: {  	[bflag:$0x0] =	sbarrier.arrive $0xFFFF  }
0x99: {  	_ =	strace $0x9000004A  }
0x9a: {  	s0 =	stileid.u32;
	[bflag:$0x2] =	sbarrier.arrive $0xFFFF  }
0x9b: {  	p0 =	sne.s32 s0, $0x0;
	s0 =	rddreg [dreg:$0x3]  }
0x9c: {  	s0 =	sadd.s32 @!p0 $0x100000, s0  }
0x9d: {  	[sflag:s0] =	ssyncadd.tile.s32 @!p0 $0x1;
	_ =	shalt  }
.Lfunc_end2:
_tile_overlayer_lowered:
.L_overlay_start_2:
0x9e: {  	(tag) =	ssettag $0x2  }
0x9f: {  	s0 =	rddreg [dreg:$0x0];
	s2 =	stileid.u32  }
0xa0: {  	s1 =	rddreg [dreg:$0x1];
	p0 =	sne.s32 s2, $0x0  }
0xa1: {  	s3 =	rddreg [dreg:$0x2];
	[bflag:$0x3] =	sbarrier.arrive $0xFFFF;
	s2 =	simm.s32 @!p0 $0x1C0B  }
0xa2: {  	[timem:s3], [sflag:s2] =	dma.local @!p0 [hbm:s0], s1  }
0xa3: {  	s0 =	simm.s32 @!p0 $0xB  }
0xa4: {  	_ =	swait.ge @!p0 [sflag:s0], s1  }
0xa5: {  	s1 =	ssub.s32 @!p0 $0x0, s1;
	[sflag:s0] =	ssyncset.done @!p0 $0x0  }
0xa6: {  	[sflag:s0] =	ssyncadd.s32 @!p0 s1  }
0xa7: {  	[bflag:$0x3] =	sbarrier.arrive $0xFFFF  }
0xa8: {  	_ =	shalt  }

// kernel: kernel.18.cloned.1.call-start
scs
__scs_entry_jumppad:
0x0: {  	(pc) =	sbr.rel $0x88, $3  }
0x1: {  	(tag) =	ssettag $0x0;
	lr =	simm.s32 $0x1  }
0x2: {  	[smem:$0x3F9A] =	sst lr;
	_ =	strace $0xD0000000  }
0x3: {  	_ = 	snop  }
0x4: {  	_ = 	snop  }
0x5: {  	_ = 	snop  }
0x6: {  	_ = 	snop  }
0x7: {  	_ = 	snop  }
__scs_overlays_trampoline_lowered:
0x8: {  	[smem:$0x3FA9] =	sst s0  }
0x9: {  	[smem:$0x3FAA] =	sst s1  }
0xa: {  	[smem:$0x3FAB] =	sst s2  }
0xb: {  	[smem:$0x3FAC] =	sst s3  }
0xc: {  	[smem:$0x3FAD] =	sst s4  }
0xd: {  	[smem:$0x3FAE] =	sst s5  }
0xe: {  	[smem:$0x3FAF] =	sst s6  }
0xf: {  	[smem:$0x3FB0] =	sst s7  }
0x10: {  	[smem:$0x3FB1] =	sst s8  }
0x11: {  	[smem:$0x3FB2] =	sst s9;
	s0 =	simm.s32 @!p0 $0x0  }
0x12: {  	s1 =	sld [smem:$0x3F98];
	s0 =	simm.s32 @p0 $0x1  }
0x13: {  	[smem:$0x3FB3] =	sst s0;
	s0 =	simm.s32 @!p1 $0x0  }
0x14: {  	s2 =	sld [smem:$0x3F97];
	s0 =	simm.s32 @p1 $0x1  }
0x15: {  	[smem:$0x3FB4] =	sst s0;
	s0 =	simm.s32 @!p2 $0x0  }
0x16: {  	s3 =	sld [smem:$0x3FDB];
	s0 =	simm.s32 @p2 $0x1  }
0x17: {  	s4 =	simm.s32 $0x1BF5;
	[smem:$0x3FB6] =	sst s0  }
0x18: {  	s0 =	sld [smem:$0x3F99];
	_ =	swait.ge [sflag:s4], $0x0  }
0x19: {  	s7 =	sld [smem:$0x3F9A]  }
0x1a: {  	s8 =	sadd.s32 $0xFFFFE003, lr  }
0x1b: {  	s9 =	sadd.s32 $0xFFFFFEF7, lr;
	s5 =	simm.s32 $0xFFFFFFFF;
	p2 =	slt.u32 s8, $0xFFFFF086  }
0x1c: {  	p1 =	slt.u32 s9, $0xF7A;
	s5 =	simm.s32 @!p2 $0x0  }
0x1d: {  	s5 =	simm.s32 @p1 $0x1;
	p0 =	seq.s32 s7, s2  }
0x1e: {  	s7 =	smul.u32 @!p0 $0xF7A, s2;
	p2 =	seq.s32 @!p0 s5, $0x0  }
0x1f: {  	s9 =	smul.u32 $0xF7A, s1;
	s8 =	simm.s32 @!p0 $0x1BF5;
	p2 =	por !p2, p0  }
0x20: {  	[sflag:s8] =	ssyncset.s32 @!p0 $0xFFFFF086;
	s6 =	sadd.s32 @!p0 s3, s7;
	s7 =	simm.s32 @!p0 $0x108  }
0x21: {  	s3 =	sadd.s32 s3, s9;
	s6 =	sadd.s32 @!p0 $0x88, s6;
	s7 =	simm.s32 @p2 $0x1082  }
0x22: {  	[simem:s7], [sflag:s8] =	dma.local @!p0 [hbm:s6], $0xF7A  }
0x23: {  	s9 =	sor.u32 $0xD0000000, s2;
	s6 =	simm.s32 $0x108;
	_ =	swait.ge @!p0 [sflag:s8], $0x0  }
0x24: {  	s3 =	sadd.s32 $0x88, s3;
	s6 =	simm.s32 @!p1 $0x1082;
	[sflag:s4] =	ssyncset.s32 $0xFFFFF086  }
0x25: {  	[simem:s6], [sflag:s4] =	dma.local [hbm:s3], $0xF7A  }
0x26: {  	[smem:$0x3F9A] =	sst s1;
	(tag) =	ssettag s2;
	_ =	strace s9  }
0x27: {  	s1 =	sld [smem:$0x3FAA]  }
0x28: {  	s2 =	sld [smem:$0x3FAB]  }
0x29: {  	s4 =	sld [smem:$0x3FAD]  }
0x2a: {  	p0 =	seq.s32 s5, $0x0;
	s5 =	sld [smem:$0x3FAE]  }
0x2b: {  	s6 =	sld [smem:$0x3FAF]  }
0x2c: {  	s7 =	sld [smem:$0x3FB0]  }
0x2d: {  	s3 =	simm.s32 $0x108;
	s8 =	sld [smem:$0x3FB1]  }
0x2e: {  	s3 =	simm.s32 @!p0 $0x1082;
	s9 =	sld [smem:$0x3FB2]  }
0x2f: {  	lr =	sadd.s32 s0, s3;
	s0 =	sld [smem:$0x3FA9]  }
0x30: {  	s3 =	sld [smem:$0x3FAC]  }
0x31: {  	[smem:$0x3FB5] =	sst s10  }
0x32: {  	s10 =	sld [smem:$0x3FB3];
	_ =	sdelay $0x3  }
0x33: {  	p0 =	seq.s32 s10, $0x1;
	s10 =	sld [smem:$0x3FB5];
	_ =	sdelay $0x3  }
0x34: {  	[smem:$0x3FB5] =	sst s10  }
0x35: {  	s10 =	sld [smem:$0x3FB4];
	_ =	sdelay $0x3  }
0x36: {  	p1 =	seq.s32 s10, $0x1;
	s10 =	sld [smem:$0x3FB5];
	_ =	sdelay $0x3  }
0x37: {  	[smem:$0x3FB5] =	sst s10  }
0x38: {  	s10 =	sld [smem:$0x3FB6]  }
0x39: {  	_ = 	snop;
	(pc) =	sbr.ind lr, $3  }
0x3a: {  	_ = 	snop  }
0x3b: {  	_ = 	snop  }
0x3c: {  	p2 =	seq.s32 s10, $0x1;
	s10 =	sld [smem:$0x3FB5]  }
0x3d: {  	_ =	shalt  }
0x3e: {  	_ =	shalt  }
0x3f: {  	_ =	shalt  }
0x40: {  	_ =	shalt  }
0x41: {  	_ =	shalt  }
0x42: {  	_ =	shalt  }
0x43: {  	_ =	shalt  }
0x44: {  	_ =	shalt  }
0x45: {  	_ =	shalt  }
0x46: {  	_ =	shalt  }
0x47: {  	_ =	shalt  }
0x48: {  	_ =	shalt  }
0x49: {  	_ =	shalt  }
0x4a: {  	_ =	shalt  }
0x4b: {  	_ =	shalt  }
0x4c: {  	_ =	shalt  }
0x4d: {  	_ =	shalt  }
0x4e: {  	_ =	shalt  }
0x4f: {  	_ =	shalt  }
0x50: {  	_ =	shalt  }
0x51: {  	_ =	shalt  }
0x52: {  	_ =	shalt  }
0x53: {  	_ =	shalt  }
0x54: {  	_ =	shalt  }
0x55: {  	_ =	shalt  }
0x56: {  	_ =	shalt  }
0x57: {  	_ =	shalt  }
0x58: {  	_ =	shalt  }
0x59: {  	_ =	shalt  }
0x5a: {  	_ =	shalt  }
0x5b: {  	_ =	shalt  }
0x5c: {  	_ =	shalt  }
0x5d: {  	_ =	shalt  }
0x5e: {  	_ =	shalt  }
0x5f: {  	_ =	shalt  }
0x60: {  	_ =	shalt  }
0x61: {  	_ =	shalt  }
0x62: {  	_ =	shalt  }
0x63: {  	_ =	shalt  }
0x64: {  	_ =	shalt  }
0x65: {  	_ =	shalt  }
0x66: {  	_ =	shalt  }
0x67: {  	_ =	shalt  }
0x68: {  	_ =	shalt  }
0x69: {  	_ =	shalt  }
0x6a: {  	_ =	shalt  }
0x6b: {  	_ =	shalt  }
0x6c: {  	_ =	shalt  }
0x6d: {  	_ =	shalt  }
0x6e: {  	_ =	shalt  }
0x6f: {  	_ =	shalt  }
0x70: {  	_ =	shalt  }
0x71: {  	_ =	shalt  }
0x72: {  	_ =	shalt  }
0x73: {  	_ =	shalt  }
0x74: {  	_ =	shalt  }
0x75: {  	_ =	shalt  }
0x76: {  	_ =	shalt  }
0x77: {  	_ =	shalt  }
0x78: {  	_ =	shalt  }
0x79: {  	_ =	shalt  }
0x7a: {  	_ =	shalt  }
0x7b: {  	_ =	shalt  }
0x7c: {  	_ =	shalt  }
0x7d: {  	_ =	shalt  }
0x7e: {  	_ =	shalt  }
0x7f: {  	_ =	shalt  }
0x80: {  	_ =	shalt  }
0x81: {  	_ =	shalt  }
0x82: {  	_ =	shalt  }
0x83: {  	_ =	shalt  }
0x84: {  	_ =	shalt  }
0x85: {  	_ =	shalt  }
0x86: {  	_ =	shalt  }
0x87: {  	_ =	shalt  }
.Lfunc_end0:
.L_simem_size_0:
called_computation.2_lowered:
.L_overlay_start_0:
0x88: {  	s2 =	sld [smem:$0x3FD9]  }
0x89: {  	s3 =	sld [smem:$0x3FFE];
	_ =	sdelay $0x1  }
0x8a: {  	s1 =	srdreg.scid  }
0x8b: {  	s0 =	sand.u32 $0x1, s1  }
0x8c: {  	s17 =	sshll.u32 s0, $0xA;
	s2 =	sadd.s32 s3, s2  }
0x8d: {  	s2 =	sadd.s32 s2, s17  }
0x8e: {  	[smem:$0x3FC1] =	sst s2  }
0x8f: {  	_ = 	snop  }
0x90: {  	s18 =	sld [smem:$0x3FC9]  }
0x91: {  	s4 =	sld [smem:$0x3FC8];
	(tm) =	ssettm $0x1  }
0x92: {  	s19 =	sld [smem:$0x3FFB];
	_ =	sdelay $0x3  }
0x93: {  	_ =	strace s19  }
0x94: {  	s2 =	sld [smem:$0x3FFC];
	_ =	sdelay $0x3  }
0x95: {  	_ =	strace s2  }
0x96: {  	s2 =	sld [smem:$0x3FFD];
	_ =	sdelay $0x3  }
0x97: {  	_ =	strace s2  }
0x98: {  	_ =	strace $0x8FFFFFFF  }
0x99: {  	s20 =	sld [smem:$0x3FDB];
	_ =	sdelay $0x1  }
0x9a: {  	s5 =	simm.s32 $_scs_section_size  }
0x9b: {  	s6 =	simm.s32 $_size__tile_overlayer_lowered;
	s7 =	simm.s32 $_tile_overlayer_lowered  }
0x9c: {  	s8 =	simm.s32 $0x1BFF;
	s21 =	sshll.u32 s7, $0x1;
	s5 =	sadd.s32 s5, s20  }
0x9d: {  	s22 =	simm.s32 $0x0;
	s6 =	sshll.u32 s6, $0x1;
	s7 =	sadd.s32 s21, s5  }
0x9e: {  	[timem:s22], [sflag:s8] =	dma.local [hbm:s7], s6  }
0x9f: {  	_ =	swait.ge [sflag:s8], s6  }
0xa0: {  	s6 =	ssub.s32 $0x0, s6;
	[sflag:s8] =	ssyncset.done $0x0  }
0xa1: {  	[sflag:s8] =	ssyncadd.s32 s6;
	_ =	sdelay $0x1  }
0xa2: {  	s23 =	simm.s32 $0x1B8B  }
0xa3: {  	_ =	swait.ge [sflag:s23], $0x1  }
0xa4: {  	[sflag:s23] =	ssyncset.done $0x0  }
0xa5: {  	[sflag:s23] =	ssyncadd.s32 $0xFFFFFFFF  }
0xa6: {  	s6 =	sld [smem:$0x0]  }
0xa7: {  	s7 =	sand.u32 $0xFFFFFFFE, s1  }
0xa8: {  	p0 =	sne.s32 s1, s7  }
0xa9: {  	s7 =	sshll.u32 @p0 s7, $0xE  }
0xaa: {  	s7 =	sadd.s32 @p0 $0x11B8D, s7;
	s8 =	sshll.u32 @p0 s6, $0x11  }
0xab: {  	s7 =	sor.u32 @p0 s8, s7  }
0xac: {  	[sflag:s7] =	ssyncadd.remote.s32 @p0 $0x1;
	_ =	sdelay $0x1  }
0xad: {  	s7 =	simm.s32 @p0 $0x1B8D  }
0xae: {  	_ =	swait.eq @p0 [sflag:s7], $0x1  }
0xaf: {  	[sflag:s7] =	ssyncadd.s32 @p0 $0xFFFFFFFF  }
0xb0: {  	s8 =	sshll.u32 @!p0 s1, $0xE  }
0xb1: {  	s8 =	sor.u32 @!p0 $0x4000, s8;
	s7 =	simm.s32 @!p0 $0x1B8D  }
0xb2: {  	s6 =	sshll.u32 @!p0 s6, $0x11;
	s8 =	sadd.s32 @!p0 $0x11B8D, s8;
	_ =	swait.eq @!p0 [sflag:s7], $0x1  }
0xb3: {  	s6 =	sor.u32 @!p0 s6, s8;
	[sflag:s7] =	ssyncadd.s32 @!p0 $0xFFFFFFFF  }
0xb4: {  	s25 =	simm.s32 $0x1B8E;
	s24 =	sld [smem:$0x3FFE];
	[sflag:s6] =	ssyncadd.remote.s32 @!p0 $0x1  }
0xb5: {  	s26 =	simm.s32 $execute0_lowered;
	[smem:$0x3FD2] =	sst s25  }
0xb6: {  	s7 =	sshll.u32 s26, $0x1;
	_ =	strace $0x8000004C;
	[dreg:$0x1] =	wrdreg $0xFFFFFFFF  }
0xb7: {  	s28 =	simm.s32 $_size_execute0_lowered;
	s5 =	sadd.s32 s5, s7;
	[dreg:$0x0] =	wrdreg $0x0  }
0xb8: {  	s7 =	sshll.u32 s28, $0x1;
	[dreg:$0x2] =	wrdreg s5  }
0xb9: {  	[dreg:$0x3] =	wrdreg s7  }
0xba: {  	[dreg:$0x4] =	wrdreg $0xC0  }
0xbb: {  	_ =	task [dreg:s22], $0x5FFFF  }
0xbc: {  	[dreg:$0x1] =	wrdreg $0xFFFFFFFF  }
0xbd: {  	[dreg:$0x0] =	wrdreg $0x60  }
0xbe: {  	[dreg:$0x2] =	wrdreg s18  }
0xbf: {  	[dreg:$0x3] =	wrdreg s4  }
0xc0: {  	[dreg:$0x4] =	wrdreg s24  }
0xc1: {  	[dreg:$0x5] =	wrdreg $0xB  }
0xc2: {  	_ =	task.clear_ibuf [dreg:s22], $0x6FFFF;
	_ =	strace $0x9000004C  }
0xc3: {  	s29 =	simm.s32 $0xB;
	_ =	strace $0x8000004E  }
0xc4: {  	_ =	swait.ge [sflag:s29], $0x1  }
0xc5: {  	[sflag:s29] =	ssyncadd.s32 $0xFFFFFFFF  }
0xc6: {  	_ =	strace $0x9000004E  }
0xc7: {  	_ =	sfence  }
0xc8: {  	s30 =	sld [smem:$0x0];
	_ =	sdelay $0x2  }
0xc9: {  	s31 =	sshll.u32 s1, $0xD;
	s1 =	sshrl.u32 s1, $0x2  }
0xca: {  	s4 =	sand.u32 $0x4000, s31;
	s1 =	sadd.s32 s1, s30  }
0xcb: {  	s0 =	sor.u32 s4, s0;
	s1 =	sshll.u32 s1, $0x11  }
0xcc: {  	s0 =	sor.u32 s1, s0  }
0xcd: {  	s0 =	sadd.s32 $0x8F2B, s0  }
0xce: {  	[sflag:s0] =	ssyncadd.remote.s32 $0x1  }
0xcf: {  	_ =	sfence.sel $0xFFFF  }
0xd0: {  	[dreg:$0x0] =	wrdreg $0xFFFFFFFF;
	(pc) =	sbr.abs _section_cstart, $3  }
0xd1: {  	[dreg:$0x1] =	wrdreg $0xFFFFFFFF  }
0xd2: {  	_ =	task.clear_ibuf [dreg:s22], $0x2FFFF;
	_ =	strace $0x9FFFFFFF  }
0xd3: {  	(tm) =	ssettm $0x7FFFFFFF  }
tec
execute0_lowered:
.L_overlay_start_1:
0x0: {  	(tag) =	ssettag $0x1  }
0x1: {  	s1 =	rddreg [dreg:$0x0]  }
0x2: {  	s0 =	rddreg [dreg:$0x1]  }
0x3: {  	s2 =	rddreg [dreg:$0x2]  }
0x4: {  	s4 =	srdreg.scid;
	s11 =	stileid.u32  }
0x5: {  	s3 =	simm.s32 $0x0;
	s12 =	simm.s32 $0xB;
	s13 =	simm.s32 $0x50  }
0x6: {  	s14 =	simm.s32 $0x800;
	s15 =	simm.s32 $0x3000;
	s17 =	simm.s32 $0x5800  }
0x7: {  	s18 =	simm.s32 $0x1;
	s28 =	simm.s32 $0x7;
	s29 =	simm.s32 $0x5  }
0x8: {  	s5 =	sand.u32 $0x1, s4;
	s20 =	sshll.u32 s11, $0x1;
	s24 =	smul.u32 $0xFA00, s11  }
0x9: {  	s30 =	simm.s32 $0x8;
	s4 =	sor.u32 s5, s20;
	s26 =	smul.u32 $0x7D00, s5  }
0xa: {  	s31 =	simm.s32 $0x9;
	[smem:$0x7FF] =	sst s3;
	s7 =	smul.u32 $0x7D0, s4  }
0xb: {  	s2 =	sadd.s32 $0x1F5C00, s2;
	s6 =	ssub.s32 $0x2, s5;
	s9 =	smul.u32 $0x3E800, s4  }
0xc: {  	_ =	strace $0x8000004D;
	s8 =	sshrl.u32 s6, $0x1;
	s22 =	smul.u32 $0x7D00, s4  }
0xd: {  	s20 =	simm.s32 $0x8000;
	s10 =	ssub.s32 s6, s8;
	s21 =	sshrl.u32 s7, $0x3  }
0xe: {  	s23 =	sshrl.u32 s9, $0x3;
	s5 =	sadd.s32 s2, s22;
	s10 =	smax.u32 s10, $0x1  }
0xf: {  	s0 =	sadd.s32 s0, s21;
	s25 =	sadd.s32 s2, s23;
	s2 =	sadd.s32 s24, s2  }
0x10: {  	s21 =	simm.s32 $0x2;
	s23 =	simm.s32 $0xA800;
	s24 =	simm.s32 $0x3  }
0x11: {  	s0 =	sadd.s32 $0x3E80, s0;
	s6 =	sadd.s32 $0x500, s25;
	s7 =	sadd.s32 $0x6E00, s25  }
0x12: {  	s8 =	sadd.s32 $0x7300, s25;
	s2 =	sadd.s32 s26, s2;
	s9 =	sadd.s32 $0x7800, s25  }
0x13: {  	s25 =	simm.s32 $0x6;
	s26 =	simm.s32 $0x4;
	[dreg:$0x4] =	wrdreg s0  }
0x14: {  	s11 =	sadd.s32 $0xF00, s2;
	s0 =	simm.s32 $0xA;
	s2 =	simm.s32 $0x0  }
.LBB2_1:
0x15: {  	s4 =	rddreg [dreg:$0x4]  }
0x16: {  	[tilespmem:s3], [sflag:$0xB] =	stream.linear.gather [hbm4b:s4+s3], $0x7D0, $0x38;
	[tilespmem:$0xD000] =	vst v63  }
0x17: {  	_ =	swait.ge [sflag:s12], $0x7D0  }
0x18: {  	[sflag:s12] =	ssyncset.done $0x0  }
0x19: {  	[sflag:s12] =	ssyncadd.s32 $0xFFFFF830  }
0x1a: {  	[tilespmem:s14], [sflag:$0x1] =	stream.indirect.gather [hbm4b:s1+s13], $0x80, s3, s13, $0xb8;
	[tilespmem:$0xD000] =	vst v63  }
0x1b: {  	_ = 	snop  }
0x1c: {  	[tilespmem:s15], [sflag:$0x2] =	stream.indirect.gather [hbm4b:s1+s13], $0x80, s13, s13, $0xb8;
	[tilespmem:$0xD000] =	vst v63  }
0x1d: {  	s22 =	simm.s32 $0xA0  }
0x1e: {  	[tilespmem:s17], [sflag:$0x3] =	stream.indirect.gather [hbm4b:s1+s13], $0x80, s22, s13, $0xb8;
	[tilespmem:$0xD000] =	vst v63  }
0x1f: {  	_ =	swait.ge [sflag:s18], $0x2800  }
0x20: {  	[sflag:s18] =	ssyncset.done $0x0  }
0x21: {  	[sflag:s18] =	ssyncadd.s32 $0xFFFFD800  }
0x22: {  	[hbm4b:s5+s3] =	stream.linear.scatter [tilespmem:s14], [sflag:$0x6], $0x2800, $0x38;
	[tilespmem:$0xD000] =	vst v63  }
0x23: {  	s16 =	simm.s32 $0xF0  }
0x24: {  	[tilespmem:s20], [sflag:$0x4] =	stream.indirect.gather [hbm4b:s1+s13], $0x80, s16, s13, $0xb8;
	[tilespmem:$0xD000] =	vst v63  }
0x25: {  	_ =	swait.ge [sflag:s21], $0x2800  }
0x26: {  	[sflag:s21] =	ssyncset.done $0x0  }
0x27: {  	[sflag:s21] =	ssyncadd.s32 $0xFFFFD800  }
0x28: {  	[hbm4b:s6+s3] =	stream.linear.scatter [tilespmem:s15], [sflag:$0x7], $0x2800, $0x38;
	[tilespmem:$0xD000] =	vst v63  }
0x29: {  	s19 =	simm.s32 $0x140  }
0x2a: {  	[tilespmem:s23], [sflag:$0x5] =	stream.indirect.gather [hbm4b:s1+s13], $0x80, s19, s13, $0xb8;
	[tilespmem:$0xD000] =	vst v63  }
0x2b: {  	_ =	swait.ge [sflag:s24], $0x2800  }
0x2c: {  	[sflag:s24] =	ssyncset.done $0x0  }
0x2d: {  	s16 =	sadd.s32 $0xFFFFFB00, s11;
	[sflag:s24] =	ssyncadd.s32 $0xFFFFD800  }
0x2e: {  	[hbm4b:s16+s3] =	stream.linear.scatter [tilespmem:s17], [sflag:$0x8], $0x2800, $0x38;
	[tilespmem:$0xD000] =	vst v63  }
0x2f: {  	_ =	swait.ge [sflag:s25], $0x2800  }
0x30: {  	[sflag:s25] =	ssyncset.done $0x0  }
0x31: {  	s22 =	simm.s32 $0x190;
	[sflag:s25] =	ssyncadd.s32 $0xFFFFD800  }
0x32: {  	[tilespmem:s14], [sflag:$0x1] =	stream.indirect.gather [hbm4b:s1+s13], $0x80, s22, s13, $0xb8;
	[tilespmem:$0xD000] =	vst v63  }
0x33: {  	_ =	swait.ge [sflag:s26], $0x2800  }
0x34: {  	[sflag:s26] =	ssyncset.done $0x0  }
0x35: {  	[sflag:s26] =	ssyncadd.s32 $0xFFFFD800  }
0x36: {  	[hbm4b:s11+s3] =	stream.linear.scatter [tilespmem:s20], [sflag:$0x9], $0x2800, $0x38;
	[tilespmem:$0xD000] =	vst v63  }
0x37: {  	_ =	swait.ge [sflag:s28], $0x2800  }
0x38: {  	[sflag:s28] =	ssyncset.done $0x0  }
0x39: {  	s4 =	simm.s32 $0x1E0;
	[sflag:s28] =	ssyncadd.s32 $0xFFFFD800  }
0x3a: {  	[tilespmem:s15], [sflag:$0x2] =	stream.indirect.gather [hbm4b:s1+s13], $0x80, s4, s13, $0xb8;
	[tilespmem:$0xD000] =	vst v63  }
0x3b: {  	_ =	swait.ge [sflag:s29], $0x2800  }
0x3c: {  	[sflag:s29] =	ssyncset.done $0x0  }
0x3d: {  	s19 =	sadd.s32 $0x500, s11;
	[sflag:s29] =	ssyncadd.s32 $0xFFFFD800  }
0x3e: {  	[hbm4b:s19+s3] =	stream.linear.scatter [tilespmem:s23], [sflag:$0xA], $0x2800, $0x38;
	[tilespmem:$0xD000] =	vst v63  }
0x3f: {  	_ =	swait.ge [sflag:s30], $0x2800  }
0x40: {  	[sflag:s30] =	ssyncset.done $0x0  }
0x41: {  	s22 =	simm.s32 $0x230;
	[sflag:s30] =	ssyncadd.s32 $0xFFFFD800  }
0x42: {  	[tilespmem:s17], [sflag:$0x3] =	stream.indirect.gather [hbm4b:s1+s13], $0x80, s22, s13, $0xb8;
	[tilespmem:$0xD000] =	vst v63  }
0x43: {  	_ =	swait.ge [sflag:s18], $0x2800  }
0x44: {  	[sflag:s18] =	ssyncset.done $0x0  }
0x45: {  	s4 =	sadd.s32 $0xA00, s11;
	[sflag:s18] =	ssyncadd.s32 $0xFFFFD800  }
0x46: {  	[hbm4b:s4+s3] =	stream.linear.scatter [tilespmem:s14], [sflag:$0x6], $0x2800, $0x38;
	[tilespmem:$0xD000] =	vst v63  }
0x47: {  	_ =	swait.ge [sflag:s31], $0x2800  }
0x48: {  	[sflag:s31] =	ssyncset.done $0x0  }
0x49: {  	s19 =	simm.s32 $0x280;
	[sflag:s31] =	ssyncadd.s32 $0xFFFFD800  }
0x4a: {  	[tilespmem:s20], [sflag:$0x4] =	stream.indirect.gather [hbm4b:s1+s13], $0x80, s19, s13, $0xb8;
	[tilespmem:$0xD000] =	vst v63  }
0x4b: {  	_ =	swait.ge [sflag:s21], $0x2800  }
0x4c: {  	[sflag:s21] =	ssyncset.done $0x0  }
0x4d: {  	s22 =	sadd.s32 $0xF00, s11;
	[sflag:s21] =	ssyncadd.s32 $0xFFFFD800  }
0x4e: {  	[hbm4b:s22+s3] =	stream.linear.scatter [tilespmem:s15], [sflag:$0x7], $0x2800, $0x38;
	[tilespmem:$0xD000] =	vst v63  }
0x4f: {  	_ =	swait.ge [sflag:s0], $0x2800  }
0x50: {  	s16 =	simm.s32 $0x640;
	[sflag:s0] =	ssyncset.done $0x0  }
0x51: {  	s19 =	sadd.s32 $0x1900, s11;
	s22 =	simm.s32 $0x2D0;
	[sflag:s0] =	ssyncadd.s32 $0xFFFFD800  }
.LBB2_2:
0x52: {  	[tilespmem:s23], [sflag:$0x5] =	stream.indirect.gather [hbm4b:s1+s13], $0x80, s22, s13, $0xb8;
	[tilespmem:$0xD000] =	vst v63  }
0x53: {  	s22 =	smov.u32 s16  }
0x54: {  	p0 =	sne.s32 s16, $0x12C0;
	s16 =	sadd.s32 $0x640, s16;
	_ =	swait.ge [sflag:s24], $0x2800  }
0x55: {  	[sflag:s24] =	ssyncset.done $0x0  }
0x56: {  	s4 =	sadd.s32 $0xFFFFFB00, s19;
	[sflag:s24] =	ssyncadd.s32 $0xFFFFD800  }
0x57: {  	[hbm4b:s4+s3] =	stream.linear.scatter [tilespmem:s17], [sflag:$0x8], $0x2800, $0x38;
	[tilespmem:$0xD000] =	vst v63  }
0x58: {  	_ =	swait.ge [sflag:s25], $0x2800  }
0x59: {  	s22 =	sshra.s32 s22, $0x2;
	[sflag:s25] =	ssyncset.done $0x0  }
0x5a: {  	s4 =	sadd.s32 $0x190, s22;
	[sflag:s25] =	ssyncadd.s32 $0xFFFFD800  }
0x5b: {  	[tilespmem:s14], [sflag:$0x1] =	stream.indirect.gather [hbm4b:s1+s13], $0x80, s4, s13, $0xb8;
	[tilespmem:$0xD000] =	vst v63  }
0x5c: {  	_ =	swait.ge [sflag:s26], $0x2800  }
0x5d: {  	[sflag:s26] =	ssyncset.done $0x0  }
0x5e: {  	[sflag:s26] =	ssyncadd.s32 $0xFFFFD800  }
0x5f: {  	[hbm4b:s19+s3] =	stream.linear.scatter [tilespmem:s20], [sflag:$0x9], $0x2800, $0x38;
	[tilespmem:$0xD000] =	vst v63  }
0x60: {  	_ =	swait.ge [sflag:s28], $0x2800  }
0x61: {  	[sflag:s28] =	ssyncset.done $0x0  }
0x62: {  	s4 =	sadd.s32 $0x1E0, s22;
	[sflag:s28] =	ssyncadd.s32 $0xFFFFD800  }
0x63: {  	[tilespmem:s15], [sflag:$0x2] =	stream.indirect.gather [hbm4b:s1+s13], $0x80, s4, s13, $0xb8;
	[tilespmem:$0xD000] =	vst v63  }
0x64: {  	_ =	swait.ge [sflag:s29], $0x2800  }
0x65: {  	[sflag:s29] =	ssyncset.done $0x0  }
0x66: {  	s4 =	sadd.s32 $0x500, s19;
	[sflag:s29] =	ssyncadd.s32 $0xFFFFD800  }
0x67: {  	[hbm4b:s4+s3] =	stream.linear.scatter [tilespmem:s23], [sflag:$0xA], $0x2800, $0x38;
	[tilespmem:$0xD000] =	vst v63  }
0x68: {  	_ =	swait.ge [sflag:s30], $0x2800  }
0x69: {  	[sflag:s30] =	ssyncset.done $0x0  }
0x6a: {  	s4 =	sadd.s32 $0x230, s22;
	[sflag:s30] =	ssyncadd.s32 $0xFFFFD800  }
0x6b: {  	[tilespmem:s17], [sflag:$0x3] =	stream.indirect.gather [hbm4b:s1+s13], $0x80, s4, s13, $0xb8;
	[tilespmem:$0xD000] =	vst v63  }
0x6c: {  	_ =	swait.ge [sflag:s18], $0x2800  }
0x6d: {  	[sflag:s18] =	ssyncset.done $0x0  }
0x6e: {  	s4 =	sadd.s32 $0xA00, s19;
	[sflag:s18] =	ssyncadd.s32 $0xFFFFD800  }
0x6f: {  	[hbm4b:s4+s3] =	stream.linear.scatter [tilespmem:s14], [sflag:$0x6], $0x2800, $0x38;
	[tilespmem:$0xD000] =	vst v63  }
0x70: {  	_ =	swait.ge [sflag:s31], $0x2800  }
0x71: {  	[sflag:s31] =	ssyncset.done $0x0  }
0x72: {  	s4 =	sadd.s32 $0x280, s22;
	[sflag:s31] =	ssyncadd.s32 $0xFFFFD800  }
0x73: {  	[tilespmem:s20], [sflag:$0x4] =	stream.indirect.gather [hbm4b:s1+s13], $0x80, s4, s13, $0xb8;
	[tilespmem:$0xD000] =	vst v63  }
0x74: {  	_ =	swait.ge [sflag:s21], $0x2800  }
0x75: {  	[sflag:s21] =	ssyncset.done $0x0  }
.Ltmp0:
0x76: {  	s4 =	sadd.s32 $0xF00, s19;
	[sflag:s21] =	ssyncadd.s32 $0xFFFFD800;
	(pc) =	sbr.rel @p0 .LBB2_2-.Ltmp0, $4  }
0x77: {  	[hbm4b:s4+s3] =	stream.linear.scatter [tilespmem:s15], [sflag:$0x7], $0x2800, $0x38;
	[tilespmem:$0xD000] =	vst v63  }
0x78: {  	_ =	swait.ge [sflag:s0], $0x2800  }
0x79: {  	[sflag:s0] =	ssyncset.done $0x0  }
0x7a: {  	s22 =	sadd.s32 $0x2D0, s22;
	s19 =	sadd.s32 $0x1900, s19;
	[sflag:s0] =	ssyncadd.s32 $0xFFFFD800  }
0x7b: {  	[tilespmem:s23], [sflag:$0x5] =	stream.indirect.gather [hbm4b:s1+s13], $0x80, s22, s13, $0xb8;
	[tilespmem:$0xD000] =	vst v63  }
0x7c: {  	_ =	swait.ge [sflag:s24], $0x2800  }
0x7d: {  	[sflag:s24] =	ssyncset.done $0x0  }
0x7e: {  	[sflag:s24] =	ssyncadd.s32 $0xFFFFD800  }
0x7f: {  	[hbm4b:s7+s3] =	stream.linear.scatter [tilespmem:s17], [sflag:$0x8], $0x2800, $0x38;
	[tilespmem:$0xD000] =	vst v63  }
0x80: {  	_ =	swait.ge [sflag:s25], $0x2800  }
0x81: {  	[sflag:s25] =	ssyncset.done $0x0  }
0x82: {  	[sflag:s25] =	ssyncadd.s32 $0xFFFFD800  }
0x83: {  	_ =	swait.ge [sflag:s26], $0x2800  }
0x84: {  	[sflag:s26] =	ssyncset.done $0x0  }
0x85: {  	[sflag:s26] =	ssyncadd.s32 $0xFFFFD800  }
0x86: {  	[hbm4b:s8+s3] =	stream.linear.scatter [tilespmem:s20], [sflag:$0x9], $0x2800, $0x38;
	[tilespmem:$0xD000] =	vst v63  }
0x87: {  	_ =	swait.ge [sflag:s28], $0x2800  }
0x88: {  	[sflag:s28] =	ssyncset.done $0x0  }
0x89: {  	[sflag:s28] =	ssyncadd.s32 $0xFFFFD800  }
0x8a: {  	_ =	swait.ge [sflag:s29], $0x2800  }
0x8b: {  	[sflag:s29] =	ssyncset.done $0x0  }
0x8c: {  	[sflag:s29] =	ssyncadd.s32 $0xFFFFD800  }
0x8d: {  	[hbm4b:s9+s3] =	stream.linear.scatter [tilespmem:s23], [sflag:$0xA], $0x2800, $0x38;
	[tilespmem:$0xD000] =	vst v63  }
0x8e: {  	_ =	swait.ge [sflag:s30], $0x2800  }
0x8f: {  	[sflag:s30] =	ssyncset.done $0x0  }
0x90: {  	s2 =	sadd.s32 $0x1, s2;
	[sflag:s30] =	ssyncadd.s32 $0xFFFFD800  }
0x91: {  	p0 =	sne.s32 s2, s10;
	_ =	swait.ge [sflag:s31], $0x2800  }
.Ltmp1:
0x92: {  	[sflag:s31] =	ssyncset.done $0x0;
	(pc) =	sbr.rel @p0 .LBB2_1-.Ltmp1, $4  }
0x93: {  	[sflag:s31] =	ssyncadd.s32 $0xFFFFD800  }
0x94: {  	_ =	swait.ge [sflag:s0], $0x2800  }
0x95: {  	[sflag:s0] =	ssyncset.done $0x0  }
0x96: {  	[sflag:s0] =	ssyncadd.s32 $0xFFFFD800  }
0x97: {  	_ =	sfence.sel $0x180000  }
0x98: {  	[bflag:$0x0] =	sbarrier.arrive $0xFFFF  }
0x99: {  	_ =	strace $0x9000004D  }
0x9a: {  	s0 =	stileid.u32;
	[bflag:$0x2] =	sbarrier.arrive $0xFFFF  }
0x9b: {  	p0 =	sne.s32 s0, $0x0;
	s0 =	rddreg [dreg:$0x3]  }
0x9c: {  	s0 =	sadd.s32 @!p0 $0x100000, s0  }
0x9d: {  	[sflag:s0] =	ssyncadd.tile.s32 @!p0 $0x1;
	_ =	shalt  }
.Lfunc_end2:
_tile_overlayer_lowered:
.L_overlay_start_2:
0x9e: {  	(tag) =	ssettag $0x2  }
0x9f: {  	s0 =	rddreg [dreg:$0x0];
	s2 =	stileid.u32  }
0xa0: {  	s1 =	rddreg [dreg:$0x1];
	p0 =	sne.s32 s2, $0x0  }
0xa1: {  	s3 =	rddreg [dreg:$0x2];
	[bflag:$0x3] =	sbarrier.arrive $0xFFFF;
	s2 =	simm.s32 @!p0 $0x1C0B  }
0xa2: {  	[timem:s3], [sflag:s2] =	dma.local @!p0 [hbm:s0], s1  }
0xa3: {  	s0 =	simm.s32 @!p0 $0xB  }
0xa4: {  	_ =	swait.ge @!p0 [sflag:s0], s1  }
0xa5: {  	s1 =	ssub.s32 @!p0 $0x0, s1;
	[sflag:s0] =	ssyncset.done @!p0 $0x0  }
0xa6: {  	[sflag:s0] =	ssyncadd.s32 @!p0 s1  }
0xa7: {  	[bflag:$0x3] =	sbarrier.arrive $0xFFFF  }
0xa8: {  	_ =	shalt  }

// kernel: kernel.21.cloned.1.call-start
scs
__scs_entry_jumppad:
0x0: {  	(pc) =	sbr.rel $0x88, $3  }
0x1: {  	(tag) =	ssettag $0x0;
	lr =	simm.s32 $0x1  }
0x2: {  	[smem:$0x3F9A] =	sst lr;
	_ =	strace $0xD0000000  }
0x3: {  	_ = 	snop  }
0x4: {  	_ = 	snop  }
0x5: {  	_ = 	snop  }
0x6: {  	_ = 	snop  }
0x7: {  	_ = 	snop  }
__scs_overlays_trampoline_lowered:
0x8: {  	[smem:$0x3FA9] =	sst s0  }
0x9: {  	[smem:$0x3FAA] =	sst s1  }
0xa: {  	[smem:$0x3FAB] =	sst s2  }
0xb: {  	[smem:$0x3FAC] =	sst s3  }
0xc: {  	[smem:$0x3FAD] =	sst s4  }
0xd: {  	[smem:$0x3FAE] =	sst s5  }
0xe: {  	[smem:$0x3FAF] =	sst s6  }
0xf: {  	[smem:$0x3FB0] =	sst s7  }
0x10: {  	[smem:$0x3FB1] =	sst s8  }
0x11: {  	[smem:$0x3FB2] =	sst s9;
	s0 =	simm.s32 @!p0 $0x0  }
0x12: {  	s1 =	sld [smem:$0x3F98];
	s0 =	simm.s32 @p0 $0x1  }
0x13: {  	[smem:$0x3FB3] =	sst s0;
	s0 =	simm.s32 @!p1 $0x0  }
0x14: {  	s2 =	sld [smem:$0x3F97];
	s0 =	simm.s32 @p1 $0x1  }
0x15: {  	[smem:$0x3FB4] =	sst s0;
	s0 =	simm.s32 @!p2 $0x0  }
0x16: {  	s3 =	sld [smem:$0x3FDB];
	s0 =	simm.s32 @p2 $0x1  }
0x17: {  	s4 =	simm.s32 $0x1BF5;
	[smem:$0x3FB6] =	sst s0  }
0x18: {  	s0 =	sld [smem:$0x3F99];
	_ =	swait.ge [sflag:s4], $0x0  }
0x19: {  	s7 =	sld [smem:$0x3F9A]  }
0x1a: {  	s8 =	sadd.s32 $0xFFFFE003, lr  }
0x1b: {  	s9 =	sadd.s32 $0xFFFFFEF7, lr;
	s5 =	simm.s32 $0xFFFFFFFF;
	p2 =	slt.u32 s8, $0xFFFFF086  }
0x1c: {  	p1 =	slt.u32 s9, $0xF7A;
	s5 =	simm.s32 @!p2 $0x0  }
0x1d: {  	s5 =	simm.s32 @p1 $0x1;
	p0 =	seq.s32 s7, s2  }
0x1e: {  	s7 =	smul.u32 @!p0 $0xF7A, s2;
	p2 =	seq.s32 @!p0 s5, $0x0  }
0x1f: {  	s9 =	smul.u32 $0xF7A, s1;
	s8 =	simm.s32 @!p0 $0x1BF5;
	p2 =	por !p2, p0  }
0x20: {  	[sflag:s8] =	ssyncset.s32 @!p0 $0xFFFFF086;
	s6 =	sadd.s32 @!p0 s3, s7;
	s7 =	simm.s32 @!p0 $0x108  }
0x21: {  	s3 =	sadd.s32 s3, s9;
	s6 =	sadd.s32 @!p0 $0x88, s6;
	s7 =	simm.s32 @p2 $0x1082  }
0x22: {  	[simem:s7], [sflag:s8] =	dma.local @!p0 [hbm:s6], $0xF7A  }
0x23: {  	s9 =	sor.u32 $0xD0000000, s2;
	s6 =	simm.s32 $0x108;
	_ =	swait.ge @!p0 [sflag:s8], $0x0  }
0x24: {  	s3 =	sadd.s32 $0x88, s3;
	s6 =	simm.s32 @!p1 $0x1082;
	[sflag:s4] =	ssyncset.s32 $0xFFFFF086  }
0x25: {  	[simem:s6], [sflag:s4] =	dma.local [hbm:s3], $0xF7A  }
0x26: {  	[smem:$0x3F9A] =	sst s1;
	(tag) =	ssettag s2;
	_ =	strace s9  }
0x27: {  	s1 =	sld [smem:$0x3FAA]  }
0x28: {  	s2 =	sld [smem:$0x3FAB]  }
0x29: {  	s4 =	sld [smem:$0x3FAD]  }
0x2a: {  	p0 =	seq.s32 s5, $0x0;
	s5 =	sld [smem:$0x3FAE]  }
0x2b: {  	s6 =	sld [smem:$0x3FAF]  }
0x2c: {  	s7 =	sld [smem:$0x3FB0]  }
0x2d: {  	s3 =	simm.s32 $0x108;
	s8 =	sld [smem:$0x3FB1]  }
0x2e: {  	s3 =	simm.s32 @!p0 $0x1082;
	s9 =	sld [smem:$0x3FB2]  }
0x2f: {  	lr =	sadd.s32 s0, s3;
	s0 =	sld [smem:$0x3FA9]  }
0x30: {  	s3 =	sld [smem:$0x3FAC]  }
0x31: {  	[smem:$0x3FB5] =	sst s10  }
0x32: {  	s10 =	sld [smem:$0x3FB3];
	_ =	sdelay $0x3  }
0x33: {  	p0 =	seq.s32 s10, $0x1;
	s10 =	sld [smem:$0x3FB5];
	_ =	sdelay $0x3  }
0x34: {  	[smem:$0x3FB5] =	sst s10  }
0x35: {  	s10 =	sld [smem:$0x3FB4];
	_ =	sdelay $0x3  }
0x36: {  	p1 =	seq.s32 s10, $0x1;
	s10 =	sld [smem:$0x3FB5];
	_ =	sdelay $0x3  }
0x37: {  	[smem:$0x3FB5] =	sst s10  }
0x38: {  	s10 =	sld [smem:$0x3FB6]  }
0x39: {  	_ = 	snop;
	(pc) =	sbr.ind lr, $3  }
0x3a: {  	_ = 	snop  }
0x3b: {  	_ = 	snop  }
0x3c: {  	p2 =	seq.s32 s10, $0x1;
	s10 =	sld [smem:$0x3FB5]  }
0x3d: {  	_ =	shalt  }
0x3e: {  	_ =	shalt  }
0x3f: {  	_ =	shalt  }
0x40: {  	_ =	shalt  }
0x41: {  	_ =	shalt  }
0x42: {  	_ =	shalt  }
0x43: {  	_ =	shalt  }
0x44: {  	_ =	shalt  }
0x45: {  	_ =	shalt  }
0x46: {  	_ =	shalt  }
0x47: {  	_ =	shalt  }
0x48: {  	_ =	shalt  }
0x49: {  	_ =	shalt  }
0x4a: {  	_ =	shalt  }
0x4b: {  	_ =	shalt  }
0x4c: {  	_ =	shalt  }
0x4d: {  	_ =	shalt  }
0x4e: {  	_ =	shalt  }
0x4f: {  	_ =	shalt  }
0x50: {  	_ =	shalt  }
0x51: {  	_ =	shalt  }
0x52: {  	_ =	shalt  }
0x53: {  	_ =	shalt  }
0x54: {  	_ =	shalt  }
0x55: {  	_ =	shalt  }
0x56: {  	_ =	shalt  }
0x57: {  	_ =	shalt  }
0x58: {  	_ =	shalt  }
0x59: {  	_ =	shalt  }
0x5a: {  	_ =	shalt  }
0x5b: {  	_ =	shalt  }
0x5c: {  	_ =	shalt  }
0x5d: {  	_ =	shalt  }
0x5e: {  	_ =	shalt  }
0x5f: {  	_ =	shalt  }
0x60: {  	_ =	shalt  }
0x61: {  	_ =	shalt  }
0x62: {  	_ =	shalt  }
0x63: {  	_ =	shalt  }
0x64: {  	_ =	shalt  }
0x65: {  	_ =	shalt  }
0x66: {  	_ =	shalt  }
0x67: {  	_ =	shalt  }
0x68: {  	_ =	shalt  }
0x69: {  	_ =	shalt  }
0x6a: {  	_ =	shalt  }
0x6b: {  	_ =	shalt  }
0x6c: {  	_ =	shalt  }
0x6d: {  	_ =	shalt  }
0x6e: {  	_ =	shalt  }
0x6f: {  	_ =	shalt  }
0x70: {  	_ =	shalt  }
0x71: {  	_ =	shalt  }
0x72: {  	_ =	shalt  }
0x73: {  	_ =	shalt  }
0x74: {  	_ =	shalt  }
0x75: {  	_ =	shalt  }
0x76: {  	_ =	shalt  }
0x77: {  	_ =	shalt  }
0x78: {  	_ =	shalt  }
0x79: {  	_ =	shalt  }
0x7a: {  	_ =	shalt  }
0x7b: {  	_ =	shalt  }
0x7c: {  	_ =	shalt  }
0x7d: {  	_ =	shalt  }
0x7e: {  	_ =	shalt  }
0x7f: {  	_ =	shalt  }
0x80: {  	_ =	shalt  }
0x81: {  	_ =	shalt  }
0x82: {  	_ =	shalt  }
0x83: {  	_ =	shalt  }
0x84: {  	_ =	shalt  }
0x85: {  	_ =	shalt  }
0x86: {  	_ =	shalt  }
0x87: {  	_ =	shalt  }
.Lfunc_end0:
.L_simem_size_0:
called_computation.3_lowered:
.L_overlay_start_0:
0x88: {  	s2 =	sld [smem:$0x3FD9]  }
0x89: {  	s3 =	sld [smem:$0x3FFE];
	_ =	sdelay $0x1  }
0x8a: {  	s1 =	srdreg.scid  }
0x8b: {  	s0 =	sand.u32 $0x1, s1  }
0x8c: {  	s17 =	sshll.u32 s0, $0xA;
	s2 =	sadd.s32 s3, s2  }
0x8d: {  	s2 =	sadd.s32 s2, s17  }
0x8e: {  	[smem:$0x3FC1] =	sst s2  }
0x8f: {  	_ = 	snop  }
0x90: {  	s18 =	sld [smem:$0x3FC9]  }
0x91: {  	s4 =	sld [smem:$0x3FC8];
	(tm) =	ssettm $0x1  }
0x92: {  	s19 =	sld [smem:$0x3FFB];
	_ =	sdelay $0x3  }
0x93: {  	_ =	strace s19  }
0x94: {  	s2 =	sld [smem:$0x3FFC];
	_ =	sdelay $0x3  }
0x95: {  	_ =	strace s2  }
0x96: {  	s2 =	sld [smem:$0x3FFD];
	_ =	sdelay $0x3  }
0x97: {  	_ =	strace s2  }
0x98: {  	_ =	strace $0x8FFFFFFF  }
0x99: {  	s20 =	sld [smem:$0x3FDB];
	_ =	sdelay $0x1  }
0x9a: {  	s5 =	simm.s32 $_scs_section_size  }
0x9b: {  	s6 =	simm.s32 $_size__tile_overlayer_lowered;
	s7 =	simm.s32 $_tile_overlayer_lowered  }
0x9c: {  	s8 =	simm.s32 $0x1BFF;
	s21 =	sshll.u32 s7, $0x1;
	s5 =	sadd.s32 s5, s20  }
0x9d: {  	s22 =	simm.s32 $0x0;
	s6 =	sshll.u32 s6, $0x1;
	s7 =	sadd.s32 s21, s5  }
0x9e: {  	[timem:s22], [sflag:s8] =	dma.local [hbm:s7], s6  }
0x9f: {  	_ =	swait.ge [sflag:s8], s6  }
0xa0: {  	s6 =	ssub.s32 $0x0, s6;
	[sflag:s8] =	ssyncset.done $0x0  }
0xa1: {  	[sflag:s8] =	ssyncadd.s32 s6;
	_ =	sdelay $0x1  }
0xa2: {  	s23 =	simm.s32 $0x1B8B  }
0xa3: {  	_ =	swait.ge [sflag:s23], $0x1  }
0xa4: {  	[sflag:s23] =	ssyncset.done $0x0  }
0xa5: {  	[sflag:s23] =	ssyncadd.s32 $0xFFFFFFFF  }
0xa6: {  	s6 =	sld [smem:$0x0]  }
0xa7: {  	s7 =	sand.u32 $0xFFFFFFFE, s1  }
0xa8: {  	p0 =	sne.s32 s1, s7  }
0xa9: {  	s7 =	sshll.u32 @p0 s7, $0xE  }
0xaa: {  	s7 =	sadd.s32 @p0 $0x11B8D, s7;
	s8 =	sshll.u32 @p0 s6, $0x11  }
0xab: {  	s7 =	sor.u32 @p0 s8, s7  }
0xac: {  	[sflag:s7] =	ssyncadd.remote.s32 @p0 $0x1;
	_ =	sdelay $0x1  }
0xad: {  	s7 =	simm.s32 @p0 $0x1B8D  }
0xae: {  	_ =	swait.eq @p0 [sflag:s7], $0x1  }
0xaf: {  	[sflag:s7] =	ssyncadd.s32 @p0 $0xFFFFFFFF  }
0xb0: {  	s8 =	sshll.u32 @!p0 s1, $0xE  }
0xb1: {  	s8 =	sor.u32 @!p0 $0x4000, s8;
	s7 =	simm.s32 @!p0 $0x1B8D  }
0xb2: {  	s6 =	sshll.u32 @!p0 s6, $0x11;
	s8 =	sadd.s32 @!p0 $0x11B8D, s8;
	_ =	swait.eq @!p0 [sflag:s7], $0x1  }
0xb3: {  	s6 =	sor.u32 @!p0 s6, s8;
	[sflag:s7] =	ssyncadd.s32 @!p0 $0xFFFFFFFF  }
0xb4: {  	s25 =	simm.s32 $0x1B8E;
	s24 =	sld [smem:$0x3FFE];
	[sflag:s6] =	ssyncadd.remote.s32 @!p0 $0x1  }
0xb5: {  	s26 =	simm.s32 $execute0_lowered;
	[smem:$0x3FD2] =	sst s25  }
0xb6: {  	s7 =	sshll.u32 s26, $0x1;
	_ =	strace $0x8000004F;
	[dreg:$0x1] =	wrdreg $0xFFFFFFFF  }
0xb7: {  	s28 =	simm.s32 $_size_execute0_lowered;
	s5 =	sadd.s32 s5, s7;
	[dreg:$0x0] =	wrdreg $0x0  }
0xb8: {  	s7 =	sshll.u32 s28, $0x1;
	[dreg:$0x2] =	wrdreg s5  }
0xb9: {  	[dreg:$0x3] =	wrdreg s7  }
0xba: {  	[dreg:$0x4] =	wrdreg $0xC0  }
0xbb: {  	_ =	task [dreg:s22], $0x5FFFF  }
0xbc: {  	[dreg:$0x1] =	wrdreg $0xFFFFFFFF  }
0xbd: {  	[dreg:$0x0] =	wrdreg $0x60  }
0xbe: {  	[dreg:$0x2] =	wrdreg s18  }
0xbf: {  	[dreg:$0x3] =	wrdreg s4  }
0xc0: {  	[dreg:$0x4] =	wrdreg s24  }
0xc1: {  	[dreg:$0x5] =	wrdreg $0xC  }
0xc2: {  	_ =	task.clear_ibuf [dreg:s22], $0x6FFFF;
	_ =	strace $0x9000004F  }
0xc3: {  	s29 =	simm.s32 $0xC;
	_ =	strace $0x80000051  }
0xc4: {  	_ =	swait.ge [sflag:s29], $0x1  }
0xc5: {  	[sflag:s29] =	ssyncadd.s32 $0xFFFFFFFF  }
0xc6: {  	_ =	strace $0x90000051  }
0xc7: {  	_ =	sfence  }
0xc8: {  	s30 =	sld [smem:$0x0];
	_ =	sdelay $0x2  }
0xc9: {  	s31 =	sshll.u32 s1, $0xD;
	s1 =	sshrl.u32 s1, $0x2  }
0xca: {  	s4 =	sand.u32 $0x4000, s31;
	s1 =	sadd.s32 s1, s30  }
0xcb: {  	s0 =	sor.u32 s4, s0;
	s1 =	sshll.u32 s1, $0x11  }
0xcc: {  	s0 =	sor.u32 s1, s0  }
0xcd: {  	s0 =	sadd.s32 $0x8F2B, s0  }
0xce: {  	[sflag:s0] =	ssyncadd.remote.s32 $0x1  }
0xcf: {  	_ =	sfence.sel $0xFFFF  }
0xd0: {  	[dreg:$0x0] =	wrdreg $0xFFFFFFFF;
	(pc) =	sbr.abs _section_cstart, $3  }
0xd1: {  	[dreg:$0x1] =	wrdreg $0xFFFFFFFF  }
0xd2: {  	_ =	task.clear_ibuf [dreg:s22], $0x2FFFF;
	_ =	strace $0x9FFFFFFF  }
0xd3: {  	(tm) =	ssettm $0x7FFFFFFF  }
tec
execute0_lowered:
.L_overlay_start_1:
0x0: {  	(tag) =	ssettag $0x1  }
0x1: {  	s1 =	rddreg [dreg:$0x0]  }
0x2: {  	s0 =	rddreg [dreg:$0x1]  }
0x3: {  	s2 =	rddreg [dreg:$0x2]  }
0x4: {  	s4 =	srdreg.scid;
	s11 =	stileid.u32  }
0x5: {  	s3 =	simm.s32 $0x0;
	s12 =	simm.s32 $0xB;
	s13 =	simm.s32 $0x50  }
0x6: {  	s14 =	simm.s32 $0x800;
	s15 =	simm.s32 $0x3000;
	s17 =	simm.s32 $0x5800  }
0x7: {  	s18 =	simm.s32 $0x1;
	s28 =	simm.s32 $0x7;
	s29 =	simm.s32 $0x5  }
0x8: {  	s5 =	sand.u32 $0x1, s4;
	s20 =	sshll.u32 s11, $0x1;
	s24 =	smul.u32 $0xFA00, s11  }
0x9: {  	s30 =	simm.s32 $0x8;
	s4 =	sor.u32 s5, s20;
	s26 =	smul.u32 $0x7D00, s5  }
0xa: {  	s31 =	simm.s32 $0x9;
	[smem:$0x7FF] =	sst s3;
	s7 =	smul.u32 $0x7D0, s4  }
0xb: {  	s2 =	sadd.s32 $0x2EFC00, s2;
	s6 =	ssub.s32 $0x2, s5;
	s9 =	smul.u32 $0x3E800, s4  }
0xc: {  	_ =	strace $0x80000050;
	s8 =	sshrl.u32 s6, $0x1;
	s22 =	smul.u32 $0x7D00, s4  }
0xd: {  	s20 =	simm.s32 $0x8000;
	s10 =	ssub.s32 s6, s8;
	s21 =	sshrl.u32 s7, $0x3  }
0xe: {  	s23 =	sshrl.u32 s9, $0x3;
	s5 =	sadd.s32 s2, s22;
	s10 =	smax.u32 s10, $0x1  }
0xf: {  	s0 =	sadd.s32 s0, s21;
	s25 =	sadd.s32 s2, s23;
	s2 =	sadd.s32 s24, s2  }
0x10: {  	s21 =	simm.s32 $0x2;
	s23 =	simm.s32 $0xA800;
	s24 =	simm.s32 $0x3  }
0x11: {  	s0 =	sadd.s32 $0x5DC0, s0;
	s6 =	sadd.s32 $0x500, s25;
	s7 =	sadd.s32 $0x6E00, s25  }
0x12: {  	s8 =	sadd.s32 $0x7300, s25;
	s2 =	sadd.s32 s26, s2;
	s9 =	sadd.s32 $0x7800, s25  }
0x13: {  	s25 =	simm.s32 $0x6;
	s26 =	simm.s32 $0x4;
	[dreg:$0x4] =	wrdreg s0  }
0x14: {  	s11 =	sadd.s32 $0xF00, s2;
	s0 =	simm.s32 $0xA;
	s2 =	simm.s32 $0x0  }
.LBB2_1:
0x15: {  	s4 =	rddreg [dreg:$0x4]  }
0x16: {  	[tilespmem:s3], [sflag:$0xB] =	stream.linear.gather [hbm4b:s4+s3], $0x7D0, $0x38;
	[tilespmem:$0xD000] =	vst v63  }
0x17: {  	_ =	swait.ge [sflag:s12], $0x7D0  }
0x18: {  	[sflag:s12] =	ssyncset.done $0x0  }
0x19: {  	[sflag:s12] =	ssyncadd.s32 $0xFFFFF830  }
0x1a: {  	[tilespmem:s14], [sflag:$0x1] =	stream.indirect.gather [hbm4b:s1+s13], $0x80, s3, s13, $0xb8;
	[tilespmem:$0xD000] =	vst v63  }
0x1b: {  	_ = 	snop  }
0x1c: {  	[tilespmem:s15], [sflag:$0x2] =	stream.indirect.gather [hbm4b:s1+s13], $0x80, s13, s13, $0xb8;
	[tilespmem:$0xD000] =	vst v63  }
0x1d: {  	s22 =	simm.s32 $0xA0  }
0x1e: {  	[tilespmem:s17], [sflag:$0x3] =	stream.indirect.gather [hbm4b:s1+s13], $0x80, s22, s13, $0xb8;
	[tilespmem:$0xD000] =	vst v63  }
0x1f: {  	_ =	swait.ge [sflag:s18], $0x2800  }
0x20: {  	[sflag:s18] =	ssyncset.done $0x0  }
0x21: {  	[sflag:s18] =	ssyncadd.s32 $0xFFFFD800  }
0x22: {  	[hbm4b:s5+s3] =	stream.linear.scatter [tilespmem:s14], [sflag:$0x6], $0x2800, $0x38;
	[tilespmem:$0xD000] =	vst v63  }
0x23: {  	s16 =	simm.s32 $0xF0  }
0x24: {  	[tilespmem:s20], [sflag:$0x4] =	stream.indirect.gather [hbm4b:s1+s13], $0x80, s16, s13, $0xb8;
	[tilespmem:$0xD000] =	vst v63  }
0x25: {  	_ =	swait.ge [sflag:s21], $0x2800  }
0x26: {  	[sflag:s21] =	ssyncset.done $0x0  }
0x27: {  	[sflag:s21] =	ssyncadd.s32 $0xFFFFD800  }
0x28: {  	[hbm4b:s6+s3] =	stream.linear.scatter [tilespmem:s15], [sflag:$0x7], $0x2800, $0x38;
	[tilespmem:$0xD000] =	vst v63  }
0x29: {  	s19 =	simm.s32 $0x140  }
0x2a: {  	[tilespmem:s23], [sflag:$0x5] =	stream.indirect.gather [hbm4b:s1+s13], $0x80, s19, s13, $0xb8;
	[tilespmem:$0xD000] =	vst v63  }
0x2b: {  	_ =	swait.ge [sflag:s24], $0x2800  }
0x2c: {  	[sflag:s24] =	ssyncset.done $0x0  }
0x2d: {  	s16 =	sadd.s32 $0xFFFFFB00, s11;
	[sflag:s24] =	ssyncadd.s32 $0xFFFFD800  }
0x2e: {  	[hbm4b:s16+s3] =	stream.linear.scatter [tilespmem:s17], [sflag:$0x8], $0x2800, $0x38;
	[tilespmem:$0xD000] =	vst v63  }
0x2f: {  	_ =	swait.ge [sflag:s25], $0x2800  }
0x30: {  	[sflag:s25] =	ssyncset.done $0x0  }
0x31: {  	s22 =	simm.s32 $0x190;
	[sflag:s25] =	ssyncadd.s32 $0xFFFFD800  }
0x32: {  	[tilespmem:s14], [sflag:$0x1] =	stream.indirect.gather [hbm4b:s1+s13], $0x80, s22, s13, $0xb8;
	[tilespmem:$0xD000] =	vst v63  }
0x33: {  	_ =	swait.ge [sflag:s26], $0x2800  }
0x34: {  	[sflag:s26] =	ssyncset.done $0x0  }
0x35: {  	[sflag:s26] =	ssyncadd.s32 $0xFFFFD800  }
0x36: {  	[hbm4b:s11+s3] =	stream.linear.scatter [tilespmem:s20], [sflag:$0x9], $0x2800, $0x38;
	[tilespmem:$0xD000] =	vst v63  }
0x37: {  	_ =	swait.ge [sflag:s28], $0x2800  }
0x38: {  	[sflag:s28] =	ssyncset.done $0x0  }
0x39: {  	s4 =	simm.s32 $0x1E0;
	[sflag:s28] =	ssyncadd.s32 $0xFFFFD800  }
0x3a: {  	[tilespmem:s15], [sflag:$0x2] =	stream.indirect.gather [hbm4b:s1+s13], $0x80, s4, s13, $0xb8;
	[tilespmem:$0xD000] =	vst v63  }
0x3b: {  	_ =	swait.ge [sflag:s29], $0x2800  }
0x3c: {  	[sflag:s29] =	ssyncset.done $0x0  }
0x3d: {  	s19 =	sadd.s32 $0x500, s11;
	[sflag:s29] =	ssyncadd.s32 $0xFFFFD800  }
0x3e: {  	[hbm4b:s19+s3] =	stream.linear.scatter [tilespmem:s23], [sflag:$0xA], $0x2800, $0x38;
	[tilespmem:$0xD000] =	vst v63  }
0x3f: {  	_ =	swait.ge [sflag:s30], $0x2800  }
0x40: {  	[sflag:s30] =	ssyncset.done $0x0  }
0x41: {  	s22 =	simm.s32 $0x230;
	[sflag:s30] =	ssyncadd.s32 $0xFFFFD800  }
0x42: {  	[tilespmem:s17], [sflag:$0x3] =	stream.indirect.gather [hbm4b:s1+s13], $0x80, s22, s13, $0xb8;
	[tilespmem:$0xD000] =	vst v63  }
0x43: {  	_ =	swait.ge [sflag:s18], $0x2800  }
0x44: {  	[sflag:s18] =	ssyncset.done $0x0  }
0x45: {  	s4 =	sadd.s32 $0xA00, s11;
	[sflag:s18] =	ssyncadd.s32 $0xFFFFD800  }
0x46: {  	[hbm4b:s4+s3] =	stream.linear.scatter [tilespmem:s14], [sflag:$0x6], $0x2800, $0x38;
	[tilespmem:$0xD000] =	vst v63  }
0x47: {  	_ =	swait.ge [sflag:s31], $0x2800  }
0x48: {  	[sflag:s31] =	ssyncset.done $0x0  }
0x49: {  	s19 =	simm.s32 $0x280;
	[sflag:s31] =	ssyncadd.s32 $0xFFFFD800  }
0x4a: {  	[tilespmem:s20], [sflag:$0x4] =	stream.indirect.gather [hbm4b:s1+s13], $0x80, s19, s13, $0xb8;
	[tilespmem:$0xD000] =	vst v63  }
0x4b: {  	_ =	swait.ge [sflag:s21], $0x2800  }
0x4c: {  	[sflag:s21] =	ssyncset.done $0x0  }
0x4d: {  	s22 =	sadd.s32 $0xF00, s11;
	[sflag:s21] =	ssyncadd.s32 $0xFFFFD800  }
0x4e: {  	[hbm4b:s22+s3] =	stream.linear.scatter [tilespmem:s15], [sflag:$0x7], $0x2800, $0x38;
	[tilespmem:$0xD000] =	vst v63  }
0x4f: {  	_ =	swait.ge [sflag:s0], $0x2800  }
0x50: {  	s16 =	simm.s32 $0x640;
	[sflag:s0] =	ssyncset.done $0x0  }
0x51: {  	s19 =	sadd.s32 $0x1900, s11;
	s22 =	simm.s32 $0x2D0;
	[sflag:s0] =	ssyncadd.s32 $0xFFFFD800  }
.LBB2_2:
0x52: {  	[tilespmem:s23], [sflag:$0x5] =	stream.indirect.gather [hbm4b:s1+s13], $0x80, s22, s13, $0xb8;
	[tilespmem:$0xD000] =	vst v63  }
0x53: {  	s22 =	smov.u32 s16  }
0x54: {  	p0 =	sne.s32 s16, $0x12C0;
	s16 =	sadd.s32 $0x640, s16;
	_ =	swait.ge [sflag:s24], $0x2800  }
0x55: {  	[sflag:s24] =	ssyncset.done $0x0  }
0x56: {  	s4 =	sadd.s32 $0xFFFFFB00, s19;
	[sflag:s24] =	ssyncadd.s32 $0xFFFFD800  }
0x57: {  	[hbm4b:s4+s3] =	stream.linear.scatter [tilespmem:s17], [sflag:$0x8], $0x2800, $0x38;
	[tilespmem:$0xD000] =	vst v63  }
0x58: {  	_ =	swait.ge [sflag:s25], $0x2800  }
0x59: {  	s22 =	sshra.s32 s22, $0x2;
	[sflag:s25] =	ssyncset.done $0x0  }
0x5a: {  	s4 =	sadd.s32 $0x190, s22;
	[sflag:s25] =	ssyncadd.s32 $0xFFFFD800  }
0x5b: {  	[tilespmem:s14], [sflag:$0x1] =	stream.indirect.gather [hbm4b:s1+s13], $0x80, s4, s13, $0xb8;
	[tilespmem:$0xD000] =	vst v63  }
0x5c: {  	_ =	swait.ge [sflag:s26], $0x2800  }
0x5d: {  	[sflag:s26] =	ssyncset.done $0x0  }
0x5e: {  	[sflag:s26] =	ssyncadd.s32 $0xFFFFD800  }
0x5f: {  	[hbm4b:s19+s3] =	stream.linear.scatter [tilespmem:s20], [sflag:$0x9], $0x2800, $0x38;
	[tilespmem:$0xD000] =	vst v63  }
0x60: {  	_ =	swait.ge [sflag:s28], $0x2800  }
0x61: {  	[sflag:s28] =	ssyncset.done $0x0  }
0x62: {  	s4 =	sadd.s32 $0x1E0, s22;
	[sflag:s28] =	ssyncadd.s32 $0xFFFFD800  }
0x63: {  	[tilespmem:s15], [sflag:$0x2] =	stream.indirect.gather [hbm4b:s1+s13], $0x80, s4, s13, $0xb8;
	[tilespmem:$0xD000] =	vst v63  }
0x64: {  	_ =	swait.ge [sflag:s29], $0x2800  }
0x65: {  	[sflag:s29] =	ssyncset.done $0x0  }
0x66: {  	s4 =	sadd.s32 $0x500, s19;
	[sflag:s29] =	ssyncadd.s32 $0xFFFFD800  }
0x67: {  	[hbm4b:s4+s3] =	stream.linear.scatter [tilespmem:s23], [sflag:$0xA], $0x2800, $0x38;
	[tilespmem:$0xD000] =	vst v63  }
0x68: {  	_ =	swait.ge [sflag:s30], $0x2800  }
0x69: {  	[sflag:s30] =	ssyncset.done $0x0  }
0x6a: {  	s4 =	sadd.s32 $0x230, s22;
	[sflag:s30] =	ssyncadd.s32 $0xFFFFD800  }
0x6b: {  	[tilespmem:s17], [sflag:$0x3] =	stream.indirect.gather [hbm4b:s1+s13], $0x80, s4, s13, $0xb8;
	[tilespmem:$0xD000] =	vst v63  }
0x6c: {  	_ =	swait.ge [sflag:s18], $0x2800  }
0x6d: {  	[sflag:s18] =	ssyncset.done $0x0  }
0x6e: {  	s4 =	sadd.s32 $0xA00, s19;
	[sflag:s18] =	ssyncadd.s32 $0xFFFFD800  }
0x6f: {  	[hbm4b:s4+s3] =	stream.linear.scatter [tilespmem:s14], [sflag:$0x6], $0x2800, $0x38;
	[tilespmem:$0xD000] =	vst v63  }
0x70: {  	_ =	swait.ge [sflag:s31], $0x2800  }
0x71: {  	[sflag:s31] =	ssyncset.done $0x0  }
0x72: {  	s4 =	sadd.s32 $0x280, s22;
	[sflag:s31] =	ssyncadd.s32 $0xFFFFD800  }
0x73: {  	[tilespmem:s20], [sflag:$0x4] =	stream.indirect.gather [hbm4b:s1+s13], $0x80, s4, s13, $0xb8;
	[tilespmem:$0xD000] =	vst v63  }
0x74: {  	_ =	swait.ge [sflag:s21], $0x2800  }
0x75: {  	[sflag:s21] =	ssyncset.done $0x0  }
.Ltmp0:
0x76: {  	s4 =	sadd.s32 $0xF00, s19;
	[sflag:s21] =	ssyncadd.s32 $0xFFFFD800;
	(pc) =	sbr.rel @p0 .LBB2_2-.Ltmp0, $4  }
0x77: {  	[hbm4b:s4+s3] =	stream.linear.scatter [tilespmem:s15], [sflag:$0x7], $0x2800, $0x38;
	[tilespmem:$0xD000] =	vst v63  }
0x78: {  	_ =	swait.ge [sflag:s0], $0x2800  }
0x79: {  	[sflag:s0] =	ssyncset.done $0x0  }
0x7a: {  	s22 =	sadd.s32 $0x2D0, s22;
	s19 =	sadd.s32 $0x1900, s19;
	[sflag:s0] =	ssyncadd.s32 $0xFFFFD800  }
0x7b: {  	[tilespmem:s23], [sflag:$0x5] =	stream.indirect.gather [hbm4b:s1+s13], $0x80, s22, s13, $0xb8;
	[tilespmem:$0xD000] =	vst v63  }
0x7c: {  	_ =	swait.ge [sflag:s24], $0x2800  }
0x7d: {  	[sflag:s24] =	ssyncset.done $0x0  }
0x7e: {  	[sflag:s24] =	ssyncadd.s32 $0xFFFFD800  }
0x7f: {  	[hbm4b:s7+s3] =	stream.linear.scatter [tilespmem:s17], [sflag:$0x8], $0x2800, $0x38;
	[tilespmem:$0xD000] =	vst v63  }
0x80: {  	_ =	swait.ge [sflag:s25], $0x2800  }
0x81: {  	[sflag:s25] =	ssyncset.done $0x0  }
0x82: {  	[sflag:s25] =	ssyncadd.s32 $0xFFFFD800  }
0x83: {  	_ =	swait.ge [sflag:s26], $0x2800  }
0x84: {  	[sflag:s26] =	ssyncset.done $0x0  }
0x85: {  	[sflag:s26] =	ssyncadd.s32 $0xFFFFD800  }
0x86: {  	[hbm4b:s8+s3] =	stream.linear.scatter [tilespmem:s20], [sflag:$0x9], $0x2800, $0x38;
	[tilespmem:$0xD000] =	vst v63  }
0x87: {  	_ =	swait.ge [sflag:s28], $0x2800  }
0x88: {  	[sflag:s28] =	ssyncset.done $0x0  }
0x89: {  	[sflag:s28] =	ssyncadd.s32 $0xFFFFD800  }
0x8a: {  	_ =	swait.ge [sflag:s29], $0x2800  }
0x8b: {  	[sflag:s29] =	ssyncset.done $0x0  }
0x8c: {  	[sflag:s29] =	ssyncadd.s32 $0xFFFFD800  }
0x8d: {  	[hbm4b:s9+s3] =	stream.linear.scatter [tilespmem:s23], [sflag:$0xA], $0x2800, $0x38;
	[tilespmem:$0xD000] =	vst v63  }
0x8e: {  	_ =	swait.ge [sflag:s30], $0x2800  }
0x8f: {  	[sflag:s30] =	ssyncset.done $0x0  }
0x90: {  	s2 =	sadd.s32 $0x1, s2;
	[sflag:s30] =	ssyncadd.s32 $0xFFFFD800  }
0x91: {  	p0 =	sne.s32 s2, s10;
	_ =	swait.ge [sflag:s31], $0x2800  }
.Ltmp1:
0x92: {  	[sflag:s31] =	ssyncset.done $0x0;
	(pc) =	sbr.rel @p0 .LBB2_1-.Ltmp1, $4  }
0x93: {  	[sflag:s31] =	ssyncadd.s32 $0xFFFFD800  }
0x94: {  	_ =	swait.ge [sflag:s0], $0x2800  }
0x95: {  	[sflag:s0] =	ssyncset.done $0x0  }
0x96: {  	[sflag:s0] =	ssyncadd.s32 $0xFFFFD800  }
0x97: {  	_ =	sfence.sel $0x180000  }
0x98: {  	[bflag:$0x0] =	sbarrier.arrive $0xFFFF  }
0x99: {  	_ =	strace $0x90000050  }
0x9a: {  	s0 =	stileid.u32;
	[bflag:$0x2] =	sbarrier.arrive $0xFFFF  }
0x9b: {  	p0 =	sne.s32 s0, $0x0;
	s0 =	rddreg [dreg:$0x3]  }
0x9c: {  	s0 =	sadd.s32 @!p0 $0x100000, s0  }
0x9d: {  	[sflag:s0] =	ssyncadd.tile.s32 @!p0 $0x1;
	_ =	shalt  }
.Lfunc_end2:
_tile_overlayer_lowered:
.L_overlay_start_2:
0x9e: {  	(tag) =	ssettag $0x2  }
0x9f: {  	s0 =	rddreg [dreg:$0x0];
	s2 =	stileid.u32  }
0xa0: {  	s1 =	rddreg [dreg:$0x1];
	p0 =	sne.s32 s2, $0x0  }
0xa1: {  	s3 =	rddreg [dreg:$0x2];
	[bflag:$0x3] =	sbarrier.arrive $0xFFFF;
	s2 =	simm.s32 @!p0 $0x1C0B  }
0xa2: {  	[timem:s3], [sflag:s2] =	dma.local @!p0 [hbm:s0], s1  }
0xa3: {  	s0 =	simm.s32 @!p0 $0xB  }
0xa4: {  	_ =	swait.ge @!p0 [sflag:s0], s1  }
0xa5: {  	s1 =	ssub.s32 @!p0 $0x0, s1;
	[sflag:s0] =	ssyncset.done @!p0 $0x0  }
0xa6: {  	[sflag:s0] =	ssyncadd.s32 @!p0 s1  }
0xa7: {  	[bflag:$0x3] =	sbarrier.arrive $0xFFFF  }
0xa8: {  	_ =	shalt  }

// kernel: kernel.24.cloned.1.call-start
scs
__scs_entry_jumppad:
0x0: {  	(pc) =	sbr.rel $0x88, $3  }
0x1: {  	(tag) =	ssettag $0x0;
	lr =	simm.s32 $0x1  }
0x2: {  	[smem:$0x3F9A] =	sst lr;
	_ =	strace $0xD0000000  }
0x3: {  	_ = 	snop  }
0x4: {  	_ = 	snop  }
0x5: {  	_ = 	snop  }
0x6: {  	_ = 	snop  }
0x7: {  	_ = 	snop  }
__scs_overlays_trampoline_lowered:
0x8: {  	[smem:$0x3FA9] =	sst s0  }
0x9: {  	[smem:$0x3FAA] =	sst s1  }
0xa: {  	[smem:$0x3FAB] =	sst s2  }
0xb: {  	[smem:$0x3FAC] =	sst s3  }
0xc: {  	[smem:$0x3FAD] =	sst s4  }
0xd: {  	[smem:$0x3FAE] =	sst s5  }
0xe: {  	[smem:$0x3FAF] =	sst s6  }
0xf: {  	[smem:$0x3FB0] =	sst s7  }
0x10: {  	[smem:$0x3FB1] =	sst s8  }
0x11: {  	[smem:$0x3FB2] =	sst s9;
	s0 =	simm.s32 @!p0 $0x0  }
0x12: {  	s1 =	sld [smem:$0x3F98];
	s0 =	simm.s32 @p0 $0x1  }
0x13: {  	[smem:$0x3FB3] =	sst s0;
	s0 =	simm.s32 @!p1 $0x0  }
0x14: {  	s2 =	sld [smem:$0x3F97];
	s0 =	simm.s32 @p1 $0x1  }
0x15: {  	[smem:$0x3FB4] =	sst s0;
	s0 =	simm.s32 @!p2 $0x0  }
0x16: {  	s3 =	sld [smem:$0x3FDB];
	s0 =	simm.s32 @p2 $0x1  }
0x17: {  	s4 =	simm.s32 $0x1BF5;
	[smem:$0x3FB6] =	sst s0  }
0x18: {  	s0 =	sld [smem:$0x3F99];
	_ =	swait.ge [sflag:s4], $0x0  }
0x19: {  	s7 =	sld [smem:$0x3F9A]  }
0x1a: {  	s8 =	sadd.s32 $0xFFFFE003, lr  }
0x1b: {  	s9 =	sadd.s32 $0xFFFFFEF7, lr;
	s5 =	simm.s32 $0xFFFFFFFF;
	p2 =	slt.u32 s8, $0xFFFFF086  }
0x1c: {  	p1 =	slt.u32 s9, $0xF7A;
	s5 =	simm.s32 @!p2 $0x0  }
0x1d: {  	s5 =	simm.s32 @p1 $0x1;
	p0 =	seq.s32 s7, s2  }
0x1e: {  	s7 =	smul.u32 @!p0 $0xF7A, s2;
	p2 =	seq.s32 @!p0 s5, $0x0  }
0x1f: {  	s9 =	smul.u32 $0xF7A, s1;
	s8 =	simm.s32 @!p0 $0x1BF5;
	p2 =	por !p2, p0  }
0x20: {  	[sflag:s8] =	ssyncset.s32 @!p0 $0xFFFFF086;
	s6 =	sadd.s32 @!p0 s3, s7;
	s7 =	simm.s32 @!p0 $0x108  }
0x21: {  	s3 =	sadd.s32 s3, s9;
	s6 =	sadd.s32 @!p0 $0x88, s6;
	s7 =	simm.s32 @p2 $0x1082  }
0x22: {  	[simem:s7], [sflag:s8] =	dma.local @!p0 [hbm:s6], $0xF7A  }
0x23: {  	s9 =	sor.u32 $0xD0000000, s2;
	s6 =	simm.s32 $0x108;
	_ =	swait.ge @!p0 [sflag:s8], $0x0  }
0x24: {  	s3 =	sadd.s32 $0x88, s3;
	s6 =	simm.s32 @!p1 $0x1082;
	[sflag:s4] =	ssyncset.s32 $0xFFFFF086  }
0x25: {  	[simem:s6], [sflag:s4] =	dma.local [hbm:s3], $0xF7A  }
0x26: {  	[smem:$0x3F9A] =	sst s1;
	(tag) =	ssettag s2;
	_ =	strace s9  }
0x27: {  	s1 =	sld [smem:$0x3FAA]  }
0x28: {  	s2 =	sld [smem:$0x3FAB]  }
0x29: {  	s4 =	sld [smem:$0x3FAD]  }
0x2a: {  	p0 =	seq.s32 s5, $0x0;
	s5 =	sld [smem:$0x3FAE]  }
0x2b: {  	s6 =	sld [smem:$0x3FAF]  }
0x2c: {  	s7 =	sld [smem:$0x3FB0]  }
0x2d: {  	s3 =	simm.s32 $0x108;
	s8 =	sld [smem:$0x3FB1]  }
0x2e: {  	s3 =	simm.s32 @!p0 $0x1082;
	s9 =	sld [smem:$0x3FB2]  }
0x2f: {  	lr =	sadd.s32 s0, s3;
	s0 =	sld [smem:$0x3FA9]  }
0x30: {  	s3 =	sld [smem:$0x3FAC]  }
0x31: {  	[smem:$0x3FB5] =	sst s10  }
0x32: {  	s10 =	sld [smem:$0x3FB3];
	_ =	sdelay $0x3  }
0x33: {  	p0 =	seq.s32 s10, $0x1;
	s10 =	sld [smem:$0x3FB5];
	_ =	sdelay $0x3  }
0x34: {  	[smem:$0x3FB5] =	sst s10  }
0x35: {  	s10 =	sld [smem:$0x3FB4];
	_ =	sdelay $0x3  }
0x36: {  	p1 =	seq.s32 s10, $0x1;
	s10 =	sld [smem:$0x3FB5];
	_ =	sdelay $0x3  }
0x37: {  	[smem:$0x3FB5] =	sst s10  }
0x38: {  	s10 =	sld [smem:$0x3FB6]  }
0x39: {  	_ = 	snop;
	(pc) =	sbr.ind lr, $3  }
0x3a: {  	_ = 	snop  }
0x3b: {  	_ = 	snop  }
0x3c: {  	p2 =	seq.s32 s10, $0x1;
	s10 =	sld [smem:$0x3FB5]  }
0x3d: {  	_ =	shalt  }
0x3e: {  	_ =	shalt  }
0x3f: {  	_ =	shalt  }
0x40: {  	_ =	shalt  }
0x41: {  	_ =	shalt  }
0x42: {  	_ =	shalt  }
0x43: {  	_ =	shalt  }
0x44: {  	_ =	shalt  }
0x45: {  	_ =	shalt  }
0x46: {  	_ =	shalt  }
0x47: {  	_ =	shalt  }
0x48: {  	_ =	shalt  }
0x49: {  	_ =	shalt  }
0x4a: {  	_ =	shalt  }
0x4b: {  	_ =	shalt  }
0x4c: {  	_ =	shalt  }
0x4d: {  	_ =	shalt  }
0x4e: {  	_ =	shalt  }
0x4f: {  	_ =	shalt  }
0x50: {  	_ =	shalt  }
0x51: {  	_ =	shalt  }
0x52: {  	_ =	shalt  }
0x53: {  	_ =	shalt  }
0x54: {  	_ =	shalt  }
0x55: {  	_ =	shalt  }
0x56: {  	_ =	shalt  }
0x57: {  	_ =	shalt  }
0x58: {  	_ =	shalt  }
0x59: {  	_ =	shalt  }
0x5a: {  	_ =	shalt  }
0x5b: {  	_ =	shalt  }
0x5c: {  	_ =	shalt  }
0x5d: {  	_ =	shalt  }
0x5e: {  	_ =	shalt  }
0x5f: {  	_ =	shalt  }
0x60: {  	_ =	shalt  }
0x61: {  	_ =	shalt  }
0x62: {  	_ =	shalt  }
0x63: {  	_ =	shalt  }
0x64: {  	_ =	shalt  }
0x65: {  	_ =	shalt  }
0x66: {  	_ =	shalt  }
0x67: {  	_ =	shalt  }
0x68: {  	_ =	shalt  }
0x69: {  	_ =	shalt  }
0x6a: {  	_ =	shalt  }
0x6b: {  	_ =	shalt  }
0x6c: {  	_ =	shalt  }
0x6d: {  	_ =	shalt  }
0x6e: {  	_ =	shalt  }
0x6f: {  	_ =	shalt  }
0x70: {  	_ =	shalt  }
0x71: {  	_ =	shalt  }
0x72: {  	_ =	shalt  }
0x73: {  	_ =	shalt  }
0x74: {  	_ =	shalt  }
0x75: {  	_ =	shalt  }
0x76: {  	_ =	shalt  }
0x77: {  	_ =	shalt  }
0x78: {  	_ =	shalt  }
0x79: {  	_ =	shalt  }
0x7a: {  	_ =	shalt  }
0x7b: {  	_ =	shalt  }
0x7c: {  	_ =	shalt  }
0x7d: {  	_ =	shalt  }
0x7e: {  	_ =	shalt  }
0x7f: {  	_ =	shalt  }
0x80: {  	_ =	shalt  }
0x81: {  	_ =	shalt  }
0x82: {  	_ =	shalt  }
0x83: {  	_ =	shalt  }
0x84: {  	_ =	shalt  }
0x85: {  	_ =	shalt  }
0x86: {  	_ =	shalt  }
0x87: {  	_ =	shalt  }
.Lfunc_end0:
.L_simem_size_0:
called_computation.4_lowered:
.L_overlay_start_0:
0x88: {  	s2 =	sld [smem:$0x3FD9]  }
0x89: {  	s3 =	sld [smem:$0x3FFE];
	_ =	sdelay $0x1  }
0x8a: {  	s1 =	srdreg.scid  }
0x8b: {  	s0 =	sand.u32 $0x1, s1  }
0x8c: {  	s17 =	sshll.u32 s0, $0xA;
	s2 =	sadd.s32 s3, s2  }
0x8d: {  	s2 =	sadd.s32 s2, s17  }
0x8e: {  	[smem:$0x3FC1] =	sst s2  }
0x8f: {  	_ = 	snop  }
0x90: {  	s18 =	sld [smem:$0x3FC9]  }
0x91: {  	s4 =	sld [smem:$0x3FC8];
	(tm) =	ssettm $0x1  }
0x92: {  	s19 =	sld [smem:$0x3FFB];
	_ =	sdelay $0x3  }
0x93: {  	_ =	strace s19  }
0x94: {  	s2 =	sld [smem:$0x3FFC];
	_ =	sdelay $0x3  }
0x95: {  	_ =	strace s2  }
0x96: {  	s2 =	sld [smem:$0x3FFD];
	_ =	sdelay $0x3  }
0x97: {  	_ =	strace s2  }
0x98: {  	_ =	strace $0x8FFFFFFF  }
0x99: {  	s20 =	sld [smem:$0x3FDB];
	_ =	sdelay $0x1  }
0x9a: {  	s5 =	simm.s32 $_scs_section_size  }
0x9b: {  	s6 =	simm.s32 $_size__tile_overlayer_lowered;
	s7 =	simm.s32 $_tile_overlayer_lowered  }
0x9c: {  	s8 =	simm.s32 $0x1BFF;
	s21 =	sshll.u32 s7, $0x1;
	s5 =	sadd.s32 s5, s20  }
0x9d: {  	s22 =	simm.s32 $0x0;
	s6 =	sshll.u32 s6, $0x1;
	s7 =	sadd.s32 s21, s5  }
0x9e: {  	[timem:s22], [sflag:s8] =	dma.local [hbm:s7], s6  }
0x9f: {  	_ =	swait.ge [sflag:s8], s6  }
0xa0: {  	s6 =	ssub.s32 $0x0, s6;
	[sflag:s8] =	ssyncset.done $0x0  }
0xa1: {  	[sflag:s8] =	ssyncadd.s32 s6;
	_ =	sdelay $0x1  }
0xa2: {  	s23 =	simm.s32 $0x1B8B  }
0xa3: {  	_ =	swait.ge [sflag:s23], $0x1  }
0xa4: {  	[sflag:s23] =	ssyncset.done $0x0  }
0xa5: {  	[sflag:s23] =	ssyncadd.s32 $0xFFFFFFFF  }
0xa6: {  	s6 =	sld [smem:$0x0]  }
0xa7: {  	s7 =	sand.u32 $0xFFFFFFFE, s1  }
0xa8: {  	p0 =	sne.s32 s1, s7  }
0xa9: {  	s7 =	sshll.u32 @p0 s7, $0xE  }
0xaa: {  	s7 =	sadd.s32 @p0 $0x11B8D, s7;
	s8 =	sshll.u32 @p0 s6, $0x11  }
0xab: {  	s7 =	sor.u32 @p0 s8, s7  }
0xac: {  	[sflag:s7] =	ssyncadd.remote.s32 @p0 $0x1;
	_ =	sdelay $0x1  }
0xad: {  	s7 =	simm.s32 @p0 $0x1B8D  }
0xae: {  	_ =	swait.eq @p0 [sflag:s7], $0x1  }
0xaf: {  	[sflag:s7] =	ssyncadd.s32 @p0 $0xFFFFFFFF  }
0xb0: {  	s8 =	sshll.u32 @!p0 s1, $0xE  }
0xb1: {  	s8 =	sor.u32 @!p0 $0x4000, s8;
	s7 =	simm.s32 @!p0 $0x1B8D  }
0xb2: {  	s6 =	sshll.u32 @!p0 s6, $0x11;
	s8 =	sadd.s32 @!p0 $0x11B8D, s8;
	_ =	swait.eq @!p0 [sflag:s7], $0x1  }
0xb3: {  	s6 =	sor.u32 @!p0 s6, s8;
	[sflag:s7] =	ssyncadd.s32 @!p0 $0xFFFFFFFF  }
0xb4: {  	s25 =	simm.s32 $0x1B8E;
	s24 =	sld [smem:$0x3FFE];
	[sflag:s6] =	ssyncadd.remote.s32 @!p0 $0x1  }
0xb5: {  	s26 =	simm.s32 $execute0_lowered;
	[smem:$0x3FD2] =	sst s25  }
0xb6: {  	s7 =	sshll.u32 s26, $0x1;
	_ =	strace $0x80000052;
	[dreg:$0x1] =	wrdreg $0xFFFFFFFF  }
0xb7: {  	s28 =	simm.s32 $_size_execute0_lowered;
	s5 =	sadd.s32 s5, s7;
	[dreg:$0x0] =	wrdreg $0x0  }
0xb8: {  	s7 =	sshll.u32 s28, $0x1;
	[dreg:$0x2] =	wrdreg s5  }
0xb9: {  	[dreg:$0x3] =	wrdreg s7  }
0xba: {  	[dreg:$0x4] =	wrdreg $0xC0  }
0xbb: {  	_ =	task [dreg:s22], $0x5FFFF  }
0xbc: {  	[dreg:$0x1] =	wrdreg $0xFFFFFFFF  }
0xbd: {  	[dreg:$0x0] =	wrdreg $0x60  }
0xbe: {  	[dreg:$0x2] =	wrdreg s18  }
0xbf: {  	[dreg:$0x3] =	wrdreg s4  }
0xc0: {  	[dreg:$0x4] =	wrdreg s24  }
0xc1: {  	[dreg:$0x5] =	wrdreg $0xD  }
0xc2: {  	_ =	task.clear_ibuf [dreg:s22], $0x6FFFF;
	_ =	strace $0x90000052  }
0xc3: {  	s29 =	simm.s32 $0xD;
	_ =	strace $0x80000054  }
0xc4: {  	_ =	swait.ge [sflag:s29], $0x1  }
0xc5: {  	[sflag:s29] =	ssyncadd.s32 $0xFFFFFFFF  }
0xc6: {  	_ =	strace $0x90000054  }
0xc7: {  	_ =	sfence  }
0xc8: {  	s30 =	sld [smem:$0x0];
	_ =	sdelay $0x2  }
0xc9: {  	s31 =	sshll.u32 s1, $0xD;
	s1 =	sshrl.u32 s1, $0x2  }
0xca: {  	s4 =	sand.u32 $0x4000, s31;
	s1 =	sadd.s32 s1, s30  }
0xcb: {  	s0 =	sor.u32 s4, s0;
	s1 =	sshll.u32 s1, $0x11  }
0xcc: {  	s0 =	sor.u32 s1, s0  }
0xcd: {  	s0 =	sadd.s32 $0x8F2B, s0  }
0xce: {  	[sflag:s0] =	ssyncadd.remote.s32 $0x1  }
0xcf: {  	_ =	sfence.sel $0xFFFF  }
0xd0: {  	[dreg:$0x0] =	wrdreg $0xFFFFFFFF;
	(pc) =	sbr.abs _section_cstart, $3  }
0xd1: {  	[dreg:$0x1] =	wrdreg $0xFFFFFFFF  }
0xd2: {  	_ =	task.clear_ibuf [dreg:s22], $0x2FFFF;
	_ =	strace $0x9FFFFFFF  }
0xd3: {  	(tm) =	ssettm $0x7FFFFFFF  }
tec
execute0_lowered:
.L_overlay_start_1:
0x0: {  	(tag) =	ssettag $0x1  }
0x1: {  	s1 =	rddreg [dreg:$0x0]  }
0x2: {  	s0 =	rddreg [dreg:$0x1]  }
0x3: {  	s2 =	rddreg [dreg:$0x2]  }
0x4: {  	s4 =	srdreg.scid;
	s11 =	stileid.u32  }
0x5: {  	s3 =	simm.s32 $0x0;
	s12 =	simm.s32 $0xB;
	s13 =	simm.s32 $0x50  }
0x6: {  	s14 =	simm.s32 $0x800;
	s15 =	simm.s32 $0x3000;
	s17 =	simm.s32 $0x5800  }
0x7: {  	s18 =	simm.s32 $0x1;
	s28 =	simm.s32 $0x7;
	s29 =	simm.s32 $0x5  }
0x8: {  	s5 =	sand.u32 $0x1, s4;
	s20 =	sshll.u32 s11, $0x1;
	s24 =	smul.u32 $0xFA00, s11  }
0x9: {  	s30 =	simm.s32 $0x8;
	s4 =	sor.u32 s5, s20;
	s26 =	smul.u32 $0x7D00, s5  }
0xa: {  	s31 =	simm.s32 $0x9;
	[smem:$0x7FF] =	sst s3;
	s7 =	smul.u32 $0x7D0, s4  }
0xb: {  	s2 =	sadd.s32 $0x3E9C00, s2;
	s6 =	ssub.s32 $0x2, s5;
	s9 =	smul.u32 $0x3E800, s4  }
0xc: {  	_ =	strace $0x80000053;
	s8 =	sshrl.u32 s6, $0x1;
	s22 =	smul.u32 $0x7D00, s4  }
0xd: {  	s20 =	simm.s32 $0x8000;
	s10 =	ssub.s32 s6, s8;
	s21 =	sshrl.u32 s7, $0x3  }
0xe: {  	s23 =	sshrl.u32 s9, $0x3;
	s5 =	sadd.s32 s2, s22;
	s10 =	smax.u32 s10, $0x1  }
0xf: {  	s0 =	sadd.s32 s0, s21;
	s25 =	sadd.s32 s2, s23;
	s2 =	sadd.s32 s24, s2  }
0x10: {  	s21 =	simm.s32 $0x2;
	s23 =	simm.s32 $0xA800;
	s24 =	simm.s32 $0x3  }
0x11: {  	s0 =	sadd.s32 $0x7D00, s0;
	s6 =	sadd.s32 $0x500, s25;
	s7 =	sadd.s32 $0x6E00, s25  }
0x12: {  	s8 =	sadd.s32 $0x7300, s25;
	s2 =	sadd.s32 s26, s2;
	s9 =	sadd.s32 $0x7800, s25  }
0x13: {  	s25 =	simm.s32 $0x6;
	s26 =	simm.s32 $0x4;
	[dreg:$0x4] =	wrdreg s0  }
0x14: {  	s11 =	sadd.s32 $0xF00, s2;
	s0 =	simm.s32 $0xA;
	s2 =	simm.s32 $0x0  }
.LBB2_1:
0x15: {  	s4 =	rddreg [dreg:$0x4]  }
0x16: {  	[tilespmem:s3], [sflag:$0xB] =	stream.linear.gather [hbm4b:s4+s3], $0x7D0, $0x38;
	[tilespmem:$0xD000] =	vst v63  }
0x17: {  	_ =	swait.ge [sflag:s12], $0x7D0  }
0x18: {  	[sflag:s12] =	ssyncset.done $0x0  }
0x19: {  	[sflag:s12] =	ssyncadd.s32 $0xFFFFF830  }
0x1a: {  	[tilespmem:s14], [sflag:$0x1] =	stream.indirect.gather [hbm4b:s1+s13], $0x80, s3, s13, $0xb8;
	[tilespmem:$0xD000] =	vst v63  }
0x1b: {  	_ = 	snop  }
0x1c: {  	[tilespmem:s15], [sflag:$0x2] =	stream.indirect.gather [hbm4b:s1+s13], $0x80, s13, s13, $0xb8;
	[tilespmem:$0xD000] =	vst v63  }
0x1d: {  	s22 =	simm.s32 $0xA0  }
0x1e: {  	[tilespmem:s17], [sflag:$0x3] =	stream.indirect.gather [hbm4b:s1+s13], $0x80, s22, s13, $0xb8;
	[tilespmem:$0xD000] =	vst v63  }
0x1f: {  	_ =	swait.ge [sflag:s18], $0x2800  }
0x20: {  	[sflag:s18] =	ssyncset.done $0x0  }
0x21: {  	[sflag:s18] =	ssyncadd.s32 $0xFFFFD800  }
0x22: {  	[hbm4b:s5+s3] =	stream.linear.scatter [tilespmem:s14], [sflag:$0x6], $0x2800, $0x38;
	[tilespmem:$0xD000] =	vst v63  }
0x23: {  	s16 =	simm.s32 $0xF0  }
0x24: {  	[tilespmem:s20], [sflag:$0x4] =	stream.indirect.gather [hbm4b:s1+s13], $0x80, s16, s13, $0xb8;
	[tilespmem:$0xD000] =	vst v63  }
0x25: {  	_ =	swait.ge [sflag:s21], $0x2800  }
0x26: {  	[sflag:s21] =	ssyncset.done $0x0  }
0x27: {  	[sflag:s21] =	ssyncadd.s32 $0xFFFFD800  }
0x28: {  	[hbm4b:s6+s3] =	stream.linear.scatter [tilespmem:s15], [sflag:$0x7], $0x2800, $0x38;
	[tilespmem:$0xD000] =	vst v63  }
0x29: {  	s19 =	simm.s32 $0x140  }
0x2a: {  	[tilespmem:s23], [sflag:$0x5] =	stream.indirect.gather [hbm4b:s1+s13], $0x80, s19, s13, $0xb8;
	[tilespmem:$0xD000] =	vst v63  }
0x2b: {  	_ =	swait.ge [sflag:s24], $0x2800  }
0x2c: {  	[sflag:s24] =	ssyncset.done $0x0  }
0x2d: {  	s16 =	sadd.s32 $0xFFFFFB00, s11;
	[sflag:s24] =	ssyncadd.s32 $0xFFFFD800  }
0x2e: {  	[hbm4b:s16+s3] =	stream.linear.scatter [tilespmem:s17], [sflag:$0x8], $0x2800, $0x38;
	[tilespmem:$0xD000] =	vst v63  }
0x2f: {  	_ =	swait.ge [sflag:s25], $0x2800  }
0x30: {  	[sflag:s25] =	ssyncset.done $0x0  }
0x31: {  	s22 =	simm.s32 $0x190;
	[sflag:s25] =	ssyncadd.s32 $0xFFFFD800  }
0x32: {  	[tilespmem:s14], [sflag:$0x1] =	stream.indirect.gather [hbm4b:s1+s13], $0x80, s22, s13, $0xb8;
	[tilespmem:$0xD000] =	vst v63  }
0x33: {  	_ =	swait.ge [sflag:s26], $0x2800  }
0x34: {  	[sflag:s26] =	ssyncset.done $0x0  }
0x35: {  	[sflag:s26] =	ssyncadd.s32 $0xFFFFD800  }
0x36: {  	[hbm4b:s11+s3] =	stream.linear.scatter [tilespmem:s20], [sflag:$0x9], $0x2800, $0x38;
	[tilespmem:$0xD000] =	vst v63  }
0x37: {  	_ =	swait.ge [sflag:s28], $0x2800  }
0x38: {  	[sflag:s28] =	ssyncset.done $0x0  }
0x39: {  	s4 =	simm.s32 $0x1E0;
	[sflag:s28] =	ssyncadd.s32 $0xFFFFD800  }
0x3a: {  	[tilespmem:s15], [sflag:$0x2] =	stream.indirect.gather [hbm4b:s1+s13], $0x80, s4, s13, $0xb8;
	[tilespmem:$0xD000] =	vst v63  }
0x3b: {  	_ =	swait.ge [sflag:s29], $0x2800  }
0x3c: {  	[sflag:s29] =	ssyncset.done $0x0  }
0x3d: {  	s19 =	sadd.s32 $0x500, s11;
	[sflag:s29] =	ssyncadd.s32 $0xFFFFD800  }
0x3e: {  	[hbm4b:s19+s3] =	stream.linear.scatter [tilespmem:s23], [sflag:$0xA], $0x2800, $0x38;
	[tilespmem:$0xD000] =	vst v63  }
0x3f: {  	_ =	swait.ge [sflag:s30], $0x2800  }
0x40: {  	[sflag:s30] =	ssyncset.done $0x0  }
0x41: {  	s22 =	simm.s32 $0x230;
	[sflag:s30] =	ssyncadd.s32 $0xFFFFD800  }
0x42: {  	[tilespmem:s17], [sflag:$0x3] =	stream.indirect.gather [hbm4b:s1+s13], $0x80, s22, s13, $0xb8;
	[tilespmem:$0xD000] =	vst v63  }
0x43: {  	_ =	swait.ge [sflag:s18], $0x2800  }
0x44: {  	[sflag:s18] =	ssyncset.done $0x0  }
0x45: {  	s4 =	sadd.s32 $0xA00, s11;
	[sflag:s18] =	ssyncadd.s32 $0xFFFFD800  }
0x46: {  	[hbm4b:s4+s3] =	stream.linear.scatter [tilespmem:s14], [sflag:$0x6], $0x2800, $0x38;
	[tilespmem:$0xD000] =	vst v63  }
0x47: {  	_ =	swait.ge [sflag:s31], $0x2800  }
0x48: {  	[sflag:s31] =	ssyncset.done $0x0  }
0x49: {  	s19 =	simm.s32 $0x280;
	[sflag:s31] =	ssyncadd.s32 $0xFFFFD800  }
0x4a: {  	[tilespmem:s20], [sflag:$0x4] =	stream.indirect.gather [hbm4b:s1+s13], $0x80, s19, s13, $0xb8;
	[tilespmem:$0xD000] =	vst v63  }
0x4b: {  	_ =	swait.ge [sflag:s21], $0x2800  }
0x4c: {  	[sflag:s21] =	ssyncset.done $0x0  }
0x4d: {  	s22 =	sadd.s32 $0xF00, s11;
	[sflag:s21] =	ssyncadd.s32 $0xFFFFD800  }
0x4e: {  	[hbm4b:s22+s3] =	stream.linear.scatter [tilespmem:s15], [sflag:$0x7], $0x2800, $0x38;
	[tilespmem:$0xD000] =	vst v63  }
0x4f: {  	_ =	swait.ge [sflag:s0], $0x2800  }
0x50: {  	s16 =	simm.s32 $0x640;
	[sflag:s0] =	ssyncset.done $0x0  }
0x51: {  	s19 =	sadd.s32 $0x1900, s11;
	s22 =	simm.s32 $0x2D0;
	[sflag:s0] =	ssyncadd.s32 $0xFFFFD800  }
.LBB2_2:
0x52: {  	[tilespmem:s23], [sflag:$0x5] =	stream.indirect.gather [hbm4b:s1+s13], $0x80, s22, s13, $0xb8;
	[tilespmem:$0xD000] =	vst v63  }
0x53: {  	s22 =	smov.u32 s16  }
0x54: {  	p0 =	sne.s32 s16, $0x12C0;
	s16 =	sadd.s32 $0x640, s16;
	_ =	swait.ge [sflag:s24], $0x2800  }
0x55: {  	[sflag:s24] =	ssyncset.done $0x0  }
0x56: {  	s4 =	sadd.s32 $0xFFFFFB00, s19;
	[sflag:s24] =	ssyncadd.s32 $0xFFFFD800  }
0x57: {  	[hbm4b:s4+s3] =	stream.linear.scatter [tilespmem:s17], [sflag:$0x8], $0x2800, $0x38;
	[tilespmem:$0xD000] =	vst v63  }
0x58: {  	_ =	swait.ge [sflag:s25], $0x2800  }
0x59: {  	s22 =	sshra.s32 s22, $0x2;
	[sflag:s25] =	ssyncset.done $0x0  }
0x5a: {  	s4 =	sadd.s32 $0x190, s22;
	[sflag:s25] =	ssyncadd.s32 $0xFFFFD800  }
0x5b: {  	[tilespmem:s14], [sflag:$0x1] =	stream.indirect.gather [hbm4b:s1+s13], $0x80, s4, s13, $0xb8;
	[tilespmem:$0xD000] =	vst v63  }
0x5c: {  	_ =	swait.ge [sflag:s26], $0x2800  }
0x5d: {  	[sflag:s26] =	ssyncset.done $0x0  }
0x5e: {  	[sflag:s26] =	ssyncadd.s32 $0xFFFFD800  }
0x5f: {  	[hbm4b:s19+s3] =	stream.linear.scatter [tilespmem:s20], [sflag:$0x9], $0x2800, $0x38;
	[tilespmem:$0xD000] =	vst v63  }
0x60: {  	_ =	swait.ge [sflag:s28], $0x2800  }
0x61: {  	[sflag:s28] =	ssyncset.done $0x0  }
0x62: {  	s4 =	sadd.s32 $0x1E0, s22;
	[sflag:s28] =	ssyncadd.s32 $0xFFFFD800  }
0x63: {  	[tilespmem:s15], [sflag:$0x2] =	stream.indirect.gather [hbm4b:s1+s13], $0x80, s4, s13, $0xb8;
	[tilespmem:$0xD000] =	vst v63  }
0x64: {  	_ =	swait.ge [sflag:s29], $0x2800  }
0x65: {  	[sflag:s29] =	ssyncset.done $0x0  }
0x66: {  	s4 =	sadd.s32 $0x500, s19;
	[sflag:s29] =	ssyncadd.s32 $0xFFFFD800  }
0x67: {  	[hbm4b:s4+s3] =	stream.linear.scatter [tilespmem:s23], [sflag:$0xA], $0x2800, $0x38;
	[tilespmem:$0xD000] =	vst v63  }
0x68: {  	_ =	swait.ge [sflag:s30], $0x2800  }
0x69: {  	[sflag:s30] =	ssyncset.done $0x0  }
0x6a: {  	s4 =	sadd.s32 $0x230, s22;
	[sflag:s30] =	ssyncadd.s32 $0xFFFFD800  }
0x6b: {  	[tilespmem:s17], [sflag:$0x3] =	stream.indirect.gather [hbm4b:s1+s13], $0x80, s4, s13, $0xb8;
	[tilespmem:$0xD000] =	vst v63  }
0x6c: {  	_ =	swait.ge [sflag:s18], $0x2800  }
0x6d: {  	[sflag:s18] =	ssyncset.done $0x0  }
0x6e: {  	s4 =	sadd.s32 $0xA00, s19;
	[sflag:s18] =	ssyncadd.s32 $0xFFFFD800  }
0x6f: {  	[hbm4b:s4+s3] =	stream.linear.scatter [tilespmem:s14], [sflag:$0x6], $0x2800, $0x38;
	[tilespmem:$0xD000] =	vst v63  }
0x70: {  	_ =	swait.ge [sflag:s31], $0x2800  }
0x71: {  	[sflag:s31] =	ssyncset.done $0x0  }
0x72: {  	s4 =	sadd.s32 $0x280, s22;
	[sflag:s31] =	ssyncadd.s32 $0xFFFFD800  }
0x73: {  	[tilespmem:s20], [sflag:$0x4] =	stream.indirect.gather [hbm4b:s1+s13], $0x80, s4, s13, $0xb8;
	[tilespmem:$0xD000] =	vst v63  }
0x74: {  	_ =	swait.ge [sflag:s21], $0x2800  }
0x75: {  	[sflag:s21] =	ssyncset.done $0x0  }
.Ltmp0:
0x76: {  	s4 =	sadd.s32 $0xF00, s19;
	[sflag:s21] =	ssyncadd.s32 $0xFFFFD800;
	(pc) =	sbr.rel @p0 .LBB2_2-.Ltmp0, $4  }
0x77: {  	[hbm4b:s4+s3] =	stream.linear.scatter [tilespmem:s15], [sflag:$0x7], $0x2800, $0x38;
	[tilespmem:$0xD000] =	vst v63  }
0x78: {  	_ =	swait.ge [sflag:s0], $0x2800  }
0x79: {  	[sflag:s0] =	ssyncset.done $0x0  }
0x7a: {  	s22 =	sadd.s32 $0x2D0, s22;
	s19 =	sadd.s32 $0x1900, s19;
	[sflag:s0] =	ssyncadd.s32 $0xFFFFD800  }
0x7b: {  	[tilespmem:s23], [sflag:$0x5] =	stream.indirect.gather [hbm4b:s1+s13], $0x80, s22, s13, $0xb8;
	[tilespmem:$0xD000] =	vst v63  }
0x7c: {  	_ =	swait.ge [sflag:s24], $0x2800  }
0x7d: {  	[sflag:s24] =	ssyncset.done $0x0  }
0x7e: {  	[sflag:s24] =	ssyncadd.s32 $0xFFFFD800  }
0x7f: {  	[hbm4b:s7+s3] =	stream.linear.scatter [tilespmem:s17], [sflag:$0x8], $0x2800, $0x38;
	[tilespmem:$0xD000] =	vst v63  }
0x80: {  	_ =	swait.ge [sflag:s25], $0x2800  }
0x81: {  	[sflag:s25] =	ssyncset.done $0x0  }
0x82: {  	[sflag:s25] =	ssyncadd.s32 $0xFFFFD800  }
0x83: {  	_ =	swait.ge [sflag:s26], $0x2800  }
0x84: {  	[sflag:s26] =	ssyncset.done $0x0  }
0x85: {  	[sflag:s26] =	ssyncadd.s32 $0xFFFFD800  }
0x86: {  	[hbm4b:s8+s3] =	stream.linear.scatter [tilespmem:s20], [sflag:$0x9], $0x2800, $0x38;
	[tilespmem:$0xD000] =	vst v63  }
0x87: {  	_ =	swait.ge [sflag:s28], $0x2800  }
0x88: {  	[sflag:s28] =	ssyncset.done $0x0  }
0x89: {  	[sflag:s28] =	ssyncadd.s32 $0xFFFFD800  }
0x8a: {  	_ =	swait.ge [sflag:s29], $0x2800  }
0x8b: {  	[sflag:s29] =	ssyncset.done $0x0  }
0x8c: {  	[sflag:s29] =	ssyncadd.s32 $0xFFFFD800  }
0x8d: {  	[hbm4b:s9+s3] =	stream.linear.scatter [tilespmem:s23], [sflag:$0xA], $0x2800, $0x38;
	[tilespmem:$0xD000] =	vst v63  }
0x8e: {  	_ =	swait.ge [sflag:s30], $0x2800  }
0x8f: {  	[sflag:s30] =	ssyncset.done $0x0  }
0x90: {  	s2 =	sadd.s32 $0x1, s2;
	[sflag:s30] =	ssyncadd.s32 $0xFFFFD800  }
0x91: {  	p0 =	sne.s32 s2, s10;
	_ =	swait.ge [sflag:s31], $0x2800  }
.Ltmp1:
0x92: {  	[sflag:s31] =	ssyncset.done $0x0;
	(pc) =	sbr.rel @p0 .LBB2_1-.Ltmp1, $4  }
0x93: {  	[sflag:s31] =	ssyncadd.s32 $0xFFFFD800  }
0x94: {  	_ =	swait.ge [sflag:s0], $0x2800  }
0x95: {  	[sflag:s0] =	ssyncset.done $0x0  }
0x96: {  	[sflag:s0] =	ssyncadd.s32 $0xFFFFD800  }
0x97: {  	_ =	sfence.sel $0x180000  }
0x98: {  	[bflag:$0x0] =	sbarrier.arrive $0xFFFF  }
0x99: {  	_ =	strace $0x90000053  }
0x9a: {  	s0 =	stileid.u32;
	[bflag:$0x2] =	sbarrier.arrive $0xFFFF  }
0x9b: {  	p0 =	sne.s32 s0, $0x0;
	s0 =	rddreg [dreg:$0x3]  }
0x9c: {  	s0 =	sadd.s32 @!p0 $0x100000, s0  }
0x9d: {  	[sflag:s0] =	ssyncadd.tile.s32 @!p0 $0x1;
	_ =	shalt  }
.Lfunc_end2:
_tile_overlayer_lowered:
.L_overlay_start_2:
0x9e: {  	(tag) =	ssettag $0x2  }
0x9f: {  	s0 =	rddreg [dreg:$0x0];
	s2 =	stileid.u32  }
0xa0: {  	s1 =	rddreg [dreg:$0x1];
	p0 =	sne.s32 s2, $0x0  }
0xa1: {  	s3 =	rddreg [dreg:$0x2];
	[bflag:$0x3] =	sbarrier.arrive $0xFFFF;
	s2 =	simm.s32 @!p0 $0x1C0B  }
0xa2: {  	[timem:s3], [sflag:s2] =	dma.local @!p0 [hbm:s0], s1  }
0xa3: {  	s0 =	simm.s32 @!p0 $0xB  }
0xa4: {  	_ =	swait.ge @!p0 [sflag:s0], s1  }
0xa5: {  	s1 =	ssub.s32 @!p0 $0x0, s1;
	[sflag:s0] =	ssyncset.done @!p0 $0x0  }
0xa6: {  	[sflag:s0] =	ssyncadd.s32 @!p0 s1  }
0xa7: {  	[bflag:$0x3] =	sbarrier.arrive $0xFFFF  }
0xa8: {  	_ =	shalt  }

</sc_bundles>
